<compile_context>
chip_gen: v7x
topology: tpu7x:2x2x1
jax: 0.10.2.dev20260603
libtpu: 0.0.44.dev20260713+nightly
codegen_flags: <defaults>
</compile_context>

<pallas_src>
import functools

import jax
import jax.numpy as jnp
from jax import lax
from jax.experimental import pallas as pl
from jax.experimental.pallas import tpu as pltpu
from jax.experimental.pallas import tpu_sc as plsc

_NC, _NS, _LANES = 2, 16, 16
_NW = _NC * _NS
_C = 400
_H = 64
_JU = 8


def _node_table(x_proj, W1, b1):
    N, D = x_proj.shape
    H = W1.shape[0]
    wstk = jnp.stack([W1[:, :D].T, W1[:, D:].T])
    bias = jnp.stack([b1, jnp.zeros((H,), jnp.float32)])[:, None, :]

    we = wstk[:, :, 0::2]
    wo = wstk[:, :, 1::2]
    be = bias[:, :, 0::2]
    bo = bias[:, :, 1::2]

    def mm_kernel(x_ref, we_ref, wo_ref, be_ref, bo_ref, o_ref):
        x = x_ref[...]
        for g in range(2):
            av = (jnp.dot(x, we_ref[g], preferred_element_type=jnp.float32)
                  + be_ref[g]).astype(jnp.bfloat16)
            bv = (jnp.dot(x, wo_ref[g], preferred_element_type=jnp.float32)
                  + bo_ref[g]).astype(jnp.bfloat16)
            alo = lax.convert_element_type(
                lax.bitcast_convert_type(av, jnp.uint16), jnp.uint32)
            bhi = lax.convert_element_type(
                lax.bitcast_convert_type(bv, jnp.uint16), jnp.uint32)
            o_ref[g] = lax.bitcast_convert_type(
                alo | (bhi << jnp.uint32(16)), jnp.int32)

    out = pl.pallas_call(
        mm_kernel,
        out_shape=jax.ShapeDtypeStruct((2, N, H // 2), jnp.int32),
    )(x_proj, we, wo, be, bo)
    return out.reshape(2 * N, H // 2)


def _edge_scores_sc(tab, edge_index, wd, b2v, nwin):
    wpw = nwin // _NW
    hw = _H // 2
    n_nodes = tab.shape[0] // 2
    mesh = plsc.VectorSubcoreMesh(core_axis_name="c", subcore_axis_name="s")

    @functools.partial(
        pl.kernel,
        mesh=mesh,
        compiler_params=pltpu.CompilerParams(needs_layout_passes=False,
                                             use_tc_tiling_on_sc=False),
        out_type=jax.ShapeDtypeStruct((nwin, _C), jnp.float32),
        scratch_types=[
            pltpu.VMEM((2, 2 * _C), jnp.int32),
            pltpu.VMEM((2, 2 * _C, _H // 2), jnp.int32),
            pltpu.VMEM((2, _C), jnp.float32),
            pltpu.VMEM((_H // 2, _LANES), jnp.int32),
            pltpu.VMEM((_LANES,), jnp.float32),
            pltpu.VMEM_SHARED((n_nodes, _H // 2), jnp.int32),
            pltpu.VMEM_SHARED((n_nodes, _H // 2), jnp.int32),
            pltpu.SemaphoreType.DMA,
            pltpu.SemaphoreType.DMA,
            pltpu.SemaphoreType.DMA,
            pltpu.SemaphoreType.DMA,
        ],
    )
    def k(t_hbm, ei_hbm, wd_hbm, b2_hbm, out_hbm,
          idx_v, tg, out_v, wd_v, b2_v, stab_p, stab_q,
          isem, gsem, osem0, osem1):
        wid = lax.axis_index("s") * _NC + lax.axis_index("c")
        pltpu.sync_copy(wd_hbm, wd_v)
        pltpu.sync_copy(b2_hbm, b2_v)
        sid = lax.axis_index("s")
        rows_per = n_nodes // _NS
        r0 = sid * rows_per
        pltpu.sync_copy(t_hbm.at[pl.ds(r0, rows_per)],
                        stab_p.at[pl.ds(r0, rows_per)])
        pltpu.sync_copy(t_hbm.at[pl.ds(n_nodes + r0, rows_per)],
                        stab_q.at[pl.ds(r0, rows_per)])
        plsc.subcore_barrier()
        w0 = wid * wpw

        class _Pair:
            def __init__(self, h1, h2):
                self.h1, self.h2 = h1, h2

            def start(self):
                self.h1.start()
                self.h2.start()

            def wait(self):
                self.h1.wait()
                self.h2.wait()

        def fire_idx(win, p):
            e0 = win * _C
            return _Pair(
                pltpu.make_async_copy(ei_hbm.at[0, pl.ds(e0, _C)],
                                      idx_v.at[p, pl.ds(0, _C)], isem),
                pltpu.make_async_copy(ei_hbm.at[1, pl.ds(e0, _C)],
                                      idx_v.at[p, pl.ds(_C, _C)], isem))

        def fire_gather(p):
            return _Pair(
                pltpu.make_async_copy(stab_p.at[idx_v.at[p, pl.ds(0, _C)]],
                                      tg.at[p, pl.ds(0, _C)], gsem),
                pltpu.make_async_copy(stab_q.at[idx_v.at[p, pl.ds(_C, _C)]],
                                      tg.at[p, pl.ds(_C, _C)], gsem))

        def fire_out(win, p, osem):
            return pltpu.make_async_copy(out_v.at[p], out_hbm.at[win], osem)

        def compute(p):
            dvec = lax.iota(jnp.int32, _LANES)
            tgp = tg.at[p]

            def pair(e0):
                evec0 = e0 + dvec
                evec0q = evec0 + _C
                evec1 = evec0 + _LANES
                evec1q = evec1 + _C

                def jblock(jb, accs):
                    a0, a1 = accs
                    jbase = jb * _JU
                    for jj in range(_JU):
                        jrow = jbase + jj
                        colvec = (dvec + jrow) & (hw - 1)
                        wv = plsc.bitcast(wd_v[jrow], jnp.bfloat16)
                        pw0 = plsc.load_gather(tgp, [evec0, colvec])
                        qw0 = plsc.load_gather(tgp, [evec0q, colvec])
                        pw1 = plsc.load_gather(tgp, [evec1, colvec])
                        qw1 = plsc.load_gather(tgp, [evec1q, colvec])
                        a0 = a0 + jnp.maximum(
                            plsc.bitcast(pw0, jnp.bfloat16)
                            + plsc.bitcast(qw0, jnp.bfloat16),
                            jnp.bfloat16(0)) * wv
                        a1 = a1 + jnp.maximum(
                            plsc.bitcast(pw1, jnp.bfloat16)
                            + plsc.bitcast(qw1, jnp.bfloat16),
                            jnp.bfloat16(0)) * wv
                    return a0, a1

                zinit = jnp.zeros((2 * _LANES,), jnp.bfloat16)
                a0, a1 = lax.fori_loop(0, hw // _JU, jblock, (zinit, zinit))
                for a, ee in ((a0, e0), (a1, e0 + _LANES)):
                    pe, po = plsc.unpack(a, format=plsc.PackFormat.INTERLEAVED)
                    z = pe + po + b2_v[...]
                    out_v.at[p][pl.ds(ee, _LANES)] = 1.0 / (1.0 + jnp.exp(-z))

            @pl.loop(0, _C - _LANES, step=2 * _LANES)
            def _grp(e0):
                pair(e0)

            pair(jnp.int32(_C - 2 * _LANES))

        fire_idx(w0, 0).start()
        fire_idx(w0, 0).wait()
        fire_gather(0).start()
        fire_idx(w0 + 1, 1).start()
        fire_gather(0).wait()

        def body(i, p, osem):
            win = w0 + i

            @pl.when(i + 1 < wpw)
            def _():
                fire_idx(win + 1, 1 - p).wait()
                fire_gather(1 - p).start()

            @pl.when(i + 2 < wpw)
            def _():
                fire_idx(win + 2, p).start()

            @pl.when(i >= 2)
            def _():
                fire_out(win - 2, p, osem).wait()

            compute(p)
            fire_out(win, p, osem).start()

            @pl.when(i + 1 < wpw)
            def _():
                fire_gather(1 - p).wait()

        @pl.loop(0, wpw - 1, step=2)
        def _pair(i):
            body(i, 0, osem0)
            body(i + 1, 1, osem1)

        body(jnp.int32(wpw - 1), (wpw - 1) % 2, osem0 if wpw % 2 else osem1)
        fire_out(w0 + wpw - 2, wpw % 2, osem1 if wpw % 2 else osem0).wait()
        fire_out(w0 + wpw - 1, (wpw - 1) % 2, osem0 if wpw % 2 else osem1).wait()

    return k(tab, edge_index, wd, b2v)


def kernel(x_proj, edge_index, chunk_size, W1, b1, W2, b2):
    del chunk_size
    N = x_proj.shape[0]
    E = edge_index.shape[1]
    assert E % (_NW * _C) == 0
    nwin = E // _C

    tab = _node_table(x_proj, W1, b1)

    hw = _H // 2
    c = (jnp.arange(hw)[:, None] + jnp.arange(_LANES)[None, :]) % hw
    wpair = jnp.stack([W2[0][2 * c], W2[0][2 * c + 1]], axis=-1)
    wd = lax.bitcast_convert_type(wpair.astype(jnp.bfloat16), jnp.int32)
    b2v = jnp.broadcast_to(b2, (_LANES,)).astype(jnp.float32)

    out = _edge_scores_sc(tab, edge_index, wd, b2v, nwin)
    return out.reshape(E)

# --- scband reference (transcript-rebuilt; emitter-appended) ---
"""Pipeline reference for scband-mask-net-29824252903645 (READ-ONLY COPY).

The authoritative reference and input builder live on the scoring server;
editing this copy changes nothing except your own understanding.
"""

import jax, jax.numpy as jnp
import numpy as np


def setup_inputs(seed: int = 0) -> dict:
    key = jax.random.key(seed)
    k1, k2, k3, k4, k5, k6 = jax.random.split(key, 6)
    N, E, D, H = 10000, 320000, 128, 64
    x_proj = jax.random.normal(k1, (N, D), dtype=jnp.float32)
    edge_index = jax.random.randint(k2, (2, E), 0, N, dtype=jnp.int32)
    # Linear params (torch convention: y = x @ W.T + b)
    W1 = jax.random.normal(k3, (H, 2 * D), dtype=jnp.float32) * (1.0 / np.sqrt(2 * D))
    b1 = jax.random.normal(k4, (H,), dtype=jnp.float32) * 0.01
    W2 = jax.random.normal(k5, (1, H), dtype=jnp.float32) * (1.0 / np.sqrt(H))
    b2 = jax.random.normal(k6, (1,), dtype=jnp.float32) * 0.01
    return {"x_proj": x_proj, "edge_index": edge_index, "chunk_size": 100000,
            "W1": W1, "b1": b1, "W2": W2, "b2": b2}


def reference(x_proj, edge_index, chunk_size, W1, b1, W2, b2):
    num_edges = edge_index.shape[1]
    static_chunk = 100000
    s_list = []
    for i in range(0, num_edges, static_chunk):
        size = min(static_chunk, num_edges - i)
        if size == 0:
            continue
        start = jnp.asarray(i // static_chunk, dtype=jnp.int32) * chunk_size
        edge_index_chunk = jax.lax.dynamic_slice(
            edge_index, (jnp.int32(0), start), (2, size))
        row = edge_index_chunk[0]
        col = edge_index_chunk[1]
        x_row = jnp.take(x_proj, row, axis=0)
        x_col = jnp.take(x_proj, col, axis=0)
        h_chunk = jnp.concatenate([x_row, x_col], axis=1)
        h_chunk = jax.nn.relu(h_chunk @ W1.T + b1)
        s_chunk = jax.nn.sigmoid(h_chunk @ W2.T + b2).squeeze(-1)
        s_list.append(s_chunk)
    if not s_list:
        return jnp.array([], dtype=jnp.float32)
    s = jnp.concatenate(s_list, axis=0)
    return s

if __name__ == "__main__":
    import jax
    _d = setup_inputs()
    print(jax.jit(kernel)(*tuple(_d.values())))

</pallas_src>

<mosaic_0001>
#map = affine_map<(d0, d1) -> (0, 0)>
#map1 = affine_map<(d0, d1) -> (0)>
module attributes {stable_mosaic.version = 14 : i64} {
  func.func @k(%arg0: i32, %arg1: i32, %arg2: memref<20000x32xi32, #tpu.memory_space<hbm>>, %arg3: memref<2x320000xi32, #tpu.memory_space<hbm>>, %arg4: memref<32x16xi32, #tpu.memory_space<hbm>>, %arg5: memref<16xf32, #tpu.memory_space<hbm>>, %arg6: memref<800x400xf32, #tpu.memory_space<hbm>>, %arg7: memref<2x800xi32, #tpu.memory_space<vmem>>, %arg8: memref<2x800x32xi32, #tpu.memory_space<vmem>>, %arg9: memref<2x400xf32, #tpu.memory_space<vmem>>, %arg10: memref<32x16xi32, #tpu.memory_space<vmem>>, %arg11: memref<16xf32, #tpu.memory_space<vmem>>, %arg12: memref<10000x32xi32, #tpu.memory_space<vmem_shared>>, %arg13: memref<10000x32xi32, #tpu.memory_space<vmem_shared>>, %arg14: memref<!tpu.dma_semaphore, #tpu.memory_space<semaphore_mem>>, %arg15: memref<!tpu.dma_semaphore, #tpu.memory_space<semaphore_mem>>, %arg16: memref<!tpu.dma_semaphore, #tpu.memory_space<semaphore_mem>>, %arg17: memref<!tpu.dma_semaphore, #tpu.memory_space<semaphore_mem>>) attributes {dimension_semantics = [#tpu.dimension_semantics<core_parallel>, #tpu.dimension_semantics<subcore_parallel>], iteration_bounds = array<i64: 2, 16>, scalar_prefetch = 0 : i64, scratch_operands = 11 : i64, tpu.core_type = #tpu.core_type<sc_vector_subcore>, window_params = [{transform_indices = #map}, {transform_indices = #map}, {transform_indices = #map}, {transform_indices = #map1}, {transform_indices = #map}]} {
    %mul3A = arith.constant 2 : i32
    %mul3A_0 = arith.muli %arg1, %mul3A : i32
    %add3A = arith.addi %mul3A_0, %arg0 : i32
    "tpu.region"() ({
      %run_scoped3A = tpu.sem_alloc : memref<!tpu.dma_semaphore, #tpu.memory_space<semaphore_mem>>
      tpu.enqueue_dma source(%arg4 : memref<32x16xi32, #tpu.memory_space<hbm>>) target(%arg10 : memref<32x16xi32, #tpu.memory_space<vmem>>) target_semaphore(%run_scoped3A : memref<!tpu.dma_semaphore, #tpu.memory_space<semaphore_mem>>)
      tpu.wait_dma2 semaphore(%run_scoped3A : memref<!tpu.dma_semaphore, #tpu.memory_space<semaphore_mem>>) src(%arg4 : memref<32x16xi32, #tpu.memory_space<hbm>>) dst(%arg10 : memref<32x16xi32, #tpu.memory_space<vmem>>)
      tpu.yield
    }) : () -> ()
    "tpu.region"() ({
      %run_scoped3A = tpu.sem_alloc : memref<!tpu.dma_semaphore, #tpu.memory_space<semaphore_mem>>
      tpu.enqueue_dma source(%arg5 : memref<16xf32, #tpu.memory_space<hbm>>) target(%arg11 : memref<16xf32, #tpu.memory_space<vmem>>) target_semaphore(%run_scoped3A : memref<!tpu.dma_semaphore, #tpu.memory_space<semaphore_mem>>)
      tpu.wait_dma2 semaphore(%run_scoped3A : memref<!tpu.dma_semaphore, #tpu.memory_space<semaphore_mem>>) src(%arg5 : memref<16xf32, #tpu.memory_space<hbm>>) dst(%arg11 : memref<16xf32, #tpu.memory_space<vmem>>)
      tpu.yield
    }) : () -> ()
    %mul3A_1 = arith.constant 625 : i32
    %mul3A_2 = arith.muli %arg1, %mul3A_1 : i32
    "tpu.region"() ({
      %run_scoped3A = tpu.sem_alloc : memref<!tpu.dma_semaphore, #tpu.memory_space<semaphore_mem>>
      %dma_start3A_279 = arith.constant 0 : i32
      %dma_start3A_280 = tpu.memref_slice %arg12[%mul3A_2, %dma_start3A_279] : memref<10000x32xi32, #tpu.memory_space<vmem_shared>> -> memref<625x32xi32, #tpu.memory_space<vmem_shared>>
      %dma_start3A_281 = arith.constant 0 : i32
      %dma_start3A_282 = tpu.memref_slice %arg2[%mul3A_2, %dma_start3A_281] : memref<20000x32xi32, #tpu.memory_space<hbm>> -> memref<625x32xi32, #tpu.memory_space<hbm>>
      tpu.enqueue_dma source(%dma_start3A_282 : memref<625x32xi32, #tpu.memory_space<hbm>>) target(%dma_start3A_280 : memref<625x32xi32, #tpu.memory_space<vmem_shared>>) target_semaphore(%run_scoped3A : memref<!tpu.dma_semaphore, #tpu.memory_space<semaphore_mem>>)
      %dma_wait3A_283 = arith.constant 0 : i32
      %dma_wait3A_284 = tpu.memref_slice %arg12[%mul3A_2, %dma_wait3A_283] : memref<10000x32xi32, #tpu.memory_space<vmem_shared>> -> memref<625x32xi32, #tpu.memory_space<vmem_shared>>
      %dma_wait3A_285 = arith.constant 0 : i32
      %dma_wait3A_286 = tpu.memref_slice %arg2[%mul3A_2, %dma_wait3A_285] : memref<20000x32xi32, #tpu.memory_space<hbm>> -> memref<625x32xi32, #tpu.memory_space<hbm>>
      tpu.wait_dma2 semaphore(%run_scoped3A : memref<!tpu.dma_semaphore, #tpu.memory_space<semaphore_mem>>) src(%dma_wait3A_286 : memref<625x32xi32, #tpu.memory_space<hbm>>) dst(%dma_wait3A_284 : memref<625x32xi32, #tpu.memory_space<vmem_shared>>)
      tpu.yield
    }) : () -> ()
    %add3A_3 = arith.constant 10000 : i32
    %add3A_4 = arith.addi %add3A_3, %mul3A_2 : i32
    "tpu.region"() ({
      %run_scoped3A = tpu.sem_alloc : memref<!tpu.dma_semaphore, #tpu.memory_space<semaphore_mem>>
      %dma_start3A_279 = arith.constant 0 : i32
      %dma_start3A_280 = tpu.memref_slice %arg13[%mul3A_2, %dma_start3A_279] : memref<10000x32xi32, #tpu.memory_space<vmem_shared>> -> memref<625x32xi32, #tpu.memory_space<vmem_shared>>
      %dma_start3A_281 = arith.constant 0 : i32
      %dma_start3A_282 = tpu.memref_slice %arg2[%add3A_4, %dma_start3A_281] : memref<20000x32xi32, #tpu.memory_space<hbm>> -> memref<625x32xi32, #tpu.memory_space<hbm>>
      tpu.enqueue_dma source(%dma_start3A_282 : memref<625x32xi32, #tpu.memory_space<hbm>>) target(%dma_start3A_280 : memref<625x32xi32, #tpu.memory_space<vmem_shared>>) target_semaphore(%run_scoped3A : memref<!tpu.dma_semaphore, #tpu.memory_space<semaphore_mem>>)
      %dma_wait3A_283 = arith.constant 0 : i32
      %dma_wait3A_284 = tpu.memref_slice %arg13[%mul3A_2, %dma_wait3A_283] : memref<10000x32xi32, #tpu.memory_space<vmem_shared>> -> memref<625x32xi32, #tpu.memory_space<vmem_shared>>
      %dma_wait3A_285 = arith.constant 0 : i32
      %dma_wait3A_286 = tpu.memref_slice %arg2[%add3A_4, %dma_wait3A_285] : memref<20000x32xi32, #tpu.memory_space<hbm>> -> memref<625x32xi32, #tpu.memory_space<hbm>>
      tpu.wait_dma2 semaphore(%run_scoped3A : memref<!tpu.dma_semaphore, #tpu.memory_space<semaphore_mem>>) src(%dma_wait3A_286 : memref<625x32xi32, #tpu.memory_space<hbm>>) dst(%dma_wait3A_284 : memref<625x32xi32, #tpu.memory_space<vmem_shared>>)
      tpu.yield
    }) : () -> ()
    %barrier3A = arith.constant 0 : index
    tpu.barrier barrier_id(%barrier3A)
    %mul3A_5 = arith.constant 25 : i32
    %mul3A_6 = arith.muli %add3A, %mul3A_5 : i32
    %mul3A_7 = arith.constant 400 : i32
    %mul3A_8 = arith.muli %mul3A_6, %mul3A_7 : i32
    %dma_start3A = arith.constant 0 : i32
    %dma_start3A_9 = arith.constant 0 : i32
    %dma_start3A_10 = arith.constant 0 : i32
    %dma_start3A_11 = tpu.memref_slice %arg7[%dma_start3A_9, %dma_start3A_10] : memref<2x800xi32, #tpu.memory_space<vmem>> -> memref<1x400xi32, #tpu.memory_space<vmem>>
    %dma_start3A_12 = tpu.memref_squeeze %dma_start3A_11 : memref<1x400xi32, #tpu.memory_space<vmem>> -> memref<400xi32, #tpu.memory_space<vmem>>
    %dma_start3A_13 = tpu.memref_slice %arg3[%dma_start3A, %mul3A_8] : memref<2x320000xi32, #tpu.memory_space<hbm>> -> memref<1x400xi32, #tpu.memory_space<hbm>>
    %dma_start3A_14 = tpu.memref_squeeze %dma_start3A_13 : memref<1x400xi32, #tpu.memory_space<hbm>> -> memref<400xi32, #tpu.memory_space<hbm>>
    %dma_start3A_15 = arith.constant 0 : i32
    %dma_start3A_16 = tpu.memref_slice %arg7[%dma_start3A_9, %dma_start3A_15] : memref<2x800xi32, #tpu.memory_space<vmem>> -> memref<1x400xi32, #tpu.memory_space<vmem>>
    %dma_start3A_17 = tpu.memref_squeeze %dma_start3A_16 : memref<1x400xi32, #tpu.memory_space<vmem>> -> memref<400xi32, #tpu.memory_space<vmem>>
    %dma_start3A_18 = tpu.memref_slice %arg3[%dma_start3A, %mul3A_8] : memref<2x320000xi32, #tpu.memory_space<hbm>> -> memref<1x400xi32, #tpu.memory_space<hbm>>
    %dma_start3A_19 = tpu.memref_squeeze %dma_start3A_18 : memref<1x400xi32, #tpu.memory_space<hbm>> -> memref<400xi32, #tpu.memory_space<hbm>>
    tpu.enqueue_dma source(%dma_start3A_19 : memref<400xi32, #tpu.memory_space<hbm>>) target(%dma_start3A_17 : memref<400xi32, #tpu.memory_space<vmem>>) target_semaphore(%arg14 : memref<!tpu.dma_semaphore, #tpu.memory_space<semaphore_mem>>)
    %dma_start3A_20 = arith.constant 1 : i32
    %dma_start3A_21 = arith.constant 0 : i32
    %dma_start3A_22 = arith.constant 400 : i32
    %dma_start3A_23 = tpu.memref_slice %arg7[%dma_start3A_21, %dma_start3A_22] : memref<2x800xi32, #tpu.memory_space<vmem>> -> memref<1x400xi32, #tpu.memory_space<vmem>>
    %dma_start3A_24 = tpu.memref_squeeze %dma_start3A_23 : memref<1x400xi32, #tpu.memory_space<vmem>> -> memref<400xi32, #tpu.memory_space<vmem>>
    %dma_start3A_25 = tpu.memref_slice %arg3[%dma_start3A_20, %mul3A_8] : memref<2x320000xi32, #tpu.memory_space<hbm>> -> memref<1x400xi32, #tpu.memory_space<hbm>>
    %dma_start3A_26 = tpu.memref_squeeze %dma_start3A_25 : memref<1x400xi32, #tpu.memory_space<hbm>> -> memref<400xi32, #tpu.memory_space<hbm>>
    %dma_start3A_27 = arith.constant 400 : i32
    %dma_start3A_28 = tpu.memref_slice %arg7[%dma_start3A_21, %dma_start3A_27] : memref<2x800xi32, #tpu.memory_space<vmem>> -> memref<1x400xi32, #tpu.memory_space<vmem>>
    %dma_start3A_29 = tpu.memref_squeeze %dma_start3A_28 : memref<1x400xi32, #tpu.memory_space<vmem>> -> memref<400xi32, #tpu.memory_space<vmem>>
    %dma_start3A_30 = tpu.memref_slice %arg3[%dma_start3A_20, %mul3A_8] : memref<2x320000xi32, #tpu.memory_space<hbm>> -> memref<1x400xi32, #tpu.memory_space<hbm>>
    %dma_start3A_31 = tpu.memref_squeeze %dma_start3A_30 : memref<1x400xi32, #tpu.memory_space<hbm>> -> memref<400xi32, #tpu.memory_space<hbm>>
    tpu.enqueue_dma source(%dma_start3A_31 : memref<400xi32, #tpu.memory_space<hbm>>) target(%dma_start3A_29 : memref<400xi32, #tpu.memory_space<vmem>>) target_semaphore(%arg14 : memref<!tpu.dma_semaphore, #tpu.memory_space<semaphore_mem>>)
    %mul3A_32 = arith.constant 400 : i32
    %mul3A_33 = arith.muli %mul3A_6, %mul3A_32 : i32
    %dma_wait3A = arith.constant 0 : i32
    %dma_wait3A_34 = arith.constant 0 : i32
    %dma_wait3A_35 = arith.constant 0 : i32
    %dma_wait3A_36 = tpu.memref_slice %arg7[%dma_wait3A_34, %dma_wait3A_35] : memref<2x800xi32, #tpu.memory_space<vmem>> -> memref<1x400xi32, #tpu.memory_space<vmem>>
    %dma_wait3A_37 = tpu.memref_squeeze %dma_wait3A_36 : memref<1x400xi32, #tpu.memory_space<vmem>> -> memref<400xi32, #tpu.memory_space<vmem>>
    %dma_wait3A_38 = tpu.memref_slice %arg3[%dma_wait3A, %mul3A_33] : memref<2x320000xi32, #tpu.memory_space<hbm>> -> memref<1x400xi32, #tpu.memory_space<hbm>>
    %dma_wait3A_39 = tpu.memref_squeeze %dma_wait3A_38 : memref<1x400xi32, #tpu.memory_space<hbm>> -> memref<400xi32, #tpu.memory_space<hbm>>
    %dma_wait3A_40 = arith.constant 0 : i32
    %dma_wait3A_41 = tpu.memref_slice %arg7[%dma_wait3A_34, %dma_wait3A_40] : memref<2x800xi32, #tpu.memory_space<vmem>> -> memref<1x400xi32, #tpu.memory_space<vmem>>
    %dma_wait3A_42 = tpu.memref_squeeze %dma_wait3A_41 : memref<1x400xi32, #tpu.memory_space<vmem>> -> memref<400xi32, #tpu.memory_space<vmem>>
    %dma_wait3A_43 = tpu.memref_slice %arg3[%dma_wait3A, %mul3A_33] : memref<2x320000xi32, #tpu.memory_space<hbm>> -> memref<1x400xi32, #tpu.memory_space<hbm>>
    %dma_wait3A_44 = tpu.memref_squeeze %dma_wait3A_43 : memref<1x400xi32, #tpu.memory_space<hbm>> -> memref<400xi32, #tpu.memory_space<hbm>>
    tpu.wait_dma2 semaphore(%arg14 : memref<!tpu.dma_semaphore, #tpu.memory_space<semaphore_mem>>) src(%dma_wait3A_44 : memref<400xi32, #tpu.memory_space<hbm>>) dst(%dma_wait3A_42 : memref<400xi32, #tpu.memory_space<vmem>>)
    %dma_wait3A_45 = arith.constant 1 : i32
    %dma_wait3A_46 = arith.constant 0 : i32
    %dma_wait3A_47 = arith.constant 400 : i32
    %dma_wait3A_48 = tpu.memref_slice %arg7[%dma_wait3A_46, %dma_wait3A_47] : memref<2x800xi32, #tpu.memory_space<vmem>> -> memref<1x400xi32, #tpu.memory_space<vmem>>
    %dma_wait3A_49 = tpu.memref_squeeze %dma_wait3A_48 : memref<1x400xi32, #tpu.memory_space<vmem>> -> memref<400xi32, #tpu.memory_space<vmem>>
    %dma_wait3A_50 = tpu.memref_slice %arg3[%dma_wait3A_45, %mul3A_33] : memref<2x320000xi32, #tpu.memory_space<hbm>> -> memref<1x400xi32, #tpu.memory_space<hbm>>
    %dma_wait3A_51 = tpu.memref_squeeze %dma_wait3A_50 : memref<1x400xi32, #tpu.memory_space<hbm>> -> memref<400xi32, #tpu.memory_space<hbm>>
    %dma_wait3A_52 = arith.constant 400 : i32
    %dma_wait3A_53 = tpu.memref_slice %arg7[%dma_wait3A_46, %dma_wait3A_52] : memref<2x800xi32, #tpu.memory_space<vmem>> -> memref<1x400xi32, #tpu.memory_space<vmem>>
    %dma_wait3A_54 = tpu.memref_squeeze %dma_wait3A_53 : memref<1x400xi32, #tpu.memory_space<vmem>> -> memref<400xi32, #tpu.memory_space<vmem>>
    %dma_wait3A_55 = tpu.memref_slice %arg3[%dma_wait3A_45, %mul3A_33] : memref<2x320000xi32, #tpu.memory_space<hbm>> -> memref<1x400xi32, #tpu.memory_space<hbm>>
    %dma_wait3A_56 = tpu.memref_squeeze %dma_wait3A_55 : memref<1x400xi32, #tpu.memory_space<hbm>> -> memref<400xi32, #tpu.memory_space<hbm>>
    tpu.wait_dma2 semaphore(%arg14 : memref<!tpu.dma_semaphore, #tpu.memory_space<semaphore_mem>>) src(%dma_wait3A_56 : memref<400xi32, #tpu.memory_space<hbm>>) dst(%dma_wait3A_54 : memref<400xi32, #tpu.memory_space<vmem>>)
    %dma_start3A_57 = arith.constant 0 : i32
    %dma_start3A_58 = arith.constant 0 : i32
    %dma_start3A_59 = arith.constant 0 : i32
    %dma_start3A_60 = arith.constant 0 : i32
    %dma_start3A_61 = tpu.memref_slice %arg8[%dma_start3A_58, %dma_start3A_59, %dma_start3A_60] : memref<2x800x32xi32, #tpu.memory_space<vmem>> -> memref<1x400x32xi32, #tpu.memory_space<vmem>>
    %dma_start3A_62 = tpu.memref_squeeze %dma_start3A_61 : memref<1x400x32xi32, #tpu.memory_space<vmem>> -> memref<400x32xi32, #tpu.memory_space<vmem>>
    %dma_start3A_63 = arith.constant 0 : i32
    %dma_start3A_64 = tpu.memref_slice %arg7[%dma_start3A_57, %dma_start3A_63] : memref<2x800xi32, #tpu.memory_space<vmem>> -> memref<1x400xi32, #tpu.memory_space<vmem>>
    %dma_start3A_65 = tpu.memref_squeeze %dma_start3A_64 : memref<1x400xi32, #tpu.memory_space<vmem>> -> memref<400xi32, #tpu.memory_space<vmem>>
    %dma_start3A_66 = arith.constant 0 : i32
    %dma_start3A_67 = arith.constant 0 : i32
    %dma_start3A_68 = tpu.memref_slice %arg12[%dma_start3A_66, %dma_start3A_67] : memref<10000x32xi32, #tpu.memory_space<vmem_shared>> -> memref<10000x32xi32, #tpu.memory_space<vmem_shared>>
    tpu.enqueue_indirect_dma source(%dma_start3A_68 : memref<10000x32xi32, #tpu.memory_space<vmem_shared>>) target(%dma_start3A_62 : memref<400x32xi32, #tpu.memory_space<vmem>>) offsets(%dma_start3A_65 : memref<400xi32, #tpu.memory_space<vmem>>) semaphore(%arg15 : memref<!tpu.dma_semaphore, #tpu.memory_space<semaphore_mem>>)
    %dma_start3A_69 = arith.constant 0 : i32
    %dma_start3A_70 = arith.constant 0 : i32
    %dma_start3A_71 = arith.constant 400 : i32
    %dma_start3A_72 = arith.constant 0 : i32
    %dma_start3A_73 = tpu.memref_slice %arg8[%dma_start3A_70, %dma_start3A_71, %dma_start3A_72] : memref<2x800x32xi32, #tpu.memory_space<vmem>> -> memref<1x400x32xi32, #tpu.memory_space<vmem>>
    %dma_start3A_74 = tpu.memref_squeeze %dma_start3A_73 : memref<1x400x32xi32, #tpu.memory_space<vmem>> -> memref<400x32xi32, #tpu.memory_space<vmem>>
    %dma_start3A_75 = arith.constant 400 : i32
    %dma_start3A_76 = tpu.memref_slice %arg7[%dma_start3A_69, %dma_start3A_75] : memref<2x800xi32, #tpu.memory_space<vmem>> -> memref<1x400xi32, #tpu.memory_space<vmem>>
    %dma_start3A_77 = tpu.memref_squeeze %dma_start3A_76 : memref<1x400xi32, #tpu.memory_space<vmem>> -> memref<400xi32, #tpu.memory_space<vmem>>
    %dma_start3A_78 = arith.constant 0 : i32
    %dma_start3A_79 = arith.constant 0 : i32
    %dma_start3A_80 = tpu.memref_slice %arg13[%dma_start3A_78, %dma_start3A_79] : memref<10000x32xi32, #tpu.memory_space<vmem_shared>> -> memref<10000x32xi32, #tpu.memory_space<vmem_shared>>
    tpu.enqueue_indirect_dma source(%dma_start3A_80 : memref<10000x32xi32, #tpu.memory_space<vmem_shared>>) target(%dma_start3A_74 : memref<400x32xi32, #tpu.memory_space<vmem>>) offsets(%dma_start3A_77 : memref<400xi32, #tpu.memory_space<vmem>>) semaphore(%arg15 : memref<!tpu.dma_semaphore, #tpu.memory_space<semaphore_mem>>)
    %add3A_81 = arith.constant 1 : i32
    %add3A_82 = arith.addi %mul3A_6, %add3A_81 : i32
    %mul3A_83 = arith.constant 400 : i32
    %mul3A_84 = arith.muli %add3A_82, %mul3A_83 : i32
    %dma_start3A_85 = arith.constant 0 : i32
    %dma_start3A_86 = arith.constant 1 : i32
    %dma_start3A_87 = arith.constant 0 : i32
    %dma_start3A_88 = tpu.memref_slice %arg7[%dma_start3A_86, %dma_start3A_87] : memref<2x800xi32, #tpu.memory_space<vmem>> -> memref<1x400xi32, #tpu.memory_space<vmem>>
    %dma_start3A_89 = tpu.memref_squeeze %dma_start3A_88 : memref<1x400xi32, #tpu.memory_space<vmem>> -> memref<400xi32, #tpu.memory_space<vmem>>
    %dma_start3A_90 = tpu.memref_slice %arg3[%dma_start3A_85, %mul3A_84] : memref<2x320000xi32, #tpu.memory_space<hbm>> -> memref<1x400xi32, #tpu.memory_space<hbm>>
    %dma_start3A_91 = tpu.memref_squeeze %dma_start3A_90 : memref<1x400xi32, #tpu.memory_space<hbm>> -> memref<400xi32, #tpu.memory_space<hbm>>
    %dma_start3A_92 = arith.constant 0 : i32
    %dma_start3A_93 = tpu.memref_slice %arg7[%dma_start3A_86, %dma_start3A_92] : memref<2x800xi32, #tpu.memory_space<vmem>> -> memref<1x400xi32, #tpu.memory_space<vmem>>
    %dma_start3A_94 = tpu.memref_squeeze %dma_start3A_93 : memref<1x400xi32, #tpu.memory_space<vmem>> -> memref<400xi32, #tpu.memory_space<vmem>>
    %dma_start3A_95 = tpu.memref_slice %arg3[%dma_start3A_85, %mul3A_84] : memref<2x320000xi32, #tpu.memory_space<hbm>> -> memref<1x400xi32, #tpu.memory_space<hbm>>
    %dma_start3A_96 = tpu.memref_squeeze %dma_start3A_95 : memref<1x400xi32, #tpu.memory_space<hbm>> -> memref<400xi32, #tpu.memory_space<hbm>>
    tpu.enqueue_dma source(%dma_start3A_96 : memref<400xi32, #tpu.memory_space<hbm>>) target(%dma_start3A_94 : memref<400xi32, #tpu.memory_space<vmem>>) target_semaphore(%arg14 : memref<!tpu.dma_semaphore, #tpu.memory_space<semaphore_mem>>)
    %dma_start3A_97 = arith.constant 1 : i32
    %dma_start3A_98 = arith.constant 1 : i32
    %dma_start3A_99 = arith.constant 400 : i32
    %dma_start3A_100 = tpu.memref_slice %arg7[%dma_start3A_98, %dma_start3A_99] : memref<2x800xi32, #tpu.memory_space<vmem>> -> memref<1x400xi32, #tpu.memory_space<vmem>>
    %dma_start3A_101 = tpu.memref_squeeze %dma_start3A_100 : memref<1x400xi32, #tpu.memory_space<vmem>> -> memref<400xi32, #tpu.memory_space<vmem>>
    %dma_start3A_102 = tpu.memref_slice %arg3[%dma_start3A_97, %mul3A_84] : memref<2x320000xi32, #tpu.memory_space<hbm>> -> memref<1x400xi32, #tpu.memory_space<hbm>>
    %dma_start3A_103 = tpu.memref_squeeze %dma_start3A_102 : memref<1x400xi32, #tpu.memory_space<hbm>> -> memref<400xi32, #tpu.memory_space<hbm>>
    %dma_start3A_104 = arith.constant 400 : i32
    %dma_start3A_105 = tpu.memref_slice %arg7[%dma_start3A_98, %dma_start3A_104] : memref<2x800xi32, #tpu.memory_space<vmem>> -> memref<1x400xi32, #tpu.memory_space<vmem>>
    %dma_start3A_106 = tpu.memref_squeeze %dma_start3A_105 : memref<1x400xi32, #tpu.memory_space<vmem>> -> memref<400xi32, #tpu.memory_space<vmem>>
    %dma_start3A_107 = tpu.memref_slice %arg3[%dma_start3A_97, %mul3A_84] : memref<2x320000xi32, #tpu.memory_space<hbm>> -> memref<1x400xi32, #tpu.memory_space<hbm>>
    %dma_start3A_108 = tpu.memref_squeeze %dma_start3A_107 : memref<1x400xi32, #tpu.memory_space<hbm>> -> memref<400xi32, #tpu.memory_space<hbm>>
    tpu.enqueue_dma source(%dma_start3A_108 : memref<400xi32, #tpu.memory_space<hbm>>) target(%dma_start3A_106 : memref<400xi32, #tpu.memory_space<vmem>>) target_semaphore(%arg14 : memref<!tpu.dma_semaphore, #tpu.memory_space<semaphore_mem>>)
    %dma_wait3A_109 = arith.constant 0 : i32
    %dma_wait3A_110 = arith.constant 0 : i32
    %dma_wait3A_111 = arith.constant 0 : i32
    %dma_wait3A_112 = arith.constant 0 : i32
    %dma_wait3A_113 = tpu.memref_slice %arg8[%dma_wait3A_110, %dma_wait3A_111, %dma_wait3A_112] : memref<2x800x32xi32, #tpu.memory_space<vmem>> -> memref<1x400x32xi32, #tpu.memory_space<vmem>>
    %dma_wait3A_114 = tpu.memref_squeeze %dma_wait3A_113 : memref<1x400x32xi32, #tpu.memory_space<vmem>> -> memref<400x32xi32, #tpu.memory_space<vmem>>
    %dma_wait3A_115 = arith.constant 0 : i32
    %dma_wait3A_116 = tpu.memref_slice %arg7[%dma_wait3A_109, %dma_wait3A_115] : memref<2x800xi32, #tpu.memory_space<vmem>> -> memref<1x400xi32, #tpu.memory_space<vmem>>
    %dma_wait3A_117 = tpu.memref_squeeze %dma_wait3A_116 : memref<1x400xi32, #tpu.memory_space<vmem>> -> memref<400xi32, #tpu.memory_space<vmem>>
    %dma_wait3A_118 = arith.constant 0 : i32
    %dma_wait3A_119 = arith.constant 0 : i32
    %dma_wait3A_120 = tpu.memref_slice %arg12[%dma_wait3A_118, %dma_wait3A_119] : memref<10000x32xi32, #tpu.memory_space<vmem_shared>> -> memref<10000x32xi32, #tpu.memory_space<vmem_shared>>
    tpu.wait_indirect_dma semaphore(%arg15 : memref<!tpu.dma_semaphore, #tpu.memory_space<semaphore_mem>>) src(%dma_wait3A_120 : memref<10000x32xi32, #tpu.memory_space<vmem_shared>>) dst(%dma_wait3A_114 : memref<400x32xi32, #tpu.memory_space<vmem>>)
    %dma_wait3A_121 = arith.constant 0 : i32
    %dma_wait3A_122 = arith.constant 0 : i32
    %dma_wait3A_123 = arith.constant 400 : i32
    %dma_wait3A_124 = arith.constant 0 : i32
    %dma_wait3A_125 = tpu.memref_slice %arg8[%dma_wait3A_122, %dma_wait3A_123, %dma_wait3A_124] : memref<2x800x32xi32, #tpu.memory_space<vmem>> -> memref<1x400x32xi32, #tpu.memory_space<vmem>>
    %dma_wait3A_126 = tpu.memref_squeeze %dma_wait3A_125 : memref<1x400x32xi32, #tpu.memory_space<vmem>> -> memref<400x32xi32, #tpu.memory_space<vmem>>
    %dma_wait3A_127 = arith.constant 400 : i32
    %dma_wait3A_128 = tpu.memref_slice %arg7[%dma_wait3A_121, %dma_wait3A_127] : memref<2x800xi32, #tpu.memory_space<vmem>> -> memref<1x400xi32, #tpu.memory_space<vmem>>
    %dma_wait3A_129 = tpu.memref_squeeze %dma_wait3A_128 : memref<1x400xi32, #tpu.memory_space<vmem>> -> memref<400xi32, #tpu.memory_space<vmem>>
    %dma_wait3A_130 = arith.constant 0 : i32
    %dma_wait3A_131 = arith.constant 0 : i32
    %dma_wait3A_132 = tpu.memref_slice %arg13[%dma_wait3A_130, %dma_wait3A_131] : memref<10000x32xi32, #tpu.memory_space<vmem_shared>> -> memref<10000x32xi32, #tpu.memory_space<vmem_shared>>
    tpu.wait_indirect_dma semaphore(%arg15 : memref<!tpu.dma_semaphore, #tpu.memory_space<semaphore_mem>>) src(%dma_wait3A_132 : memref<10000x32xi32, #tpu.memory_space<vmem_shared>>) dst(%dma_wait3A_126 : memref<400x32xi32, #tpu.memory_space<vmem>>)
    %scan3A = arith.constant 0 : i32
    %scan3A_133 = arith.constant 12 : i32
    %scan3A_134 = arith.addi %scan3A, %scan3A_133 : i32
    %scan3A_135 = arith.constant 1 : i32
    scf.for %scan3A_279 = %scan3A to %scan3A_134 step %scan3A_135  : i32 {
      %mul3A_280 = arith.constant 2 : i32
      %mul3A_281 = arith.muli %scan3A_279, %mul3A_280 : i32
      %add3A_282 = arith.constant 0 : i32
      %add3A_283 = arith.addi %add3A_282, %mul3A_281 : i32
      %add3A_284 = arith.addi %mul3A_6, %add3A_283 : i32
      %add3A_285 = arith.constant 1 : i32
      %add3A_286 = arith.addi %add3A_283, %add3A_285 : i32
      %lt3A_287 = arith.constant 25 : i32
      %lt3A_288 = arith.cmpi slt, %add3A_286, %lt3A_287 : i32
      %convert_element_type3A_289 = arith.extui %lt3A_288 : i1 to i32
      %cond3A_290 = arith.constant 0 : i32
      %cond3A_291 = arith.cmpi ne, %convert_element_type3A_289, %cond3A_290 : i32
      scf.if %cond3A_291 {
        %add3A_518 = arith.constant 1 : i32
        %add3A_519 = arith.addi %add3A_284, %add3A_518 : i32
        %mul3A_520 = arith.constant 400 : i32
        %mul3A_521 = arith.muli %add3A_519, %mul3A_520 : i32
        %dma_wait3A_522 = arith.constant 0 : i32
        %dma_wait3A_523 = arith.constant 1 : i32
        %dma_wait3A_524 = arith.constant 0 : i32
        %dma_wait3A_525 = tpu.memref_slice %arg7[%dma_wait3A_523, %dma_wait3A_524] : memref<2x800xi32, #tpu.memory_space<vmem>> -> memref<1x400xi32, #tpu.memory_space<vmem>>
        %dma_wait3A_526 = tpu.memref_squeeze %dma_wait3A_525 : memref<1x400xi32, #tpu.memory_space<vmem>> -> memref<400xi32, #tpu.memory_space<vmem>>
        %dma_wait3A_527 = tpu.memref_slice %arg3[%dma_wait3A_522, %mul3A_521] : memref<2x320000xi32, #tpu.memory_space<hbm>> -> memref<1x400xi32, #tpu.memory_space<hbm>>
        %dma_wait3A_528 = tpu.memref_squeeze %dma_wait3A_527 : memref<1x400xi32, #tpu.memory_space<hbm>> -> memref<400xi32, #tpu.memory_space<hbm>>
        %dma_wait3A_529 = arith.constant 0 : i32
        %dma_wait3A_530 = tpu.memref_slice %arg7[%dma_wait3A_523, %dma_wait3A_529] : memref<2x800xi32, #tpu.memory_space<vmem>> -> memref<1x400xi32, #tpu.memory_space<vmem>>
        %dma_wait3A_531 = tpu.memref_squeeze %dma_wait3A_530 : memref<1x400xi32, #tpu.memory_space<vmem>> -> memref<400xi32, #tpu.memory_space<vmem>>
        %dma_wait3A_532 = tpu.memref_slice %arg3[%dma_wait3A_522, %mul3A_521] : memref<2x320000xi32, #tpu.memory_space<hbm>> -> memref<1x400xi32, #tpu.memory_space<hbm>>
        %dma_wait3A_533 = tpu.memref_squeeze %dma_wait3A_532 : memref<1x400xi32, #tpu.memory_space<hbm>> -> memref<400xi32, #tpu.memory_space<hbm>>
        tpu.wait_dma2 semaphore(%arg14 : memref<!tpu.dma_semaphore, #tpu.memory_space<semaphore_mem>>) src(%dma_wait3A_533 : memref<400xi32, #tpu.memory_space<hbm>>) dst(%dma_wait3A_531 : memref<400xi32, #tpu.memory_space<vmem>>)
        %dma_wait3A_534 = arith.constant 1 : i32
        %dma_wait3A_535 = arith.constant 1 : i32
        %dma_wait3A_536 = arith.constant 400 : i32
        %dma_wait3A_537 = tpu.memref_slice %arg7[%dma_wait3A_535, %dma_wait3A_536] : memref<2x800xi32, #tpu.memory_space<vmem>> -> memref<1x400xi32, #tpu.memory_space<vmem>>
        %dma_wait3A_538 = tpu.memref_squeeze %dma_wait3A_537 : memref<1x400xi32, #tpu.memory_space<vmem>> -> memref<400xi32, #tpu.memory_space<vmem>>
        %dma_wait3A_539 = tpu.memref_slice %arg3[%dma_wait3A_534, %mul3A_521] : memref<2x320000xi32, #tpu.memory_space<hbm>> -> memref<1x400xi32, #tpu.memory_space<hbm>>
        %dma_wait3A_540 = tpu.memref_squeeze %dma_wait3A_539 : memref<1x400xi32, #tpu.memory_space<hbm>> -> memref<400xi32, #tpu.memory_space<hbm>>
        %dma_wait3A_541 = arith.constant 400 : i32
        %dma_wait3A_542 = tpu.memref_slice %arg7[%dma_wait3A_535, %dma_wait3A_541] : memref<2x800xi32, #tpu.memory_space<vmem>> -> memref<1x400xi32, #tpu.memory_space<vmem>>
        %dma_wait3A_543 = tpu.memref_squeeze %dma_wait3A_542 : memref<1x400xi32, #tpu.memory_space<vmem>> -> memref<400xi32, #tpu.memory_space<vmem>>
        %dma_wait3A_544 = tpu.memref_slice %arg3[%dma_wait3A_534, %mul3A_521] : memref<2x320000xi32, #tpu.memory_space<hbm>> -> memref<1x400xi32, #tpu.memory_space<hbm>>
        %dma_wait3A_545 = tpu.memref_squeeze %dma_wait3A_544 : memref<1x400xi32, #tpu.memory_space<hbm>> -> memref<400xi32, #tpu.memory_space<hbm>>
        tpu.wait_dma2 semaphore(%arg14 : memref<!tpu.dma_semaphore, #tpu.memory_space<semaphore_mem>>) src(%dma_wait3A_545 : memref<400xi32, #tpu.memory_space<hbm>>) dst(%dma_wait3A_543 : memref<400xi32, #tpu.memory_space<vmem>>)
        %dma_start3A_546 = arith.constant 1 : i32
        %dma_start3A_547 = arith.constant 1 : i32
        %dma_start3A_548 = arith.constant 0 : i32
        %dma_start3A_549 = arith.constant 0 : i32
        %dma_start3A_550 = tpu.memref_slice %arg8[%dma_start3A_547, %dma_start3A_548, %dma_start3A_549] : memref<2x800x32xi32, #tpu.memory_space<vmem>> -> memref<1x400x32xi32, #tpu.memory_space<vmem>>
        %dma_start3A_551 = tpu.memref_squeeze %dma_start3A_550 : memref<1x400x32xi32, #tpu.memory_space<vmem>> -> memref<400x32xi32, #tpu.memory_space<vmem>>
        %dma_start3A_552 = arith.constant 0 : i32
        %dma_start3A_553 = tpu.memref_slice %arg7[%dma_start3A_546, %dma_start3A_552] : memref<2x800xi32, #tpu.memory_space<vmem>> -> memref<1x400xi32, #tpu.memory_space<vmem>>
        %dma_start3A_554 = tpu.memref_squeeze %dma_start3A_553 : memref<1x400xi32, #tpu.memory_space<vmem>> -> memref<400xi32, #tpu.memory_space<vmem>>
        %dma_start3A_555 = arith.constant 0 : i32
        %dma_start3A_556 = arith.constant 0 : i32
        %dma_start3A_557 = tpu.memref_slice %arg12[%dma_start3A_555, %dma_start3A_556] : memref<10000x32xi32, #tpu.memory_space<vmem_shared>> -> memref<10000x32xi32, #tpu.memory_space<vmem_shared>>
        tpu.enqueue_indirect_dma source(%dma_start3A_557 : memref<10000x32xi32, #tpu.memory_space<vmem_shared>>) target(%dma_start3A_551 : memref<400x32xi32, #tpu.memory_space<vmem>>) offsets(%dma_start3A_554 : memref<400xi32, #tpu.memory_space<vmem>>) semaphore(%arg15 : memref<!tpu.dma_semaphore, #tpu.memory_space<semaphore_mem>>)
        %dma_start3A_558 = arith.constant 1 : i32
        %dma_start3A_559 = arith.constant 1 : i32
        %dma_start3A_560 = arith.constant 400 : i32
        %dma_start3A_561 = arith.constant 0 : i32
        %dma_start3A_562 = tpu.memref_slice %arg8[%dma_start3A_559, %dma_start3A_560, %dma_start3A_561] : memref<2x800x32xi32, #tpu.memory_space<vmem>> -> memref<1x400x32xi32, #tpu.memory_space<vmem>>
        %dma_start3A_563 = tpu.memref_squeeze %dma_start3A_562 : memref<1x400x32xi32, #tpu.memory_space<vmem>> -> memref<400x32xi32, #tpu.memory_space<vmem>>
        %dma_start3A_564 = arith.constant 400 : i32
        %dma_start3A_565 = tpu.memref_slice %arg7[%dma_start3A_558, %dma_start3A_564] : memref<2x800xi32, #tpu.memory_space<vmem>> -> memref<1x400xi32, #tpu.memory_space<vmem>>
        %dma_start3A_566 = tpu.memref_squeeze %dma_start3A_565 : memref<1x400xi32, #tpu.memory_space<vmem>> -> memref<400xi32, #tpu.memory_space<vmem>>
        %dma_start3A_567 = arith.constant 0 : i32
        %dma_start3A_568 = arith.constant 0 : i32
        %dma_start3A_569 = tpu.memref_slice %arg13[%dma_start3A_567, %dma_start3A_568] : memref<10000x32xi32, #tpu.memory_space<vmem_shared>> -> memref<10000x32xi32, #tpu.memory_space<vmem_shared>>
        tpu.enqueue_indirect_dma source(%dma_start3A_569 : memref<10000x32xi32, #tpu.memory_space<vmem_shared>>) target(%dma_start3A_563 : memref<400x32xi32, #tpu.memory_space<vmem>>) offsets(%dma_start3A_566 : memref<400xi32, #tpu.memory_space<vmem>>) semaphore(%arg15 : memref<!tpu.dma_semaphore, #tpu.memory_space<semaphore_mem>>)
      } else {
      }
      %add3A_292 = arith.constant 2 : i32
      %add3A_293 = arith.addi %add3A_283, %add3A_292 : i32
      %lt3A_294 = arith.constant 25 : i32
      %lt3A_295 = arith.cmpi slt, %add3A_293, %lt3A_294 : i32
      %convert_element_type3A_296 = arith.extui %lt3A_295 : i1 to i32
      %cond3A_297 = arith.constant 0 : i32
      %cond3A_298 = arith.cmpi ne, %convert_element_type3A_296, %cond3A_297 : i32
      scf.if %cond3A_298 {
        %add3A_518 = arith.constant 2 : i32
        %add3A_519 = arith.addi %add3A_284, %add3A_518 : i32
        %mul3A_520 = arith.constant 400 : i32
        %mul3A_521 = arith.muli %add3A_519, %mul3A_520 : i32
        %dma_start3A_522 = arith.constant 0 : i32
        %dma_start3A_523 = arith.constant 0 : i32
        %dma_start3A_524 = arith.constant 0 : i32
        %dma_start3A_525 = tpu.memref_slice %arg7[%dma_start3A_523, %dma_start3A_524] : memref<2x800xi32, #tpu.memory_space<vmem>> -> memref<1x400xi32, #tpu.memory_space<vmem>>
        %dma_start3A_526 = tpu.memref_squeeze %dma_start3A_525 : memref<1x400xi32, #tpu.memory_space<vmem>> -> memref<400xi32, #tpu.memory_space<vmem>>
        %dma_start3A_527 = tpu.memref_slice %arg3[%dma_start3A_522, %mul3A_521] : memref<2x320000xi32, #tpu.memory_space<hbm>> -> memref<1x400xi32, #tpu.memory_space<hbm>>
        %dma_start3A_528 = tpu.memref_squeeze %dma_start3A_527 : memref<1x400xi32, #tpu.memory_space<hbm>> -> memref<400xi32, #tpu.memory_space<hbm>>
        %dma_start3A_529 = arith.constant 0 : i32
        %dma_start3A_530 = tpu.memref_slice %arg7[%dma_start3A_523, %dma_start3A_529] : memref<2x800xi32, #tpu.memory_space<vmem>> -> memref<1x400xi32, #tpu.memory_space<vmem>>
        %dma_start3A_531 = tpu.memref_squeeze %dma_start3A_530 : memref<1x400xi32, #tpu.memory_space<vmem>> -> memref<400xi32, #tpu.memory_space<vmem>>
        %dma_start3A_532 = tpu.memref_slice %arg3[%dma_start3A_522, %mul3A_521] : memref<2x320000xi32, #tpu.memory_space<hbm>> -> memref<1x400xi32, #tpu.memory_space<hbm>>
        %dma_start3A_533 = tpu.memref_squeeze %dma_start3A_532 : memref<1x400xi32, #tpu.memory_space<hbm>> -> memref<400xi32, #tpu.memory_space<hbm>>
        tpu.enqueue_dma source(%dma_start3A_533 : memref<400xi32, #tpu.memory_space<hbm>>) target(%dma_start3A_531 : memref<400xi32, #tpu.memory_space<vmem>>) target_semaphore(%arg14 : memref<!tpu.dma_semaphore, #tpu.memory_space<semaphore_mem>>)
        %dma_start3A_534 = arith.constant 1 : i32
        %dma_start3A_535 = arith.constant 0 : i32
        %dma_start3A_536 = arith.constant 400 : i32
        %dma_start3A_537 = tpu.memref_slice %arg7[%dma_start3A_535, %dma_start3A_536] : memref<2x800xi32, #tpu.memory_space<vmem>> -> memref<1x400xi32, #tpu.memory_space<vmem>>
        %dma_start3A_538 = tpu.memref_squeeze %dma_start3A_537 : memref<1x400xi32, #tpu.memory_space<vmem>> -> memref<400xi32, #tpu.memory_space<vmem>>
        %dma_start3A_539 = tpu.memref_slice %arg3[%dma_start3A_534, %mul3A_521] : memref<2x320000xi32, #tpu.memory_space<hbm>> -> memref<1x400xi32, #tpu.memory_space<hbm>>
        %dma_start3A_540 = tpu.memref_squeeze %dma_start3A_539 : memref<1x400xi32, #tpu.memory_space<hbm>> -> memref<400xi32, #tpu.memory_space<hbm>>
        %dma_start3A_541 = arith.constant 400 : i32
        %dma_start3A_542 = tpu.memref_slice %arg7[%dma_start3A_535, %dma_start3A_541] : memref<2x800xi32, #tpu.memory_space<vmem>> -> memref<1x400xi32, #tpu.memory_space<vmem>>
        %dma_start3A_543 = tpu.memref_squeeze %dma_start3A_542 : memref<1x400xi32, #tpu.memory_space<vmem>> -> memref<400xi32, #tpu.memory_space<vmem>>
        %dma_start3A_544 = tpu.memref_slice %arg3[%dma_start3A_534, %mul3A_521] : memref<2x320000xi32, #tpu.memory_space<hbm>> -> memref<1x400xi32, #tpu.memory_space<hbm>>
        %dma_start3A_545 = tpu.memref_squeeze %dma_start3A_544 : memref<1x400xi32, #tpu.memory_space<hbm>> -> memref<400xi32, #tpu.memory_space<hbm>>
        tpu.enqueue_dma source(%dma_start3A_545 : memref<400xi32, #tpu.memory_space<hbm>>) target(%dma_start3A_543 : memref<400xi32, #tpu.memory_space<vmem>>) target_semaphore(%arg14 : memref<!tpu.dma_semaphore, #tpu.memory_space<semaphore_mem>>)
      } else {
      }
      %ge3A_299 = arith.constant 2 : i32
      %ge3A_300 = arith.cmpi sge, %add3A_283, %ge3A_299 : i32
      %convert_element_type3A_301 = arith.extui %ge3A_300 : i1 to i32
      %cond3A_302 = arith.constant 0 : i32
      %cond3A_303 = arith.cmpi ne, %convert_element_type3A_301, %cond3A_302 : i32
      scf.if %cond3A_303 {
        %sub3A_518 = arith.constant 2 : i32
        %sub3A_519 = arith.subi %add3A_284, %sub3A_518 : i32
        %dma_wait3A_520 = arith.constant 0 : i32
        %dma_wait3A_521 = arith.constant 0 : i32
        %dma_wait3A_522 = tpu.memref_slice %arg9[%dma_wait3A_520, %dma_wait3A_521] : memref<2x400xf32, #tpu.memory_space<vmem>> -> memref<1x400xf32, #tpu.memory_space<vmem>>
        %dma_wait3A_523 = tpu.memref_squeeze %dma_wait3A_522 : memref<1x400xf32, #tpu.memory_space<vmem>> -> memref<400xf32, #tpu.memory_space<vmem>>
        %dma_wait3A_524 = arith.constant 0 : i32
        %dma_wait3A_525 = tpu.memref_slice %arg6[%sub3A_519, %dma_wait3A_524] : memref<800x400xf32, #tpu.memory_space<hbm>> -> memref<1x400xf32, #tpu.memory_space<hbm>>
        %dma_wait3A_526 = tpu.memref_squeeze %dma_wait3A_525 : memref<1x400xf32, #tpu.memory_space<hbm>> -> memref<400xf32, #tpu.memory_space<hbm>>
        %dma_wait3A_527 = arith.constant 0 : i32
        %dma_wait3A_528 = tpu.memref_slice %arg6[%sub3A_519, %dma_wait3A_527] : memref<800x400xf32, #tpu.memory_space<hbm>> -> memref<1x400xf32, #tpu.memory_space<hbm>>
        %dma_wait3A_529 = tpu.memref_squeeze %dma_wait3A_528 : memref<1x400xf32, #tpu.memory_space<hbm>> -> memref<400xf32, #tpu.memory_space<hbm>>
        %dma_wait3A_530 = arith.constant 0 : i32
        %dma_wait3A_531 = tpu.memref_slice %arg9[%dma_wait3A_520, %dma_wait3A_530] : memref<2x400xf32, #tpu.memory_space<vmem>> -> memref<1x400xf32, #tpu.memory_space<vmem>>
        %dma_wait3A_532 = tpu.memref_squeeze %dma_wait3A_531 : memref<1x400xf32, #tpu.memory_space<vmem>> -> memref<400xf32, #tpu.memory_space<vmem>>
        tpu.wait_dma2 semaphore(%arg16 : memref<!tpu.dma_semaphore, #tpu.memory_space<semaphore_mem>>) src(%dma_wait3A_532 : memref<400xf32, #tpu.memory_space<vmem>>) dst(%dma_wait3A_529 : memref<400xf32, #tpu.memory_space<hbm>>)
      } else {
      }
      %iota3A_304 = tpu.iota {dimensions = array<i32: 0>} : vector<16xi32>
      %scan3A_305 = arith.constant 0 : i32
      %scan3A_306 = arith.constant 0 : i32
      %scan3A_307 = arith.constant 12 : i32
      %scan3A_308 = arith.addi %scan3A_306, %scan3A_307 : i32
      %scan3A_309 = arith.constant 1 : i32
      scf.for %scan3A_518 = %scan3A_306 to %scan3A_308 step %scan3A_309  : i32 {
        %mul3A_519 = arith.constant 32 : i32
        %mul3A_520 = arith.muli %scan3A_518, %mul3A_519 : i32
        %add3A_521 = arith.constant 0 : i32
        %add3A_522 = arith.addi %add3A_521, %mul3A_520 : i32
        %add3A_523 = vector.broadcast %add3A_522 : i32 to vector<16xi32>
        %add3A_524 = arith.addi %add3A_523, %iota3A_304 : vector<16xi32>
        %add3A_525 = arith.constant 400 : i32
        %add3A_526 = vector.broadcast %add3A_525 : i32 to vector<16xi32>
        %add3A_527 = arith.addi %add3A_524, %add3A_526 : vector<16xi32>
        %add3A_528 = arith.constant 16 : i32
        %add3A_529 = vector.broadcast %add3A_528 : i32 to vector<16xi32>
        %add3A_530 = arith.addi %add3A_524, %add3A_529 : vector<16xi32>
        %add3A_531 = arith.constant 400 : i32
        %add3A_532 = vector.broadcast %add3A_531 : i32 to vector<16xi32>
        %add3A_533 = arith.addi %add3A_530, %add3A_532 : vector<16xi32>
        %broadcast_in_dim3A_534 = arith.constant 0.000000e+00 : bf16
        %broadcast_in_dim3A_535 = vector.broadcast %broadcast_in_dim3A_534 : bf16 to vector<32xbf16>
        %scan3A_536 = arith.constant 0 : i32
        %scan3A_537 = arith.constant 4 : i32
        %scan3A_538 = arith.addi %scan3A_536, %scan3A_537 : i32
        %scan3A_539 = arith.constant 1 : i32
        %scan3A_540:2 = scf.for %scan3A_588 = %scan3A_536 to %scan3A_538 step %scan3A_539 iter_args(%scan3A_589 = %broadcast_in_dim3A_535, %scan3A_590 = %broadcast_in_dim3A_535) -> (vector<32xbf16>, vector<32xbf16>)  : i32 {
          %mul3A_591 = arith.constant 8 : i32
          %mul3A_592 = arith.muli %scan3A_588, %mul3A_591 : i32
          %add3A_593 = arith.constant 0 : i32
          %add3A_594 = arith.addi %mul3A_592, %add3A_593 : i32
          %add3A_595 = vector.broadcast %add3A_594 : i32 to vector<16xi32>
          %add3A_596 = arith.addi %iota3A_304, %add3A_595 : vector<16xi32>
          %and3A = arith.constant 31 : i32
          %and3A_597 = vector.broadcast %and3A : i32 to vector<16xi32>
          %and3A_598 = arith.andi %add3A_596, %and3A_597 : vector<16xi32>
          %get3A_599 = arith.index_cast %add3A_594 : i32 to index
          %get3A_600 = arith.constant 0 : index
          %get3A_601 = tpu.vector_load %arg10[%get3A_599, %get3A_600] {strides = array<i32>} : memref<32x16xi32, #tpu.memory_space<vmem>>, vector<16xi32>,
          %bitcast3A = vector.bitcast %get3A_601 : vector<16xi32> to vector<32xbf16>
          %gather3A = arith.constant 0 : i32
          %gather3A_602 = arith.constant 0 : i32
          %gather3A_603 = tpu.memref_slice %arg8[%scan3A_305, %gather3A, %gather3A_602] : memref<2x800x32xi32, #tpu.memory_space<vmem>> -> memref<1x800x32xi32, #tpu.memory_space<vmem>>
          %gather3A_604 = tpu.memref_squeeze %gather3A_603 : memref<1x800x32xi32, #tpu.memory_space<vmem>> -> memref<800x32xi32, #tpu.memory_space<vmem>>
          %gather3A_605 = tpu.vector_load_idx %gather3A_604[%add3A_524, %and3A_598] : memref<800x32xi32, #tpu.memory_space<vmem>>[vector<16xi32>, vector<16xi32>], vector<16xi32>,
          %gather3A_606 = arith.constant 0 : i32
          %gather3A_607 = arith.constant 0 : i32
          %gather3A_608 = tpu.memref_slice %arg8[%scan3A_305, %gather3A_606, %gather3A_607] : memref<2x800x32xi32, #tpu.memory_space<vmem>> -> memref<1x800x32xi32, #tpu.memory_space<vmem>>
          %gather3A_609 = tpu.memref_squeeze %gather3A_608 : memref<1x800x32xi32, #tpu.memory_space<vmem>> -> memref<800x32xi32, #tpu.memory_space<vmem>>
          %gather3A_610 = tpu.vector_load_idx %gather3A_609[%add3A_527, %and3A_598] : memref<800x32xi32, #tpu.memory_space<vmem>>[vector<16xi32>, vector<16xi32>], vector<16xi32>,
          %gather3A_611 = arith.constant 0 : i32
          %gather3A_612 = arith.constant 0 : i32
          %gather3A_613 = tpu.memref_slice %arg8[%scan3A_305, %gather3A_611, %gather3A_612] : memref<2x800x32xi32, #tpu.memory_space<vmem>> -> memref<1x800x32xi32, #tpu.memory_space<vmem>>
          %gather3A_614 = tpu.memref_squeeze %gather3A_613 : memref<1x800x32xi32, #tpu.memory_space<vmem>> -> memref<800x32xi32, #tpu.memory_space<vmem>>
          %gather3A_615 = tpu.vector_load_idx %gather3A_614[%add3A_530, %and3A_598] : memref<800x32xi32, #tpu.memory_space<vmem>>[vector<16xi32>, vector<16xi32>], vector<16xi32>,
          %gather3A_616 = arith.constant 0 : i32
          %gather3A_617 = arith.constant 0 : i32
          %gather3A_618 = tpu.memref_slice %arg8[%scan3A_305, %gather3A_616, %gather3A_617] : memref<2x800x32xi32, #tpu.memory_space<vmem>> -> memref<1x800x32xi32, #tpu.memory_space<vmem>>
          %gather3A_619 = tpu.memref_squeeze %gather3A_618 : memref<1x800x32xi32, #tpu.memory_space<vmem>> -> memref<800x32xi32, #tpu.memory_space<vmem>>
          %gather3A_620 = tpu.vector_load_idx %gather3A_619[%add3A_533, %and3A_598] : memref<800x32xi32, #tpu.memory_space<vmem>>[vector<16xi32>, vector<16xi32>], vector<16xi32>,
          %bitcast3A_621 = vector.bitcast %gather3A_605 : vector<16xi32> to vector<32xbf16>
          %bitcast3A_622 = vector.bitcast %gather3A_610 : vector<16xi32> to vector<32xbf16>
          %add3A_623 = arith.addf %bitcast3A_621, %bitcast3A_622 : vector<32xbf16>
          %max3A = arith.constant 0.000000e+00 : bf16
          %max3A_624 = vector.broadcast %max3A : bf16 to vector<32xbf16>
          %max3A_625 = arith.maximumf %add3A_623, %max3A_624 : vector<32xbf16>
          %mul3A_626 = arith.mulf %max3A_625, %bitcast3A : vector<32xbf16>
          %add3A_627 = arith.addf %scan3A_589, %mul3A_626 : vector<32xbf16>
          %bitcast3A_628 = vector.bitcast %gather3A_615 : vector<16xi32> to vector<32xbf16>
          %bitcast3A_629 = vector.bitcast %gather3A_620 : vector<16xi32> to vector<32xbf16>
          %add3A_630 = arith.addf %bitcast3A_628, %bitcast3A_629 : vector<32xbf16>
          %max3A_631 = arith.constant 0.000000e+00 : bf16
          %max3A_632 = vector.broadcast %max3A_631 : bf16 to vector<32xbf16>
          %max3A_633 = arith.maximumf %add3A_630, %max3A_632 : vector<32xbf16>
          %mul3A_634 = arith.mulf %max3A_633, %bitcast3A : vector<32xbf16>
          %add3A_635 = arith.addf %scan3A_590, %mul3A_634 : vector<32xbf16>
          %add3A_636 = arith.constant 1 : i32
          %add3A_637 = arith.addi %mul3A_592, %add3A_636 : i32
          %add3A_638 = vector.broadcast %add3A_637 : i32 to vector<16xi32>
          %add3A_639 = arith.addi %iota3A_304, %add3A_638 : vector<16xi32>
          %and3A_640 = arith.constant 31 : i32
          %and3A_641 = vector.broadcast %and3A_640 : i32 to vector<16xi32>
          %and3A_642 = arith.andi %add3A_639, %and3A_641 : vector<16xi32>
          %get3A_643 = arith.index_cast %add3A_637 : i32 to index
          %get3A_644 = arith.constant 0 : index
          %get3A_645 = tpu.vector_load %arg10[%get3A_643, %get3A_644] {strides = array<i32>} : memref<32x16xi32, #tpu.memory_space<vmem>>, vector<16xi32>,
          %bitcast3A_646 = vector.bitcast %get3A_645 : vector<16xi32> to vector<32xbf16>
          %gather3A_647 = arith.constant 0 : i32
          %gather3A_648 = arith.constant 0 : i32
          %gather3A_649 = tpu.memref_slice %arg8[%scan3A_305, %gather3A_647, %gather3A_648] : memref<2x800x32xi32, #tpu.memory_space<vmem>> -> memref<1x800x32xi32, #tpu.memory_space<vmem>>
          %gather3A_650 = tpu.memref_squeeze %gather3A_649 : memref<1x800x32xi32, #tpu.memory_space<vmem>> -> memref<800x32xi32, #tpu.memory_space<vmem>>
          %gather3A_651 = tpu.vector_load_idx %gather3A_650[%add3A_524, %and3A_642] : memref<800x32xi32, #tpu.memory_space<vmem>>[vector<16xi32>, vector<16xi32>], vector<16xi32>,
          %gather3A_652 = arith.constant 0 : i32
          %gather3A_653 = arith.constant 0 : i32
          %gather3A_654 = tpu.memref_slice %arg8[%scan3A_305, %gather3A_652, %gather3A_653] : memref<2x800x32xi32, #tpu.memory_space<vmem>> -> memref<1x800x32xi32, #tpu.memory_space<vmem>>
          %gather3A_655 = tpu.memref_squeeze %gather3A_654 : memref<1x800x32xi32, #tpu.memory_space<vmem>> -> memref<800x32xi32, #tpu.memory_space<vmem>>
          %gather3A_656 = tpu.vector_load_idx %gather3A_655[%add3A_527, %and3A_642] : memref<800x32xi32, #tpu.memory_space<vmem>>[vector<16xi32>, vector<16xi32>], vector<16xi32>,
          %gather3A_657 = arith.constant 0 : i32
          %gather3A_658 = arith.constant 0 : i32
          %gather3A_659 = tpu.memref_slice %arg8[%scan3A_305, %gather3A_657, %gather3A_658] : memref<2x800x32xi32, #tpu.memory_space<vmem>> -> memref<1x800x32xi32, #tpu.memory_space<vmem>>
          %gather3A_660 = tpu.memref_squeeze %gather3A_659 : memref<1x800x32xi32, #tpu.memory_space<vmem>> -> memref<800x32xi32, #tpu.memory_space<vmem>>
          %gather3A_661 = tpu.vector_load_idx %gather3A_660[%add3A_530, %and3A_642] : memref<800x32xi32, #tpu.memory_space<vmem>>[vector<16xi32>, vector<16xi32>], vector<16xi32>,
          %gather3A_662 = arith.constant 0 : i32
          %gather3A_663 = arith.constant 0 : i32
          %gather3A_664 = tpu.memref_slice %arg8[%scan3A_305, %gather3A_662, %gather3A_663] : memref<2x800x32xi32, #tpu.memory_space<vmem>> -> memref<1x800x32xi32, #tpu.memory_space<vmem>>
          %gather3A_665 = tpu.memref_squeeze %gather3A_664 : memref<1x800x32xi32, #tpu.memory_space<vmem>> -> memref<800x32xi32, #tpu.memory_space<vmem>>
          %gather3A_666 = tpu.vector_load_idx %gather3A_665[%add3A_533, %and3A_642] : memref<800x32xi32, #tpu.memory_space<vmem>>[vector<16xi32>, vector<16xi32>], vector<16xi32>,
          %bitcast3A_667 = vector.bitcast %gather3A_651 : vector<16xi32> to vector<32xbf16>
          %bitcast3A_668 = vector.bitcast %gather3A_656 : vector<16xi32> to vector<32xbf16>
          %add3A_669 = arith.addf %bitcast3A_667, %bitcast3A_668 : vector<32xbf16>
          %max3A_670 = arith.constant 0.000000e+00 : bf16
          %max3A_671 = vector.broadcast %max3A_670 : bf16 to vector<32xbf16>
          %max3A_672 = arith.maximumf %add3A_669, %max3A_671 : vector<32xbf16>
          %mul3A_673 = arith.mulf %max3A_672, %bitcast3A_646 : vector<32xbf16>
          %add3A_674 = arith.addf %add3A_627, %mul3A_673 : vector<32xbf16>
          %bitcast3A_675 = vector.bitcast %gather3A_661 : vector<16xi32> to vector<32xbf16>
          %bitcast3A_676 = vector.bitcast %gather3A_666 : vector<16xi32> to vector<32xbf16>
          %add3A_677 = arith.addf %bitcast3A_675, %bitcast3A_676 : vector<32xbf16>
          %max3A_678 = arith.constant 0.000000e+00 : bf16
          %max3A_679 = vector.broadcast %max3A_678 : bf16 to vector<32xbf16>
          %max3A_680 = arith.maximumf %add3A_677, %max3A_679 : vector<32xbf16>
          %mul3A_681 = arith.mulf %max3A_680, %bitcast3A_646 : vector<32xbf16>
          %add3A_682 = arith.addf %add3A_635, %mul3A_681 : vector<32xbf16>
          %add3A_683 = arith.constant 2 : i32
          %add3A_684 = arith.addi %mul3A_592, %add3A_683 : i32
          %add3A_685 = vector.broadcast %add3A_684 : i32 to vector<16xi32>
          %add3A_686 = arith.addi %iota3A_304, %add3A_685 : vector<16xi32>
          %and3A_687 = arith.constant 31 : i32
          %and3A_688 = vector.broadcast %and3A_687 : i32 to vector<16xi32>
          %and3A_689 = arith.andi %add3A_686, %and3A_688 : vector<16xi32>
          %get3A_690 = arith.index_cast %add3A_684 : i32 to index
          %get3A_691 = arith.constant 0 : index
          %get3A_692 = tpu.vector_load %arg10[%get3A_690, %get3A_691] {strides = array<i32>} : memref<32x16xi32, #tpu.memory_space<vmem>>, vector<16xi32>,
          %bitcast3A_693 = vector.bitcast %get3A_692 : vector<16xi32> to vector<32xbf16>
          %gather3A_694 = arith.constant 0 : i32
          %gather3A_695 = arith.constant 0 : i32
          %gather3A_696 = tpu.memref_slice %arg8[%scan3A_305, %gather3A_694, %gather3A_695] : memref<2x800x32xi32, #tpu.memory_space<vmem>> -> memref<1x800x32xi32, #tpu.memory_space<vmem>>
          %gather3A_697 = tpu.memref_squeeze %gather3A_696 : memref<1x800x32xi32, #tpu.memory_space<vmem>> -> memref<800x32xi32, #tpu.memory_space<vmem>>
          %gather3A_698 = tpu.vector_load_idx %gather3A_697[%add3A_524, %and3A_689] : memref<800x32xi32, #tpu.memory_space<vmem>>[vector<16xi32>, vector<16xi32>], vector<16xi32>,
          %gather3A_699 = arith.constant 0 : i32
          %gather3A_700 = arith.constant 0 : i32
          %gather3A_701 = tpu.memref_slice %arg8[%scan3A_305, %gather3A_699, %gather3A_700] : memref<2x800x32xi32, #tpu.memory_space<vmem>> -> memref<1x800x32xi32, #tpu.memory_space<vmem>>
          %gather3A_702 = tpu.memref_squeeze %gather3A_701 : memref<1x800x32xi32, #tpu.memory_space<vmem>> -> memref<800x32xi32, #tpu.memory_space<vmem>>
          %gather3A_703 = tpu.vector_load_idx %gather3A_702[%add3A_527, %and3A_689] : memref<800x32xi32, #tpu.memory_space<vmem>>[vector<16xi32>, vector<16xi32>], vector<16xi32>,
          %gather3A_704 = arith.constant 0 : i32
          %gather3A_705 = arith.constant 0 : i32
          %gather3A_706 = tpu.memref_slice %arg8[%scan3A_305, %gather3A_704, %gather3A_705] : memref<2x800x32xi32, #tpu.memory_space<vmem>> -> memref<1x800x32xi32, #tpu.memory_space<vmem>>
          %gather3A_707 = tpu.memref_squeeze %gather3A_706 : memref<1x800x32xi32, #tpu.memory_space<vmem>> -> memref<800x32xi32, #tpu.memory_space<vmem>>
          %gather3A_708 = tpu.vector_load_idx %gather3A_707[%add3A_530, %and3A_689] : memref<800x32xi32, #tpu.memory_space<vmem>>[vector<16xi32>, vector<16xi32>], vector<16xi32>,
          %gather3A_709 = arith.constant 0 : i32
          %gather3A_710 = arith.constant 0 : i32
          %gather3A_711 = tpu.memref_slice %arg8[%scan3A_305, %gather3A_709, %gather3A_710] : memref<2x800x32xi32, #tpu.memory_space<vmem>> -> memref<1x800x32xi32, #tpu.memory_space<vmem>>
          %gather3A_712 = tpu.memref_squeeze %gather3A_711 : memref<1x800x32xi32, #tpu.memory_space<vmem>> -> memref<800x32xi32, #tpu.memory_space<vmem>>
          %gather3A_713 = tpu.vector_load_idx %gather3A_712[%add3A_533, %and3A_689] : memref<800x32xi32, #tpu.memory_space<vmem>>[vector<16xi32>, vector<16xi32>], vector<16xi32>,
          %bitcast3A_714 = vector.bitcast %gather3A_698 : vector<16xi32> to vector<32xbf16>
          %bitcast3A_715 = vector.bitcast %gather3A_703 : vector<16xi32> to vector<32xbf16>
          %add3A_716 = arith.addf %bitcast3A_714, %bitcast3A_715 : vector<32xbf16>
          %max3A_717 = arith.constant 0.000000e+00 : bf16
          %max3A_718 = vector.broadcast %max3A_717 : bf16 to vector<32xbf16>
          %max3A_719 = arith.maximumf %add3A_716, %max3A_718 : vector<32xbf16>
          %mul3A_720 = arith.mulf %max3A_719, %bitcast3A_693 : vector<32xbf16>
          %add3A_721 = arith.addf %add3A_674, %mul3A_720 : vector<32xbf16>
          %bitcast3A_722 = vector.bitcast %gather3A_708 : vector<16xi32> to vector<32xbf16>
          %bitcast3A_723 = vector.bitcast %gather3A_713 : vector<16xi32> to vector<32xbf16>
          %add3A_724 = arith.addf %bitcast3A_722, %bitcast3A_723 : vector<32xbf16>
          %max3A_725 = arith.constant 0.000000e+00 : bf16
          %max3A_726 = vector.broadcast %max3A_725 : bf16 to vector<32xbf16>
          %max3A_727 = arith.maximumf %add3A_724, %max3A_726 : vector<32xbf16>
          %mul3A_728 = arith.mulf %max3A_727, %bitcast3A_693 : vector<32xbf16>
          %add3A_729 = arith.addf %add3A_682, %mul3A_728 : vector<32xbf16>
          %add3A_730 = arith.constant 3 : i32
          %add3A_731 = arith.addi %mul3A_592, %add3A_730 : i32
          %add3A_732 = vector.broadcast %add3A_731 : i32 to vector<16xi32>
          %add3A_733 = arith.addi %iota3A_304, %add3A_732 : vector<16xi32>
          %and3A_734 = arith.constant 31 : i32
          %and3A_735 = vector.broadcast %and3A_734 : i32 to vector<16xi32>
          %and3A_736 = arith.andi %add3A_733, %and3A_735 : vector<16xi32>
          %get3A_737 = arith.index_cast %add3A_731 : i32 to index
          %get3A_738 = arith.constant 0 : index
          %get3A_739 = tpu.vector_load %arg10[%get3A_737, %get3A_738] {strides = array<i32>} : memref<32x16xi32, #tpu.memory_space<vmem>>, vector<16xi32>,
          %bitcast3A_740 = vector.bitcast %get3A_739 : vector<16xi32> to vector<32xbf16>
          %gather3A_741 = arith.constant 0 : i32
          %gather3A_742 = arith.constant 0 : i32
          %gather3A_743 = tpu.memref_slice %arg8[%scan3A_305, %gather3A_741, %gather3A_742] : memref<2x800x32xi32, #tpu.memory_space<vmem>> -> memref<1x800x32xi32, #tpu.memory_space<vmem>>
          %gather3A_744 = tpu.memref_squeeze %gather3A_743 : memref<1x800x32xi32, #tpu.memory_space<vmem>> -> memref<800x32xi32, #tpu.memory_space<vmem>>
          %gather3A_745 = tpu.vector_load_idx %gather3A_744[%add3A_524, %and3A_736] : memref<800x32xi32, #tpu.memory_space<vmem>>[vector<16xi32>, vector<16xi32>], vector<16xi32>,
          %gather3A_746 = arith.constant 0 : i32
          %gather3A_747 = arith.constant 0 : i32
          %gather3A_748 = tpu.memref_slice %arg8[%scan3A_305, %gather3A_746, %gather3A_747] : memref<2x800x32xi32, #tpu.memory_space<vmem>> -> memref<1x800x32xi32, #tpu.memory_space<vmem>>
          %gather3A_749 = tpu.memref_squeeze %gather3A_748 : memref<1x800x32xi32, #tpu.memory_space<vmem>> -> memref<800x32xi32, #tpu.memory_space<vmem>>
          %gather3A_750 = tpu.vector_load_idx %gather3A_749[%add3A_527, %and3A_736] : memref<800x32xi32, #tpu.memory_space<vmem>>[vector<16xi32>, vector<16xi32>], vector<16xi32>,
          %gather3A_751 = arith.constant 0 : i32
          %gather3A_752 = arith.constant 0 : i32
          %gather3A_753 = tpu.memref_slice %arg8[%scan3A_305, %gather3A_751, %gather3A_752] : memref<2x800x32xi32, #tpu.memory_space<vmem>> -> memref<1x800x32xi32, #tpu.memory_space<vmem>>
          %gather3A_754 = tpu.memref_squeeze %gather3A_753 : memref<1x800x32xi32, #tpu.memory_space<vmem>> -> memref<800x32xi32, #tpu.memory_space<vmem>>
          %gather3A_755 = tpu.vector_load_idx %gather3A_754[%add3A_530, %and3A_736] : memref<800x32xi32, #tpu.memory_space<vmem>>[vector<16xi32>, vector<16xi32>], vector<16xi32>,
          %gather3A_756 = arith.constant 0 : i32
          %gather3A_757 = arith.constant 0 : i32
          %gather3A_758 = tpu.memref_slice %arg8[%scan3A_305, %gather3A_756, %gather3A_757] : memref<2x800x32xi32, #tpu.memory_space<vmem>> -> memref<1x800x32xi32, #tpu.memory_space<vmem>>
          %gather3A_759 = tpu.memref_squeeze %gather3A_758 : memref<1x800x32xi32, #tpu.memory_space<vmem>> -> memref<800x32xi32, #tpu.memory_space<vmem>>
          %gather3A_760 = tpu.vector_load_idx %gather3A_759[%add3A_533, %and3A_736] : memref<800x32xi32, #tpu.memory_space<vmem>>[vector<16xi32>, vector<16xi32>], vector<16xi32>,
          %bitcast3A_761 = vector.bitcast %gather3A_745 : vector<16xi32> to vector<32xbf16>
          %bitcast3A_762 = vector.bitcast %gather3A_750 : vector<16xi32> to vector<32xbf16>
          %add3A_763 = arith.addf %bitcast3A_761, %bitcast3A_762 : vector<32xbf16>
          %max3A_764 = arith.constant 0.000000e+00 : bf16
          %max3A_765 = vector.broadcast %max3A_764 : bf16 to vector<32xbf16>
          %max3A_766 = arith.maximumf %add3A_763, %max3A_765 : vector<32xbf16>
          %mul3A_767 = arith.mulf %max3A_766, %bitcast3A_740 : vector<32xbf16>
          %add3A_768 = arith.addf %add3A_721, %mul3A_767 : vector<32xbf16>
          %bitcast3A_769 = vector.bitcast %gather3A_755 : vector<16xi32> to vector<32xbf16>
          %bitcast3A_770 = vector.bitcast %gather3A_760 : vector<16xi32> to vector<32xbf16>
          %add3A_771 = arith.addf %bitcast3A_769, %bitcast3A_770 : vector<32xbf16>
          %max3A_772 = arith.constant 0.000000e+00 : bf16
          %max3A_773 = vector.broadcast %max3A_772 : bf16 to vector<32xbf16>
          %max3A_774 = arith.maximumf %add3A_771, %max3A_773 : vector<32xbf16>
          %mul3A_775 = arith.mulf %max3A_774, %bitcast3A_740 : vector<32xbf16>
          %add3A_776 = arith.addf %add3A_729, %mul3A_775 : vector<32xbf16>
          %add3A_777 = arith.constant 4 : i32
          %add3A_778 = arith.addi %mul3A_592, %add3A_777 : i32
          %add3A_779 = vector.broadcast %add3A_778 : i32 to vector<16xi32>
          %add3A_780 = arith.addi %iota3A_304, %add3A_779 : vector<16xi32>
          %and3A_781 = arith.constant 31 : i32
          %and3A_782 = vector.broadcast %and3A_781 : i32 to vector<16xi32>
          %and3A_783 = arith.andi %add3A_780, %and3A_782 : vector<16xi32>
          %get3A_784 = arith.index_cast %add3A_778 : i32 to index
          %get3A_785 = arith.constant 0 : index
          %get3A_786 = tpu.vector_load %arg10[%get3A_784, %get3A_785] {strides = array<i32>} : memref<32x16xi32, #tpu.memory_space<vmem>>, vector<16xi32>,
          %bitcast3A_787 = vector.bitcast %get3A_786 : vector<16xi32> to vector<32xbf16>
          %gather3A_788 = arith.constant 0 : i32
          %gather3A_789 = arith.constant 0 : i32
          %gather3A_790 = tpu.memref_slice %arg8[%scan3A_305, %gather3A_788, %gather3A_789] : memref<2x800x32xi32, #tpu.memory_space<vmem>> -> memref<1x800x32xi32, #tpu.memory_space<vmem>>
          %gather3A_791 = tpu.memref_squeeze %gather3A_790 : memref<1x800x32xi32, #tpu.memory_space<vmem>> -> memref<800x32xi32, #tpu.memory_space<vmem>>
          %gather3A_792 = tpu.vector_load_idx %gather3A_791[%add3A_524, %and3A_783] : memref<800x32xi32, #tpu.memory_space<vmem>>[vector<16xi32>, vector<16xi32>], vector<16xi32>,
          %gather3A_793 = arith.constant 0 : i32
          %gather3A_794 = arith.constant 0 : i32
          %gather3A_795 = tpu.memref_slice %arg8[%scan3A_305, %gather3A_793, %gather3A_794] : memref<2x800x32xi32, #tpu.memory_space<vmem>> -> memref<1x800x32xi32, #tpu.memory_space<vmem>>
          %gather3A_796 = tpu.memref_squeeze %gather3A_795 : memref<1x800x32xi32, #tpu.memory_space<vmem>> -> memref<800x32xi32, #tpu.memory_space<vmem>>
          %gather3A_797 = tpu.vector_load_idx %gather3A_796[%add3A_527, %and3A_783] : memref<800x32xi32, #tpu.memory_space<vmem>>[vector<16xi32>, vector<16xi32>], vector<16xi32>,
          %gather3A_798 = arith.constant 0 : i32
          %gather3A_799 = arith.constant 0 : i32
          %gather3A_800 = tpu.memref_slice %arg8[%scan3A_305, %gather3A_798, %gather3A_799] : memref<2x800x32xi32, #tpu.memory_space<vmem>> -> memref<1x800x32xi32, #tpu.memory_space<vmem>>
          %gather3A_801 = tpu.memref_squeeze %gather3A_800 : memref<1x800x32xi32, #tpu.memory_space<vmem>> -> memref<800x32xi32, #tpu.memory_space<vmem>>
          %gather3A_802 = tpu.vector_load_idx %gather3A_801[%add3A_530, %and3A_783] : memref<800x32xi32, #tpu.memory_space<vmem>>[vector<16xi32>, vector<16xi32>], vector<16xi32>,
          %gather3A_803 = arith.constant 0 : i32
          %gather3A_804 = arith.constant 0 : i32
          %gather3A_805 = tpu.memref_slice %arg8[%scan3A_305, %gather3A_803, %gather3A_804] : memref<2x800x32xi32, #tpu.memory_space<vmem>> -> memref<1x800x32xi32, #tpu.memory_space<vmem>>
          %gather3A_806 = tpu.memref_squeeze %gather3A_805 : memref<1x800x32xi32, #tpu.memory_space<vmem>> -> memref<800x32xi32, #tpu.memory_space<vmem>>
          %gather3A_807 = tpu.vector_load_idx %gather3A_806[%add3A_533, %and3A_783] : memref<800x32xi32, #tpu.memory_space<vmem>>[vector<16xi32>, vector<16xi32>], vector<16xi32>,
          %bitcast3A_808 = vector.bitcast %gather3A_792 : vector<16xi32> to vector<32xbf16>
          %bitcast3A_809 = vector.bitcast %gather3A_797 : vector<16xi32> to vector<32xbf16>
          %add3A_810 = arith.addf %bitcast3A_808, %bitcast3A_809 : vector<32xbf16>
          %max3A_811 = arith.constant 0.000000e+00 : bf16
          %max3A_812 = vector.broadcast %max3A_811 : bf16 to vector<32xbf16>
          %max3A_813 = arith.maximumf %add3A_810, %max3A_812 : vector<32xbf16>
          %mul3A_814 = arith.mulf %max3A_813, %bitcast3A_787 : vector<32xbf16>
          %add3A_815 = arith.addf %add3A_768, %mul3A_814 : vector<32xbf16>
          %bitcast3A_816 = vector.bitcast %gather3A_802 : vector<16xi32> to vector<32xbf16>
          %bitcast3A_817 = vector.bitcast %gather3A_807 : vector<16xi32> to vector<32xbf16>
          %add3A_818 = arith.addf %bitcast3A_816, %bitcast3A_817 : vector<32xbf16>
          %max3A_819 = arith.constant 0.000000e+00 : bf16
          %max3A_820 = vector.broadcast %max3A_819 : bf16 to vector<32xbf16>
          %max3A_821 = arith.maximumf %add3A_818, %max3A_820 : vector<32xbf16>
          %mul3A_822 = arith.mulf %max3A_821, %bitcast3A_787 : vector<32xbf16>
          %add3A_823 = arith.addf %add3A_776, %mul3A_822 : vector<32xbf16>
          %add3A_824 = arith.constant 5 : i32
          %add3A_825 = arith.addi %mul3A_592, %add3A_824 : i32
          %add3A_826 = vector.broadcast %add3A_825 : i32 to vector<16xi32>
          %add3A_827 = arith.addi %iota3A_304, %add3A_826 : vector<16xi32>
          %and3A_828 = arith.constant 31 : i32
          %and3A_829 = vector.broadcast %and3A_828 : i32 to vector<16xi32>
          %and3A_830 = arith.andi %add3A_827, %and3A_829 : vector<16xi32>
          %get3A_831 = arith.index_cast %add3A_825 : i32 to index
          %get3A_832 = arith.constant 0 : index
          %get3A_833 = tpu.vector_load %arg10[%get3A_831, %get3A_832] {strides = array<i32>} : memref<32x16xi32, #tpu.memory_space<vmem>>, vector<16xi32>,
          %bitcast3A_834 = vector.bitcast %get3A_833 : vector<16xi32> to vector<32xbf16>
          %gather3A_835 = arith.constant 0 : i32
          %gather3A_836 = arith.constant 0 : i32
          %gather3A_837 = tpu.memref_slice %arg8[%scan3A_305, %gather3A_835, %gather3A_836] : memref<2x800x32xi32, #tpu.memory_space<vmem>> -> memref<1x800x32xi32, #tpu.memory_space<vmem>>
          %gather3A_838 = tpu.memref_squeeze %gather3A_837 : memref<1x800x32xi32, #tpu.memory_space<vmem>> -> memref<800x32xi32, #tpu.memory_space<vmem>>
          %gather3A_839 = tpu.vector_load_idx %gather3A_838[%add3A_524, %and3A_830] : memref<800x32xi32, #tpu.memory_space<vmem>>[vector<16xi32>, vector<16xi32>], vector<16xi32>,
          %gather3A_840 = arith.constant 0 : i32
          %gather3A_841 = arith.constant 0 : i32
          %gather3A_842 = tpu.memref_slice %arg8[%scan3A_305, %gather3A_840, %gather3A_841] : memref<2x800x32xi32, #tpu.memory_space<vmem>> -> memref<1x800x32xi32, #tpu.memory_space<vmem>>
          %gather3A_843 = tpu.memref_squeeze %gather3A_842 : memref<1x800x32xi32, #tpu.memory_space<vmem>> -> memref<800x32xi32, #tpu.memory_space<vmem>>
          %gather3A_844 = tpu.vector_load_idx %gather3A_843[%add3A_527, %and3A_830] : memref<800x32xi32, #tpu.memory_space<vmem>>[vector<16xi32>, vector<16xi32>], vector<16xi32>,
          %gather3A_845 = arith.constant 0 : i32
          %gather3A_846 = arith.constant 0 : i32
          %gather3A_847 = tpu.memref_slice %arg8[%scan3A_305, %gather3A_845, %gather3A_846] : memref<2x800x32xi32, #tpu.memory_space<vmem>> -> memref<1x800x32xi32, #tpu.memory_space<vmem>>
          %gather3A_848 = tpu.memref_squeeze %gather3A_847 : memref<1x800x32xi32, #tpu.memory_space<vmem>> -> memref<800x32xi32, #tpu.memory_space<vmem>>
          %gather3A_849 = tpu.vector_load_idx %gather3A_848[%add3A_530, %and3A_830] : memref<800x32xi32, #tpu.memory_space<vmem>>[vector<16xi32>, vector<16xi32>], vector<16xi32>,
          %gather3A_850 = arith.constant 0 : i32
          %gather3A_851 = arith.constant 0 : i32
          %gather3A_852 = tpu.memref_slice %arg8[%scan3A_305, %gather3A_850, %gather3A_851] : memref<2x800x32xi32, #tpu.memory_space<vmem>> -> memref<1x800x32xi32, #tpu.memory_space<vmem>>
          %gather3A_853 = tpu.memref_squeeze %gather3A_852 : memref<1x800x32xi32, #tpu.memory_space<vmem>> -> memref<800x32xi32, #tpu.memory_space<vmem>>
          %gather3A_854 = tpu.vector_load_idx %gather3A_853[%add3A_533, %and3A_830] : memref<800x32xi32, #tpu.memory_space<vmem>>[vector<16xi32>, vector<16xi32>], vector<16xi32>,
          %bitcast3A_855 = vector.bitcast %gather3A_839 : vector<16xi32> to vector<32xbf16>
          %bitcast3A_856 = vector.bitcast %gather3A_844 : vector<16xi32> to vector<32xbf16>
          %add3A_857 = arith.addf %bitcast3A_855, %bitcast3A_856 : vector<32xbf16>
          %max3A_858 = arith.constant 0.000000e+00 : bf16
          %max3A_859 = vector.broadcast %max3A_858 : bf16 to vector<32xbf16>
          %max3A_860 = arith.maximumf %add3A_857, %max3A_859 : vector<32xbf16>
          %mul3A_861 = arith.mulf %max3A_860, %bitcast3A_834 : vector<32xbf16>
          %add3A_862 = arith.addf %add3A_815, %mul3A_861 : vector<32xbf16>
          %bitcast3A_863 = vector.bitcast %gather3A_849 : vector<16xi32> to vector<32xbf16>
          %bitcast3A_864 = vector.bitcast %gather3A_854 : vector<16xi32> to vector<32xbf16>
          %add3A_865 = arith.addf %bitcast3A_863, %bitcast3A_864 : vector<32xbf16>
          %max3A_866 = arith.constant 0.000000e+00 : bf16
          %max3A_867 = vector.broadcast %max3A_866 : bf16 to vector<32xbf16>
          %max3A_868 = arith.maximumf %add3A_865, %max3A_867 : vector<32xbf16>
          %mul3A_869 = arith.mulf %max3A_868, %bitcast3A_834 : vector<32xbf16>
          %add3A_870 = arith.addf %add3A_823, %mul3A_869 : vector<32xbf16>
          %add3A_871 = arith.constant 6 : i32
          %add3A_872 = arith.addi %mul3A_592, %add3A_871 : i32
          %add3A_873 = vector.broadcast %add3A_872 : i32 to vector<16xi32>
          %add3A_874 = arith.addi %iota3A_304, %add3A_873 : vector<16xi32>
          %and3A_875 = arith.constant 31 : i32
          %and3A_876 = vector.broadcast %and3A_875 : i32 to vector<16xi32>
          %and3A_877 = arith.andi %add3A_874, %and3A_876 : vector<16xi32>
          %get3A_878 = arith.index_cast %add3A_872 : i32 to index
          %get3A_879 = arith.constant 0 : index
          %get3A_880 = tpu.vector_load %arg10[%get3A_878, %get3A_879] {strides = array<i32>} : memref<32x16xi32, #tpu.memory_space<vmem>>, vector<16xi32>,
          %bitcast3A_881 = vector.bitcast %get3A_880 : vector<16xi32> to vector<32xbf16>
          %gather3A_882 = arith.constant 0 : i32
          %gather3A_883 = arith.constant 0 : i32
          %gather3A_884 = tpu.memref_slice %arg8[%scan3A_305, %gather3A_882, %gather3A_883] : memref<2x800x32xi32, #tpu.memory_space<vmem>> -> memref<1x800x32xi32, #tpu.memory_space<vmem>>
          %gather3A_885 = tpu.memref_squeeze %gather3A_884 : memref<1x800x32xi32, #tpu.memory_space<vmem>> -> memref<800x32xi32, #tpu.memory_space<vmem>>
          %gather3A_886 = tpu.vector_load_idx %gather3A_885[%add3A_524, %and3A_877] : memref<800x32xi32, #tpu.memory_space<vmem>>[vector<16xi32>, vector<16xi32>], vector<16xi32>,
          %gather3A_887 = arith.constant 0 : i32
          %gather3A_888 = arith.constant 0 : i32
          %gather3A_889 = tpu.memref_slice %arg8[%scan3A_305, %gather3A_887, %gather3A_888] : memref<2x800x32xi32, #tpu.memory_space<vmem>> -> memref<1x800x32xi32, #tpu.memory_space<vmem>>
          %gather3A_890 = tpu.memref_squeeze %gather3A_889 : memref<1x800x32xi32, #tpu.memory_space<vmem>> -> memref<800x32xi32, #tpu.memory_space<vmem>>
          %gather3A_891 = tpu.vector_load_idx %gather3A_890[%add3A_527, %and3A_877] : memref<800x32xi32, #tpu.memory_space<vmem>>[vector<16xi32>, vector<16xi32>], vector<16xi32>,
          %gather3A_892 = arith.constant 0 : i32
          %gather3A_893 = arith.constant 0 : i32
          %gather3A_894 = tpu.memref_slice %arg8[%scan3A_305, %gather3A_892, %gather3A_893] : memref<2x800x32xi32, #tpu.memory_space<vmem>> -> memref<1x800x32xi32, #tpu.memory_space<vmem>>
          %gather3A_895 = tpu.memref_squeeze %gather3A_894 : memref<1x800x32xi32, #tpu.memory_space<vmem>> -> memref<800x32xi32, #tpu.memory_space<vmem>>
          %gather3A_896 = tpu.vector_load_idx %gather3A_895[%add3A_530, %and3A_877] : memref<800x32xi32, #tpu.memory_space<vmem>>[vector<16xi32>, vector<16xi32>], vector<16xi32>,
          %gather3A_897 = arith.constant 0 : i32
          %gather3A_898 = arith.constant 0 : i32
          %gather3A_899 = tpu.memref_slice %arg8[%scan3A_305, %gather3A_897, %gather3A_898] : memref<2x800x32xi32, #tpu.memory_space<vmem>> -> memref<1x800x32xi32, #tpu.memory_space<vmem>>
          %gather3A_900 = tpu.memref_squeeze %gather3A_899 : memref<1x800x32xi32, #tpu.memory_space<vmem>> -> memref<800x32xi32, #tpu.memory_space<vmem>>
          %gather3A_901 = tpu.vector_load_idx %gather3A_900[%add3A_533, %and3A_877] : memref<800x32xi32, #tpu.memory_space<vmem>>[vector<16xi32>, vector<16xi32>], vector<16xi32>,
          %bitcast3A_902 = vector.bitcast %gather3A_886 : vector<16xi32> to vector<32xbf16>
          %bitcast3A_903 = vector.bitcast %gather3A_891 : vector<16xi32> to vector<32xbf16>
          %add3A_904 = arith.addf %bitcast3A_902, %bitcast3A_903 : vector<32xbf16>
          %max3A_905 = arith.constant 0.000000e+00 : bf16
          %max3A_906 = vector.broadcast %max3A_905 : bf16 to vector<32xbf16>
          %max3A_907 = arith.maximumf %add3A_904, %max3A_906 : vector<32xbf16>
          %mul3A_908 = arith.mulf %max3A_907, %bitcast3A_881 : vector<32xbf16>
          %add3A_909 = arith.addf %add3A_862, %mul3A_908 : vector<32xbf16>
          %bitcast3A_910 = vector.bitcast %gather3A_896 : vector<16xi32> to vector<32xbf16>
          %bitcast3A_911 = vector.bitcast %gather3A_901 : vector<16xi32> to vector<32xbf16>
          %add3A_912 = arith.addf %bitcast3A_910, %bitcast3A_911 : vector<32xbf16>
          %max3A_913 = arith.constant 0.000000e+00 : bf16
          %max3A_914 = vector.broadcast %max3A_913 : bf16 to vector<32xbf16>
          %max3A_915 = arith.maximumf %add3A_912, %max3A_914 : vector<32xbf16>
          %mul3A_916 = arith.mulf %max3A_915, %bitcast3A_881 : vector<32xbf16>
          %add3A_917 = arith.addf %add3A_870, %mul3A_916 : vector<32xbf16>
          %add3A_918 = arith.constant 7 : i32
          %add3A_919 = arith.addi %mul3A_592, %add3A_918 : i32
          %add3A_920 = vector.broadcast %add3A_919 : i32 to vector<16xi32>
          %add3A_921 = arith.addi %iota3A_304, %add3A_920 : vector<16xi32>
          %and3A_922 = arith.constant 31 : i32
          %and3A_923 = vector.broadcast %and3A_922 : i32 to vector<16xi32>
          %and3A_924 = arith.andi %add3A_921, %and3A_923 : vector<16xi32>
          %get3A_925 = arith.index_cast %add3A_919 : i32 to index
          %get3A_926 = arith.constant 0 : index
          %get3A_927 = tpu.vector_load %arg10[%get3A_925, %get3A_926] {strides = array<i32>} : memref<32x16xi32, #tpu.memory_space<vmem>>, vector<16xi32>,
          %bitcast3A_928 = vector.bitcast %get3A_927 : vector<16xi32> to vector<32xbf16>
          %gather3A_929 = arith.constant 0 : i32
          %gather3A_930 = arith.constant 0 : i32
          %gather3A_931 = tpu.memref_slice %arg8[%scan3A_305, %gather3A_929, %gather3A_930] : memref<2x800x32xi32, #tpu.memory_space<vmem>> -> memref<1x800x32xi32, #tpu.memory_space<vmem>>
          %gather3A_932 = tpu.memref_squeeze %gather3A_931 : memref<1x800x32xi32, #tpu.memory_space<vmem>> -> memref<800x32xi32, #tpu.memory_space<vmem>>
          %gather3A_933 = tpu.vector_load_idx %gather3A_932[%add3A_524, %and3A_924] : memref<800x32xi32, #tpu.memory_space<vmem>>[vector<16xi32>, vector<16xi32>], vector<16xi32>,
          %gather3A_934 = arith.constant 0 : i32
          %gather3A_935 = arith.constant 0 : i32
          %gather3A_936 = tpu.memref_slice %arg8[%scan3A_305, %gather3A_934, %gather3A_935] : memref<2x800x32xi32, #tpu.memory_space<vmem>> -> memref<1x800x32xi32, #tpu.memory_space<vmem>>
          %gather3A_937 = tpu.memref_squeeze %gather3A_936 : memref<1x800x32xi32, #tpu.memory_space<vmem>> -> memref<800x32xi32, #tpu.memory_space<vmem>>
          %gather3A_938 = tpu.vector_load_idx %gather3A_937[%add3A_527, %and3A_924] : memref<800x32xi32, #tpu.memory_space<vmem>>[vector<16xi32>, vector<16xi32>], vector<16xi32>,
          %gather3A_939 = arith.constant 0 : i32
          %gather3A_940 = arith.constant 0 : i32
          %gather3A_941 = tpu.memref_slice %arg8[%scan3A_305, %gather3A_939, %gather3A_940] : memref<2x800x32xi32, #tpu.memory_space<vmem>> -> memref<1x800x32xi32, #tpu.memory_space<vmem>>
          %gather3A_942 = tpu.memref_squeeze %gather3A_941 : memref<1x800x32xi32, #tpu.memory_space<vmem>> -> memref<800x32xi32, #tpu.memory_space<vmem>>
          %gather3A_943 = tpu.vector_load_idx %gather3A_942[%add3A_530, %and3A_924] : memref<800x32xi32, #tpu.memory_space<vmem>>[vector<16xi32>, vector<16xi32>], vector<16xi32>,
          %gather3A_944 = arith.constant 0 : i32
          %gather3A_945 = arith.constant 0 : i32
          %gather3A_946 = tpu.memref_slice %arg8[%scan3A_305, %gather3A_944, %gather3A_945] : memref<2x800x32xi32, #tpu.memory_space<vmem>> -> memref<1x800x32xi32, #tpu.memory_space<vmem>>
          %gather3A_947 = tpu.memref_squeeze %gather3A_946 : memref<1x800x32xi32, #tpu.memory_space<vmem>> -> memref<800x32xi32, #tpu.memory_space<vmem>>
          %gather3A_948 = tpu.vector_load_idx %gather3A_947[%add3A_533, %and3A_924] : memref<800x32xi32, #tpu.memory_space<vmem>>[vector<16xi32>, vector<16xi32>], vector<16xi32>,
          %bitcast3A_949 = vector.bitcast %gather3A_933 : vector<16xi32> to vector<32xbf16>
          %bitcast3A_950 = vector.bitcast %gather3A_938 : vector<16xi32> to vector<32xbf16>
          %add3A_951 = arith.addf %bitcast3A_949, %bitcast3A_950 : vector<32xbf16>
          %max3A_952 = arith.constant 0.000000e+00 : bf16
          %max3A_953 = vector.broadcast %max3A_952 : bf16 to vector<32xbf16>
          %max3A_954 = arith.maximumf %add3A_951, %max3A_953 : vector<32xbf16>
          %mul3A_955 = arith.mulf %max3A_954, %bitcast3A_928 : vector<32xbf16>
          %add3A_956 = arith.addf %add3A_909, %mul3A_955 : vector<32xbf16>
          %bitcast3A_957 = vector.bitcast %gather3A_943 : vector<16xi32> to vector<32xbf16>
          %bitcast3A_958 = vector.bitcast %gather3A_948 : vector<16xi32> to vector<32xbf16>
          %add3A_959 = arith.addf %bitcast3A_957, %bitcast3A_958 : vector<32xbf16>
          %max3A_960 = arith.constant 0.000000e+00 : bf16
          %max3A_961 = vector.broadcast %max3A_960 : bf16 to vector<32xbf16>
          %max3A_962 = arith.maximumf %add3A_959, %max3A_961 : vector<32xbf16>
          %mul3A_963 = arith.mulf %max3A_962, %bitcast3A_928 : vector<32xbf16>
          %add3A_964 = arith.addf %add3A_917, %mul3A_963 : vector<32xbf16>
          scf.yield %add3A_956, %add3A_964 : vector<32xbf16>, vector<32xbf16>
        }
        %scan3A_541 = arith.constant 4 : i32
        %add3A_542 = arith.constant 16 : i32
        %add3A_543 = arith.addi %add3A_522, %add3A_542 : i32
        %unpack3A_544 = tpu.unpack_subelements %scan3A_540#0, 0 {pack_format = #tpu.pack_format<interleaved>} : vector<32xbf16> -> vector<16xf32>
        %unpack3A_545 = tpu.unpack_subelements %scan3A_540#0, 1 {pack_format = #tpu.pack_format<interleaved>} : vector<32xbf16> -> vector<16xf32>
        %add3A_546 = arith.addf %unpack3A_544, %unpack3A_545 : vector<16xf32>
        %get3A_547 = arith.constant 0 : index
        %get3A_548 = tpu.vector_load %arg11[%get3A_547] {strides = array<i32>} : memref<16xf32, #tpu.memory_space<vmem>>, vector<16xf32>,
        %add3A_549 = arith.addf %add3A_546, %get3A_548 : vector<16xf32>
        %neg3A_550 = arith.constant 0.000000e+00 : f32
        %neg3A_551 = vector.broadcast %neg3A_550 : f32 to vector<16xf32>
        %neg3A_552 = arith.subf %neg3A_551, %add3A_549 : vector<16xf32>
        %exp3A_553 = math.exp %neg3A_552 : vector<16xf32>
        %add3A_554 = arith.constant 1.000000e+00 : f32
        %add3A_555 = vector.broadcast %add3A_554 : f32 to vector<16xf32>
        %add3A_556 = arith.addf %add3A_555, %exp3A_553 : vector<16xf32>
        %div3A_557 = arith.constant 1.000000e+00 : f32
        %div3A_558 = vector.broadcast %div3A_557 : f32 to vector<16xf32>
        %div3A_559 = arith.divf %div3A_558, %add3A_556 : vector<16xf32>
        %swap3A_560 = arith.constant 0 : i32
        %swap3A_561 = arith.constant 0 : i32
        %swap3A_562 = tpu.memref_slice %arg9[%swap3A_560, %swap3A_561] : memref<2x400xf32, #tpu.memory_space<vmem>> -> memref<1x400xf32, #tpu.memory_space<vmem>>
        %swap3A_563 = tpu.memref_squeeze %swap3A_562 : memref<1x400xf32, #tpu.memory_space<vmem>> -> memref<400xf32, #tpu.memory_space<vmem>>
        %swap3A_564 = arith.index_cast %add3A_522 : i32 to index
        %swap3A_565 = tpu.vector_load %swap3A_563[%swap3A_564] {strides = array<i32>} : memref<400xf32, #tpu.memory_space<vmem>>, vector<16xf32>,
        tpu.vector_store %swap3A_563[%swap3A_564], %div3A_559 {strides = array<i32>} : memref<400xf32, #tpu.memory_space<vmem>>, vector<16xf32>,
        %unpack3A_566 = tpu.unpack_subelements %scan3A_540#1, 0 {pack_format = #tpu.pack_format<interleaved>} : vector<32xbf16> -> vector<16xf32>
        %unpack3A_567 = tpu.unpack_subelements %scan3A_540#1, 1 {pack_format = #tpu.pack_format<interleaved>} : vector<32xbf16> -> vector<16xf32>
        %add3A_568 = arith.addf %unpack3A_566, %unpack3A_567 : vector<16xf32>
        %get3A_569 = arith.constant 0 : index
        %get3A_570 = tpu.vector_load %arg11[%get3A_569] {strides = array<i32>} : memref<16xf32, #tpu.memory_space<vmem>>, vector<16xf32>,
        %add3A_571 = arith.addf %add3A_568, %get3A_570 : vector<16xf32>
        %neg3A_572 = arith.constant 0.000000e+00 : f32
        %neg3A_573 = vector.broadcast %neg3A_572 : f32 to vector<16xf32>
        %neg3A_574 = arith.subf %neg3A_573, %add3A_571 : vector<16xf32>
        %exp3A_575 = math.exp %neg3A_574 : vector<16xf32>
        %add3A_576 = arith.constant 1.000000e+00 : f32
        %add3A_577 = vector.broadcast %add3A_576 : f32 to vector<16xf32>
        %add3A_578 = arith.addf %add3A_577, %exp3A_575 : vector<16xf32>
        %div3A_579 = arith.constant 1.000000e+00 : f32
        %div3A_580 = vector.broadcast %div3A_579 : f32 to vector<16xf32>
        %div3A_581 = arith.divf %div3A_580, %add3A_578 : vector<16xf32>
        %swap3A_582 = arith.constant 0 : i32
        %swap3A_583 = arith.constant 0 : i32
        %swap3A_584 = tpu.memref_slice %arg9[%swap3A_582, %swap3A_583] : memref<2x400xf32, #tpu.memory_space<vmem>> -> memref<1x400xf32, #tpu.memory_space<vmem>>
        %swap3A_585 = tpu.memref_squeeze %swap3A_584 : memref<1x400xf32, #tpu.memory_space<vmem>> -> memref<400xf32, #tpu.memory_space<vmem>>
        %swap3A_586 = arith.index_cast %add3A_543 : i32 to index
        %swap3A_587 = tpu.vector_load %swap3A_585[%swap3A_586] {strides = array<i32>} : memref<400xf32, #tpu.memory_space<vmem>>, vector<16xf32>,
        tpu.vector_store %swap3A_585[%swap3A_586], %div3A_581 {strides = array<i32>} : memref<400xf32, #tpu.memory_space<vmem>>, vector<16xf32>,
      }
      %scan3A_310 = arith.constant 12 : i32
      %add3A_311 = arith.constant 368 : i32
      %add3A_312 = vector.broadcast %add3A_311 : i32 to vector<16xi32>
      %add3A_313 = arith.addi %add3A_312, %iota3A_304 : vector<16xi32>
      %add3A_314 = arith.constant 400 : i32
      %add3A_315 = vector.broadcast %add3A_314 : i32 to vector<16xi32>
      %add3A_316 = arith.addi %add3A_313, %add3A_315 : vector<16xi32>
      %add3A_317 = arith.constant 16 : i32
      %add3A_318 = vector.broadcast %add3A_317 : i32 to vector<16xi32>
      %add3A_319 = arith.addi %add3A_313, %add3A_318 : vector<16xi32>
      %add3A_320 = arith.constant 400 : i32
      %add3A_321 = vector.broadcast %add3A_320 : i32 to vector<16xi32>
      %add3A_322 = arith.addi %add3A_319, %add3A_321 : vector<16xi32>
      %broadcast_in_dim3A_323 = arith.constant 0.000000e+00 : bf16
      %broadcast_in_dim3A_324 = vector.broadcast %broadcast_in_dim3A_323 : bf16 to vector<32xbf16>
      %scan3A_325 = arith.constant 0 : i32
      %scan3A_326 = arith.constant 0 : i32
      %scan3A_327 = arith.constant 4 : i32
      %scan3A_328 = arith.addi %scan3A_326, %scan3A_327 : i32
      %scan3A_329 = arith.constant 1 : i32
      %scan3A_330:2 = scf.for %scan3A_518 = %scan3A_326 to %scan3A_328 step %scan3A_329 iter_args(%scan3A_519 = %broadcast_in_dim3A_324, %scan3A_520 = %broadcast_in_dim3A_324) -> (vector<32xbf16>, vector<32xbf16>)  : i32 {
        %mul3A_521 = arith.constant 8 : i32
        %mul3A_522 = arith.muli %scan3A_518, %mul3A_521 : i32
        %add3A_523 = arith.constant 0 : i32
        %add3A_524 = arith.addi %mul3A_522, %add3A_523 : i32
        %add3A_525 = vector.broadcast %add3A_524 : i32 to vector<16xi32>
        %add3A_526 = arith.addi %iota3A_304, %add3A_525 : vector<16xi32>
        %and3A = arith.constant 31 : i32
        %and3A_527 = vector.broadcast %and3A : i32 to vector<16xi32>
        %and3A_528 = arith.andi %add3A_526, %and3A_527 : vector<16xi32>
        %get3A_529 = arith.index_cast %add3A_524 : i32 to index
        %get3A_530 = arith.constant 0 : index
        %get3A_531 = tpu.vector_load %arg10[%get3A_529, %get3A_530] {strides = array<i32>} : memref<32x16xi32, #tpu.memory_space<vmem>>, vector<16xi32>,
        %bitcast3A = vector.bitcast %get3A_531 : vector<16xi32> to vector<32xbf16>
        %gather3A = arith.constant 0 : i32
        %gather3A_532 = arith.constant 0 : i32
        %gather3A_533 = tpu.memref_slice %arg8[%scan3A_325, %gather3A, %gather3A_532] : memref<2x800x32xi32, #tpu.memory_space<vmem>> -> memref<1x800x32xi32, #tpu.memory_space<vmem>>
        %gather3A_534 = tpu.memref_squeeze %gather3A_533 : memref<1x800x32xi32, #tpu.memory_space<vmem>> -> memref<800x32xi32, #tpu.memory_space<vmem>>
        %gather3A_535 = tpu.vector_load_idx %gather3A_534[%add3A_313, %and3A_528] : memref<800x32xi32, #tpu.memory_space<vmem>>[vector<16xi32>, vector<16xi32>], vector<16xi32>,
        %gather3A_536 = arith.constant 0 : i32
        %gather3A_537 = arith.constant 0 : i32
        %gather3A_538 = tpu.memref_slice %arg8[%scan3A_325, %gather3A_536, %gather3A_537] : memref<2x800x32xi32, #tpu.memory_space<vmem>> -> memref<1x800x32xi32, #tpu.memory_space<vmem>>
        %gather3A_539 = tpu.memref_squeeze %gather3A_538 : memref<1x800x32xi32, #tpu.memory_space<vmem>> -> memref<800x32xi32, #tpu.memory_space<vmem>>
        %gather3A_540 = tpu.vector_load_idx %gather3A_539[%add3A_316, %and3A_528] : memref<800x32xi32, #tpu.memory_space<vmem>>[vector<16xi32>, vector<16xi32>], vector<16xi32>,
        %gather3A_541 = arith.constant 0 : i32
        %gather3A_542 = arith.constant 0 : i32
        %gather3A_543 = tpu.memref_slice %arg8[%scan3A_325, %gather3A_541, %gather3A_542] : memref<2x800x32xi32, #tpu.memory_space<vmem>> -> memref<1x800x32xi32, #tpu.memory_space<vmem>>
        %gather3A_544 = tpu.memref_squeeze %gather3A_543 : memref<1x800x32xi32, #tpu.memory_space<vmem>> -> memref<800x32xi32, #tpu.memory_space<vmem>>
        %gather3A_545 = tpu.vector_load_idx %gather3A_544[%add3A_319, %and3A_528] : memref<800x32xi32, #tpu.memory_space<vmem>>[vector<16xi32>, vector<16xi32>], vector<16xi32>,
        %gather3A_546 = arith.constant 0 : i32
        %gather3A_547 = arith.constant 0 : i32
        %gather3A_548 = tpu.memref_slice %arg8[%scan3A_325, %gather3A_546, %gather3A_547] : memref<2x800x32xi32, #tpu.memory_space<vmem>> -> memref<1x800x32xi32, #tpu.memory_space<vmem>>
        %gather3A_549 = tpu.memref_squeeze %gather3A_548 : memref<1x800x32xi32, #tpu.memory_space<vmem>> -> memref<800x32xi32, #tpu.memory_space<vmem>>
        %gather3A_550 = tpu.vector_load_idx %gather3A_549[%add3A_322, %and3A_528] : memref<800x32xi32, #tpu.memory_space<vmem>>[vector<16xi32>, vector<16xi32>], vector<16xi32>,
        %bitcast3A_551 = vector.bitcast %gather3A_535 : vector<16xi32> to vector<32xbf16>
        %bitcast3A_552 = vector.bitcast %gather3A_540 : vector<16xi32> to vector<32xbf16>
        %add3A_553 = arith.addf %bitcast3A_551, %bitcast3A_552 : vector<32xbf16>
        %max3A = arith.constant 0.000000e+00 : bf16
        %max3A_554 = vector.broadcast %max3A : bf16 to vector<32xbf16>
        %max3A_555 = arith.maximumf %add3A_553, %max3A_554 : vector<32xbf16>
        %mul3A_556 = arith.mulf %max3A_555, %bitcast3A : vector<32xbf16>
        %add3A_557 = arith.addf %scan3A_519, %mul3A_556 : vector<32xbf16>
        %bitcast3A_558 = vector.bitcast %gather3A_545 : vector<16xi32> to vector<32xbf16>
        %bitcast3A_559 = vector.bitcast %gather3A_550 : vector<16xi32> to vector<32xbf16>
        %add3A_560 = arith.addf %bitcast3A_558, %bitcast3A_559 : vector<32xbf16>
        %max3A_561 = arith.constant 0.000000e+00 : bf16
        %max3A_562 = vector.broadcast %max3A_561 : bf16 to vector<32xbf16>
        %max3A_563 = arith.maximumf %add3A_560, %max3A_562 : vector<32xbf16>
        %mul3A_564 = arith.mulf %max3A_563, %bitcast3A : vector<32xbf16>
        %add3A_565 = arith.addf %scan3A_520, %mul3A_564 : vector<32xbf16>
        %add3A_566 = arith.constant 1 : i32
        %add3A_567 = arith.addi %mul3A_522, %add3A_566 : i32
        %add3A_568 = vector.broadcast %add3A_567 : i32 to vector<16xi32>
        %add3A_569 = arith.addi %iota3A_304, %add3A_568 : vector<16xi32>
        %and3A_570 = arith.constant 31 : i32
        %and3A_571 = vector.broadcast %and3A_570 : i32 to vector<16xi32>
        %and3A_572 = arith.andi %add3A_569, %and3A_571 : vector<16xi32>
        %get3A_573 = arith.index_cast %add3A_567 : i32 to index
        %get3A_574 = arith.constant 0 : index
        %get3A_575 = tpu.vector_load %arg10[%get3A_573, %get3A_574] {strides = array<i32>} : memref<32x16xi32, #tpu.memory_space<vmem>>, vector<16xi32>,
        %bitcast3A_576 = vector.bitcast %get3A_575 : vector<16xi32> to vector<32xbf16>
        %gather3A_577 = arith.constant 0 : i32
        %gather3A_578 = arith.constant 0 : i32
        %gather3A_579 = tpu.memref_slice %arg8[%scan3A_325, %gather3A_577, %gather3A_578] : memref<2x800x32xi32, #tpu.memory_space<vmem>> -> memref<1x800x32xi32, #tpu.memory_space<vmem>>
        %gather3A_580 = tpu.memref_squeeze %gather3A_579 : memref<1x800x32xi32, #tpu.memory_space<vmem>> -> memref<800x32xi32, #tpu.memory_space<vmem>>
        %gather3A_581 = tpu.vector_load_idx %gather3A_580[%add3A_313, %and3A_572] : memref<800x32xi32, #tpu.memory_space<vmem>>[vector<16xi32>, vector<16xi32>], vector<16xi32>,
        %gather3A_582 = arith.constant 0 : i32
        %gather3A_583 = arith.constant 0 : i32
        %gather3A_584 = tpu.memref_slice %arg8[%scan3A_325, %gather3A_582, %gather3A_583] : memref<2x800x32xi32, #tpu.memory_space<vmem>> -> memref<1x800x32xi32, #tpu.memory_space<vmem>>
        %gather3A_585 = tpu.memref_squeeze %gather3A_584 : memref<1x800x32xi32, #tpu.memory_space<vmem>> -> memref<800x32xi32, #tpu.memory_space<vmem>>
        %gather3A_586 = tpu.vector_load_idx %gather3A_585[%add3A_316, %and3A_572] : memref<800x32xi32, #tpu.memory_space<vmem>>[vector<16xi32>, vector<16xi32>], vector<16xi32>,
        %gather3A_587 = arith.constant 0 : i32
        %gather3A_588 = arith.constant 0 : i32
        %gather3A_589 = tpu.memref_slice %arg8[%scan3A_325, %gather3A_587, %gather3A_588] : memref<2x800x32xi32, #tpu.memory_space<vmem>> -> memref<1x800x32xi32, #tpu.memory_space<vmem>>
        %gather3A_590 = tpu.memref_squeeze %gather3A_589 : memref<1x800x32xi32, #tpu.memory_space<vmem>> -> memref<800x32xi32, #tpu.memory_space<vmem>>
        %gather3A_591 = tpu.vector_load_idx %gather3A_590[%add3A_319, %and3A_572] : memref<800x32xi32, #tpu.memory_space<vmem>>[vector<16xi32>, vector<16xi32>], vector<16xi32>,
        %gather3A_592 = arith.constant 0 : i32
        %gather3A_593 = arith.constant 0 : i32
        %gather3A_594 = tpu.memref_slice %arg8[%scan3A_325, %gather3A_592, %gather3A_593] : memref<2x800x32xi32, #tpu.memory_space<vmem>> -> memref<1x800x32xi32, #tpu.memory_space<vmem>>
        %gather3A_595 = tpu.memref_squeeze %gather3A_594 : memref<1x800x32xi32, #tpu.memory_space<vmem>> -> memref<800x32xi32, #tpu.memory_space<vmem>>
        %gather3A_596 = tpu.vector_load_idx %gather3A_595[%add3A_322, %and3A_572] : memref<800x32xi32, #tpu.memory_space<vmem>>[vector<16xi32>, vector<16xi32>], vector<16xi32>,
        %bitcast3A_597 = vector.bitcast %gather3A_581 : vector<16xi32> to vector<32xbf16>
        %bitcast3A_598 = vector.bitcast %gather3A_586 : vector<16xi32> to vector<32xbf16>
        %add3A_599 = arith.addf %bitcast3A_597, %bitcast3A_598 : vector<32xbf16>
        %max3A_600 = arith.constant 0.000000e+00 : bf16
        %max3A_601 = vector.broadcast %max3A_600 : bf16 to vector<32xbf16>
        %max3A_602 = arith.maximumf %add3A_599, %max3A_601 : vector<32xbf16>
        %mul3A_603 = arith.mulf %max3A_602, %bitcast3A_576 : vector<32xbf16>
        %add3A_604 = arith.addf %add3A_557, %mul3A_603 : vector<32xbf16>
        %bitcast3A_605 = vector.bitcast %gather3A_591 : vector<16xi32> to vector<32xbf16>
        %bitcast3A_606 = vector.bitcast %gather3A_596 : vector<16xi32> to vector<32xbf16>
        %add3A_607 = arith.addf %bitcast3A_605, %bitcast3A_606 : vector<32xbf16>
        %max3A_608 = arith.constant 0.000000e+00 : bf16
        %max3A_609 = vector.broadcast %max3A_608 : bf16 to vector<32xbf16>
        %max3A_610 = arith.maximumf %add3A_607, %max3A_609 : vector<32xbf16>
        %mul3A_611 = arith.mulf %max3A_610, %bitcast3A_576 : vector<32xbf16>
        %add3A_612 = arith.addf %add3A_565, %mul3A_611 : vector<32xbf16>
        %add3A_613 = arith.constant 2 : i32
        %add3A_614 = arith.addi %mul3A_522, %add3A_613 : i32
        %add3A_615 = vector.broadcast %add3A_614 : i32 to vector<16xi32>
        %add3A_616 = arith.addi %iota3A_304, %add3A_615 : vector<16xi32>
        %and3A_617 = arith.constant 31 : i32
        %and3A_618 = vector.broadcast %and3A_617 : i32 to vector<16xi32>
        %and3A_619 = arith.andi %add3A_616, %and3A_618 : vector<16xi32>
        %get3A_620 = arith.index_cast %add3A_614 : i32 to index
        %get3A_621 = arith.constant 0 : index
        %get3A_622 = tpu.vector_load %arg10[%get3A_620, %get3A_621] {strides = array<i32>} : memref<32x16xi32, #tpu.memory_space<vmem>>, vector<16xi32>,
        %bitcast3A_623 = vector.bitcast %get3A_622 : vector<16xi32> to vector<32xbf16>
        %gather3A_624 = arith.constant 0 : i32
        %gather3A_625 = arith.constant 0 : i32
        %gather3A_626 = tpu.memref_slice %arg8[%scan3A_325, %gather3A_624, %gather3A_625] : memref<2x800x32xi32, #tpu.memory_space<vmem>> -> memref<1x800x32xi32, #tpu.memory_space<vmem>>
        %gather3A_627 = tpu.memref_squeeze %gather3A_626 : memref<1x800x32xi32, #tpu.memory_space<vmem>> -> memref<800x32xi32, #tpu.memory_space<vmem>>
        %gather3A_628 = tpu.vector_load_idx %gather3A_627[%add3A_313, %and3A_619] : memref<800x32xi32, #tpu.memory_space<vmem>>[vector<16xi32>, vector<16xi32>], vector<16xi32>,
        %gather3A_629 = arith.constant 0 : i32
        %gather3A_630 = arith.constant 0 : i32
        %gather3A_631 = tpu.memref_slice %arg8[%scan3A_325, %gather3A_629, %gather3A_630] : memref<2x800x32xi32, #tpu.memory_space<vmem>> -> memref<1x800x32xi32, #tpu.memory_space<vmem>>
        %gather3A_632 = tpu.memref_squeeze %gather3A_631 : memref<1x800x32xi32, #tpu.memory_space<vmem>> -> memref<800x32xi32, #tpu.memory_space<vmem>>
        %gather3A_633 = tpu.vector_load_idx %gather3A_632[%add3A_316, %and3A_619] : memref<800x32xi32, #tpu.memory_space<vmem>>[vector<16xi32>, vector<16xi32>], vector<16xi32>,
        %gather3A_634 = arith.constant 0 : i32
        %gather3A_635 = arith.constant 0 : i32
        %gather3A_636 = tpu.memref_slice %arg8[%scan3A_325, %gather3A_634, %gather3A_635] : memref<2x800x32xi32, #tpu.memory_space<vmem>> -> memref<1x800x32xi32, #tpu.memory_space<vmem>>
        %gather3A_637 = tpu.memref_squeeze %gather3A_636 : memref<1x800x32xi32, #tpu.memory_space<vmem>> -> memref<800x32xi32, #tpu.memory_space<vmem>>
        %gather3A_638 = tpu.vector_load_idx %gather3A_637[%add3A_319, %and3A_619] : memref<800x32xi32, #tpu.memory_space<vmem>>[vector<16xi32>, vector<16xi32>], vector<16xi32>,
        %gather3A_639 = arith.constant 0 : i32
        %gather3A_640 = arith.constant 0 : i32
        %gather3A_641 = tpu.memref_slice %arg8[%scan3A_325, %gather3A_639, %gather3A_640] : memref<2x800x32xi32, #tpu.memory_space<vmem>> -> memref<1x800x32xi32, #tpu.memory_space<vmem>>
        %gather3A_642 = tpu.memref_squeeze %gather3A_641 : memref<1x800x32xi32, #tpu.memory_space<vmem>> -> memref<800x32xi32, #tpu.memory_space<vmem>>
        %gather3A_643 = tpu.vector_load_idx %gather3A_642[%add3A_322, %and3A_619] : memref<800x32xi32, #tpu.memory_space<vmem>>[vector<16xi32>, vector<16xi32>], vector<16xi32>,
        %bitcast3A_644 = vector.bitcast %gather3A_628 : vector<16xi32> to vector<32xbf16>
        %bitcast3A_645 = vector.bitcast %gather3A_633 : vector<16xi32> to vector<32xbf16>
        %add3A_646 = arith.addf %bitcast3A_644, %bitcast3A_645 : vector<32xbf16>
        %max3A_647 = arith.constant 0.000000e+00 : bf16
        %max3A_648 = vector.broadcast %max3A_647 : bf16 to vector<32xbf16>
        %max3A_649 = arith.maximumf %add3A_646, %max3A_648 : vector<32xbf16>
        %mul3A_650 = arith.mulf %max3A_649, %bitcast3A_623 : vector<32xbf16>
        %add3A_651 = arith.addf %add3A_604, %mul3A_650 : vector<32xbf16>
        %bitcast3A_652 = vector.bitcast %gather3A_638 : vector<16xi32> to vector<32xbf16>
        %bitcast3A_653 = vector.bitcast %gather3A_643 : vector<16xi32> to vector<32xbf16>
        %add3A_654 = arith.addf %bitcast3A_652, %bitcast3A_653 : vector<32xbf16>
        %max3A_655 = arith.constant 0.000000e+00 : bf16
        %max3A_656 = vector.broadcast %max3A_655 : bf16 to vector<32xbf16>
        %max3A_657 = arith.maximumf %add3A_654, %max3A_656 : vector<32xbf16>
        %mul3A_658 = arith.mulf %max3A_657, %bitcast3A_623 : vector<32xbf16>
        %add3A_659 = arith.addf %add3A_612, %mul3A_658 : vector<32xbf16>
        %add3A_660 = arith.constant 3 : i32
        %add3A_661 = arith.addi %mul3A_522, %add3A_660 : i32
        %add3A_662 = vector.broadcast %add3A_661 : i32 to vector<16xi32>
        %add3A_663 = arith.addi %iota3A_304, %add3A_662 : vector<16xi32>
        %and3A_664 = arith.constant 31 : i32
        %and3A_665 = vector.broadcast %and3A_664 : i32 to vector<16xi32>
        %and3A_666 = arith.andi %add3A_663, %and3A_665 : vector<16xi32>
        %get3A_667 = arith.index_cast %add3A_661 : i32 to index
        %get3A_668 = arith.constant 0 : index
        %get3A_669 = tpu.vector_load %arg10[%get3A_667, %get3A_668] {strides = array<i32>} : memref<32x16xi32, #tpu.memory_space<vmem>>, vector<16xi32>,
        %bitcast3A_670 = vector.bitcast %get3A_669 : vector<16xi32> to vector<32xbf16>
        %gather3A_671 = arith.constant 0 : i32
        %gather3A_672 = arith.constant 0 : i32
        %gather3A_673 = tpu.memref_slice %arg8[%scan3A_325, %gather3A_671, %gather3A_672] : memref<2x800x32xi32, #tpu.memory_space<vmem>> -> memref<1x800x32xi32, #tpu.memory_space<vmem>>
        %gather3A_674 = tpu.memref_squeeze %gather3A_673 : memref<1x800x32xi32, #tpu.memory_space<vmem>> -> memref<800x32xi32, #tpu.memory_space<vmem>>
        %gather3A_675 = tpu.vector_load_idx %gather3A_674[%add3A_313, %and3A_666] : memref<800x32xi32, #tpu.memory_space<vmem>>[vector<16xi32>, vector<16xi32>], vector<16xi32>,
        %gather3A_676 = arith.constant 0 : i32
        %gather3A_677 = arith.constant 0 : i32
        %gather3A_678 = tpu.memref_slice %arg8[%scan3A_325, %gather3A_676, %gather3A_677] : memref<2x800x32xi32, #tpu.memory_space<vmem>> -> memref<1x800x32xi32, #tpu.memory_space<vmem>>
        %gather3A_679 = tpu.memref_squeeze %gather3A_678 : memref<1x800x32xi32, #tpu.memory_space<vmem>> -> memref<800x32xi32, #tpu.memory_space<vmem>>
        %gather3A_680 = tpu.vector_load_idx %gather3A_679[%add3A_316, %and3A_666] : memref<800x32xi32, #tpu.memory_space<vmem>>[vector<16xi32>, vector<16xi32>], vector<16xi32>,
        %gather3A_681 = arith.constant 0 : i32
        %gather3A_682 = arith.constant 0 : i32
        %gather3A_683 = tpu.memref_slice %arg8[%scan3A_325, %gather3A_681, %gather3A_682] : memref<2x800x32xi32, #tpu.memory_space<vmem>> -> memref<1x800x32xi32, #tpu.memory_space<vmem>>
        %gather3A_684 = tpu.memref_squeeze %gather3A_683 : memref<1x800x32xi32, #tpu.memory_space<vmem>> -> memref<800x32xi32, #tpu.memory_space<vmem>>
        %gather3A_685 = tpu.vector_load_idx %gather3A_684[%add3A_319, %and3A_666] : memref<800x32xi32, #tpu.memory_space<vmem>>[vector<16xi32>, vector<16xi32>], vector<16xi32>,
        %gather3A_686 = arith.constant 0 : i32
        %gather3A_687 = arith.constant 0 : i32
        %gather3A_688 = tpu.memref_slice %arg8[%scan3A_325, %gather3A_686, %gather3A_687] : memref<2x800x32xi32, #tpu.memory_space<vmem>> -> memref<1x800x32xi32, #tpu.memory_space<vmem>>
        %gather3A_689 = tpu.memref_squeeze %gather3A_688 : memref<1x800x32xi32, #tpu.memory_space<vmem>> -> memref<800x32xi32, #tpu.memory_space<vmem>>
        %gather3A_690 = tpu.vector_load_idx %gather3A_689[%add3A_322, %and3A_666] : memref<800x32xi32, #tpu.memory_space<vmem>>[vector<16xi32>, vector<16xi32>], vector<16xi32>,
        %bitcast3A_691 = vector.bitcast %gather3A_675 : vector<16xi32> to vector<32xbf16>
        %bitcast3A_692 = vector.bitcast %gather3A_680 : vector<16xi32> to vector<32xbf16>
        %add3A_693 = arith.addf %bitcast3A_691, %bitcast3A_692 : vector<32xbf16>
        %max3A_694 = arith.constant 0.000000e+00 : bf16
        %max3A_695 = vector.broadcast %max3A_694 : bf16 to vector<32xbf16>
        %max3A_696 = arith.maximumf %add3A_693, %max3A_695 : vector<32xbf16>
        %mul3A_697 = arith.mulf %max3A_696, %bitcast3A_670 : vector<32xbf16>
        %add3A_698 = arith.addf %add3A_651, %mul3A_697 : vector<32xbf16>
        %bitcast3A_699 = vector.bitcast %gather3A_685 : vector<16xi32> to vector<32xbf16>
        %bitcast3A_700 = vector.bitcast %gather3A_690 : vector<16xi32> to vector<32xbf16>
        %add3A_701 = arith.addf %bitcast3A_699, %bitcast3A_700 : vector<32xbf16>
        %max3A_702 = arith.constant 0.000000e+00 : bf16
        %max3A_703 = vector.broadcast %max3A_702 : bf16 to vector<32xbf16>
        %max3A_704 = arith.maximumf %add3A_701, %max3A_703 : vector<32xbf16>
        %mul3A_705 = arith.mulf %max3A_704, %bitcast3A_670 : vector<32xbf16>
        %add3A_706 = arith.addf %add3A_659, %mul3A_705 : vector<32xbf16>
        %add3A_707 = arith.constant 4 : i32
        %add3A_708 = arith.addi %mul3A_522, %add3A_707 : i32
        %add3A_709 = vector.broadcast %add3A_708 : i32 to vector<16xi32>
        %add3A_710 = arith.addi %iota3A_304, %add3A_709 : vector<16xi32>
        %and3A_711 = arith.constant 31 : i32
        %and3A_712 = vector.broadcast %and3A_711 : i32 to vector<16xi32>
        %and3A_713 = arith.andi %add3A_710, %and3A_712 : vector<16xi32>
        %get3A_714 = arith.index_cast %add3A_708 : i32 to index
        %get3A_715 = arith.constant 0 : index
        %get3A_716 = tpu.vector_load %arg10[%get3A_714, %get3A_715] {strides = array<i32>} : memref<32x16xi32, #tpu.memory_space<vmem>>, vector<16xi32>,
        %bitcast3A_717 = vector.bitcast %get3A_716 : vector<16xi32> to vector<32xbf16>
        %gather3A_718 = arith.constant 0 : i32
        %gather3A_719 = arith.constant 0 : i32
        %gather3A_720 = tpu.memref_slice %arg8[%scan3A_325, %gather3A_718, %gather3A_719] : memref<2x800x32xi32, #tpu.memory_space<vmem>> -> memref<1x800x32xi32, #tpu.memory_space<vmem>>
        %gather3A_721 = tpu.memref_squeeze %gather3A_720 : memref<1x800x32xi32, #tpu.memory_space<vmem>> -> memref<800x32xi32, #tpu.memory_space<vmem>>
        %gather3A_722 = tpu.vector_load_idx %gather3A_721[%add3A_313, %and3A_713] : memref<800x32xi32, #tpu.memory_space<vmem>>[vector<16xi32>, vector<16xi32>], vector<16xi32>,
        %gather3A_723 = arith.constant 0 : i32
        %gather3A_724 = arith.constant 0 : i32
        %gather3A_725 = tpu.memref_slice %arg8[%scan3A_325, %gather3A_723, %gather3A_724] : memref<2x800x32xi32, #tpu.memory_space<vmem>> -> memref<1x800x32xi32, #tpu.memory_space<vmem>>
        %gather3A_726 = tpu.memref_squeeze %gather3A_725 : memref<1x800x32xi32, #tpu.memory_space<vmem>> -> memref<800x32xi32, #tpu.memory_space<vmem>>
        %gather3A_727 = tpu.vector_load_idx %gather3A_726[%add3A_316, %and3A_713] : memref<800x32xi32, #tpu.memory_space<vmem>>[vector<16xi32>, vector<16xi32>], vector<16xi32>,
        %gather3A_728 = arith.constant 0 : i32
        %gather3A_729 = arith.constant 0 : i32
        %gather3A_730 = tpu.memref_slice %arg8[%scan3A_325, %gather3A_728, %gather3A_729] : memref<2x800x32xi32, #tpu.memory_space<vmem>> -> memref<1x800x32xi32, #tpu.memory_space<vmem>>
        %gather3A_731 = tpu.memref_squeeze %gather3A_730 : memref<1x800x32xi32, #tpu.memory_space<vmem>> -> memref<800x32xi32, #tpu.memory_space<vmem>>
        %gather3A_732 = tpu.vector_load_idx %gather3A_731[%add3A_319, %and3A_713] : memref<800x32xi32, #tpu.memory_space<vmem>>[vector<16xi32>, vector<16xi32>], vector<16xi32>,
        %gather3A_733 = arith.constant 0 : i32
        %gather3A_734 = arith.constant 0 : i32
        %gather3A_735 = tpu.memref_slice %arg8[%scan3A_325, %gather3A_733, %gather3A_734] : memref<2x800x32xi32, #tpu.memory_space<vmem>> -> memref<1x800x32xi32, #tpu.memory_space<vmem>>
        %gather3A_736 = tpu.memref_squeeze %gather3A_735 : memref<1x800x32xi32, #tpu.memory_space<vmem>> -> memref<800x32xi32, #tpu.memory_space<vmem>>
        %gather3A_737 = tpu.vector_load_idx %gather3A_736[%add3A_322, %and3A_713] : memref<800x32xi32, #tpu.memory_space<vmem>>[vector<16xi32>, vector<16xi32>], vector<16xi32>,
        %bitcast3A_738 = vector.bitcast %gather3A_722 : vector<16xi32> to vector<32xbf16>
        %bitcast3A_739 = vector.bitcast %gather3A_727 : vector<16xi32> to vector<32xbf16>
        %add3A_740 = arith.addf %bitcast3A_738, %bitcast3A_739 : vector<32xbf16>
        %max3A_741 = arith.constant 0.000000e+00 : bf16
        %max3A_742 = vector.broadcast %max3A_741 : bf16 to vector<32xbf16>
        %max3A_743 = arith.maximumf %add3A_740, %max3A_742 : vector<32xbf16>
        %mul3A_744 = arith.mulf %max3A_743, %bitcast3A_717 : vector<32xbf16>
        %add3A_745 = arith.addf %add3A_698, %mul3A_744 : vector<32xbf16>
        %bitcast3A_746 = vector.bitcast %gather3A_732 : vector<16xi32> to vector<32xbf16>
        %bitcast3A_747 = vector.bitcast %gather3A_737 : vector<16xi32> to vector<32xbf16>
        %add3A_748 = arith.addf %bitcast3A_746, %bitcast3A_747 : vector<32xbf16>
        %max3A_749 = arith.constant 0.000000e+00 : bf16
        %max3A_750 = vector.broadcast %max3A_749 : bf16 to vector<32xbf16>
        %max3A_751 = arith.maximumf %add3A_748, %max3A_750 : vector<32xbf16>
        %mul3A_752 = arith.mulf %max3A_751, %bitcast3A_717 : vector<32xbf16>
        %add3A_753 = arith.addf %add3A_706, %mul3A_752 : vector<32xbf16>
        %add3A_754 = arith.constant 5 : i32
        %add3A_755 = arith.addi %mul3A_522, %add3A_754 : i32
        %add3A_756 = vector.broadcast %add3A_755 : i32 to vector<16xi32>
        %add3A_757 = arith.addi %iota3A_304, %add3A_756 : vector<16xi32>
        %and3A_758 = arith.constant 31 : i32
        %and3A_759 = vector.broadcast %and3A_758 : i32 to vector<16xi32>
        %and3A_760 = arith.andi %add3A_757, %and3A_759 : vector<16xi32>
        %get3A_761 = arith.index_cast %add3A_755 : i32 to index
        %get3A_762 = arith.constant 0 : index
        %get3A_763 = tpu.vector_load %arg10[%get3A_761, %get3A_762] {strides = array<i32>} : memref<32x16xi32, #tpu.memory_space<vmem>>, vector<16xi32>,
        %bitcast3A_764 = vector.bitcast %get3A_763 : vector<16xi32> to vector<32xbf16>
        %gather3A_765 = arith.constant 0 : i32
        %gather3A_766 = arith.constant 0 : i32
        %gather3A_767 = tpu.memref_slice %arg8[%scan3A_325, %gather3A_765, %gather3A_766] : memref<2x800x32xi32, #tpu.memory_space<vmem>> -> memref<1x800x32xi32, #tpu.memory_space<vmem>>
        %gather3A_768 = tpu.memref_squeeze %gather3A_767 : memref<1x800x32xi32, #tpu.memory_space<vmem>> -> memref<800x32xi32, #tpu.memory_space<vmem>>
        %gather3A_769 = tpu.vector_load_idx %gather3A_768[%add3A_313, %and3A_760] : memref<800x32xi32, #tpu.memory_space<vmem>>[vector<16xi32>, vector<16xi32>], vector<16xi32>,
        %gather3A_770 = arith.constant 0 : i32
        %gather3A_771 = arith.constant 0 : i32
        %gather3A_772 = tpu.memref_slice %arg8[%scan3A_325, %gather3A_770, %gather3A_771] : memref<2x800x32xi32, #tpu.memory_space<vmem>> -> memref<1x800x32xi32, #tpu.memory_space<vmem>>
        %gather3A_773 = tpu.memref_squeeze %gather3A_772 : memref<1x800x32xi32, #tpu.memory_space<vmem>> -> memref<800x32xi32, #tpu.memory_space<vmem>>
        %gather3A_774 = tpu.vector_load_idx %gather3A_773[%add3A_316, %and3A_760] : memref<800x32xi32, #tpu.memory_space<vmem>>[vector<16xi32>, vector<16xi32>], vector<16xi32>,
        %gather3A_775 = arith.constant 0 : i32
        %gather3A_776 = arith.constant 0 : i32
        %gather3A_777 = tpu.memref_slice %arg8[%scan3A_325, %gather3A_775, %gather3A_776] : memref<2x800x32xi32, #tpu.memory_space<vmem>> -> memref<1x800x32xi32, #tpu.memory_space<vmem>>
        %gather3A_778 = tpu.memref_squeeze %gather3A_777 : memref<1x800x32xi32, #tpu.memory_space<vmem>> -> memref<800x32xi32, #tpu.memory_space<vmem>>
        %gather3A_779 = tpu.vector_load_idx %gather3A_778[%add3A_319, %and3A_760] : memref<800x32xi32, #tpu.memory_space<vmem>>[vector<16xi32>, vector<16xi32>], vector<16xi32>,
        %gather3A_780 = arith.constant 0 : i32
        %gather3A_781 = arith.constant 0 : i32
        %gather3A_782 = tpu.memref_slice %arg8[%scan3A_325, %gather3A_780, %gather3A_781] : memref<2x800x32xi32, #tpu.memory_space<vmem>> -> memref<1x800x32xi32, #tpu.memory_space<vmem>>
        %gather3A_783 = tpu.memref_squeeze %gather3A_782 : memref<1x800x32xi32, #tpu.memory_space<vmem>> -> memref<800x32xi32, #tpu.memory_space<vmem>>
        %gather3A_784 = tpu.vector_load_idx %gather3A_783[%add3A_322, %and3A_760] : memref<800x32xi32, #tpu.memory_space<vmem>>[vector<16xi32>, vector<16xi32>], vector<16xi32>,
        %bitcast3A_785 = vector.bitcast %gather3A_769 : vector<16xi32> to vector<32xbf16>
        %bitcast3A_786 = vector.bitcast %gather3A_774 : vector<16xi32> to vector<32xbf16>
        %add3A_787 = arith.addf %bitcast3A_785, %bitcast3A_786 : vector<32xbf16>
        %max3A_788 = arith.constant 0.000000e+00 : bf16
        %max3A_789 = vector.broadcast %max3A_788 : bf16 to vector<32xbf16>
        %max3A_790 = arith.maximumf %add3A_787, %max3A_789 : vector<32xbf16>
        %mul3A_791 = arith.mulf %max3A_790, %bitcast3A_764 : vector<32xbf16>
        %add3A_792 = arith.addf %add3A_745, %mul3A_791 : vector<32xbf16>
        %bitcast3A_793 = vector.bitcast %gather3A_779 : vector<16xi32> to vector<32xbf16>
        %bitcast3A_794 = vector.bitcast %gather3A_784 : vector<16xi32> to vector<32xbf16>
        %add3A_795 = arith.addf %bitcast3A_793, %bitcast3A_794 : vector<32xbf16>
        %max3A_796 = arith.constant 0.000000e+00 : bf16
        %max3A_797 = vector.broadcast %max3A_796 : bf16 to vector<32xbf16>
        %max3A_798 = arith.maximumf %add3A_795, %max3A_797 : vector<32xbf16>
        %mul3A_799 = arith.mulf %max3A_798, %bitcast3A_764 : vector<32xbf16>
        %add3A_800 = arith.addf %add3A_753, %mul3A_799 : vector<32xbf16>
        %add3A_801 = arith.constant 6 : i32
        %add3A_802 = arith.addi %mul3A_522, %add3A_801 : i32
        %add3A_803 = vector.broadcast %add3A_802 : i32 to vector<16xi32>
        %add3A_804 = arith.addi %iota3A_304, %add3A_803 : vector<16xi32>
        %and3A_805 = arith.constant 31 : i32
        %and3A_806 = vector.broadcast %and3A_805 : i32 to vector<16xi32>
        %and3A_807 = arith.andi %add3A_804, %and3A_806 : vector<16xi32>
        %get3A_808 = arith.index_cast %add3A_802 : i32 to index
        %get3A_809 = arith.constant 0 : index
        %get3A_810 = tpu.vector_load %arg10[%get3A_808, %get3A_809] {strides = array<i32>} : memref<32x16xi32, #tpu.memory_space<vmem>>, vector<16xi32>,
        %bitcast3A_811 = vector.bitcast %get3A_810 : vector<16xi32> to vector<32xbf16>
        %gather3A_812 = arith.constant 0 : i32
        %gather3A_813 = arith.constant 0 : i32
        %gather3A_814 = tpu.memref_slice %arg8[%scan3A_325, %gather3A_812, %gather3A_813] : memref<2x800x32xi32, #tpu.memory_space<vmem>> -> memref<1x800x32xi32, #tpu.memory_space<vmem>>
        %gather3A_815 = tpu.memref_squeeze %gather3A_814 : memref<1x800x32xi32, #tpu.memory_space<vmem>> -> memref<800x32xi32, #tpu.memory_space<vmem>>
        %gather3A_816 = tpu.vector_load_idx %gather3A_815[%add3A_313, %and3A_807] : memref<800x32xi32, #tpu.memory_space<vmem>>[vector<16xi32>, vector<16xi32>], vector<16xi32>,
        %gather3A_817 = arith.constant 0 : i32
        %gather3A_818 = arith.constant 0 : i32
        %gather3A_819 = tpu.memref_slice %arg8[%scan3A_325, %gather3A_817, %gather3A_818] : memref<2x800x32xi32, #tpu.memory_space<vmem>> -> memref<1x800x32xi32, #tpu.memory_space<vmem>>
        %gather3A_820 = tpu.memref_squeeze %gather3A_819 : memref<1x800x32xi32, #tpu.memory_space<vmem>> -> memref<800x32xi32, #tpu.memory_space<vmem>>
        %gather3A_821 = tpu.vector_load_idx %gather3A_820[%add3A_316, %and3A_807] : memref<800x32xi32, #tpu.memory_space<vmem>>[vector<16xi32>, vector<16xi32>], vector<16xi32>,
        %gather3A_822 = arith.constant 0 : i32
        %gather3A_823 = arith.constant 0 : i32
        %gather3A_824 = tpu.memref_slice %arg8[%scan3A_325, %gather3A_822, %gather3A_823] : memref<2x800x32xi32, #tpu.memory_space<vmem>> -> memref<1x800x32xi32, #tpu.memory_space<vmem>>
        %gather3A_825 = tpu.memref_squeeze %gather3A_824 : memref<1x800x32xi32, #tpu.memory_space<vmem>> -> memref<800x32xi32, #tpu.memory_space<vmem>>
        %gather3A_826 = tpu.vector_load_idx %gather3A_825[%add3A_319, %and3A_807] : memref<800x32xi32, #tpu.memory_space<vmem>>[vector<16xi32>, vector<16xi32>], vector<16xi32>,
        %gather3A_827 = arith.constant 0 : i32
        %gather3A_828 = arith.constant 0 : i32
        %gather3A_829 = tpu.memref_slice %arg8[%scan3A_325, %gather3A_827, %gather3A_828] : memref<2x800x32xi32, #tpu.memory_space<vmem>> -> memref<1x800x32xi32, #tpu.memory_space<vmem>>
        %gather3A_830 = tpu.memref_squeeze %gather3A_829 : memref<1x800x32xi32, #tpu.memory_space<vmem>> -> memref<800x32xi32, #tpu.memory_space<vmem>>
        %gather3A_831 = tpu.vector_load_idx %gather3A_830[%add3A_322, %and3A_807] : memref<800x32xi32, #tpu.memory_space<vmem>>[vector<16xi32>, vector<16xi32>], vector<16xi32>,
        %bitcast3A_832 = vector.bitcast %gather3A_816 : vector<16xi32> to vector<32xbf16>
        %bitcast3A_833 = vector.bitcast %gather3A_821 : vector<16xi32> to vector<32xbf16>
        %add3A_834 = arith.addf %bitcast3A_832, %bitcast3A_833 : vector<32xbf16>
        %max3A_835 = arith.constant 0.000000e+00 : bf16
        %max3A_836 = vector.broadcast %max3A_835 : bf16 to vector<32xbf16>
        %max3A_837 = arith.maximumf %add3A_834, %max3A_836 : vector<32xbf16>
        %mul3A_838 = arith.mulf %max3A_837, %bitcast3A_811 : vector<32xbf16>
        %add3A_839 = arith.addf %add3A_792, %mul3A_838 : vector<32xbf16>
        %bitcast3A_840 = vector.bitcast %gather3A_826 : vector<16xi32> to vector<32xbf16>
        %bitcast3A_841 = vector.bitcast %gather3A_831 : vector<16xi32> to vector<32xbf16>
        %add3A_842 = arith.addf %bitcast3A_840, %bitcast3A_841 : vector<32xbf16>
        %max3A_843 = arith.constant 0.000000e+00 : bf16
        %max3A_844 = vector.broadcast %max3A_843 : bf16 to vector<32xbf16>
        %max3A_845 = arith.maximumf %add3A_842, %max3A_844 : vector<32xbf16>
        %mul3A_846 = arith.mulf %max3A_845, %bitcast3A_811 : vector<32xbf16>
        %add3A_847 = arith.addf %add3A_800, %mul3A_846 : vector<32xbf16>
        %add3A_848 = arith.constant 7 : i32
        %add3A_849 = arith.addi %mul3A_522, %add3A_848 : i32
        %add3A_850 = vector.broadcast %add3A_849 : i32 to vector<16xi32>
        %add3A_851 = arith.addi %iota3A_304, %add3A_850 : vector<16xi32>
        %and3A_852 = arith.constant 31 : i32
        %and3A_853 = vector.broadcast %and3A_852 : i32 to vector<16xi32>
        %and3A_854 = arith.andi %add3A_851, %and3A_853 : vector<16xi32>
        %get3A_855 = arith.index_cast %add3A_849 : i32 to index
        %get3A_856 = arith.constant 0 : index
        %get3A_857 = tpu.vector_load %arg10[%get3A_855, %get3A_856] {strides = array<i32>} : memref<32x16xi32, #tpu.memory_space<vmem>>, vector<16xi32>,
        %bitcast3A_858 = vector.bitcast %get3A_857 : vector<16xi32> to vector<32xbf16>
        %gather3A_859 = arith.constant 0 : i32
        %gather3A_860 = arith.constant 0 : i32
        %gather3A_861 = tpu.memref_slice %arg8[%scan3A_325, %gather3A_859, %gather3A_860] : memref<2x800x32xi32, #tpu.memory_space<vmem>> -> memref<1x800x32xi32, #tpu.memory_space<vmem>>
        %gather3A_862 = tpu.memref_squeeze %gather3A_861 : memref<1x800x32xi32, #tpu.memory_space<vmem>> -> memref<800x32xi32, #tpu.memory_space<vmem>>
        %gather3A_863 = tpu.vector_load_idx %gather3A_862[%add3A_313, %and3A_854] : memref<800x32xi32, #tpu.memory_space<vmem>>[vector<16xi32>, vector<16xi32>], vector<16xi32>,
        %gather3A_864 = arith.constant 0 : i32
        %gather3A_865 = arith.constant 0 : i32
        %gather3A_866 = tpu.memref_slice %arg8[%scan3A_325, %gather3A_864, %gather3A_865] : memref<2x800x32xi32, #tpu.memory_space<vmem>> -> memref<1x800x32xi32, #tpu.memory_space<vmem>>
        %gather3A_867 = tpu.memref_squeeze %gather3A_866 : memref<1x800x32xi32, #tpu.memory_space<vmem>> -> memref<800x32xi32, #tpu.memory_space<vmem>>
        %gather3A_868 = tpu.vector_load_idx %gather3A_867[%add3A_316, %and3A_854] : memref<800x32xi32, #tpu.memory_space<vmem>>[vector<16xi32>, vector<16xi32>], vector<16xi32>,
        %gather3A_869 = arith.constant 0 : i32
        %gather3A_870 = arith.constant 0 : i32
        %gather3A_871 = tpu.memref_slice %arg8[%scan3A_325, %gather3A_869, %gather3A_870] : memref<2x800x32xi32, #tpu.memory_space<vmem>> -> memref<1x800x32xi32, #tpu.memory_space<vmem>>
        %gather3A_872 = tpu.memref_squeeze %gather3A_871 : memref<1x800x32xi32, #tpu.memory_space<vmem>> -> memref<800x32xi32, #tpu.memory_space<vmem>>
        %gather3A_873 = tpu.vector_load_idx %gather3A_872[%add3A_319, %and3A_854] : memref<800x32xi32, #tpu.memory_space<vmem>>[vector<16xi32>, vector<16xi32>], vector<16xi32>,
        %gather3A_874 = arith.constant 0 : i32
        %gather3A_875 = arith.constant 0 : i32
        %gather3A_876 = tpu.memref_slice %arg8[%scan3A_325, %gather3A_874, %gather3A_875] : memref<2x800x32xi32, #tpu.memory_space<vmem>> -> memref<1x800x32xi32, #tpu.memory_space<vmem>>
        %gather3A_877 = tpu.memref_squeeze %gather3A_876 : memref<1x800x32xi32, #tpu.memory_space<vmem>> -> memref<800x32xi32, #tpu.memory_space<vmem>>
        %gather3A_878 = tpu.vector_load_idx %gather3A_877[%add3A_322, %and3A_854] : memref<800x32xi32, #tpu.memory_space<vmem>>[vector<16xi32>, vector<16xi32>], vector<16xi32>,
        %bitcast3A_879 = vector.bitcast %gather3A_863 : vector<16xi32> to vector<32xbf16>
        %bitcast3A_880 = vector.bitcast %gather3A_868 : vector<16xi32> to vector<32xbf16>
        %add3A_881 = arith.addf %bitcast3A_879, %bitcast3A_880 : vector<32xbf16>
        %max3A_882 = arith.constant 0.000000e+00 : bf16
        %max3A_883 = vector.broadcast %max3A_882 : bf16 to vector<32xbf16>
        %max3A_884 = arith.maximumf %add3A_881, %max3A_883 : vector<32xbf16>
        %mul3A_885 = arith.mulf %max3A_884, %bitcast3A_858 : vector<32xbf16>
        %add3A_886 = arith.addf %add3A_839, %mul3A_885 : vector<32xbf16>
        %bitcast3A_887 = vector.bitcast %gather3A_873 : vector<16xi32> to vector<32xbf16>
        %bitcast3A_888 = vector.bitcast %gather3A_878 : vector<16xi32> to vector<32xbf16>
        %add3A_889 = arith.addf %bitcast3A_887, %bitcast3A_888 : vector<32xbf16>
        %max3A_890 = arith.constant 0.000000e+00 : bf16
        %max3A_891 = vector.broadcast %max3A_890 : bf16 to vector<32xbf16>
        %max3A_892 = arith.maximumf %add3A_889, %max3A_891 : vector<32xbf16>
        %mul3A_893 = arith.mulf %max3A_892, %bitcast3A_858 : vector<32xbf16>
        %add3A_894 = arith.addf %add3A_847, %mul3A_893 : vector<32xbf16>
        scf.yield %add3A_886, %add3A_894 : vector<32xbf16>, vector<32xbf16>
      }
      %scan3A_331 = arith.constant 4 : i32
      %add3A_332 = arith.constant 368 : i32
      %add3A_333 = arith.constant 16 : i32
      %add3A_334 = arith.addi %add3A_332, %add3A_333 : i32
      %unpack3A_335 = tpu.unpack_subelements %scan3A_330#0, 0 {pack_format = #tpu.pack_format<interleaved>} : vector<32xbf16> -> vector<16xf32>
      %unpack3A_336 = tpu.unpack_subelements %scan3A_330#0, 1 {pack_format = #tpu.pack_format<interleaved>} : vector<32xbf16> -> vector<16xf32>
      %add3A_337 = arith.addf %unpack3A_335, %unpack3A_336 : vector<16xf32>
      %get3A_338 = arith.constant 0 : index
      %get3A_339 = tpu.vector_load %arg11[%get3A_338] {strides = array<i32>} : memref<16xf32, #tpu.memory_space<vmem>>, vector<16xf32>,
      %add3A_340 = arith.addf %add3A_337, %get3A_339 : vector<16xf32>
      %neg3A_341 = arith.constant 0.000000e+00 : f32
      %neg3A_342 = vector.broadcast %neg3A_341 : f32 to vector<16xf32>
      %neg3A_343 = arith.subf %neg3A_342, %add3A_340 : vector<16xf32>
      %exp3A_344 = math.exp %neg3A_343 : vector<16xf32>
      %add3A_345 = arith.constant 1.000000e+00 : f32
      %add3A_346 = vector.broadcast %add3A_345 : f32 to vector<16xf32>
      %add3A_347 = arith.addf %add3A_346, %exp3A_344 : vector<16xf32>
      %div3A_348 = arith.constant 1.000000e+00 : f32
      %div3A_349 = vector.broadcast %div3A_348 : f32 to vector<16xf32>
      %div3A_350 = arith.divf %div3A_349, %add3A_347 : vector<16xf32>
      %swap3A_351 = arith.constant 0 : i32
      %swap3A_352 = arith.constant 368 : i32
      %swap3A_353 = arith.constant 0 : i32
      %swap3A_354 = tpu.memref_slice %arg9[%swap3A_351, %swap3A_353] : memref<2x400xf32, #tpu.memory_space<vmem>> -> memref<1x400xf32, #tpu.memory_space<vmem>>
      %swap3A_355 = tpu.memref_squeeze %swap3A_354 : memref<1x400xf32, #tpu.memory_space<vmem>> -> memref<400xf32, #tpu.memory_space<vmem>>
      %swap3A_356 = arith.index_cast %swap3A_352 : i32 to index
      %swap3A_357 = tpu.vector_load %swap3A_355[%swap3A_356] {strides = array<i32>} : memref<400xf32, #tpu.memory_space<vmem>>, vector<16xf32>,
      tpu.vector_store %swap3A_355[%swap3A_356], %div3A_350 {strides = array<i32>} : memref<400xf32, #tpu.memory_space<vmem>>, vector<16xf32>,
      %unpack3A_358 = tpu.unpack_subelements %scan3A_330#1, 0 {pack_format = #tpu.pack_format<interleaved>} : vector<32xbf16> -> vector<16xf32>
      %unpack3A_359 = tpu.unpack_subelements %scan3A_330#1, 1 {pack_format = #tpu.pack_format<interleaved>} : vector<32xbf16> -> vector<16xf32>
      %add3A_360 = arith.addf %unpack3A_358, %unpack3A_359 : vector<16xf32>
      %get3A_361 = arith.constant 0 : index
      %get3A_362 = tpu.vector_load %arg11[%get3A_361] {strides = array<i32>} : memref<16xf32, #tpu.memory_space<vmem>>, vector<16xf32>,
      %add3A_363 = arith.addf %add3A_360, %get3A_362 : vector<16xf32>
      %neg3A_364 = arith.constant 0.000000e+00 : f32
      %neg3A_365 = vector.broadcast %neg3A_364 : f32 to vector<16xf32>
      %neg3A_366 = arith.subf %neg3A_365, %add3A_363 : vector<16xf32>
      %exp3A_367 = math.exp %neg3A_366 : vector<16xf32>
      %add3A_368 = arith.constant 1.000000e+00 : f32
      %add3A_369 = vector.broadcast %add3A_368 : f32 to vector<16xf32>
      %add3A_370 = arith.addf %add3A_369, %exp3A_367 : vector<16xf32>
      %div3A_371 = arith.constant 1.000000e+00 : f32
      %div3A_372 = vector.broadcast %div3A_371 : f32 to vector<16xf32>
      %div3A_373 = arith.divf %div3A_372, %add3A_370 : vector<16xf32>
      %swap3A_374 = arith.constant 0 : i32
      %swap3A_375 = arith.constant 0 : i32
      %swap3A_376 = tpu.memref_slice %arg9[%swap3A_374, %swap3A_375] : memref<2x400xf32, #tpu.memory_space<vmem>> -> memref<1x400xf32, #tpu.memory_space<vmem>>
      %swap3A_377 = tpu.memref_squeeze %swap3A_376 : memref<1x400xf32, #tpu.memory_space<vmem>> -> memref<400xf32, #tpu.memory_space<vmem>>
      %swap3A_378 = arith.index_cast %add3A_334 : i32 to index
      %swap3A_379 = tpu.vector_load %swap3A_377[%swap3A_378] {strides = array<i32>} : memref<400xf32, #tpu.memory_space<vmem>>, vector<16xf32>,
      tpu.vector_store %swap3A_377[%swap3A_378], %div3A_373 {strides = array<i32>} : memref<400xf32, #tpu.memory_space<vmem>>, vector<16xf32>,
      %dma_start3A_380 = arith.constant 0 : i32
      %dma_start3A_381 = arith.constant 0 : i32
      %dma_start3A_382 = tpu.memref_slice %arg9[%dma_start3A_380, %dma_start3A_381] : memref<2x400xf32, #tpu.memory_space<vmem>> -> memref<1x400xf32, #tpu.memory_space<vmem>>
      %dma_start3A_383 = tpu.memref_squeeze %dma_start3A_382 : memref<1x400xf32, #tpu.memory_space<vmem>> -> memref<400xf32, #tpu.memory_space<vmem>>
      %dma_start3A_384 = arith.constant 0 : i32
      %dma_start3A_385 = tpu.memref_slice %arg6[%add3A_284, %dma_start3A_384] : memref<800x400xf32, #tpu.memory_space<hbm>> -> memref<1x400xf32, #tpu.memory_space<hbm>>
      %dma_start3A_386 = tpu.memref_squeeze %dma_start3A_385 : memref<1x400xf32, #tpu.memory_space<hbm>> -> memref<400xf32, #tpu.memory_space<hbm>>
      %dma_start3A_387 = arith.constant 0 : i32
      %dma_start3A_388 = tpu.memref_slice %arg6[%add3A_284, %dma_start3A_387] : memref<800x400xf32, #tpu.memory_space<hbm>> -> memref<1x400xf32, #tpu.memory_space<hbm>>
      %dma_start3A_389 = tpu.memref_squeeze %dma_start3A_388 : memref<1x400xf32, #tpu.memory_space<hbm>> -> memref<400xf32, #tpu.memory_space<hbm>>
      %dma_start3A_390 = arith.constant 0 : i32
      %dma_start3A_391 = tpu.memref_slice %arg9[%dma_start3A_380, %dma_start3A_390] : memref<2x400xf32, #tpu.memory_space<vmem>> -> memref<1x400xf32, #tpu.memory_space<vmem>>
      %dma_start3A_392 = tpu.memref_squeeze %dma_start3A_391 : memref<1x400xf32, #tpu.memory_space<vmem>> -> memref<400xf32, #tpu.memory_space<vmem>>
      tpu.enqueue_dma source(%dma_start3A_392 : memref<400xf32, #tpu.memory_space<vmem>>) target(%dma_start3A_389 : memref<400xf32, #tpu.memory_space<hbm>>) target_semaphore(%arg16 : memref<!tpu.dma_semaphore, #tpu.memory_space<semaphore_mem>>)
      %add3A_393 = arith.constant 1 : i32
      %add3A_394 = arith.addi %add3A_283, %add3A_393 : i32
      %lt3A_395 = arith.constant 25 : i32
      %lt3A_396 = arith.cmpi slt, %add3A_394, %lt3A_395 : i32
      %convert_element_type3A_397 = arith.extui %lt3A_396 : i1 to i32
      %cond3A_398 = arith.constant 0 : i32
      %cond3A_399 = arith.cmpi ne, %convert_element_type3A_397, %cond3A_398 : i32
      scf.if %cond3A_399 {
        %dma_wait3A_518 = arith.constant 1 : i32
        %dma_wait3A_519 = arith.constant 1 : i32
        %dma_wait3A_520 = arith.constant 0 : i32
        %dma_wait3A_521 = arith.constant 0 : i32
        %dma_wait3A_522 = tpu.memref_slice %arg8[%dma_wait3A_519, %dma_wait3A_520, %dma_wait3A_521] : memref<2x800x32xi32, #tpu.memory_space<vmem>> -> memref<1x400x32xi32, #tpu.memory_space<vmem>>
        %dma_wait3A_523 = tpu.memref_squeeze %dma_wait3A_522 : memref<1x400x32xi32, #tpu.memory_space<vmem>> -> memref<400x32xi32, #tpu.memory_space<vmem>>
        %dma_wait3A_524 = arith.constant 0 : i32
        %dma_wait3A_525 = tpu.memref_slice %arg7[%dma_wait3A_518, %dma_wait3A_524] : memref<2x800xi32, #tpu.memory_space<vmem>> -> memref<1x400xi32, #tpu.memory_space<vmem>>
        %dma_wait3A_526 = tpu.memref_squeeze %dma_wait3A_525 : memref<1x400xi32, #tpu.memory_space<vmem>> -> memref<400xi32, #tpu.memory_space<vmem>>
        %dma_wait3A_527 = arith.constant 0 : i32
        %dma_wait3A_528 = arith.constant 0 : i32
        %dma_wait3A_529 = tpu.memref_slice %arg12[%dma_wait3A_527, %dma_wait3A_528] : memref<10000x32xi32, #tpu.memory_space<vmem_shared>> -> memref<10000x32xi32, #tpu.memory_space<vmem_shared>>
        tpu.wait_indirect_dma semaphore(%arg15 : memref<!tpu.dma_semaphore, #tpu.memory_space<semaphore_mem>>) src(%dma_wait3A_529 : memref<10000x32xi32, #tpu.memory_space<vmem_shared>>) dst(%dma_wait3A_523 : memref<400x32xi32, #tpu.memory_space<vmem>>)
        %dma_wait3A_530 = arith.constant 1 : i32
        %dma_wait3A_531 = arith.constant 1 : i32
        %dma_wait3A_532 = arith.constant 400 : i32
        %dma_wait3A_533 = arith.constant 0 : i32
        %dma_wait3A_534 = tpu.memref_slice %arg8[%dma_wait3A_531, %dma_wait3A_532, %dma_wait3A_533] : memref<2x800x32xi32, #tpu.memory_space<vmem>> -> memref<1x400x32xi32, #tpu.memory_space<vmem>>
        %dma_wait3A_535 = tpu.memref_squeeze %dma_wait3A_534 : memref<1x400x32xi32, #tpu.memory_space<vmem>> -> memref<400x32xi32, #tpu.memory_space<vmem>>
        %dma_wait3A_536 = arith.constant 400 : i32
        %dma_wait3A_537 = tpu.memref_slice %arg7[%dma_wait3A_530, %dma_wait3A_536] : memref<2x800xi32, #tpu.memory_space<vmem>> -> memref<1x400xi32, #tpu.memory_space<vmem>>
        %dma_wait3A_538 = tpu.memref_squeeze %dma_wait3A_537 : memref<1x400xi32, #tpu.memory_space<vmem>> -> memref<400xi32, #tpu.memory_space<vmem>>
        %dma_wait3A_539 = arith.constant 0 : i32
        %dma_wait3A_540 = arith.constant 0 : i32
        %dma_wait3A_541 = tpu.memref_slice %arg13[%dma_wait3A_539, %dma_wait3A_540] : memref<10000x32xi32, #tpu.memory_space<vmem_shared>> -> memref<10000x32xi32, #tpu.memory_space<vmem_shared>>
        tpu.wait_indirect_dma semaphore(%arg15 : memref<!tpu.dma_semaphore, #tpu.memory_space<semaphore_mem>>) src(%dma_wait3A_541 : memref<10000x32xi32, #tpu.memory_space<vmem_shared>>) dst(%dma_wait3A_535 : memref<400x32xi32, #tpu.memory_space<vmem>>)
      } else {
      }
      %add3A_400 = arith.constant 1 : i32
      %add3A_401 = arith.addi %add3A_283, %add3A_400 : i32
      %add3A_402 = arith.addi %mul3A_6, %add3A_401 : i32
      %add3A_403 = arith.constant 1 : i32
      %add3A_404 = arith.addi %add3A_401, %add3A_403 : i32
      %lt3A_405 = arith.constant 25 : i32
      %lt3A_406 = arith.cmpi slt, %add3A_404, %lt3A_405 : i32
      %convert_element_type3A_407 = arith.extui %lt3A_406 : i1 to i32
      %cond3A_408 = arith.constant 0 : i32
      %cond3A_409 = arith.cmpi ne, %convert_element_type3A_407, %cond3A_408 : i32
      scf.if %cond3A_409 {
        %add3A_518 = arith.constant 1 : i32
        %add3A_519 = arith.addi %add3A_402, %add3A_518 : i32
        %mul3A_520 = arith.constant 400 : i32
        %mul3A_521 = arith.muli %add3A_519, %mul3A_520 : i32
        %dma_wait3A_522 = arith.constant 0 : i32
        %dma_wait3A_523 = arith.constant 0 : i32
        %dma_wait3A_524 = arith.constant 0 : i32
        %dma_wait3A_525 = tpu.memref_slice %arg7[%dma_wait3A_523, %dma_wait3A_524] : memref<2x800xi32, #tpu.memory_space<vmem>> -> memref<1x400xi32, #tpu.memory_space<vmem>>
        %dma_wait3A_526 = tpu.memref_squeeze %dma_wait3A_525 : memref<1x400xi32, #tpu.memory_space<vmem>> -> memref<400xi32, #tpu.memory_space<vmem>>
        %dma_wait3A_527 = tpu.memref_slice %arg3[%dma_wait3A_522, %mul3A_521] : memref<2x320000xi32, #tpu.memory_space<hbm>> -> memref<1x400xi32, #tpu.memory_space<hbm>>
        %dma_wait3A_528 = tpu.memref_squeeze %dma_wait3A_527 : memref<1x400xi32, #tpu.memory_space<hbm>> -> memref<400xi32, #tpu.memory_space<hbm>>
        %dma_wait3A_529 = arith.constant 0 : i32
        %dma_wait3A_530 = tpu.memref_slice %arg7[%dma_wait3A_523, %dma_wait3A_529] : memref<2x800xi32, #tpu.memory_space<vmem>> -> memref<1x400xi32, #tpu.memory_space<vmem>>
        %dma_wait3A_531 = tpu.memref_squeeze %dma_wait3A_530 : memref<1x400xi32, #tpu.memory_space<vmem>> -> memref<400xi32, #tpu.memory_space<vmem>>
        %dma_wait3A_532 = tpu.memref_slice %arg3[%dma_wait3A_522, %mul3A_521] : memref<2x320000xi32, #tpu.memory_space<hbm>> -> memref<1x400xi32, #tpu.memory_space<hbm>>
        %dma_wait3A_533 = tpu.memref_squeeze %dma_wait3A_532 : memref<1x400xi32, #tpu.memory_space<hbm>> -> memref<400xi32, #tpu.memory_space<hbm>>
        tpu.wait_dma2 semaphore(%arg14 : memref<!tpu.dma_semaphore, #tpu.memory_space<semaphore_mem>>) src(%dma_wait3A_533 : memref<400xi32, #tpu.memory_space<hbm>>) dst(%dma_wait3A_531 : memref<400xi32, #tpu.memory_space<vmem>>)
        %dma_wait3A_534 = arith.constant 1 : i32
        %dma_wait3A_535 = arith.constant 0 : i32
        %dma_wait3A_536 = arith.constant 400 : i32
        %dma_wait3A_537 = tpu.memref_slice %arg7[%dma_wait3A_535, %dma_wait3A_536] : memref<2x800xi32, #tpu.memory_space<vmem>> -> memref<1x400xi32, #tpu.memory_space<vmem>>
        %dma_wait3A_538 = tpu.memref_squeeze %dma_wait3A_537 : memref<1x400xi32, #tpu.memory_space<vmem>> -> memref<400xi32, #tpu.memory_space<vmem>>
        %dma_wait3A_539 = tpu.memref_slice %arg3[%dma_wait3A_534, %mul3A_521] : memref<2x320000xi32, #tpu.memory_space<hbm>> -> memref<1x400xi32, #tpu.memory_space<hbm>>
        %dma_wait3A_540 = tpu.memref_squeeze %dma_wait3A_539 : memref<1x400xi32, #tpu.memory_space<hbm>> -> memref<400xi32, #tpu.memory_space<hbm>>
        %dma_wait3A_541 = arith.constant 400 : i32
        %dma_wait3A_542 = tpu.memref_slice %arg7[%dma_wait3A_535, %dma_wait3A_541] : memref<2x800xi32, #tpu.memory_space<vmem>> -> memref<1x400xi32, #tpu.memory_space<vmem>>
        %dma_wait3A_543 = tpu.memref_squeeze %dma_wait3A_542 : memref<1x400xi32, #tpu.memory_space<vmem>> -> memref<400xi32, #tpu.memory_space<vmem>>
        %dma_wait3A_544 = tpu.memref_slice %arg3[%dma_wait3A_534, %mul3A_521] : memref<2x320000xi32, #tpu.memory_space<hbm>> -> memref<1x400xi32, #tpu.memory_space<hbm>>
        %dma_wait3A_545 = tpu.memref_squeeze %dma_wait3A_544 : memref<1x400xi32, #tpu.memory_space<hbm>> -> memref<400xi32, #tpu.memory_space<hbm>>
        tpu.wait_dma2 semaphore(%arg14 : memref<!tpu.dma_semaphore, #tpu.memory_space<semaphore_mem>>) src(%dma_wait3A_545 : memref<400xi32, #tpu.memory_space<hbm>>) dst(%dma_wait3A_543 : memref<400xi32, #tpu.memory_space<vmem>>)
        %dma_start3A_546 = arith.constant 0 : i32
        %dma_start3A_547 = arith.constant 0 : i32
        %dma_start3A_548 = arith.constant 0 : i32
        %dma_start3A_549 = arith.constant 0 : i32
        %dma_start3A_550 = tpu.memref_slice %arg8[%dma_start3A_547, %dma_start3A_548, %dma_start3A_549] : memref<2x800x32xi32, #tpu.memory_space<vmem>> -> memref<1x400x32xi32, #tpu.memory_space<vmem>>
        %dma_start3A_551 = tpu.memref_squeeze %dma_start3A_550 : memref<1x400x32xi32, #tpu.memory_space<vmem>> -> memref<400x32xi32, #tpu.memory_space<vmem>>
        %dma_start3A_552 = arith.constant 0 : i32
        %dma_start3A_553 = tpu.memref_slice %arg7[%dma_start3A_546, %dma_start3A_552] : memref<2x800xi32, #tpu.memory_space<vmem>> -> memref<1x400xi32, #tpu.memory_space<vmem>>
        %dma_start3A_554 = tpu.memref_squeeze %dma_start3A_553 : memref<1x400xi32, #tpu.memory_space<vmem>> -> memref<400xi32, #tpu.memory_space<vmem>>
        %dma_start3A_555 = arith.constant 0 : i32
        %dma_start3A_556 = arith.constant 0 : i32
        %dma_start3A_557 = tpu.memref_slice %arg12[%dma_start3A_555, %dma_start3A_556] : memref<10000x32xi32, #tpu.memory_space<vmem_shared>> -> memref<10000x32xi32, #tpu.memory_space<vmem_shared>>
        tpu.enqueue_indirect_dma source(%dma_start3A_557 : memref<10000x32xi32, #tpu.memory_space<vmem_shared>>) target(%dma_start3A_551 : memref<400x32xi32, #tpu.memory_space<vmem>>) offsets(%dma_start3A_554 : memref<400xi32, #tpu.memory_space<vmem>>) semaphore(%arg15 : memref<!tpu.dma_semaphore, #tpu.memory_space<semaphore_mem>>)
        %dma_start3A_558 = arith.constant 0 : i32
        %dma_start3A_559 = arith.constant 0 : i32
        %dma_start3A_560 = arith.constant 400 : i32
        %dma_start3A_561 = arith.constant 0 : i32
        %dma_start3A_562 = tpu.memref_slice %arg8[%dma_start3A_559, %dma_start3A_560, %dma_start3A_561] : memref<2x800x32xi32, #tpu.memory_space<vmem>> -> memref<1x400x32xi32, #tpu.memory_space<vmem>>
        %dma_start3A_563 = tpu.memref_squeeze %dma_start3A_562 : memref<1x400x32xi32, #tpu.memory_space<vmem>> -> memref<400x32xi32, #tpu.memory_space<vmem>>
        %dma_start3A_564 = arith.constant 400 : i32
        %dma_start3A_565 = tpu.memref_slice %arg7[%dma_start3A_558, %dma_start3A_564] : memref<2x800xi32, #tpu.memory_space<vmem>> -> memref<1x400xi32, #tpu.memory_space<vmem>>
        %dma_start3A_566 = tpu.memref_squeeze %dma_start3A_565 : memref<1x400xi32, #tpu.memory_space<vmem>> -> memref<400xi32, #tpu.memory_space<vmem>>
        %dma_start3A_567 = arith.constant 0 : i32
        %dma_start3A_568 = arith.constant 0 : i32
        %dma_start3A_569 = tpu.memref_slice %arg13[%dma_start3A_567, %dma_start3A_568] : memref<10000x32xi32, #tpu.memory_space<vmem_shared>> -> memref<10000x32xi32, #tpu.memory_space<vmem_shared>>
        tpu.enqueue_indirect_dma source(%dma_start3A_569 : memref<10000x32xi32, #tpu.memory_space<vmem_shared>>) target(%dma_start3A_563 : memref<400x32xi32, #tpu.memory_space<vmem>>) offsets(%dma_start3A_566 : memref<400xi32, #tpu.memory_space<vmem>>) semaphore(%arg15 : memref<!tpu.dma_semaphore, #tpu.memory_space<semaphore_mem>>)
      } else {
      }
      %add3A_410 = arith.constant 2 : i32
      %add3A_411 = arith.addi %add3A_401, %add3A_410 : i32
      %lt3A_412 = arith.constant 25 : i32
      %lt3A_413 = arith.cmpi slt, %add3A_411, %lt3A_412 : i32
      %convert_element_type3A_414 = arith.extui %lt3A_413 : i1 to i32
      %cond3A_415 = arith.constant 0 : i32
      %cond3A_416 = arith.cmpi ne, %convert_element_type3A_414, %cond3A_415 : i32
      scf.if %cond3A_416 {
        %add3A_518 = arith.constant 2 : i32
        %add3A_519 = arith.addi %add3A_402, %add3A_518 : i32
        %mul3A_520 = arith.constant 400 : i32
        %mul3A_521 = arith.muli %add3A_519, %mul3A_520 : i32
        %dma_start3A_522 = arith.constant 0 : i32
        %dma_start3A_523 = arith.constant 1 : i32
        %dma_start3A_524 = arith.constant 0 : i32
        %dma_start3A_525 = tpu.memref_slice %arg7[%dma_start3A_523, %dma_start3A_524] : memref<2x800xi32, #tpu.memory_space<vmem>> -> memref<1x400xi32, #tpu.memory_space<vmem>>
        %dma_start3A_526 = tpu.memref_squeeze %dma_start3A_525 : memref<1x400xi32, #tpu.memory_space<vmem>> -> memref<400xi32, #tpu.memory_space<vmem>>
        %dma_start3A_527 = tpu.memref_slice %arg3[%dma_start3A_522, %mul3A_521] : memref<2x320000xi32, #tpu.memory_space<hbm>> -> memref<1x400xi32, #tpu.memory_space<hbm>>
        %dma_start3A_528 = tpu.memref_squeeze %dma_start3A_527 : memref<1x400xi32, #tpu.memory_space<hbm>> -> memref<400xi32, #tpu.memory_space<hbm>>
        %dma_start3A_529 = arith.constant 0 : i32
        %dma_start3A_530 = tpu.memref_slice %arg7[%dma_start3A_523, %dma_start3A_529] : memref<2x800xi32, #tpu.memory_space<vmem>> -> memref<1x400xi32, #tpu.memory_space<vmem>>
        %dma_start3A_531 = tpu.memref_squeeze %dma_start3A_530 : memref<1x400xi32, #tpu.memory_space<vmem>> -> memref<400xi32, #tpu.memory_space<vmem>>
        %dma_start3A_532 = tpu.memref_slice %arg3[%dma_start3A_522, %mul3A_521] : memref<2x320000xi32, #tpu.memory_space<hbm>> -> memref<1x400xi32, #tpu.memory_space<hbm>>
        %dma_start3A_533 = tpu.memref_squeeze %dma_start3A_532 : memref<1x400xi32, #tpu.memory_space<hbm>> -> memref<400xi32, #tpu.memory_space<hbm>>
        tpu.enqueue_dma source(%dma_start3A_533 : memref<400xi32, #tpu.memory_space<hbm>>) target(%dma_start3A_531 : memref<400xi32, #tpu.memory_space<vmem>>) target_semaphore(%arg14 : memref<!tpu.dma_semaphore, #tpu.memory_space<semaphore_mem>>)
        %dma_start3A_534 = arith.constant 1 : i32
        %dma_start3A_535 = arith.constant 1 : i32
        %dma_start3A_536 = arith.constant 400 : i32
        %dma_start3A_537 = tpu.memref_slice %arg7[%dma_start3A_535, %dma_start3A_536] : memref<2x800xi32, #tpu.memory_space<vmem>> -> memref<1x400xi32, #tpu.memory_space<vmem>>
        %dma_start3A_538 = tpu.memref_squeeze %dma_start3A_537 : memref<1x400xi32, #tpu.memory_space<vmem>> -> memref<400xi32, #tpu.memory_space<vmem>>
        %dma_start3A_539 = tpu.memref_slice %arg3[%dma_start3A_534, %mul3A_521] : memref<2x320000xi32, #tpu.memory_space<hbm>> -> memref<1x400xi32, #tpu.memory_space<hbm>>
        %dma_start3A_540 = tpu.memref_squeeze %dma_start3A_539 : memref<1x400xi32, #tpu.memory_space<hbm>> -> memref<400xi32, #tpu.memory_space<hbm>>
        %dma_start3A_541 = arith.constant 400 : i32
        %dma_start3A_542 = tpu.memref_slice %arg7[%dma_start3A_535, %dma_start3A_541] : memref<2x800xi32, #tpu.memory_space<vmem>> -> memref<1x400xi32, #tpu.memory_space<vmem>>
        %dma_start3A_543 = tpu.memref_squeeze %dma_start3A_542 : memref<1x400xi32, #tpu.memory_space<vmem>> -> memref<400xi32, #tpu.memory_space<vmem>>
        %dma_start3A_544 = tpu.memref_slice %arg3[%dma_start3A_534, %mul3A_521] : memref<2x320000xi32, #tpu.memory_space<hbm>> -> memref<1x400xi32, #tpu.memory_space<hbm>>
        %dma_start3A_545 = tpu.memref_squeeze %dma_start3A_544 : memref<1x400xi32, #tpu.memory_space<hbm>> -> memref<400xi32, #tpu.memory_space<hbm>>
        tpu.enqueue_dma source(%dma_start3A_545 : memref<400xi32, #tpu.memory_space<hbm>>) target(%dma_start3A_543 : memref<400xi32, #tpu.memory_space<vmem>>) target_semaphore(%arg14 : memref<!tpu.dma_semaphore, #tpu.memory_space<semaphore_mem>>)
      } else {
      }
      %ge3A_417 = arith.constant 2 : i32
      %ge3A_418 = arith.cmpi sge, %add3A_401, %ge3A_417 : i32
      %convert_element_type3A_419 = arith.extui %ge3A_418 : i1 to i32
      %cond3A_420 = arith.constant 0 : i32
      %cond3A_421 = arith.cmpi ne, %convert_element_type3A_419, %cond3A_420 : i32
      scf.if %cond3A_421 {
        %sub3A_518 = arith.constant 2 : i32
        %sub3A_519 = arith.subi %add3A_402, %sub3A_518 : i32
        %dma_wait3A_520 = arith.constant 1 : i32
        %dma_wait3A_521 = arith.constant 0 : i32
        %dma_wait3A_522 = tpu.memref_slice %arg9[%dma_wait3A_520, %dma_wait3A_521] : memref<2x400xf32, #tpu.memory_space<vmem>> -> memref<1x400xf32, #tpu.memory_space<vmem>>
        %dma_wait3A_523 = tpu.memref_squeeze %dma_wait3A_522 : memref<1x400xf32, #tpu.memory_space<vmem>> -> memref<400xf32, #tpu.memory_space<vmem>>
        %dma_wait3A_524 = arith.constant 0 : i32
        %dma_wait3A_525 = tpu.memref_slice %arg6[%sub3A_519, %dma_wait3A_524] : memref<800x400xf32, #tpu.memory_space<hbm>> -> memref<1x400xf32, #tpu.memory_space<hbm>>
        %dma_wait3A_526 = tpu.memref_squeeze %dma_wait3A_525 : memref<1x400xf32, #tpu.memory_space<hbm>> -> memref<400xf32, #tpu.memory_space<hbm>>
        %dma_wait3A_527 = arith.constant 0 : i32
        %dma_wait3A_528 = tpu.memref_slice %arg6[%sub3A_519, %dma_wait3A_527] : memref<800x400xf32, #tpu.memory_space<hbm>> -> memref<1x400xf32, #tpu.memory_space<hbm>>
        %dma_wait3A_529 = tpu.memref_squeeze %dma_wait3A_528 : memref<1x400xf32, #tpu.memory_space<hbm>> -> memref<400xf32, #tpu.memory_space<hbm>>
        %dma_wait3A_530 = arith.constant 0 : i32
        %dma_wait3A_531 = tpu.memref_slice %arg9[%dma_wait3A_520, %dma_wait3A_530] : memref<2x400xf32, #tpu.memory_space<vmem>> -> memref<1x400xf32, #tpu.memory_space<vmem>>
        %dma_wait3A_532 = tpu.memref_squeeze %dma_wait3A_531 : memref<1x400xf32, #tpu.memory_space<vmem>> -> memref<400xf32, #tpu.memory_space<vmem>>
        tpu.wait_dma2 semaphore(%arg17 : memref<!tpu.dma_semaphore, #tpu.memory_space<semaphore_mem>>) src(%dma_wait3A_532 : memref<400xf32, #tpu.memory_space<vmem>>) dst(%dma_wait3A_529 : memref<400xf32, #tpu.memory_space<hbm>>)
      } else {
      }
      %iota3A_422 = tpu.iota {dimensions = array<i32: 0>} : vector<16xi32>
      %scan3A_423 = arith.constant 1 : i32
      %scan3A_424 = arith.constant 0 : i32
      %scan3A_425 = arith.constant 12 : i32
      %scan3A_426 = arith.addi %scan3A_424, %scan3A_425 : i32
      %scan3A_427 = arith.constant 1 : i32
      scf.for %scan3A_518 = %scan3A_424 to %scan3A_426 step %scan3A_427  : i32 {
        %mul3A_519 = arith.constant 32 : i32
        %mul3A_520 = arith.muli %scan3A_518, %mul3A_519 : i32
        %add3A_521 = arith.constant 0 : i32
        %add3A_522 = arith.addi %add3A_521, %mul3A_520 : i32
        %add3A_523 = vector.broadcast %add3A_522 : i32 to vector<16xi32>
        %add3A_524 = arith.addi %add3A_523, %iota3A_422 : vector<16xi32>
        %add3A_525 = arith.constant 400 : i32
        %add3A_526 = vector.broadcast %add3A_525 : i32 to vector<16xi32>
        %add3A_527 = arith.addi %add3A_524, %add3A_526 : vector<16xi32>
        %add3A_528 = arith.constant 16 : i32
        %add3A_529 = vector.broadcast %add3A_528 : i32 to vector<16xi32>
        %add3A_530 = arith.addi %add3A_524, %add3A_529 : vector<16xi32>
        %add3A_531 = arith.constant 400 : i32
        %add3A_532 = vector.broadcast %add3A_531 : i32 to vector<16xi32>
        %add3A_533 = arith.addi %add3A_530, %add3A_532 : vector<16xi32>
        %broadcast_in_dim3A_534 = arith.constant 0.000000e+00 : bf16
        %broadcast_in_dim3A_535 = vector.broadcast %broadcast_in_dim3A_534 : bf16 to vector<32xbf16>
        %scan3A_536 = arith.constant 0 : i32
        %scan3A_537 = arith.constant 4 : i32
        %scan3A_538 = arith.addi %scan3A_536, %scan3A_537 : i32
        %scan3A_539 = arith.constant 1 : i32
        %scan3A_540:2 = scf.for %scan3A_588 = %scan3A_536 to %scan3A_538 step %scan3A_539 iter_args(%scan3A_589 = %broadcast_in_dim3A_535, %scan3A_590 = %broadcast_in_dim3A_535) -> (vector<32xbf16>, vector<32xbf16>)  : i32 {
          %mul3A_591 = arith.constant 8 : i32
          %mul3A_592 = arith.muli %scan3A_588, %mul3A_591 : i32
          %add3A_593 = arith.constant 0 : i32
          %add3A_594 = arith.addi %mul3A_592, %add3A_593 : i32
          %add3A_595 = vector.broadcast %add3A_594 : i32 to vector<16xi32>
          %add3A_596 = arith.addi %iota3A_422, %add3A_595 : vector<16xi32>
          %and3A = arith.constant 31 : i32
          %and3A_597 = vector.broadcast %and3A : i32 to vector<16xi32>
          %and3A_598 = arith.andi %add3A_596, %and3A_597 : vector<16xi32>
          %get3A_599 = arith.index_cast %add3A_594 : i32 to index
          %get3A_600 = arith.constant 0 : index
          %get3A_601 = tpu.vector_load %arg10[%get3A_599, %get3A_600] {strides = array<i32>} : memref<32x16xi32, #tpu.memory_space<vmem>>, vector<16xi32>,
          %bitcast3A = vector.bitcast %get3A_601 : vector<16xi32> to vector<32xbf16>
          %gather3A = arith.constant 0 : i32
          %gather3A_602 = arith.constant 0 : i32
          %gather3A_603 = tpu.memref_slice %arg8[%scan3A_423, %gather3A, %gather3A_602] : memref<2x800x32xi32, #tpu.memory_space<vmem>> -> memref<1x800x32xi32, #tpu.memory_space<vmem>>
          %gather3A_604 = tpu.memref_squeeze %gather3A_603 : memref<1x800x32xi32, #tpu.memory_space<vmem>> -> memref<800x32xi32, #tpu.memory_space<vmem>>
          %gather3A_605 = tpu.vector_load_idx %gather3A_604[%add3A_524, %and3A_598] : memref<800x32xi32, #tpu.memory_space<vmem>>[vector<16xi32>, vector<16xi32>], vector<16xi32>,
          %gather3A_606 = arith.constant 0 : i32
          %gather3A_607 = arith.constant 0 : i32
          %gather3A_608 = tpu.memref_slice %arg8[%scan3A_423, %gather3A_606, %gather3A_607] : memref<2x800x32xi32, #tpu.memory_space<vmem>> -> memref<1x800x32xi32, #tpu.memory_space<vmem>>
          %gather3A_609 = tpu.memref_squeeze %gather3A_608 : memref<1x800x32xi32, #tpu.memory_space<vmem>> -> memref<800x32xi32, #tpu.memory_space<vmem>>
          %gather3A_610 = tpu.vector_load_idx %gather3A_609[%add3A_527, %and3A_598] : memref<800x32xi32, #tpu.memory_space<vmem>>[vector<16xi32>, vector<16xi32>], vector<16xi32>,
          %gather3A_611 = arith.constant 0 : i32
          %gather3A_612 = arith.constant 0 : i32
          %gather3A_613 = tpu.memref_slice %arg8[%scan3A_423, %gather3A_611, %gather3A_612] : memref<2x800x32xi32, #tpu.memory_space<vmem>> -> memref<1x800x32xi32, #tpu.memory_space<vmem>>
          %gather3A_614 = tpu.memref_squeeze %gather3A_613 : memref<1x800x32xi32, #tpu.memory_space<vmem>> -> memref<800x32xi32, #tpu.memory_space<vmem>>
          %gather3A_615 = tpu.vector_load_idx %gather3A_614[%add3A_530, %and3A_598] : memref<800x32xi32, #tpu.memory_space<vmem>>[vector<16xi32>, vector<16xi32>], vector<16xi32>,
          %gather3A_616 = arith.constant 0 : i32
          %gather3A_617 = arith.constant 0 : i32
          %gather3A_618 = tpu.memref_slice %arg8[%scan3A_423, %gather3A_616, %gather3A_617] : memref<2x800x32xi32, #tpu.memory_space<vmem>> -> memref<1x800x32xi32, #tpu.memory_space<vmem>>
          %gather3A_619 = tpu.memref_squeeze %gather3A_618 : memref<1x800x32xi32, #tpu.memory_space<vmem>> -> memref<800x32xi32, #tpu.memory_space<vmem>>
          %gather3A_620 = tpu.vector_load_idx %gather3A_619[%add3A_533, %and3A_598] : memref<800x32xi32, #tpu.memory_space<vmem>>[vector<16xi32>, vector<16xi32>], vector<16xi32>,
          %bitcast3A_621 = vector.bitcast %gather3A_605 : vector<16xi32> to vector<32xbf16>
          %bitcast3A_622 = vector.bitcast %gather3A_610 : vector<16xi32> to vector<32xbf16>
          %add3A_623 = arith.addf %bitcast3A_621, %bitcast3A_622 : vector<32xbf16>
          %max3A = arith.constant 0.000000e+00 : bf16
          %max3A_624 = vector.broadcast %max3A : bf16 to vector<32xbf16>
          %max3A_625 = arith.maximumf %add3A_623, %max3A_624 : vector<32xbf16>
          %mul3A_626 = arith.mulf %max3A_625, %bitcast3A : vector<32xbf16>
          %add3A_627 = arith.addf %scan3A_589, %mul3A_626 : vector<32xbf16>
          %bitcast3A_628 = vector.bitcast %gather3A_615 : vector<16xi32> to vector<32xbf16>
          %bitcast3A_629 = vector.bitcast %gather3A_620 : vector<16xi32> to vector<32xbf16>
          %add3A_630 = arith.addf %bitcast3A_628, %bitcast3A_629 : vector<32xbf16>
          %max3A_631 = arith.constant 0.000000e+00 : bf16
          %max3A_632 = vector.broadcast %max3A_631 : bf16 to vector<32xbf16>
          %max3A_633 = arith.maximumf %add3A_630, %max3A_632 : vector<32xbf16>
          %mul3A_634 = arith.mulf %max3A_633, %bitcast3A : vector<32xbf16>
          %add3A_635 = arith.addf %scan3A_590, %mul3A_634 : vector<32xbf16>
          %add3A_636 = arith.constant 1 : i32
          %add3A_637 = arith.addi %mul3A_592, %add3A_636 : i32
          %add3A_638 = vector.broadcast %add3A_637 : i32 to vector<16xi32>
          %add3A_639 = arith.addi %iota3A_422, %add3A_638 : vector<16xi32>
          %and3A_640 = arith.constant 31 : i32
          %and3A_641 = vector.broadcast %and3A_640 : i32 to vector<16xi32>
          %and3A_642 = arith.andi %add3A_639, %and3A_641 : vector<16xi32>
          %get3A_643 = arith.index_cast %add3A_637 : i32 to index
          %get3A_644 = arith.constant 0 : index
          %get3A_645 = tpu.vector_load %arg10[%get3A_643, %get3A_644] {strides = array<i32>} : memref<32x16xi32, #tpu.memory_space<vmem>>, vector<16xi32>,
          %bitcast3A_646 = vector.bitcast %get3A_645 : vector<16xi32> to vector<32xbf16>
          %gather3A_647 = arith.constant 0 : i32
          %gather3A_648 = arith.constant 0 : i32
          %gather3A_649 = tpu.memref_slice %arg8[%scan3A_423, %gather3A_647, %gather3A_648] : memref<2x800x32xi32, #tpu.memory_space<vmem>> -> memref<1x800x32xi32, #tpu.memory_space<vmem>>
          %gather3A_650 = tpu.memref_squeeze %gather3A_649 : memref<1x800x32xi32, #tpu.memory_space<vmem>> -> memref<800x32xi32, #tpu.memory_space<vmem>>
          %gather3A_651 = tpu.vector_load_idx %gather3A_650[%add3A_524, %and3A_642] : memref<800x32xi32, #tpu.memory_space<vmem>>[vector<16xi32>, vector<16xi32>], vector<16xi32>,
          %gather3A_652 = arith.constant 0 : i32
          %gather3A_653 = arith.constant 0 : i32
          %gather3A_654 = tpu.memref_slice %arg8[%scan3A_423, %gather3A_652, %gather3A_653] : memref<2x800x32xi32, #tpu.memory_space<vmem>> -> memref<1x800x32xi32, #tpu.memory_space<vmem>>
          %gather3A_655 = tpu.memref_squeeze %gather3A_654 : memref<1x800x32xi32, #tpu.memory_space<vmem>> -> memref<800x32xi32, #tpu.memory_space<vmem>>
          %gather3A_656 = tpu.vector_load_idx %gather3A_655[%add3A_527, %and3A_642] : memref<800x32xi32, #tpu.memory_space<vmem>>[vector<16xi32>, vector<16xi32>], vector<16xi32>,
          %gather3A_657 = arith.constant 0 : i32
          %gather3A_658 = arith.constant 0 : i32
          %gather3A_659 = tpu.memref_slice %arg8[%scan3A_423, %gather3A_657, %gather3A_658] : memref<2x800x32xi32, #tpu.memory_space<vmem>> -> memref<1x800x32xi32, #tpu.memory_space<vmem>>
          %gather3A_660 = tpu.memref_squeeze %gather3A_659 : memref<1x800x32xi32, #tpu.memory_space<vmem>> -> memref<800x32xi32, #tpu.memory_space<vmem>>
          %gather3A_661 = tpu.vector_load_idx %gather3A_660[%add3A_530, %and3A_642] : memref<800x32xi32, #tpu.memory_space<vmem>>[vector<16xi32>, vector<16xi32>], vector<16xi32>,
          %gather3A_662 = arith.constant 0 : i32
          %gather3A_663 = arith.constant 0 : i32
          %gather3A_664 = tpu.memref_slice %arg8[%scan3A_423, %gather3A_662, %gather3A_663] : memref<2x800x32xi32, #tpu.memory_space<vmem>> -> memref<1x800x32xi32, #tpu.memory_space<vmem>>
          %gather3A_665 = tpu.memref_squeeze %gather3A_664 : memref<1x800x32xi32, #tpu.memory_space<vmem>> -> memref<800x32xi32, #tpu.memory_space<vmem>>
          %gather3A_666 = tpu.vector_load_idx %gather3A_665[%add3A_533, %and3A_642] : memref<800x32xi32, #tpu.memory_space<vmem>>[vector<16xi32>, vector<16xi32>], vector<16xi32>,
          %bitcast3A_667 = vector.bitcast %gather3A_651 : vector<16xi32> to vector<32xbf16>
          %bitcast3A_668 = vector.bitcast %gather3A_656 : vector<16xi32> to vector<32xbf16>
          %add3A_669 = arith.addf %bitcast3A_667, %bitcast3A_668 : vector<32xbf16>
          %max3A_670 = arith.constant 0.000000e+00 : bf16
          %max3A_671 = vector.broadcast %max3A_670 : bf16 to vector<32xbf16>
          %max3A_672 = arith.maximumf %add3A_669, %max3A_671 : vector<32xbf16>
          %mul3A_673 = arith.mulf %max3A_672, %bitcast3A_646 : vector<32xbf16>
          %add3A_674 = arith.addf %add3A_627, %mul3A_673 : vector<32xbf16>
          %bitcast3A_675 = vector.bitcast %gather3A_661 : vector<16xi32> to vector<32xbf16>
          %bitcast3A_676 = vector.bitcast %gather3A_666 : vector<16xi32> to vector<32xbf16>
          %add3A_677 = arith.addf %bitcast3A_675, %bitcast3A_676 : vector<32xbf16>
          %max3A_678 = arith.constant 0.000000e+00 : bf16
          %max3A_679 = vector.broadcast %max3A_678 : bf16 to vector<32xbf16>
          %max3A_680 = arith.maximumf %add3A_677, %max3A_679 : vector<32xbf16>
          %mul3A_681 = arith.mulf %max3A_680, %bitcast3A_646 : vector<32xbf16>
          %add3A_682 = arith.addf %add3A_635, %mul3A_681 : vector<32xbf16>
          %add3A_683 = arith.constant 2 : i32
          %add3A_684 = arith.addi %mul3A_592, %add3A_683 : i32
          %add3A_685 = vector.broadcast %add3A_684 : i32 to vector<16xi32>
          %add3A_686 = arith.addi %iota3A_422, %add3A_685 : vector<16xi32>
          %and3A_687 = arith.constant 31 : i32
          %and3A_688 = vector.broadcast %and3A_687 : i32 to vector<16xi32>
          %and3A_689 = arith.andi %add3A_686, %and3A_688 : vector<16xi32>
          %get3A_690 = arith.index_cast %add3A_684 : i32 to index
          %get3A_691 = arith.constant 0 : index
          %get3A_692 = tpu.vector_load %arg10[%get3A_690, %get3A_691] {strides = array<i32>} : memref<32x16xi32, #tpu.memory_space<vmem>>, vector<16xi32>,
          %bitcast3A_693 = vector.bitcast %get3A_692 : vector<16xi32> to vector<32xbf16>
          %gather3A_694 = arith.constant 0 : i32
          %gather3A_695 = arith.constant 0 : i32
          %gather3A_696 = tpu.memref_slice %arg8[%scan3A_423, %gather3A_694, %gather3A_695] : memref<2x800x32xi32, #tpu.memory_space<vmem>> -> memref<1x800x32xi32, #tpu.memory_space<vmem>>
          %gather3A_697 = tpu.memref_squeeze %gather3A_696 : memref<1x800x32xi32, #tpu.memory_space<vmem>> -> memref<800x32xi32, #tpu.memory_space<vmem>>
          %gather3A_698 = tpu.vector_load_idx %gather3A_697[%add3A_524, %and3A_689] : memref<800x32xi32, #tpu.memory_space<vmem>>[vector<16xi32>, vector<16xi32>], vector<16xi32>,
          %gather3A_699 = arith.constant 0 : i32
          %gather3A_700 = arith.constant 0 : i32
          %gather3A_701 = tpu.memref_slice %arg8[%scan3A_423, %gather3A_699, %gather3A_700] : memref<2x800x32xi32, #tpu.memory_space<vmem>> -> memref<1x800x32xi32, #tpu.memory_space<vmem>>
          %gather3A_702 = tpu.memref_squeeze %gather3A_701 : memref<1x800x32xi32, #tpu.memory_space<vmem>> -> memref<800x32xi32, #tpu.memory_space<vmem>>
          %gather3A_703 = tpu.vector_load_idx %gather3A_702[%add3A_527, %and3A_689] : memref<800x32xi32, #tpu.memory_space<vmem>>[vector<16xi32>, vector<16xi32>], vector<16xi32>,
          %gather3A_704 = arith.constant 0 : i32
          %gather3A_705 = arith.constant 0 : i32
          %gather3A_706 = tpu.memref_slice %arg8[%scan3A_423, %gather3A_704, %gather3A_705] : memref<2x800x32xi32, #tpu.memory_space<vmem>> -> memref<1x800x32xi32, #tpu.memory_space<vmem>>
          %gather3A_707 = tpu.memref_squeeze %gather3A_706 : memref<1x800x32xi32, #tpu.memory_space<vmem>> -> memref<800x32xi32, #tpu.memory_space<vmem>>
          %gather3A_708 = tpu.vector_load_idx %gather3A_707[%add3A_530, %and3A_689] : memref<800x32xi32, #tpu.memory_space<vmem>>[vector<16xi32>, vector<16xi32>], vector<16xi32>,
          %gather3A_709 = arith.constant 0 : i32
          %gather3A_710 = arith.constant 0 : i32
          %gather3A_711 = tpu.memref_slice %arg8[%scan3A_423, %gather3A_709, %gather3A_710] : memref<2x800x32xi32, #tpu.memory_space<vmem>> -> memref<1x800x32xi32, #tpu.memory_space<vmem>>
          %gather3A_712 = tpu.memref_squeeze %gather3A_711 : memref<1x800x32xi32, #tpu.memory_space<vmem>> -> memref<800x32xi32, #tpu.memory_space<vmem>>
          %gather3A_713 = tpu.vector_load_idx %gather3A_712[%add3A_533, %and3A_689] : memref<800x32xi32, #tpu.memory_space<vmem>>[vector<16xi32>, vector<16xi32>], vector<16xi32>,
          %bitcast3A_714 = vector.bitcast %gather3A_698 : vector<16xi32> to vector<32xbf16>
          %bitcast3A_715 = vector.bitcast %gather3A_703 : vector<16xi32> to vector<32xbf16>
          %add3A_716 = arith.addf %bitcast3A_714, %bitcast3A_715 : vector<32xbf16>
          %max3A_717 = arith.constant 0.000000e+00 : bf16
          %max3A_718 = vector.broadcast %max3A_717 : bf16 to vector<32xbf16>
          %max3A_719 = arith.maximumf %add3A_716, %max3A_718 : vector<32xbf16>
          %mul3A_720 = arith.mulf %max3A_719, %bitcast3A_693 : vector<32xbf16>
          %add3A_721 = arith.addf %add3A_674, %mul3A_720 : vector<32xbf16>
          %bitcast3A_722 = vector.bitcast %gather3A_708 : vector<16xi32> to vector<32xbf16>
          %bitcast3A_723 = vector.bitcast %gather3A_713 : vector<16xi32> to vector<32xbf16>
          %add3A_724 = arith.addf %bitcast3A_722, %bitcast3A_723 : vector<32xbf16>
          %max3A_725 = arith.constant 0.000000e+00 : bf16
          %max3A_726 = vector.broadcast %max3A_725 : bf16 to vector<32xbf16>
          %max3A_727 = arith.maximumf %add3A_724, %max3A_726 : vector<32xbf16>
          %mul3A_728 = arith.mulf %max3A_727, %bitcast3A_693 : vector<32xbf16>
          %add3A_729 = arith.addf %add3A_682, %mul3A_728 : vector<32xbf16>
          %add3A_730 = arith.constant 3 : i32
          %add3A_731 = arith.addi %mul3A_592, %add3A_730 : i32
          %add3A_732 = vector.broadcast %add3A_731 : i32 to vector<16xi32>
          %add3A_733 = arith.addi %iota3A_422, %add3A_732 : vector<16xi32>
          %and3A_734 = arith.constant 31 : i32
          %and3A_735 = vector.broadcast %and3A_734 : i32 to vector<16xi32>
          %and3A_736 = arith.andi %add3A_733, %and3A_735 : vector<16xi32>
          %get3A_737 = arith.index_cast %add3A_731 : i32 to index
          %get3A_738 = arith.constant 0 : index
          %get3A_739 = tpu.vector_load %arg10[%get3A_737, %get3A_738] {strides = array<i32>} : memref<32x16xi32, #tpu.memory_space<vmem>>, vector<16xi32>,
          %bitcast3A_740 = vector.bitcast %get3A_739 : vector<16xi32> to vector<32xbf16>
          %gather3A_741 = arith.constant 0 : i32
          %gather3A_742 = arith.constant 0 : i32
          %gather3A_743 = tpu.memref_slice %arg8[%scan3A_423, %gather3A_741, %gather3A_742] : memref<2x800x32xi32, #tpu.memory_space<vmem>> -> memref<1x800x32xi32, #tpu.memory_space<vmem>>
          %gather3A_744 = tpu.memref_squeeze %gather3A_743 : memref<1x800x32xi32, #tpu.memory_space<vmem>> -> memref<800x32xi32, #tpu.memory_space<vmem>>
          %gather3A_745 = tpu.vector_load_idx %gather3A_744[%add3A_524, %and3A_736] : memref<800x32xi32, #tpu.memory_space<vmem>>[vector<16xi32>, vector<16xi32>], vector<16xi32>,
          %gather3A_746 = arith.constant 0 : i32
          %gather3A_747 = arith.constant 0 : i32
          %gather3A_748 = tpu.memref_slice %arg8[%scan3A_423, %gather3A_746, %gather3A_747] : memref<2x800x32xi32, #tpu.memory_space<vmem>> -> memref<1x800x32xi32, #tpu.memory_space<vmem>>
          %gather3A_749 = tpu.memref_squeeze %gather3A_748 : memref<1x800x32xi32, #tpu.memory_space<vmem>> -> memref<800x32xi32, #tpu.memory_space<vmem>>
          %gather3A_750 = tpu.vector_load_idx %gather3A_749[%add3A_527, %and3A_736] : memref<800x32xi32, #tpu.memory_space<vmem>>[vector<16xi32>, vector<16xi32>], vector<16xi32>,
          %gather3A_751 = arith.constant 0 : i32
          %gather3A_752 = arith.constant 0 : i32
          %gather3A_753 = tpu.memref_slice %arg8[%scan3A_423, %gather3A_751, %gather3A_752] : memref<2x800x32xi32, #tpu.memory_space<vmem>> -> memref<1x800x32xi32, #tpu.memory_space<vmem>>
          %gather3A_754 = tpu.memref_squeeze %gather3A_753 : memref<1x800x32xi32, #tpu.memory_space<vmem>> -> memref<800x32xi32, #tpu.memory_space<vmem>>
          %gather3A_755 = tpu.vector_load_idx %gather3A_754[%add3A_530, %and3A_736] : memref<800x32xi32, #tpu.memory_space<vmem>>[vector<16xi32>, vector<16xi32>], vector<16xi32>,
          %gather3A_756 = arith.constant 0 : i32
          %gather3A_757 = arith.constant 0 : i32
          %gather3A_758 = tpu.memref_slice %arg8[%scan3A_423, %gather3A_756, %gather3A_757] : memref<2x800x32xi32, #tpu.memory_space<vmem>> -> memref<1x800x32xi32, #tpu.memory_space<vmem>>
          %gather3A_759 = tpu.memref_squeeze %gather3A_758 : memref<1x800x32xi32, #tpu.memory_space<vmem>> -> memref<800x32xi32, #tpu.memory_space<vmem>>
          %gather3A_760 = tpu.vector_load_idx %gather3A_759[%add3A_533, %and3A_736] : memref<800x32xi32, #tpu.memory_space<vmem>>[vector<16xi32>, vector<16xi32>], vector<16xi32>,
          %bitcast3A_761 = vector.bitcast %gather3A_745 : vector<16xi32> to vector<32xbf16>
          %bitcast3A_762 = vector.bitcast %gather3A_750 : vector<16xi32> to vector<32xbf16>
          %add3A_763 = arith.addf %bitcast3A_761, %bitcast3A_762 : vector<32xbf16>
          %max3A_764 = arith.constant 0.000000e+00 : bf16
          %max3A_765 = vector.broadcast %max3A_764 : bf16 to vector<32xbf16>
          %max3A_766 = arith.maximumf %add3A_763, %max3A_765 : vector<32xbf16>
          %mul3A_767 = arith.mulf %max3A_766, %bitcast3A_740 : vector<32xbf16>
          %add3A_768 = arith.addf %add3A_721, %mul3A_767 : vector<32xbf16>
          %bitcast3A_769 = vector.bitcast %gather3A_755 : vector<16xi32> to vector<32xbf16>
          %bitcast3A_770 = vector.bitcast %gather3A_760 : vector<16xi32> to vector<32xbf16>
          %add3A_771 = arith.addf %bitcast3A_769, %bitcast3A_770 : vector<32xbf16>
          %max3A_772 = arith.constant 0.000000e+00 : bf16
          %max3A_773 = vector.broadcast %max3A_772 : bf16 to vector<32xbf16>
          %max3A_774 = arith.maximumf %add3A_771, %max3A_773 : vector<32xbf16>
          %mul3A_775 = arith.mulf %max3A_774, %bitcast3A_740 : vector<32xbf16>
          %add3A_776 = arith.addf %add3A_729, %mul3A_775 : vector<32xbf16>
          %add3A_777 = arith.constant 4 : i32
          %add3A_778 = arith.addi %mul3A_592, %add3A_777 : i32
          %add3A_779 = vector.broadcast %add3A_778 : i32 to vector<16xi32>
          %add3A_780 = arith.addi %iota3A_422, %add3A_779 : vector<16xi32>
          %and3A_781 = arith.constant 31 : i32
          %and3A_782 = vector.broadcast %and3A_781 : i32 to vector<16xi32>
          %and3A_783 = arith.andi %add3A_780, %and3A_782 : vector<16xi32>
          %get3A_784 = arith.index_cast %add3A_778 : i32 to index
          %get3A_785 = arith.constant 0 : index
          %get3A_786 = tpu.vector_load %arg10[%get3A_784, %get3A_785] {strides = array<i32>} : memref<32x16xi32, #tpu.memory_space<vmem>>, vector<16xi32>,
          %bitcast3A_787 = vector.bitcast %get3A_786 : vector<16xi32> to vector<32xbf16>
          %gather3A_788 = arith.constant 0 : i32
          %gather3A_789 = arith.constant 0 : i32
          %gather3A_790 = tpu.memref_slice %arg8[%scan3A_423, %gather3A_788, %gather3A_789] : memref<2x800x32xi32, #tpu.memory_space<vmem>> -> memref<1x800x32xi32, #tpu.memory_space<vmem>>
          %gather3A_791 = tpu.memref_squeeze %gather3A_790 : memref<1x800x32xi32, #tpu.memory_space<vmem>> -> memref<800x32xi32, #tpu.memory_space<vmem>>
          %gather3A_792 = tpu.vector_load_idx %gather3A_791[%add3A_524, %and3A_783] : memref<800x32xi32, #tpu.memory_space<vmem>>[vector<16xi32>, vector<16xi32>], vector<16xi32>,
          %gather3A_793 = arith.constant 0 : i32
          %gather3A_794 = arith.constant 0 : i32
          %gather3A_795 = tpu.memref_slice %arg8[%scan3A_423, %gather3A_793, %gather3A_794] : memref<2x800x32xi32, #tpu.memory_space<vmem>> -> memref<1x800x32xi32, #tpu.memory_space<vmem>>
          %gather3A_796 = tpu.memref_squeeze %gather3A_795 : memref<1x800x32xi32, #tpu.memory_space<vmem>> -> memref<800x32xi32, #tpu.memory_space<vmem>>
          %gather3A_797 = tpu.vector_load_idx %gather3A_796[%add3A_527, %and3A_783] : memref<800x32xi32, #tpu.memory_space<vmem>>[vector<16xi32>, vector<16xi32>], vector<16xi32>,
          %gather3A_798 = arith.constant 0 : i32
          %gather3A_799 = arith.constant 0 : i32
          %gather3A_800 = tpu.memref_slice %arg8[%scan3A_423, %gather3A_798, %gather3A_799] : memref<2x800x32xi32, #tpu.memory_space<vmem>> -> memref<1x800x32xi32, #tpu.memory_space<vmem>>
          %gather3A_801 = tpu.memref_squeeze %gather3A_800 : memref<1x800x32xi32, #tpu.memory_space<vmem>> -> memref<800x32xi32, #tpu.memory_space<vmem>>
          %gather3A_802 = tpu.vector_load_idx %gather3A_801[%add3A_530, %and3A_783] : memref<800x32xi32, #tpu.memory_space<vmem>>[vector<16xi32>, vector<16xi32>], vector<16xi32>,
          %gather3A_803 = arith.constant 0 : i32
          %gather3A_804 = arith.constant 0 : i32
          %gather3A_805 = tpu.memref_slice %arg8[%scan3A_423, %gather3A_803, %gather3A_804] : memref<2x800x32xi32, #tpu.memory_space<vmem>> -> memref<1x800x32xi32, #tpu.memory_space<vmem>>
          %gather3A_806 = tpu.memref_squeeze %gather3A_805 : memref<1x800x32xi32, #tpu.memory_space<vmem>> -> memref<800x32xi32, #tpu.memory_space<vmem>>
          %gather3A_807 = tpu.vector_load_idx %gather3A_806[%add3A_533, %and3A_783] : memref<800x32xi32, #tpu.memory_space<vmem>>[vector<16xi32>, vector<16xi32>], vector<16xi32>,
          %bitcast3A_808 = vector.bitcast %gather3A_792 : vector<16xi32> to vector<32xbf16>
          %bitcast3A_809 = vector.bitcast %gather3A_797 : vector<16xi32> to vector<32xbf16>
          %add3A_810 = arith.addf %bitcast3A_808, %bitcast3A_809 : vector<32xbf16>
          %max3A_811 = arith.constant 0.000000e+00 : bf16
          %max3A_812 = vector.broadcast %max3A_811 : bf16 to vector<32xbf16>
          %max3A_813 = arith.maximumf %add3A_810, %max3A_812 : vector<32xbf16>
          %mul3A_814 = arith.mulf %max3A_813, %bitcast3A_787 : vector<32xbf16>
          %add3A_815 = arith.addf %add3A_768, %mul3A_814 : vector<32xbf16>
          %bitcast3A_816 = vector.bitcast %gather3A_802 : vector<16xi32> to vector<32xbf16>
          %bitcast3A_817 = vector.bitcast %gather3A_807 : vector<16xi32> to vector<32xbf16>
          %add3A_818 = arith.addf %bitcast3A_816, %bitcast3A_817 : vector<32xbf16>
          %max3A_819 = arith.constant 0.000000e+00 : bf16
          %max3A_820 = vector.broadcast %max3A_819 : bf16 to vector<32xbf16>
          %max3A_821 = arith.maximumf %add3A_818, %max3A_820 : vector<32xbf16>
          %mul3A_822 = arith.mulf %max3A_821, %bitcast3A_787 : vector<32xbf16>
          %add3A_823 = arith.addf %add3A_776, %mul3A_822 : vector<32xbf16>
          %add3A_824 = arith.constant 5 : i32
          %add3A_825 = arith.addi %mul3A_592, %add3A_824 : i32
          %add3A_826 = vector.broadcast %add3A_825 : i32 to vector<16xi32>
          %add3A_827 = arith.addi %iota3A_422, %add3A_826 : vector<16xi32>
          %and3A_828 = arith.constant 31 : i32
          %and3A_829 = vector.broadcast %and3A_828 : i32 to vector<16xi32>
          %and3A_830 = arith.andi %add3A_827, %and3A_829 : vector<16xi32>
          %get3A_831 = arith.index_cast %add3A_825 : i32 to index
          %get3A_832 = arith.constant 0 : index
          %get3A_833 = tpu.vector_load %arg10[%get3A_831, %get3A_832] {strides = array<i32>} : memref<32x16xi32, #tpu.memory_space<vmem>>, vector<16xi32>,
          %bitcast3A_834 = vector.bitcast %get3A_833 : vector<16xi32> to vector<32xbf16>
          %gather3A_835 = arith.constant 0 : i32
          %gather3A_836 = arith.constant 0 : i32
          %gather3A_837 = tpu.memref_slice %arg8[%scan3A_423, %gather3A_835, %gather3A_836] : memref<2x800x32xi32, #tpu.memory_space<vmem>> -> memref<1x800x32xi32, #tpu.memory_space<vmem>>
          %gather3A_838 = tpu.memref_squeeze %gather3A_837 : memref<1x800x32xi32, #tpu.memory_space<vmem>> -> memref<800x32xi32, #tpu.memory_space<vmem>>
          %gather3A_839 = tpu.vector_load_idx %gather3A_838[%add3A_524, %and3A_830] : memref<800x32xi32, #tpu.memory_space<vmem>>[vector<16xi32>, vector<16xi32>], vector<16xi32>,
          %gather3A_840 = arith.constant 0 : i32
          %gather3A_841 = arith.constant 0 : i32
          %gather3A_842 = tpu.memref_slice %arg8[%scan3A_423, %gather3A_840, %gather3A_841] : memref<2x800x32xi32, #tpu.memory_space<vmem>> -> memref<1x800x32xi32, #tpu.memory_space<vmem>>
          %gather3A_843 = tpu.memref_squeeze %gather3A_842 : memref<1x800x32xi32, #tpu.memory_space<vmem>> -> memref<800x32xi32, #tpu.memory_space<vmem>>
          %gather3A_844 = tpu.vector_load_idx %gather3A_843[%add3A_527, %and3A_830] : memref<800x32xi32, #tpu.memory_space<vmem>>[vector<16xi32>, vector<16xi32>], vector<16xi32>,
          %gather3A_845 = arith.constant 0 : i32
          %gather3A_846 = arith.constant 0 : i32
          %gather3A_847 = tpu.memref_slice %arg8[%scan3A_423, %gather3A_845, %gather3A_846] : memref<2x800x32xi32, #tpu.memory_space<vmem>> -> memref<1x800x32xi32, #tpu.memory_space<vmem>>
          %gather3A_848 = tpu.memref_squeeze %gather3A_847 : memref<1x800x32xi32, #tpu.memory_space<vmem>> -> memref<800x32xi32, #tpu.memory_space<vmem>>
          %gather3A_849 = tpu.vector_load_idx %gather3A_848[%add3A_530, %and3A_830] : memref<800x32xi32, #tpu.memory_space<vmem>>[vector<16xi32>, vector<16xi32>], vector<16xi32>,
          %gather3A_850 = arith.constant 0 : i32
          %gather3A_851 = arith.constant 0 : i32
          %gather3A_852 = tpu.memref_slice %arg8[%scan3A_423, %gather3A_850, %gather3A_851] : memref<2x800x32xi32, #tpu.memory_space<vmem>> -> memref<1x800x32xi32, #tpu.memory_space<vmem>>
          %gather3A_853 = tpu.memref_squeeze %gather3A_852 : memref<1x800x32xi32, #tpu.memory_space<vmem>> -> memref<800x32xi32, #tpu.memory_space<vmem>>
          %gather3A_854 = tpu.vector_load_idx %gather3A_853[%add3A_533, %and3A_830] : memref<800x32xi32, #tpu.memory_space<vmem>>[vector<16xi32>, vector<16xi32>], vector<16xi32>,
          %bitcast3A_855 = vector.bitcast %gather3A_839 : vector<16xi32> to vector<32xbf16>
          %bitcast3A_856 = vector.bitcast %gather3A_844 : vector<16xi32> to vector<32xbf16>
          %add3A_857 = arith.addf %bitcast3A_855, %bitcast3A_856 : vector<32xbf16>
          %max3A_858 = arith.constant 0.000000e+00 : bf16
          %max3A_859 = vector.broadcast %max3A_858 : bf16 to vector<32xbf16>
          %max3A_860 = arith.maximumf %add3A_857, %max3A_859 : vector<32xbf16>
          %mul3A_861 = arith.mulf %max3A_860, %bitcast3A_834 : vector<32xbf16>
          %add3A_862 = arith.addf %add3A_815, %mul3A_861 : vector<32xbf16>
          %bitcast3A_863 = vector.bitcast %gather3A_849 : vector<16xi32> to vector<32xbf16>
          %bitcast3A_864 = vector.bitcast %gather3A_854 : vector<16xi32> to vector<32xbf16>
          %add3A_865 = arith.addf %bitcast3A_863, %bitcast3A_864 : vector<32xbf16>
          %max3A_866 = arith.constant 0.000000e+00 : bf16
          %max3A_867 = vector.broadcast %max3A_866 : bf16 to vector<32xbf16>
          %max3A_868 = arith.maximumf %add3A_865, %max3A_867 : vector<32xbf16>
          %mul3A_869 = arith.mulf %max3A_868, %bitcast3A_834 : vector<32xbf16>
          %add3A_870 = arith.addf %add3A_823, %mul3A_869 : vector<32xbf16>
          %add3A_871 = arith.constant 6 : i32
          %add3A_872 = arith.addi %mul3A_592, %add3A_871 : i32
          %add3A_873 = vector.broadcast %add3A_872 : i32 to vector<16xi32>
          %add3A_874 = arith.addi %iota3A_422, %add3A_873 : vector<16xi32>
          %and3A_875 = arith.constant 31 : i32
          %and3A_876 = vector.broadcast %and3A_875 : i32 to vector<16xi32>
          %and3A_877 = arith.andi %add3A_874, %and3A_876 : vector<16xi32>
          %get3A_878 = arith.index_cast %add3A_872 : i32 to index
          %get3A_879 = arith.constant 0 : index
          %get3A_880 = tpu.vector_load %arg10[%get3A_878, %get3A_879] {strides = array<i32>} : memref<32x16xi32, #tpu.memory_space<vmem>>, vector<16xi32>,
          %bitcast3A_881 = vector.bitcast %get3A_880 : vector<16xi32> to vector<32xbf16>
          %gather3A_882 = arith.constant 0 : i32
          %gather3A_883 = arith.constant 0 : i32
          %gather3A_884 = tpu.memref_slice %arg8[%scan3A_423, %gather3A_882, %gather3A_883] : memref<2x800x32xi32, #tpu.memory_space<vmem>> -> memref<1x800x32xi32, #tpu.memory_space<vmem>>
          %gather3A_885 = tpu.memref_squeeze %gather3A_884 : memref<1x800x32xi32, #tpu.memory_space<vmem>> -> memref<800x32xi32, #tpu.memory_space<vmem>>
          %gather3A_886 = tpu.vector_load_idx %gather3A_885[%add3A_524, %and3A_877] : memref<800x32xi32, #tpu.memory_space<vmem>>[vector<16xi32>, vector<16xi32>], vector<16xi32>,
          %gather3A_887 = arith.constant 0 : i32
          %gather3A_888 = arith.constant 0 : i32
          %gather3A_889 = tpu.memref_slice %arg8[%scan3A_423, %gather3A_887, %gather3A_888] : memref<2x800x32xi32, #tpu.memory_space<vmem>> -> memref<1x800x32xi32, #tpu.memory_space<vmem>>
          %gather3A_890 = tpu.memref_squeeze %gather3A_889 : memref<1x800x32xi32, #tpu.memory_space<vmem>> -> memref<800x32xi32, #tpu.memory_space<vmem>>
          %gather3A_891 = tpu.vector_load_idx %gather3A_890[%add3A_527, %and3A_877] : memref<800x32xi32, #tpu.memory_space<vmem>>[vector<16xi32>, vector<16xi32>], vector<16xi32>,
          %gather3A_892 = arith.constant 0 : i32
          %gather3A_893 = arith.constant 0 : i32
          %gather3A_894 = tpu.memref_slice %arg8[%scan3A_423, %gather3A_892, %gather3A_893] : memref<2x800x32xi32, #tpu.memory_space<vmem>> -> memref<1x800x32xi32, #tpu.memory_space<vmem>>
          %gather3A_895 = tpu.memref_squeeze %gather3A_894 : memref<1x800x32xi32, #tpu.memory_space<vmem>> -> memref<800x32xi32, #tpu.memory_space<vmem>>
          %gather3A_896 = tpu.vector_load_idx %gather3A_895[%add3A_530, %and3A_877] : memref<800x32xi32, #tpu.memory_space<vmem>>[vector<16xi32>, vector<16xi32>], vector<16xi32>,
          %gather3A_897 = arith.constant 0 : i32
          %gather3A_898 = arith.constant 0 : i32
          %gather3A_899 = tpu.memref_slice %arg8[%scan3A_423, %gather3A_897, %gather3A_898] : memref<2x800x32xi32, #tpu.memory_space<vmem>> -> memref<1x800x32xi32, #tpu.memory_space<vmem>>
          %gather3A_900 = tpu.memref_squeeze %gather3A_899 : memref<1x800x32xi32, #tpu.memory_space<vmem>> -> memref<800x32xi32, #tpu.memory_space<vmem>>
          %gather3A_901 = tpu.vector_load_idx %gather3A_900[%add3A_533, %and3A_877] : memref<800x32xi32, #tpu.memory_space<vmem>>[vector<16xi32>, vector<16xi32>], vector<16xi32>,
          %bitcast3A_902 = vector.bitcast %gather3A_886 : vector<16xi32> to vector<32xbf16>
          %bitcast3A_903 = vector.bitcast %gather3A_891 : vector<16xi32> to vector<32xbf16>
          %add3A_904 = arith.addf %bitcast3A_902, %bitcast3A_903 : vector<32xbf16>
          %max3A_905 = arith.constant 0.000000e+00 : bf16
          %max3A_906 = vector.broadcast %max3A_905 : bf16 to vector<32xbf16>
          %max3A_907 = arith.maximumf %add3A_904, %max3A_906 : vector<32xbf16>
          %mul3A_908 = arith.mulf %max3A_907, %bitcast3A_881 : vector<32xbf16>
          %add3A_909 = arith.addf %add3A_862, %mul3A_908 : vector<32xbf16>
          %bitcast3A_910 = vector.bitcast %gather3A_896 : vector<16xi32> to vector<32xbf16>
          %bitcast3A_911 = vector.bitcast %gather3A_901 : vector<16xi32> to vector<32xbf16>
          %add3A_912 = arith.addf %bitcast3A_910, %bitcast3A_911 : vector<32xbf16>
          %max3A_913 = arith.constant 0.000000e+00 : bf16
          %max3A_914 = vector.broadcast %max3A_913 : bf16 to vector<32xbf16>
          %max3A_915 = arith.maximumf %add3A_912, %max3A_914 : vector<32xbf16>
          %mul3A_916 = arith.mulf %max3A_915, %bitcast3A_881 : vector<32xbf16>
          %add3A_917 = arith.addf %add3A_870, %mul3A_916 : vector<32xbf16>
          %add3A_918 = arith.constant 7 : i32
          %add3A_919 = arith.addi %mul3A_592, %add3A_918 : i32
          %add3A_920 = vector.broadcast %add3A_919 : i32 to vector<16xi32>
          %add3A_921 = arith.addi %iota3A_422, %add3A_920 : vector<16xi32>
          %and3A_922 = arith.constant 31 : i32
          %and3A_923 = vector.broadcast %and3A_922 : i32 to vector<16xi32>
          %and3A_924 = arith.andi %add3A_921, %and3A_923 : vector<16xi32>
          %get3A_925 = arith.index_cast %add3A_919 : i32 to index
          %get3A_926 = arith.constant 0 : index
          %get3A_927 = tpu.vector_load %arg10[%get3A_925, %get3A_926] {strides = array<i32>} : memref<32x16xi32, #tpu.memory_space<vmem>>, vector<16xi32>,
          %bitcast3A_928 = vector.bitcast %get3A_927 : vector<16xi32> to vector<32xbf16>
          %gather3A_929 = arith.constant 0 : i32
          %gather3A_930 = arith.constant 0 : i32
          %gather3A_931 = tpu.memref_slice %arg8[%scan3A_423, %gather3A_929, %gather3A_930] : memref<2x800x32xi32, #tpu.memory_space<vmem>> -> memref<1x800x32xi32, #tpu.memory_space<vmem>>
          %gather3A_932 = tpu.memref_squeeze %gather3A_931 : memref<1x800x32xi32, #tpu.memory_space<vmem>> -> memref<800x32xi32, #tpu.memory_space<vmem>>
          %gather3A_933 = tpu.vector_load_idx %gather3A_932[%add3A_524, %and3A_924] : memref<800x32xi32, #tpu.memory_space<vmem>>[vector<16xi32>, vector<16xi32>], vector<16xi32>,
          %gather3A_934 = arith.constant 0 : i32
          %gather3A_935 = arith.constant 0 : i32
          %gather3A_936 = tpu.memref_slice %arg8[%scan3A_423, %gather3A_934, %gather3A_935] : memref<2x800x32xi32, #tpu.memory_space<vmem>> -> memref<1x800x32xi32, #tpu.memory_space<vmem>>
          %gather3A_937 = tpu.memref_squeeze %gather3A_936 : memref<1x800x32xi32, #tpu.memory_space<vmem>> -> memref<800x32xi32, #tpu.memory_space<vmem>>
          %gather3A_938 = tpu.vector_load_idx %gather3A_937[%add3A_527, %and3A_924] : memref<800x32xi32, #tpu.memory_space<vmem>>[vector<16xi32>, vector<16xi32>], vector<16xi32>,
          %gather3A_939 = arith.constant 0 : i32
          %gather3A_940 = arith.constant 0 : i32
          %gather3A_941 = tpu.memref_slice %arg8[%scan3A_423, %gather3A_939, %gather3A_940] : memref<2x800x32xi32, #tpu.memory_space<vmem>> -> memref<1x800x32xi32, #tpu.memory_space<vmem>>
          %gather3A_942 = tpu.memref_squeeze %gather3A_941 : memref<1x800x32xi32, #tpu.memory_space<vmem>> -> memref<800x32xi32, #tpu.memory_space<vmem>>
          %gather3A_943 = tpu.vector_load_idx %gather3A_942[%add3A_530, %and3A_924] : memref<800x32xi32, #tpu.memory_space<vmem>>[vector<16xi32>, vector<16xi32>], vector<16xi32>,
          %gather3A_944 = arith.constant 0 : i32
          %gather3A_945 = arith.constant 0 : i32
          %gather3A_946 = tpu.memref_slice %arg8[%scan3A_423, %gather3A_944, %gather3A_945] : memref<2x800x32xi32, #tpu.memory_space<vmem>> -> memref<1x800x32xi32, #tpu.memory_space<vmem>>
          %gather3A_947 = tpu.memref_squeeze %gather3A_946 : memref<1x800x32xi32, #tpu.memory_space<vmem>> -> memref<800x32xi32, #tpu.memory_space<vmem>>
          %gather3A_948 = tpu.vector_load_idx %gather3A_947[%add3A_533, %and3A_924] : memref<800x32xi32, #tpu.memory_space<vmem>>[vector<16xi32>, vector<16xi32>], vector<16xi32>,
          %bitcast3A_949 = vector.bitcast %gather3A_933 : vector<16xi32> to vector<32xbf16>
          %bitcast3A_950 = vector.bitcast %gather3A_938 : vector<16xi32> to vector<32xbf16>
          %add3A_951 = arith.addf %bitcast3A_949, %bitcast3A_950 : vector<32xbf16>
          %max3A_952 = arith.constant 0.000000e+00 : bf16
          %max3A_953 = vector.broadcast %max3A_952 : bf16 to vector<32xbf16>
          %max3A_954 = arith.maximumf %add3A_951, %max3A_953 : vector<32xbf16>
          %mul3A_955 = arith.mulf %max3A_954, %bitcast3A_928 : vector<32xbf16>
          %add3A_956 = arith.addf %add3A_909, %mul3A_955 : vector<32xbf16>
          %bitcast3A_957 = vector.bitcast %gather3A_943 : vector<16xi32> to vector<32xbf16>
          %bitcast3A_958 = vector.bitcast %gather3A_948 : vector<16xi32> to vector<32xbf16>
          %add3A_959 = arith.addf %bitcast3A_957, %bitcast3A_958 : vector<32xbf16>
          %max3A_960 = arith.constant 0.000000e+00 : bf16
          %max3A_961 = vector.broadcast %max3A_960 : bf16 to vector<32xbf16>
          %max3A_962 = arith.maximumf %add3A_959, %max3A_961 : vector<32xbf16>
          %mul3A_963 = arith.mulf %max3A_962, %bitcast3A_928 : vector<32xbf16>
          %add3A_964 = arith.addf %add3A_917, %mul3A_963 : vector<32xbf16>
          scf.yield %add3A_956, %add3A_964 : vector<32xbf16>, vector<32xbf16>
        }
        %scan3A_541 = arith.constant 4 : i32
        %add3A_542 = arith.constant 16 : i32
        %add3A_543 = arith.addi %add3A_522, %add3A_542 : i32
        %unpack3A_544 = tpu.unpack_subelements %scan3A_540#0, 0 {pack_format = #tpu.pack_format<interleaved>} : vector<32xbf16> -> vector<16xf32>
        %unpack3A_545 = tpu.unpack_subelements %scan3A_540#0, 1 {pack_format = #tpu.pack_format<interleaved>} : vector<32xbf16> -> vector<16xf32>
        %add3A_546 = arith.addf %unpack3A_544, %unpack3A_545 : vector<16xf32>
        %get3A_547 = arith.constant 0 : index
        %get3A_548 = tpu.vector_load %arg11[%get3A_547] {strides = array<i32>} : memref<16xf32, #tpu.memory_space<vmem>>, vector<16xf32>,
        %add3A_549 = arith.addf %add3A_546, %get3A_548 : vector<16xf32>
        %neg3A_550 = arith.constant 0.000000e+00 : f32
        %neg3A_551 = vector.broadcast %neg3A_550 : f32 to vector<16xf32>
        %neg3A_552 = arith.subf %neg3A_551, %add3A_549 : vector<16xf32>
        %exp3A_553 = math.exp %neg3A_552 : vector<16xf32>
        %add3A_554 = arith.constant 1.000000e+00 : f32
        %add3A_555 = vector.broadcast %add3A_554 : f32 to vector<16xf32>
        %add3A_556 = arith.addf %add3A_555, %exp3A_553 : vector<16xf32>
        %div3A_557 = arith.constant 1.000000e+00 : f32
        %div3A_558 = vector.broadcast %div3A_557 : f32 to vector<16xf32>
        %div3A_559 = arith.divf %div3A_558, %add3A_556 : vector<16xf32>
        %swap3A_560 = arith.constant 1 : i32
        %swap3A_561 = arith.constant 0 : i32
        %swap3A_562 = tpu.memref_slice %arg9[%swap3A_560, %swap3A_561] : memref<2x400xf32, #tpu.memory_space<vmem>> -> memref<1x400xf32, #tpu.memory_space<vmem>>
        %swap3A_563 = tpu.memref_squeeze %swap3A_562 : memref<1x400xf32, #tpu.memory_space<vmem>> -> memref<400xf32, #tpu.memory_space<vmem>>
        %swap3A_564 = arith.index_cast %add3A_522 : i32 to index
        %swap3A_565 = tpu.vector_load %swap3A_563[%swap3A_564] {strides = array<i32>} : memref<400xf32, #tpu.memory_space<vmem>>, vector<16xf32>,
        tpu.vector_store %swap3A_563[%swap3A_564], %div3A_559 {strides = array<i32>} : memref<400xf32, #tpu.memory_space<vmem>>, vector<16xf32>,
        %unpack3A_566 = tpu.unpack_subelements %scan3A_540#1, 0 {pack_format = #tpu.pack_format<interleaved>} : vector<32xbf16> -> vector<16xf32>
        %unpack3A_567 = tpu.unpack_subelements %scan3A_540#1, 1 {pack_format = #tpu.pack_format<interleaved>} : vector<32xbf16> -> vector<16xf32>
        %add3A_568 = arith.addf %unpack3A_566, %unpack3A_567 : vector<16xf32>
        %get3A_569 = arith.constant 0 : index
        %get3A_570 = tpu.vector_load %arg11[%get3A_569] {strides = array<i32>} : memref<16xf32, #tpu.memory_space<vmem>>, vector<16xf32>,
        %add3A_571 = arith.addf %add3A_568, %get3A_570 : vector<16xf32>
        %neg3A_572 = arith.constant 0.000000e+00 : f32
        %neg3A_573 = vector.broadcast %neg3A_572 : f32 to vector<16xf32>
        %neg3A_574 = arith.subf %neg3A_573, %add3A_571 : vector<16xf32>
        %exp3A_575 = math.exp %neg3A_574 : vector<16xf32>
        %add3A_576 = arith.constant 1.000000e+00 : f32
        %add3A_577 = vector.broadcast %add3A_576 : f32 to vector<16xf32>
        %add3A_578 = arith.addf %add3A_577, %exp3A_575 : vector<16xf32>
        %div3A_579 = arith.constant 1.000000e+00 : f32
        %div3A_580 = vector.broadcast %div3A_579 : f32 to vector<16xf32>
        %div3A_581 = arith.divf %div3A_580, %add3A_578 : vector<16xf32>
        %swap3A_582 = arith.constant 1 : i32
        %swap3A_583 = arith.constant 0 : i32
        %swap3A_584 = tpu.memref_slice %arg9[%swap3A_582, %swap3A_583] : memref<2x400xf32, #tpu.memory_space<vmem>> -> memref<1x400xf32, #tpu.memory_space<vmem>>
        %swap3A_585 = tpu.memref_squeeze %swap3A_584 : memref<1x400xf32, #tpu.memory_space<vmem>> -> memref<400xf32, #tpu.memory_space<vmem>>
        %swap3A_586 = arith.index_cast %add3A_543 : i32 to index
        %swap3A_587 = tpu.vector_load %swap3A_585[%swap3A_586] {strides = array<i32>} : memref<400xf32, #tpu.memory_space<vmem>>, vector<16xf32>,
        tpu.vector_store %swap3A_585[%swap3A_586], %div3A_581 {strides = array<i32>} : memref<400xf32, #tpu.memory_space<vmem>>, vector<16xf32>,
      }
      %scan3A_428 = arith.constant 12 : i32
      %add3A_429 = arith.constant 368 : i32
      %add3A_430 = vector.broadcast %add3A_429 : i32 to vector<16xi32>
      %add3A_431 = arith.addi %add3A_430, %iota3A_422 : vector<16xi32>
      %add3A_432 = arith.constant 400 : i32
      %add3A_433 = vector.broadcast %add3A_432 : i32 to vector<16xi32>
      %add3A_434 = arith.addi %add3A_431, %add3A_433 : vector<16xi32>
      %add3A_435 = arith.constant 16 : i32
      %add3A_436 = vector.broadcast %add3A_435 : i32 to vector<16xi32>
      %add3A_437 = arith.addi %add3A_431, %add3A_436 : vector<16xi32>
      %add3A_438 = arith.constant 400 : i32
      %add3A_439 = vector.broadcast %add3A_438 : i32 to vector<16xi32>
      %add3A_440 = arith.addi %add3A_437, %add3A_439 : vector<16xi32>
      %broadcast_in_dim3A_441 = arith.constant 0.000000e+00 : bf16
      %broadcast_in_dim3A_442 = vector.broadcast %broadcast_in_dim3A_441 : bf16 to vector<32xbf16>
      %scan3A_443 = arith.constant 1 : i32
      %scan3A_444 = arith.constant 0 : i32
      %scan3A_445 = arith.constant 4 : i32
      %scan3A_446 = arith.addi %scan3A_444, %scan3A_445 : i32
      %scan3A_447 = arith.constant 1 : i32
      %scan3A_448:2 = scf.for %scan3A_518 = %scan3A_444 to %scan3A_446 step %scan3A_447 iter_args(%scan3A_519 = %broadcast_in_dim3A_442, %scan3A_520 = %broadcast_in_dim3A_442) -> (vector<32xbf16>, vector<32xbf16>)  : i32 {
        %mul3A_521 = arith.constant 8 : i32
        %mul3A_522 = arith.muli %scan3A_518, %mul3A_521 : i32
        %add3A_523 = arith.constant 0 : i32
        %add3A_524 = arith.addi %mul3A_522, %add3A_523 : i32
        %add3A_525 = vector.broadcast %add3A_524 : i32 to vector<16xi32>
        %add3A_526 = arith.addi %iota3A_422, %add3A_525 : vector<16xi32>
        %and3A = arith.constant 31 : i32
        %and3A_527 = vector.broadcast %and3A : i32 to vector<16xi32>
        %and3A_528 = arith.andi %add3A_526, %and3A_527 : vector<16xi32>
        %get3A_529 = arith.index_cast %add3A_524 : i32 to index
        %get3A_530 = arith.constant 0 : index
        %get3A_531 = tpu.vector_load %arg10[%get3A_529, %get3A_530] {strides = array<i32>} : memref<32x16xi32, #tpu.memory_space<vmem>>, vector<16xi32>,
        %bitcast3A = vector.bitcast %get3A_531 : vector<16xi32> to vector<32xbf16>
        %gather3A = arith.constant 0 : i32
        %gather3A_532 = arith.constant 0 : i32
        %gather3A_533 = tpu.memref_slice %arg8[%scan3A_443, %gather3A, %gather3A_532] : memref<2x800x32xi32, #tpu.memory_space<vmem>> -> memref<1x800x32xi32, #tpu.memory_space<vmem>>
        %gather3A_534 = tpu.memref_squeeze %gather3A_533 : memref<1x800x32xi32, #tpu.memory_space<vmem>> -> memref<800x32xi32, #tpu.memory_space<vmem>>
        %gather3A_535 = tpu.vector_load_idx %gather3A_534[%add3A_431, %and3A_528] : memref<800x32xi32, #tpu.memory_space<vmem>>[vector<16xi32>, vector<16xi32>], vector<16xi32>,
        %gather3A_536 = arith.constant 0 : i32
        %gather3A_537 = arith.constant 0 : i32
        %gather3A_538 = tpu.memref_slice %arg8[%scan3A_443, %gather3A_536, %gather3A_537] : memref<2x800x32xi32, #tpu.memory_space<vmem>> -> memref<1x800x32xi32, #tpu.memory_space<vmem>>
        %gather3A_539 = tpu.memref_squeeze %gather3A_538 : memref<1x800x32xi32, #tpu.memory_space<vmem>> -> memref<800x32xi32, #tpu.memory_space<vmem>>
        %gather3A_540 = tpu.vector_load_idx %gather3A_539[%add3A_434, %and3A_528] : memref<800x32xi32, #tpu.memory_space<vmem>>[vector<16xi32>, vector<16xi32>], vector<16xi32>,
        %gather3A_541 = arith.constant 0 : i32
        %gather3A_542 = arith.constant 0 : i32
        %gather3A_543 = tpu.memref_slice %arg8[%scan3A_443, %gather3A_541, %gather3A_542] : memref<2x800x32xi32, #tpu.memory_space<vmem>> -> memref<1x800x32xi32, #tpu.memory_space<vmem>>
        %gather3A_544 = tpu.memref_squeeze %gather3A_543 : memref<1x800x32xi32, #tpu.memory_space<vmem>> -> memref<800x32xi32, #tpu.memory_space<vmem>>
        %gather3A_545 = tpu.vector_load_idx %gather3A_544[%add3A_437, %and3A_528] : memref<800x32xi32, #tpu.memory_space<vmem>>[vector<16xi32>, vector<16xi32>], vector<16xi32>,
        %gather3A_546 = arith.constant 0 : i32
        %gather3A_547 = arith.constant 0 : i32
        %gather3A_548 = tpu.memref_slice %arg8[%scan3A_443, %gather3A_546, %gather3A_547] : memref<2x800x32xi32, #tpu.memory_space<vmem>> -> memref<1x800x32xi32, #tpu.memory_space<vmem>>
        %gather3A_549 = tpu.memref_squeeze %gather3A_548 : memref<1x800x32xi32, #tpu.memory_space<vmem>> -> memref<800x32xi32, #tpu.memory_space<vmem>>
        %gather3A_550 = tpu.vector_load_idx %gather3A_549[%add3A_440, %and3A_528] : memref<800x32xi32, #tpu.memory_space<vmem>>[vector<16xi32>, vector<16xi32>], vector<16xi32>,
        %bitcast3A_551 = vector.bitcast %gather3A_535 : vector<16xi32> to vector<32xbf16>
        %bitcast3A_552 = vector.bitcast %gather3A_540 : vector<16xi32> to vector<32xbf16>
        %add3A_553 = arith.addf %bitcast3A_551, %bitcast3A_552 : vector<32xbf16>
        %max3A = arith.constant 0.000000e+00 : bf16
        %max3A_554 = vector.broadcast %max3A : bf16 to vector<32xbf16>
        %max3A_555 = arith.maximumf %add3A_553, %max3A_554 : vector<32xbf16>
        %mul3A_556 = arith.mulf %max3A_555, %bitcast3A : vector<32xbf16>
        %add3A_557 = arith.addf %scan3A_519, %mul3A_556 : vector<32xbf16>
        %bitcast3A_558 = vector.bitcast %gather3A_545 : vector<16xi32> to vector<32xbf16>
        %bitcast3A_559 = vector.bitcast %gather3A_550 : vector<16xi32> to vector<32xbf16>
        %add3A_560 = arith.addf %bitcast3A_558, %bitcast3A_559 : vector<32xbf16>
        %max3A_561 = arith.constant 0.000000e+00 : bf16
        %max3A_562 = vector.broadcast %max3A_561 : bf16 to vector<32xbf16>
        %max3A_563 = arith.maximumf %add3A_560, %max3A_562 : vector<32xbf16>
        %mul3A_564 = arith.mulf %max3A_563, %bitcast3A : vector<32xbf16>
        %add3A_565 = arith.addf %scan3A_520, %mul3A_564 : vector<32xbf16>
        %add3A_566 = arith.constant 1 : i32
        %add3A_567 = arith.addi %mul3A_522, %add3A_566 : i32
        %add3A_568 = vector.broadcast %add3A_567 : i32 to vector<16xi32>
        %add3A_569 = arith.addi %iota3A_422, %add3A_568 : vector<16xi32>
        %and3A_570 = arith.constant 31 : i32
        %and3A_571 = vector.broadcast %and3A_570 : i32 to vector<16xi32>
        %and3A_572 = arith.andi %add3A_569, %and3A_571 : vector<16xi32>
        %get3A_573 = arith.index_cast %add3A_567 : i32 to index
        %get3A_574 = arith.constant 0 : index
        %get3A_575 = tpu.vector_load %arg10[%get3A_573, %get3A_574] {strides = array<i32>} : memref<32x16xi32, #tpu.memory_space<vmem>>, vector<16xi32>,
        %bitcast3A_576 = vector.bitcast %get3A_575 : vector<16xi32> to vector<32xbf16>
        %gather3A_577 = arith.constant 0 : i32
        %gather3A_578 = arith.constant 0 : i32
        %gather3A_579 = tpu.memref_slice %arg8[%scan3A_443, %gather3A_577, %gather3A_578] : memref<2x800x32xi32, #tpu.memory_space<vmem>> -> memref<1x800x32xi32, #tpu.memory_space<vmem>>
        %gather3A_580 = tpu.memref_squeeze %gather3A_579 : memref<1x800x32xi32, #tpu.memory_space<vmem>> -> memref<800x32xi32, #tpu.memory_space<vmem>>
        %gather3A_581 = tpu.vector_load_idx %gather3A_580[%add3A_431, %and3A_572] : memref<800x32xi32, #tpu.memory_space<vmem>>[vector<16xi32>, vector<16xi32>], vector<16xi32>,
        %gather3A_582 = arith.constant 0 : i32
        %gather3A_583 = arith.constant 0 : i32
        %gather3A_584 = tpu.memref_slice %arg8[%scan3A_443, %gather3A_582, %gather3A_583] : memref<2x800x32xi32, #tpu.memory_space<vmem>> -> memref<1x800x32xi32, #tpu.memory_space<vmem>>
        %gather3A_585 = tpu.memref_squeeze %gather3A_584 : memref<1x800x32xi32, #tpu.memory_space<vmem>> -> memref<800x32xi32, #tpu.memory_space<vmem>>
        %gather3A_586 = tpu.vector_load_idx %gather3A_585[%add3A_434, %and3A_572] : memref<800x32xi32, #tpu.memory_space<vmem>>[vector<16xi32>, vector<16xi32>], vector<16xi32>,
        %gather3A_587 = arith.constant 0 : i32
        %gather3A_588 = arith.constant 0 : i32
        %gather3A_589 = tpu.memref_slice %arg8[%scan3A_443, %gather3A_587, %gather3A_588] : memref<2x800x32xi32, #tpu.memory_space<vmem>> -> memref<1x800x32xi32, #tpu.memory_space<vmem>>
        %gather3A_590 = tpu.memref_squeeze %gather3A_589 : memref<1x800x32xi32, #tpu.memory_space<vmem>> -> memref<800x32xi32, #tpu.memory_space<vmem>>
        %gather3A_591 = tpu.vector_load_idx %gather3A_590[%add3A_437, %and3A_572] : memref<800x32xi32, #tpu.memory_space<vmem>>[vector<16xi32>, vector<16xi32>], vector<16xi32>,
        %gather3A_592 = arith.constant 0 : i32
        %gather3A_593 = arith.constant 0 : i32
        %gather3A_594 = tpu.memref_slice %arg8[%scan3A_443, %gather3A_592, %gather3A_593] : memref<2x800x32xi32, #tpu.memory_space<vmem>> -> memref<1x800x32xi32, #tpu.memory_space<vmem>>
        %gather3A_595 = tpu.memref_squeeze %gather3A_594 : memref<1x800x32xi32, #tpu.memory_space<vmem>> -> memref<800x32xi32, #tpu.memory_space<vmem>>
        %gather3A_596 = tpu.vector_load_idx %gather3A_595[%add3A_440, %and3A_572] : memref<800x32xi32, #tpu.memory_space<vmem>>[vector<16xi32>, vector<16xi32>], vector<16xi32>,
        %bitcast3A_597 = vector.bitcast %gather3A_581 : vector<16xi32> to vector<32xbf16>
        %bitcast3A_598 = vector.bitcast %gather3A_586 : vector<16xi32> to vector<32xbf16>
        %add3A_599 = arith.addf %bitcast3A_597, %bitcast3A_598 : vector<32xbf16>
        %max3A_600 = arith.constant 0.000000e+00 : bf16
        %max3A_601 = vector.broadcast %max3A_600 : bf16 to vector<32xbf16>
        %max3A_602 = arith.maximumf %add3A_599, %max3A_601 : vector<32xbf16>
        %mul3A_603 = arith.mulf %max3A_602, %bitcast3A_576 : vector<32xbf16>
        %add3A_604 = arith.addf %add3A_557, %mul3A_603 : vector<32xbf16>
        %bitcast3A_605 = vector.bitcast %gather3A_591 : vector<16xi32> to vector<32xbf16>
        %bitcast3A_606 = vector.bitcast %gather3A_596 : vector<16xi32> to vector<32xbf16>
        %add3A_607 = arith.addf %bitcast3A_605, %bitcast3A_606 : vector<32xbf16>
        %max3A_608 = arith.constant 0.000000e+00 : bf16
        %max3A_609 = vector.broadcast %max3A_608 : bf16 to vector<32xbf16>
        %max3A_610 = arith.maximumf %add3A_607, %max3A_609 : vector<32xbf16>
        %mul3A_611 = arith.mulf %max3A_610, %bitcast3A_576 : vector<32xbf16>
        %add3A_612 = arith.addf %add3A_565, %mul3A_611 : vector<32xbf16>
        %add3A_613 = arith.constant 2 : i32
        %add3A_614 = arith.addi %mul3A_522, %add3A_613 : i32
        %add3A_615 = vector.broadcast %add3A_614 : i32 to vector<16xi32>
        %add3A_616 = arith.addi %iota3A_422, %add3A_615 : vector<16xi32>
        %and3A_617 = arith.constant 31 : i32
        %and3A_618 = vector.broadcast %and3A_617 : i32 to vector<16xi32>
        %and3A_619 = arith.andi %add3A_616, %and3A_618 : vector<16xi32>
        %get3A_620 = arith.index_cast %add3A_614 : i32 to index
        %get3A_621 = arith.constant 0 : index
        %get3A_622 = tpu.vector_load %arg10[%get3A_620, %get3A_621] {strides = array<i32>} : memref<32x16xi32, #tpu.memory_space<vmem>>, vector<16xi32>,
        %bitcast3A_623 = vector.bitcast %get3A_622 : vector<16xi32> to vector<32xbf16>
        %gather3A_624 = arith.constant 0 : i32
        %gather3A_625 = arith.constant 0 : i32
        %gather3A_626 = tpu.memref_slice %arg8[%scan3A_443, %gather3A_624, %gather3A_625] : memref<2x800x32xi32, #tpu.memory_space<vmem>> -> memref<1x800x32xi32, #tpu.memory_space<vmem>>
        %gather3A_627 = tpu.memref_squeeze %gather3A_626 : memref<1x800x32xi32, #tpu.memory_space<vmem>> -> memref<800x32xi32, #tpu.memory_space<vmem>>
        %gather3A_628 = tpu.vector_load_idx %gather3A_627[%add3A_431, %and3A_619] : memref<800x32xi32, #tpu.memory_space<vmem>>[vector<16xi32>, vector<16xi32>], vector<16xi32>,
        %gather3A_629 = arith.constant 0 : i32
        %gather3A_630 = arith.constant 0 : i32
        %gather3A_631 = tpu.memref_slice %arg8[%scan3A_443, %gather3A_629, %gather3A_630] : memref<2x800x32xi32, #tpu.memory_space<vmem>> -> memref<1x800x32xi32, #tpu.memory_space<vmem>>
        %gather3A_632 = tpu.memref_squeeze %gather3A_631 : memref<1x800x32xi32, #tpu.memory_space<vmem>> -> memref<800x32xi32, #tpu.memory_space<vmem>>
        %gather3A_633 = tpu.vector_load_idx %gather3A_632[%add3A_434, %and3A_619] : memref<800x32xi32, #tpu.memory_space<vmem>>[vector<16xi32>, vector<16xi32>], vector<16xi32>,
        %gather3A_634 = arith.constant 0 : i32
        %gather3A_635 = arith.constant 0 : i32
        %gather3A_636 = tpu.memref_slice %arg8[%scan3A_443, %gather3A_634, %gather3A_635] : memref<2x800x32xi32, #tpu.memory_space<vmem>> -> memref<1x800x32xi32, #tpu.memory_space<vmem>>
        %gather3A_637 = tpu.memref_squeeze %gather3A_636 : memref<1x800x32xi32, #tpu.memory_space<vmem>> -> memref<800x32xi32, #tpu.memory_space<vmem>>
        %gather3A_638 = tpu.vector_load_idx %gather3A_637[%add3A_437, %and3A_619] : memref<800x32xi32, #tpu.memory_space<vmem>>[vector<16xi32>, vector<16xi32>], vector<16xi32>,
        %gather3A_639 = arith.constant 0 : i32
        %gather3A_640 = arith.constant 0 : i32
        %gather3A_641 = tpu.memref_slice %arg8[%scan3A_443, %gather3A_639, %gather3A_640] : memref<2x800x32xi32, #tpu.memory_space<vmem>> -> memref<1x800x32xi32, #tpu.memory_space<vmem>>
        %gather3A_642 = tpu.memref_squeeze %gather3A_641 : memref<1x800x32xi32, #tpu.memory_space<vmem>> -> memref<800x32xi32, #tpu.memory_space<vmem>>
        %gather3A_643 = tpu.vector_load_idx %gather3A_642[%add3A_440, %and3A_619] : memref<800x32xi32, #tpu.memory_space<vmem>>[vector<16xi32>, vector<16xi32>], vector<16xi32>,
        %bitcast3A_644 = vector.bitcast %gather3A_628 : vector<16xi32> to vector<32xbf16>
        %bitcast3A_645 = vector.bitcast %gather3A_633 : vector<16xi32> to vector<32xbf16>
        %add3A_646 = arith.addf %bitcast3A_644, %bitcast3A_645 : vector<32xbf16>
        %max3A_647 = arith.constant 0.000000e+00 : bf16
        %max3A_648 = vector.broadcast %max3A_647 : bf16 to vector<32xbf16>
        %max3A_649 = arith.maximumf %add3A_646, %max3A_648 : vector<32xbf16>
        %mul3A_650 = arith.mulf %max3A_649, %bitcast3A_623 : vector<32xbf16>
        %add3A_651 = arith.addf %add3A_604, %mul3A_650 : vector<32xbf16>
        %bitcast3A_652 = vector.bitcast %gather3A_638 : vector<16xi32> to vector<32xbf16>
        %bitcast3A_653 = vector.bitcast %gather3A_643 : vector<16xi32> to vector<32xbf16>
        %add3A_654 = arith.addf %bitcast3A_652, %bitcast3A_653 : vector<32xbf16>
        %max3A_655 = arith.constant 0.000000e+00 : bf16
        %max3A_656 = vector.broadcast %max3A_655 : bf16 to vector<32xbf16>
        %max3A_657 = arith.maximumf %add3A_654, %max3A_656 : vector<32xbf16>
        %mul3A_658 = arith.mulf %max3A_657, %bitcast3A_623 : vector<32xbf16>
        %add3A_659 = arith.addf %add3A_612, %mul3A_658 : vector<32xbf16>
        %add3A_660 = arith.constant 3 : i32
        %add3A_661 = arith.addi %mul3A_522, %add3A_660 : i32
        %add3A_662 = vector.broadcast %add3A_661 : i32 to vector<16xi32>
        %add3A_663 = arith.addi %iota3A_422, %add3A_662 : vector<16xi32>
        %and3A_664 = arith.constant 31 : i32
        %and3A_665 = vector.broadcast %and3A_664 : i32 to vector<16xi32>
        %and3A_666 = arith.andi %add3A_663, %and3A_665 : vector<16xi32>
        %get3A_667 = arith.index_cast %add3A_661 : i32 to index
        %get3A_668 = arith.constant 0 : index
        %get3A_669 = tpu.vector_load %arg10[%get3A_667, %get3A_668] {strides = array<i32>} : memref<32x16xi32, #tpu.memory_space<vmem>>, vector<16xi32>,
        %bitcast3A_670 = vector.bitcast %get3A_669 : vector<16xi32> to vector<32xbf16>
        %gather3A_671 = arith.constant 0 : i32
        %gather3A_672 = arith.constant 0 : i32
        %gather3A_673 = tpu.memref_slice %arg8[%scan3A_443, %gather3A_671, %gather3A_672] : memref<2x800x32xi32, #tpu.memory_space<vmem>> -> memref<1x800x32xi32, #tpu.memory_space<vmem>>
        %gather3A_674 = tpu.memref_squeeze %gather3A_673 : memref<1x800x32xi32, #tpu.memory_space<vmem>> -> memref<800x32xi32, #tpu.memory_space<vmem>>
        %gather3A_675 = tpu.vector_load_idx %gather3A_674[%add3A_431, %and3A_666] : memref<800x32xi32, #tpu.memory_space<vmem>>[vector<16xi32>, vector<16xi32>], vector<16xi32>,
        %gather3A_676 = arith.constant 0 : i32
        %gather3A_677 = arith.constant 0 : i32
        %gather3A_678 = tpu.memref_slice %arg8[%scan3A_443, %gather3A_676, %gather3A_677] : memref<2x800x32xi32, #tpu.memory_space<vmem>> -> memref<1x800x32xi32, #tpu.memory_space<vmem>>
        %gather3A_679 = tpu.memref_squeeze %gather3A_678 : memref<1x800x32xi32, #tpu.memory_space<vmem>> -> memref<800x32xi32, #tpu.memory_space<vmem>>
        %gather3A_680 = tpu.vector_load_idx %gather3A_679[%add3A_434, %and3A_666] : memref<800x32xi32, #tpu.memory_space<vmem>>[vector<16xi32>, vector<16xi32>], vector<16xi32>,
        %gather3A_681 = arith.constant 0 : i32
        %gather3A_682 = arith.constant 0 : i32
        %gather3A_683 = tpu.memref_slice %arg8[%scan3A_443, %gather3A_681, %gather3A_682] : memref<2x800x32xi32, #tpu.memory_space<vmem>> -> memref<1x800x32xi32, #tpu.memory_space<vmem>>
        %gather3A_684 = tpu.memref_squeeze %gather3A_683 : memref<1x800x32xi32, #tpu.memory_space<vmem>> -> memref<800x32xi32, #tpu.memory_space<vmem>>
        %gather3A_685 = tpu.vector_load_idx %gather3A_684[%add3A_437, %and3A_666] : memref<800x32xi32, #tpu.memory_space<vmem>>[vector<16xi32>, vector<16xi32>], vector<16xi32>,
        %gather3A_686 = arith.constant 0 : i32
        %gather3A_687 = arith.constant 0 : i32
        %gather3A_688 = tpu.memref_slice %arg8[%scan3A_443, %gather3A_686, %gather3A_687] : memref<2x800x32xi32, #tpu.memory_space<vmem>> -> memref<1x800x32xi32, #tpu.memory_space<vmem>>
        %gather3A_689 = tpu.memref_squeeze %gather3A_688 : memref<1x800x32xi32, #tpu.memory_space<vmem>> -> memref<800x32xi32, #tpu.memory_space<vmem>>
        %gather3A_690 = tpu.vector_load_idx %gather3A_689[%add3A_440, %and3A_666] : memref<800x32xi32, #tpu.memory_space<vmem>>[vector<16xi32>, vector<16xi32>], vector<16xi32>,
        %bitcast3A_691 = vector.bitcast %gather3A_675 : vector<16xi32> to vector<32xbf16>
        %bitcast3A_692 = vector.bitcast %gather3A_680 : vector<16xi32> to vector<32xbf16>
        %add3A_693 = arith.addf %bitcast3A_691, %bitcast3A_692 : vector<32xbf16>
        %max3A_694 = arith.constant 0.000000e+00 : bf16
        %max3A_695 = vector.broadcast %max3A_694 : bf16 to vector<32xbf16>
        %max3A_696 = arith.maximumf %add3A_693, %max3A_695 : vector<32xbf16>
        %mul3A_697 = arith.mulf %max3A_696, %bitcast3A_670 : vector<32xbf16>
        %add3A_698 = arith.addf %add3A_651, %mul3A_697 : vector<32xbf16>
        %bitcast3A_699 = vector.bitcast %gather3A_685 : vector<16xi32> to vector<32xbf16>
        %bitcast3A_700 = vector.bitcast %gather3A_690 : vector<16xi32> to vector<32xbf16>
        %add3A_701 = arith.addf %bitcast3A_699, %bitcast3A_700 : vector<32xbf16>
        %max3A_702 = arith.constant 0.000000e+00 : bf16
        %max3A_703 = vector.broadcast %max3A_702 : bf16 to vector<32xbf16>
        %max3A_704 = arith.maximumf %add3A_701, %max3A_703 : vector<32xbf16>
        %mul3A_705 = arith.mulf %max3A_704, %bitcast3A_670 : vector<32xbf16>
        %add3A_706 = arith.addf %add3A_659, %mul3A_705 : vector<32xbf16>
        %add3A_707 = arith.constant 4 : i32
        %add3A_708 = arith.addi %mul3A_522, %add3A_707 : i32
        %add3A_709 = vector.broadcast %add3A_708 : i32 to vector<16xi32>
        %add3A_710 = arith.addi %iota3A_422, %add3A_709 : vector<16xi32>
        %and3A_711 = arith.constant 31 : i32
        %and3A_712 = vector.broadcast %and3A_711 : i32 to vector<16xi32>
        %and3A_713 = arith.andi %add3A_710, %and3A_712 : vector<16xi32>
        %get3A_714 = arith.index_cast %add3A_708 : i32 to index
        %get3A_715 = arith.constant 0 : index
        %get3A_716 = tpu.vector_load %arg10[%get3A_714, %get3A_715] {strides = array<i32>} : memref<32x16xi32, #tpu.memory_space<vmem>>, vector<16xi32>,
        %bitcast3A_717 = vector.bitcast %get3A_716 : vector<16xi32> to vector<32xbf16>
        %gather3A_718 = arith.constant 0 : i32
        %gather3A_719 = arith.constant 0 : i32
        %gather3A_720 = tpu.memref_slice %arg8[%scan3A_443, %gather3A_718, %gather3A_719] : memref<2x800x32xi32, #tpu.memory_space<vmem>> -> memref<1x800x32xi32, #tpu.memory_space<vmem>>
        %gather3A_721 = tpu.memref_squeeze %gather3A_720 : memref<1x800x32xi32, #tpu.memory_space<vmem>> -> memref<800x32xi32, #tpu.memory_space<vmem>>
        %gather3A_722 = tpu.vector_load_idx %gather3A_721[%add3A_431, %and3A_713] : memref<800x32xi32, #tpu.memory_space<vmem>>[vector<16xi32>, vector<16xi32>], vector<16xi32>,
        %gather3A_723 = arith.constant 0 : i32
        %gather3A_724 = arith.constant 0 : i32
        %gather3A_725 = tpu.memref_slice %arg8[%scan3A_443, %gather3A_723, %gather3A_724] : memref<2x800x32xi32, #tpu.memory_space<vmem>> -> memref<1x800x32xi32, #tpu.memory_space<vmem>>
        %gather3A_726 = tpu.memref_squeeze %gather3A_725 : memref<1x800x32xi32, #tpu.memory_space<vmem>> -> memref<800x32xi32, #tpu.memory_space<vmem>>
        %gather3A_727 = tpu.vector_load_idx %gather3A_726[%add3A_434, %and3A_713] : memref<800x32xi32, #tpu.memory_space<vmem>>[vector<16xi32>, vector<16xi32>], vector<16xi32>,
        %gather3A_728 = arith.constant 0 : i32
        %gather3A_729 = arith.constant 0 : i32
        %gather3A_730 = tpu.memref_slice %arg8[%scan3A_443, %gather3A_728, %gather3A_729] : memref<2x800x32xi32, #tpu.memory_space<vmem>> -> memref<1x800x32xi32, #tpu.memory_space<vmem>>
        %gather3A_731 = tpu.memref_squeeze %gather3A_730 : memref<1x800x32xi32, #tpu.memory_space<vmem>> -> memref<800x32xi32, #tpu.memory_space<vmem>>
        %gather3A_732 = tpu.vector_load_idx %gather3A_731[%add3A_437, %and3A_713] : memref<800x32xi32, #tpu.memory_space<vmem>>[vector<16xi32>, vector<16xi32>], vector<16xi32>,
        %gather3A_733 = arith.constant 0 : i32
        %gather3A_734 = arith.constant 0 : i32
        %gather3A_735 = tpu.memref_slice %arg8[%scan3A_443, %gather3A_733, %gather3A_734] : memref<2x800x32xi32, #tpu.memory_space<vmem>> -> memref<1x800x32xi32, #tpu.memory_space<vmem>>
        %gather3A_736 = tpu.memref_squeeze %gather3A_735 : memref<1x800x32xi32, #tpu.memory_space<vmem>> -> memref<800x32xi32, #tpu.memory_space<vmem>>
        %gather3A_737 = tpu.vector_load_idx %gather3A_736[%add3A_440, %and3A_713] : memref<800x32xi32, #tpu.memory_space<vmem>>[vector<16xi32>, vector<16xi32>], vector<16xi32>,
        %bitcast3A_738 = vector.bitcast %gather3A_722 : vector<16xi32> to vector<32xbf16>
        %bitcast3A_739 = vector.bitcast %gather3A_727 : vector<16xi32> to vector<32xbf16>
        %add3A_740 = arith.addf %bitcast3A_738, %bitcast3A_739 : vector<32xbf16>
        %max3A_741 = arith.constant 0.000000e+00 : bf16
        %max3A_742 = vector.broadcast %max3A_741 : bf16 to vector<32xbf16>
        %max3A_743 = arith.maximumf %add3A_740, %max3A_742 : vector<32xbf16>
        %mul3A_744 = arith.mulf %max3A_743, %bitcast3A_717 : vector<32xbf16>
        %add3A_745 = arith.addf %add3A_698, %mul3A_744 : vector<32xbf16>
        %bitcast3A_746 = vector.bitcast %gather3A_732 : vector<16xi32> to vector<32xbf16>
        %bitcast3A_747 = vector.bitcast %gather3A_737 : vector<16xi32> to vector<32xbf16>
        %add3A_748 = arith.addf %bitcast3A_746, %bitcast3A_747 : vector<32xbf16>
        %max3A_749 = arith.constant 0.000000e+00 : bf16
        %max3A_750 = vector.broadcast %max3A_749 : bf16 to vector<32xbf16>
        %max3A_751 = arith.maximumf %add3A_748, %max3A_750 : vector<32xbf16>
        %mul3A_752 = arith.mulf %max3A_751, %bitcast3A_717 : vector<32xbf16>
        %add3A_753 = arith.addf %add3A_706, %mul3A_752 : vector<32xbf16>
        %add3A_754 = arith.constant 5 : i32
        %add3A_755 = arith.addi %mul3A_522, %add3A_754 : i32
        %add3A_756 = vector.broadcast %add3A_755 : i32 to vector<16xi32>
        %add3A_757 = arith.addi %iota3A_422, %add3A_756 : vector<16xi32>
        %and3A_758 = arith.constant 31 : i32
        %and3A_759 = vector.broadcast %and3A_758 : i32 to vector<16xi32>
        %and3A_760 = arith.andi %add3A_757, %and3A_759 : vector<16xi32>
        %get3A_761 = arith.index_cast %add3A_755 : i32 to index
        %get3A_762 = arith.constant 0 : index
        %get3A_763 = tpu.vector_load %arg10[%get3A_761, %get3A_762] {strides = array<i32>} : memref<32x16xi32, #tpu.memory_space<vmem>>, vector<16xi32>,
        %bitcast3A_764 = vector.bitcast %get3A_763 : vector<16xi32> to vector<32xbf16>
        %gather3A_765 = arith.constant 0 : i32
        %gather3A_766 = arith.constant 0 : i32
        %gather3A_767 = tpu.memref_slice %arg8[%scan3A_443, %gather3A_765, %gather3A_766] : memref<2x800x32xi32, #tpu.memory_space<vmem>> -> memref<1x800x32xi32, #tpu.memory_space<vmem>>
        %gather3A_768 = tpu.memref_squeeze %gather3A_767 : memref<1x800x32xi32, #tpu.memory_space<vmem>> -> memref<800x32xi32, #tpu.memory_space<vmem>>
        %gather3A_769 = tpu.vector_load_idx %gather3A_768[%add3A_431, %and3A_760] : memref<800x32xi32, #tpu.memory_space<vmem>>[vector<16xi32>, vector<16xi32>], vector<16xi32>,
        %gather3A_770 = arith.constant 0 : i32
        %gather3A_771 = arith.constant 0 : i32
        %gather3A_772 = tpu.memref_slice %arg8[%scan3A_443, %gather3A_770, %gather3A_771] : memref<2x800x32xi32, #tpu.memory_space<vmem>> -> memref<1x800x32xi32, #tpu.memory_space<vmem>>
        %gather3A_773 = tpu.memref_squeeze %gather3A_772 : memref<1x800x32xi32, #tpu.memory_space<vmem>> -> memref<800x32xi32, #tpu.memory_space<vmem>>
        %gather3A_774 = tpu.vector_load_idx %gather3A_773[%add3A_434, %and3A_760] : memref<800x32xi32, #tpu.memory_space<vmem>>[vector<16xi32>, vector<16xi32>], vector<16xi32>,
        %gather3A_775 = arith.constant 0 : i32
        %gather3A_776 = arith.constant 0 : i32
        %gather3A_777 = tpu.memref_slice %arg8[%scan3A_443, %gather3A_775, %gather3A_776] : memref<2x800x32xi32, #tpu.memory_space<vmem>> -> memref<1x800x32xi32, #tpu.memory_space<vmem>>
        %gather3A_778 = tpu.memref_squeeze %gather3A_777 : memref<1x800x32xi32, #tpu.memory_space<vmem>> -> memref<800x32xi32, #tpu.memory_space<vmem>>
        %gather3A_779 = tpu.vector_load_idx %gather3A_778[%add3A_437, %and3A_760] : memref<800x32xi32, #tpu.memory_space<vmem>>[vector<16xi32>, vector<16xi32>], vector<16xi32>,
        %gather3A_780 = arith.constant 0 : i32
        %gather3A_781 = arith.constant 0 : i32
        %gather3A_782 = tpu.memref_slice %arg8[%scan3A_443, %gather3A_780, %gather3A_781] : memref<2x800x32xi32, #tpu.memory_space<vmem>> -> memref<1x800x32xi32, #tpu.memory_space<vmem>>
        %gather3A_783 = tpu.memref_squeeze %gather3A_782 : memref<1x800x32xi32, #tpu.memory_space<vmem>> -> memref<800x32xi32, #tpu.memory_space<vmem>>
        %gather3A_784 = tpu.vector_load_idx %gather3A_783[%add3A_440, %and3A_760] : memref<800x32xi32, #tpu.memory_space<vmem>>[vector<16xi32>, vector<16xi32>], vector<16xi32>,
        %bitcast3A_785 = vector.bitcast %gather3A_769 : vector<16xi32> to vector<32xbf16>
        %bitcast3A_786 = vector.bitcast %gather3A_774 : vector<16xi32> to vector<32xbf16>
        %add3A_787 = arith.addf %bitcast3A_785, %bitcast3A_786 : vector<32xbf16>
        %max3A_788 = arith.constant 0.000000e+00 : bf16
        %max3A_789 = vector.broadcast %max3A_788 : bf16 to vector<32xbf16>
        %max3A_790 = arith.maximumf %add3A_787, %max3A_789 : vector<32xbf16>
        %mul3A_791 = arith.mulf %max3A_790, %bitcast3A_764 : vector<32xbf16>
        %add3A_792 = arith.addf %add3A_745, %mul3A_791 : vector<32xbf16>
        %bitcast3A_793 = vector.bitcast %gather3A_779 : vector<16xi32> to vector<32xbf16>
        %bitcast3A_794 = vector.bitcast %gather3A_784 : vector<16xi32> to vector<32xbf16>
        %add3A_795 = arith.addf %bitcast3A_793, %bitcast3A_794 : vector<32xbf16>
        %max3A_796 = arith.constant 0.000000e+00 : bf16
        %max3A_797 = vector.broadcast %max3A_796 : bf16 to vector<32xbf16>
        %max3A_798 = arith.maximumf %add3A_795, %max3A_797 : vector<32xbf16>
        %mul3A_799 = arith.mulf %max3A_798, %bitcast3A_764 : vector<32xbf16>
        %add3A_800 = arith.addf %add3A_753, %mul3A_799 : vector<32xbf16>
        %add3A_801 = arith.constant 6 : i32
        %add3A_802 = arith.addi %mul3A_522, %add3A_801 : i32
        %add3A_803 = vector.broadcast %add3A_802 : i32 to vector<16xi32>
        %add3A_804 = arith.addi %iota3A_422, %add3A_803 : vector<16xi32>
        %and3A_805 = arith.constant 31 : i32
        %and3A_806 = vector.broadcast %and3A_805 : i32 to vector<16xi32>
        %and3A_807 = arith.andi %add3A_804, %and3A_806 : vector<16xi32>
        %get3A_808 = arith.index_cast %add3A_802 : i32 to index
        %get3A_809 = arith.constant 0 : index
        %get3A_810 = tpu.vector_load %arg10[%get3A_808, %get3A_809] {strides = array<i32>} : memref<32x16xi32, #tpu.memory_space<vmem>>, vector<16xi32>,
        %bitcast3A_811 = vector.bitcast %get3A_810 : vector<16xi32> to vector<32xbf16>
        %gather3A_812 = arith.constant 0 : i32
        %gather3A_813 = arith.constant 0 : i32
        %gather3A_814 = tpu.memref_slice %arg8[%scan3A_443, %gather3A_812, %gather3A_813] : memref<2x800x32xi32, #tpu.memory_space<vmem>> -> memref<1x800x32xi32, #tpu.memory_space<vmem>>
        %gather3A_815 = tpu.memref_squeeze %gather3A_814 : memref<1x800x32xi32, #tpu.memory_space<vmem>> -> memref<800x32xi32, #tpu.memory_space<vmem>>
        %gather3A_816 = tpu.vector_load_idx %gather3A_815[%add3A_431, %and3A_807] : memref<800x32xi32, #tpu.memory_space<vmem>>[vector<16xi32>, vector<16xi32>], vector<16xi32>,
        %gather3A_817 = arith.constant 0 : i32
        %gather3A_818 = arith.constant 0 : i32
        %gather3A_819 = tpu.memref_slice %arg8[%scan3A_443, %gather3A_817, %gather3A_818] : memref<2x800x32xi32, #tpu.memory_space<vmem>> -> memref<1x800x32xi32, #tpu.memory_space<vmem>>
        %gather3A_820 = tpu.memref_squeeze %gather3A_819 : memref<1x800x32xi32, #tpu.memory_space<vmem>> -> memref<800x32xi32, #tpu.memory_space<vmem>>
        %gather3A_821 = tpu.vector_load_idx %gather3A_820[%add3A_434, %and3A_807] : memref<800x32xi32, #tpu.memory_space<vmem>>[vector<16xi32>, vector<16xi32>], vector<16xi32>,
        %gather3A_822 = arith.constant 0 : i32
        %gather3A_823 = arith.constant 0 : i32
        %gather3A_824 = tpu.memref_slice %arg8[%scan3A_443, %gather3A_822, %gather3A_823] : memref<2x800x32xi32, #tpu.memory_space<vmem>> -> memref<1x800x32xi32, #tpu.memory_space<vmem>>
        %gather3A_825 = tpu.memref_squeeze %gather3A_824 : memref<1x800x32xi32, #tpu.memory_space<vmem>> -> memref<800x32xi32, #tpu.memory_space<vmem>>
        %gather3A_826 = tpu.vector_load_idx %gather3A_825[%add3A_437, %and3A_807] : memref<800x32xi32, #tpu.memory_space<vmem>>[vector<16xi32>, vector<16xi32>], vector<16xi32>,
        %gather3A_827 = arith.constant 0 : i32
        %gather3A_828 = arith.constant 0 : i32
        %gather3A_829 = tpu.memref_slice %arg8[%scan3A_443, %gather3A_827, %gather3A_828] : memref<2x800x32xi32, #tpu.memory_space<vmem>> -> memref<1x800x32xi32, #tpu.memory_space<vmem>>
        %gather3A_830 = tpu.memref_squeeze %gather3A_829 : memref<1x800x32xi32, #tpu.memory_space<vmem>> -> memref<800x32xi32, #tpu.memory_space<vmem>>
        %gather3A_831 = tpu.vector_load_idx %gather3A_830[%add3A_440, %and3A_807] : memref<800x32xi32, #tpu.memory_space<vmem>>[vector<16xi32>, vector<16xi32>], vector<16xi32>,
        %bitcast3A_832 = vector.bitcast %gather3A_816 : vector<16xi32> to vector<32xbf16>
        %bitcast3A_833 = vector.bitcast %gather3A_821 : vector<16xi32> to vector<32xbf16>
        %add3A_834 = arith.addf %bitcast3A_832, %bitcast3A_833 : vector<32xbf16>
        %max3A_835 = arith.constant 0.000000e+00 : bf16
        %max3A_836 = vector.broadcast %max3A_835 : bf16 to vector<32xbf16>
        %max3A_837 = arith.maximumf %add3A_834, %max3A_836 : vector<32xbf16>
        %mul3A_838 = arith.mulf %max3A_837, %bitcast3A_811 : vector<32xbf16>
        %add3A_839 = arith.addf %add3A_792, %mul3A_838 : vector<32xbf16>
        %bitcast3A_840 = vector.bitcast %gather3A_826 : vector<16xi32> to vector<32xbf16>
        %bitcast3A_841 = vector.bitcast %gather3A_831 : vector<16xi32> to vector<32xbf16>
        %add3A_842 = arith.addf %bitcast3A_840, %bitcast3A_841 : vector<32xbf16>
        %max3A_843 = arith.constant 0.000000e+00 : bf16
        %max3A_844 = vector.broadcast %max3A_843 : bf16 to vector<32xbf16>
        %max3A_845 = arith.maximumf %add3A_842, %max3A_844 : vector<32xbf16>
        %mul3A_846 = arith.mulf %max3A_845, %bitcast3A_811 : vector<32xbf16>
        %add3A_847 = arith.addf %add3A_800, %mul3A_846 : vector<32xbf16>
        %add3A_848 = arith.constant 7 : i32
        %add3A_849 = arith.addi %mul3A_522, %add3A_848 : i32
        %add3A_850 = vector.broadcast %add3A_849 : i32 to vector<16xi32>
        %add3A_851 = arith.addi %iota3A_422, %add3A_850 : vector<16xi32>
        %and3A_852 = arith.constant 31 : i32
        %and3A_853 = vector.broadcast %and3A_852 : i32 to vector<16xi32>
        %and3A_854 = arith.andi %add3A_851, %and3A_853 : vector<16xi32>
        %get3A_855 = arith.index_cast %add3A_849 : i32 to index
        %get3A_856 = arith.constant 0 : index
        %get3A_857 = tpu.vector_load %arg10[%get3A_855, %get3A_856] {strides = array<i32>} : memref<32x16xi32, #tpu.memory_space<vmem>>, vector<16xi32>,
        %bitcast3A_858 = vector.bitcast %get3A_857 : vector<16xi32> to vector<32xbf16>
        %gather3A_859 = arith.constant 0 : i32
        %gather3A_860 = arith.constant 0 : i32
        %gather3A_861 = tpu.memref_slice %arg8[%scan3A_443, %gather3A_859, %gather3A_860] : memref<2x800x32xi32, #tpu.memory_space<vmem>> -> memref<1x800x32xi32, #tpu.memory_space<vmem>>
        %gather3A_862 = tpu.memref_squeeze %gather3A_861 : memref<1x800x32xi32, #tpu.memory_space<vmem>> -> memref<800x32xi32, #tpu.memory_space<vmem>>
        %gather3A_863 = tpu.vector_load_idx %gather3A_862[%add3A_431, %and3A_854] : memref<800x32xi32, #tpu.memory_space<vmem>>[vector<16xi32>, vector<16xi32>], vector<16xi32>,
        %gather3A_864 = arith.constant 0 : i32
        %gather3A_865 = arith.constant 0 : i32
        %gather3A_866 = tpu.memref_slice %arg8[%scan3A_443, %gather3A_864, %gather3A_865] : memref<2x800x32xi32, #tpu.memory_space<vmem>> -> memref<1x800x32xi32, #tpu.memory_space<vmem>>
        %gather3A_867 = tpu.memref_squeeze %gather3A_866 : memref<1x800x32xi32, #tpu.memory_space<vmem>> -> memref<800x32xi32, #tpu.memory_space<vmem>>
        %gather3A_868 = tpu.vector_load_idx %gather3A_867[%add3A_434, %and3A_854] : memref<800x32xi32, #tpu.memory_space<vmem>>[vector<16xi32>, vector<16xi32>], vector<16xi32>,
        %gather3A_869 = arith.constant 0 : i32
        %gather3A_870 = arith.constant 0 : i32
        %gather3A_871 = tpu.memref_slice %arg8[%scan3A_443, %gather3A_869, %gather3A_870] : memref<2x800x32xi32, #tpu.memory_space<vmem>> -> memref<1x800x32xi32, #tpu.memory_space<vmem>>
        %gather3A_872 = tpu.memref_squeeze %gather3A_871 : memref<1x800x32xi32, #tpu.memory_space<vmem>> -> memref<800x32xi32, #tpu.memory_space<vmem>>
        %gather3A_873 = tpu.vector_load_idx %gather3A_872[%add3A_437, %and3A_854] : memref<800x32xi32, #tpu.memory_space<vmem>>[vector<16xi32>, vector<16xi32>], vector<16xi32>,
        %gather3A_874 = arith.constant 0 : i32
        %gather3A_875 = arith.constant 0 : i32
        %gather3A_876 = tpu.memref_slice %arg8[%scan3A_443, %gather3A_874, %gather3A_875] : memref<2x800x32xi32, #tpu.memory_space<vmem>> -> memref<1x800x32xi32, #tpu.memory_space<vmem>>
        %gather3A_877 = tpu.memref_squeeze %gather3A_876 : memref<1x800x32xi32, #tpu.memory_space<vmem>> -> memref<800x32xi32, #tpu.memory_space<vmem>>
        %gather3A_878 = tpu.vector_load_idx %gather3A_877[%add3A_440, %and3A_854] : memref<800x32xi32, #tpu.memory_space<vmem>>[vector<16xi32>, vector<16xi32>], vector<16xi32>,
        %bitcast3A_879 = vector.bitcast %gather3A_863 : vector<16xi32> to vector<32xbf16>
        %bitcast3A_880 = vector.bitcast %gather3A_868 : vector<16xi32> to vector<32xbf16>
        %add3A_881 = arith.addf %bitcast3A_879, %bitcast3A_880 : vector<32xbf16>
        %max3A_882 = arith.constant 0.000000e+00 : bf16
        %max3A_883 = vector.broadcast %max3A_882 : bf16 to vector<32xbf16>
        %max3A_884 = arith.maximumf %add3A_881, %max3A_883 : vector<32xbf16>
        %mul3A_885 = arith.mulf %max3A_884, %bitcast3A_858 : vector<32xbf16>
        %add3A_886 = arith.addf %add3A_839, %mul3A_885 : vector<32xbf16>
        %bitcast3A_887 = vector.bitcast %gather3A_873 : vector<16xi32> to vector<32xbf16>
        %bitcast3A_888 = vector.bitcast %gather3A_878 : vector<16xi32> to vector<32xbf16>
        %add3A_889 = arith.addf %bitcast3A_887, %bitcast3A_888 : vector<32xbf16>
        %max3A_890 = arith.constant 0.000000e+00 : bf16
        %max3A_891 = vector.broadcast %max3A_890 : bf16 to vector<32xbf16>
        %max3A_892 = arith.maximumf %add3A_889, %max3A_891 : vector<32xbf16>
        %mul3A_893 = arith.mulf %max3A_892, %bitcast3A_858 : vector<32xbf16>
        %add3A_894 = arith.addf %add3A_847, %mul3A_893 : vector<32xbf16>
        scf.yield %add3A_886, %add3A_894 : vector<32xbf16>, vector<32xbf16>
      }
      %scan3A_449 = arith.constant 4 : i32
      %add3A_450 = arith.constant 368 : i32
      %add3A_451 = arith.constant 16 : i32
      %add3A_452 = arith.addi %add3A_450, %add3A_451 : i32
      %unpack3A_453 = tpu.unpack_subelements %scan3A_448#0, 0 {pack_format = #tpu.pack_format<interleaved>} : vector<32xbf16> -> vector<16xf32>
      %unpack3A_454 = tpu.unpack_subelements %scan3A_448#0, 1 {pack_format = #tpu.pack_format<interleaved>} : vector<32xbf16> -> vector<16xf32>
      %add3A_455 = arith.addf %unpack3A_453, %unpack3A_454 : vector<16xf32>
      %get3A_456 = arith.constant 0 : index
      %get3A_457 = tpu.vector_load %arg11[%get3A_456] {strides = array<i32>} : memref<16xf32, #tpu.memory_space<vmem>>, vector<16xf32>,
      %add3A_458 = arith.addf %add3A_455, %get3A_457 : vector<16xf32>
      %neg3A_459 = arith.constant 0.000000e+00 : f32
      %neg3A_460 = vector.broadcast %neg3A_459 : f32 to vector<16xf32>
      %neg3A_461 = arith.subf %neg3A_460, %add3A_458 : vector<16xf32>
      %exp3A_462 = math.exp %neg3A_461 : vector<16xf32>
      %add3A_463 = arith.constant 1.000000e+00 : f32
      %add3A_464 = vector.broadcast %add3A_463 : f32 to vector<16xf32>
      %add3A_465 = arith.addf %add3A_464, %exp3A_462 : vector<16xf32>
      %div3A_466 = arith.constant 1.000000e+00 : f32
      %div3A_467 = vector.broadcast %div3A_466 : f32 to vector<16xf32>
      %div3A_468 = arith.divf %div3A_467, %add3A_465 : vector<16xf32>
      %swap3A_469 = arith.constant 1 : i32
      %swap3A_470 = arith.constant 368 : i32
      %swap3A_471 = arith.constant 0 : i32
      %swap3A_472 = tpu.memref_slice %arg9[%swap3A_469, %swap3A_471] : memref<2x400xf32, #tpu.memory_space<vmem>> -> memref<1x400xf32, #tpu.memory_space<vmem>>
      %swap3A_473 = tpu.memref_squeeze %swap3A_472 : memref<1x400xf32, #tpu.memory_space<vmem>> -> memref<400xf32, #tpu.memory_space<vmem>>
      %swap3A_474 = arith.index_cast %swap3A_470 : i32 to index
      %swap3A_475 = tpu.vector_load %swap3A_473[%swap3A_474] {strides = array<i32>} : memref<400xf32, #tpu.memory_space<vmem>>, vector<16xf32>,
      tpu.vector_store %swap3A_473[%swap3A_474], %div3A_468 {strides = array<i32>} : memref<400xf32, #tpu.memory_space<vmem>>, vector<16xf32>,
      %unpack3A_476 = tpu.unpack_subelements %scan3A_448#1, 0 {pack_format = #tpu.pack_format<interleaved>} : vector<32xbf16> -> vector<16xf32>
      %unpack3A_477 = tpu.unpack_subelements %scan3A_448#1, 1 {pack_format = #tpu.pack_format<interleaved>} : vector<32xbf16> -> vector<16xf32>
      %add3A_478 = arith.addf %unpack3A_476, %unpack3A_477 : vector<16xf32>
      %get3A_479 = arith.constant 0 : index
      %get3A_480 = tpu.vector_load %arg11[%get3A_479] {strides = array<i32>} : memref<16xf32, #tpu.memory_space<vmem>>, vector<16xf32>,
      %add3A_481 = arith.addf %add3A_478, %get3A_480 : vector<16xf32>
      %neg3A_482 = arith.constant 0.000000e+00 : f32
      %neg3A_483 = vector.broadcast %neg3A_482 : f32 to vector<16xf32>
      %neg3A_484 = arith.subf %neg3A_483, %add3A_481 : vector<16xf32>
      %exp3A_485 = math.exp %neg3A_484 : vector<16xf32>
      %add3A_486 = arith.constant 1.000000e+00 : f32
      %add3A_487 = vector.broadcast %add3A_486 : f32 to vector<16xf32>
      %add3A_488 = arith.addf %add3A_487, %exp3A_485 : vector<16xf32>
      %div3A_489 = arith.constant 1.000000e+00 : f32
      %div3A_490 = vector.broadcast %div3A_489 : f32 to vector<16xf32>
      %div3A_491 = arith.divf %div3A_490, %add3A_488 : vector<16xf32>
      %swap3A_492 = arith.constant 1 : i32
      %swap3A_493 = arith.constant 0 : i32
      %swap3A_494 = tpu.memref_slice %arg9[%swap3A_492, %swap3A_493] : memref<2x400xf32, #tpu.memory_space<vmem>> -> memref<1x400xf32, #tpu.memory_space<vmem>>
      %swap3A_495 = tpu.memref_squeeze %swap3A_494 : memref<1x400xf32, #tpu.memory_space<vmem>> -> memref<400xf32, #tpu.memory_space<vmem>>
      %swap3A_496 = arith.index_cast %add3A_452 : i32 to index
      %swap3A_497 = tpu.vector_load %swap3A_495[%swap3A_496] {strides = array<i32>} : memref<400xf32, #tpu.memory_space<vmem>>, vector<16xf32>,
      tpu.vector_store %swap3A_495[%swap3A_496], %div3A_491 {strides = array<i32>} : memref<400xf32, #tpu.memory_space<vmem>>, vector<16xf32>,
      %dma_start3A_498 = arith.constant 1 : i32
      %dma_start3A_499 = arith.constant 0 : i32
      %dma_start3A_500 = tpu.memref_slice %arg9[%dma_start3A_498, %dma_start3A_499] : memref<2x400xf32, #tpu.memory_space<vmem>> -> memref<1x400xf32, #tpu.memory_space<vmem>>
      %dma_start3A_501 = tpu.memref_squeeze %dma_start3A_500 : memref<1x400xf32, #tpu.memory_space<vmem>> -> memref<400xf32, #tpu.memory_space<vmem>>
      %dma_start3A_502 = arith.constant 0 : i32
      %dma_start3A_503 = tpu.memref_slice %arg6[%add3A_402, %dma_start3A_502] : memref<800x400xf32, #tpu.memory_space<hbm>> -> memref<1x400xf32, #tpu.memory_space<hbm>>
      %dma_start3A_504 = tpu.memref_squeeze %dma_start3A_503 : memref<1x400xf32, #tpu.memory_space<hbm>> -> memref<400xf32, #tpu.memory_space<hbm>>
      %dma_start3A_505 = arith.constant 0 : i32
      %dma_start3A_506 = tpu.memref_slice %arg6[%add3A_402, %dma_start3A_505] : memref<800x400xf32, #tpu.memory_space<hbm>> -> memref<1x400xf32, #tpu.memory_space<hbm>>
      %dma_start3A_507 = tpu.memref_squeeze %dma_start3A_506 : memref<1x400xf32, #tpu.memory_space<hbm>> -> memref<400xf32, #tpu.memory_space<hbm>>
      %dma_start3A_508 = arith.constant 0 : i32
      %dma_start3A_509 = tpu.memref_slice %arg9[%dma_start3A_498, %dma_start3A_508] : memref<2x400xf32, #tpu.memory_space<vmem>> -> memref<1x400xf32, #tpu.memory_space<vmem>>
      %dma_start3A_510 = tpu.memref_squeeze %dma_start3A_509 : memref<1x400xf32, #tpu.memory_space<vmem>> -> memref<400xf32, #tpu.memory_space<vmem>>
      tpu.enqueue_dma source(%dma_start3A_510 : memref<400xf32, #tpu.memory_space<vmem>>) target(%dma_start3A_507 : memref<400xf32, #tpu.memory_space<hbm>>) target_semaphore(%arg17 : memref<!tpu.dma_semaphore, #tpu.memory_space<semaphore_mem>>)
      %add3A_511 = arith.constant 1 : i32
      %add3A_512 = arith.addi %add3A_401, %add3A_511 : i32
      %lt3A_513 = arith.constant 25 : i32
      %lt3A_514 = arith.cmpi slt, %add3A_512, %lt3A_513 : i32
      %convert_element_type3A_515 = arith.extui %lt3A_514 : i1 to i32
      %cond3A_516 = arith.constant 0 : i32
      %cond3A_517 = arith.cmpi ne, %convert_element_type3A_515, %cond3A_516 : i32
      scf.if %cond3A_517 {
        %dma_wait3A_518 = arith.constant 0 : i32
        %dma_wait3A_519 = arith.constant 0 : i32
        %dma_wait3A_520 = arith.constant 0 : i32
        %dma_wait3A_521 = arith.constant 0 : i32
        %dma_wait3A_522 = tpu.memref_slice %arg8[%dma_wait3A_519, %dma_wait3A_520, %dma_wait3A_521] : memref<2x800x32xi32, #tpu.memory_space<vmem>> -> memref<1x400x32xi32, #tpu.memory_space<vmem>>
        %dma_wait3A_523 = tpu.memref_squeeze %dma_wait3A_522 : memref<1x400x32xi32, #tpu.memory_space<vmem>> -> memref<400x32xi32, #tpu.memory_space<vmem>>
        %dma_wait3A_524 = arith.constant 0 : i32
        %dma_wait3A_525 = tpu.memref_slice %arg7[%dma_wait3A_518, %dma_wait3A_524] : memref<2x800xi32, #tpu.memory_space<vmem>> -> memref<1x400xi32, #tpu.memory_space<vmem>>
        %dma_wait3A_526 = tpu.memref_squeeze %dma_wait3A_525 : memref<1x400xi32, #tpu.memory_space<vmem>> -> memref<400xi32, #tpu.memory_space<vmem>>
        %dma_wait3A_527 = arith.constant 0 : i32
        %dma_wait3A_528 = arith.constant 0 : i32
        %dma_wait3A_529 = tpu.memref_slice %arg12[%dma_wait3A_527, %dma_wait3A_528] : memref<10000x32xi32, #tpu.memory_space<vmem_shared>> -> memref<10000x32xi32, #tpu.memory_space<vmem_shared>>
        tpu.wait_indirect_dma semaphore(%arg15 : memref<!tpu.dma_semaphore, #tpu.memory_space<semaphore_mem>>) src(%dma_wait3A_529 : memref<10000x32xi32, #tpu.memory_space<vmem_shared>>) dst(%dma_wait3A_523 : memref<400x32xi32, #tpu.memory_space<vmem>>)
        %dma_wait3A_530 = arith.constant 0 : i32
        %dma_wait3A_531 = arith.constant 0 : i32
        %dma_wait3A_532 = arith.constant 400 : i32
        %dma_wait3A_533 = arith.constant 0 : i32
        %dma_wait3A_534 = tpu.memref_slice %arg8[%dma_wait3A_531, %dma_wait3A_532, %dma_wait3A_533] : memref<2x800x32xi32, #tpu.memory_space<vmem>> -> memref<1x400x32xi32, #tpu.memory_space<vmem>>
        %dma_wait3A_535 = tpu.memref_squeeze %dma_wait3A_534 : memref<1x400x32xi32, #tpu.memory_space<vmem>> -> memref<400x32xi32, #tpu.memory_space<vmem>>
        %dma_wait3A_536 = arith.constant 400 : i32
        %dma_wait3A_537 = tpu.memref_slice %arg7[%dma_wait3A_530, %dma_wait3A_536] : memref<2x800xi32, #tpu.memory_space<vmem>> -> memref<1x400xi32, #tpu.memory_space<vmem>>
        %dma_wait3A_538 = tpu.memref_squeeze %dma_wait3A_537 : memref<1x400xi32, #tpu.memory_space<vmem>> -> memref<400xi32, #tpu.memory_space<vmem>>
        %dma_wait3A_539 = arith.constant 0 : i32
        %dma_wait3A_540 = arith.constant 0 : i32
        %dma_wait3A_541 = tpu.memref_slice %arg13[%dma_wait3A_539, %dma_wait3A_540] : memref<10000x32xi32, #tpu.memory_space<vmem_shared>> -> memref<10000x32xi32, #tpu.memory_space<vmem_shared>>
        tpu.wait_indirect_dma semaphore(%arg15 : memref<!tpu.dma_semaphore, #tpu.memory_space<semaphore_mem>>) src(%dma_wait3A_541 : memref<10000x32xi32, #tpu.memory_space<vmem_shared>>) dst(%dma_wait3A_535 : memref<400x32xi32, #tpu.memory_space<vmem>>)
      } else {
      }
    }
    %scan3A_136 = arith.constant 12 : i32
    %add3A_137 = arith.constant 24 : i32
    %add3A_138 = arith.addi %mul3A_6, %add3A_137 : i32
    %add3A_139 = arith.constant 24 : i32
    %add3A_140 = arith.constant 1 : i32
    %add3A_141 = arith.addi %add3A_139, %add3A_140 : i32
    %lt3A = arith.constant 25 : i32
    %lt3A_142 = arith.cmpi slt, %add3A_141, %lt3A : i32
    %convert_element_type3A = arith.extui %lt3A_142 : i1 to i32
    %cond3A = arith.constant 0 : i32
    %cond3A_143 = arith.cmpi ne, %convert_element_type3A, %cond3A : i32
    scf.if %cond3A_143 {
      %add3A_279 = arith.constant 1 : i32
      %add3A_280 = arith.addi %add3A_138, %add3A_279 : i32
      %mul3A_281 = arith.constant 400 : i32
      %mul3A_282 = arith.muli %add3A_280, %mul3A_281 : i32
      %dma_wait3A_283 = arith.constant 0 : i32
      %dma_wait3A_284 = arith.constant 1 : i32
      %dma_wait3A_285 = arith.constant 0 : i32
      %dma_wait3A_286 = tpu.memref_slice %arg7[%dma_wait3A_284, %dma_wait3A_285] : memref<2x800xi32, #tpu.memory_space<vmem>> -> memref<1x400xi32, #tpu.memory_space<vmem>>
      %dma_wait3A_287 = tpu.memref_squeeze %dma_wait3A_286 : memref<1x400xi32, #tpu.memory_space<vmem>> -> memref<400xi32, #tpu.memory_space<vmem>>
      %dma_wait3A_288 = tpu.memref_slice %arg3[%dma_wait3A_283, %mul3A_282] : memref<2x320000xi32, #tpu.memory_space<hbm>> -> memref<1x400xi32, #tpu.memory_space<hbm>>
      %dma_wait3A_289 = tpu.memref_squeeze %dma_wait3A_288 : memref<1x400xi32, #tpu.memory_space<hbm>> -> memref<400xi32, #tpu.memory_space<hbm>>
      %dma_wait3A_290 = arith.constant 0 : i32
      %dma_wait3A_291 = tpu.memref_slice %arg7[%dma_wait3A_284, %dma_wait3A_290] : memref<2x800xi32, #tpu.memory_space<vmem>> -> memref<1x400xi32, #tpu.memory_space<vmem>>
      %dma_wait3A_292 = tpu.memref_squeeze %dma_wait3A_291 : memref<1x400xi32, #tpu.memory_space<vmem>> -> memref<400xi32, #tpu.memory_space<vmem>>
      %dma_wait3A_293 = tpu.memref_slice %arg3[%dma_wait3A_283, %mul3A_282] : memref<2x320000xi32, #tpu.memory_space<hbm>> -> memref<1x400xi32, #tpu.memory_space<hbm>>
      %dma_wait3A_294 = tpu.memref_squeeze %dma_wait3A_293 : memref<1x400xi32, #tpu.memory_space<hbm>> -> memref<400xi32, #tpu.memory_space<hbm>>
      tpu.wait_dma2 semaphore(%arg14 : memref<!tpu.dma_semaphore, #tpu.memory_space<semaphore_mem>>) src(%dma_wait3A_294 : memref<400xi32, #tpu.memory_space<hbm>>) dst(%dma_wait3A_292 : memref<400xi32, #tpu.memory_space<vmem>>)
      %dma_wait3A_295 = arith.constant 1 : i32
      %dma_wait3A_296 = arith.constant 1 : i32
      %dma_wait3A_297 = arith.constant 400 : i32
      %dma_wait3A_298 = tpu.memref_slice %arg7[%dma_wait3A_296, %dma_wait3A_297] : memref<2x800xi32, #tpu.memory_space<vmem>> -> memref<1x400xi32, #tpu.memory_space<vmem>>
      %dma_wait3A_299 = tpu.memref_squeeze %dma_wait3A_298 : memref<1x400xi32, #tpu.memory_space<vmem>> -> memref<400xi32, #tpu.memory_space<vmem>>
      %dma_wait3A_300 = tpu.memref_slice %arg3[%dma_wait3A_295, %mul3A_282] : memref<2x320000xi32, #tpu.memory_space<hbm>> -> memref<1x400xi32, #tpu.memory_space<hbm>>
      %dma_wait3A_301 = tpu.memref_squeeze %dma_wait3A_300 : memref<1x400xi32, #tpu.memory_space<hbm>> -> memref<400xi32, #tpu.memory_space<hbm>>
      %dma_wait3A_302 = arith.constant 400 : i32
      %dma_wait3A_303 = tpu.memref_slice %arg7[%dma_wait3A_296, %dma_wait3A_302] : memref<2x800xi32, #tpu.memory_space<vmem>> -> memref<1x400xi32, #tpu.memory_space<vmem>>
      %dma_wait3A_304 = tpu.memref_squeeze %dma_wait3A_303 : memref<1x400xi32, #tpu.memory_space<vmem>> -> memref<400xi32, #tpu.memory_space<vmem>>
      %dma_wait3A_305 = tpu.memref_slice %arg3[%dma_wait3A_295, %mul3A_282] : memref<2x320000xi32, #tpu.memory_space<hbm>> -> memref<1x400xi32, #tpu.memory_space<hbm>>
      %dma_wait3A_306 = tpu.memref_squeeze %dma_wait3A_305 : memref<1x400xi32, #tpu.memory_space<hbm>> -> memref<400xi32, #tpu.memory_space<hbm>>
      tpu.wait_dma2 semaphore(%arg14 : memref<!tpu.dma_semaphore, #tpu.memory_space<semaphore_mem>>) src(%dma_wait3A_306 : memref<400xi32, #tpu.memory_space<hbm>>) dst(%dma_wait3A_304 : memref<400xi32, #tpu.memory_space<vmem>>)
      %dma_start3A_307 = arith.constant 1 : i32
      %dma_start3A_308 = arith.constant 1 : i32
      %dma_start3A_309 = arith.constant 0 : i32
      %dma_start3A_310 = arith.constant 0 : i32
      %dma_start3A_311 = tpu.memref_slice %arg8[%dma_start3A_308, %dma_start3A_309, %dma_start3A_310] : memref<2x800x32xi32, #tpu.memory_space<vmem>> -> memref<1x400x32xi32, #tpu.memory_space<vmem>>
      %dma_start3A_312 = tpu.memref_squeeze %dma_start3A_311 : memref<1x400x32xi32, #tpu.memory_space<vmem>> -> memref<400x32xi32, #tpu.memory_space<vmem>>
      %dma_start3A_313 = arith.constant 0 : i32
      %dma_start3A_314 = tpu.memref_slice %arg7[%dma_start3A_307, %dma_start3A_313] : memref<2x800xi32, #tpu.memory_space<vmem>> -> memref<1x400xi32, #tpu.memory_space<vmem>>
      %dma_start3A_315 = tpu.memref_squeeze %dma_start3A_314 : memref<1x400xi32, #tpu.memory_space<vmem>> -> memref<400xi32, #tpu.memory_space<vmem>>
      %dma_start3A_316 = arith.constant 0 : i32
      %dma_start3A_317 = arith.constant 0 : i32
      %dma_start3A_318 = tpu.memref_slice %arg12[%dma_start3A_316, %dma_start3A_317] : memref<10000x32xi32, #tpu.memory_space<vmem_shared>> -> memref<10000x32xi32, #tpu.memory_space<vmem_shared>>
      tpu.enqueue_indirect_dma source(%dma_start3A_318 : memref<10000x32xi32, #tpu.memory_space<vmem_shared>>) target(%dma_start3A_312 : memref<400x32xi32, #tpu.memory_space<vmem>>) offsets(%dma_start3A_315 : memref<400xi32, #tpu.memory_space<vmem>>) semaphore(%arg15 : memref<!tpu.dma_semaphore, #tpu.memory_space<semaphore_mem>>)
      %dma_start3A_319 = arith.constant 1 : i32
      %dma_start3A_320 = arith.constant 1 : i32
      %dma_start3A_321 = arith.constant 400 : i32
      %dma_start3A_322 = arith.constant 0 : i32
      %dma_start3A_323 = tpu.memref_slice %arg8[%dma_start3A_320, %dma_start3A_321, %dma_start3A_322] : memref<2x800x32xi32, #tpu.memory_space<vmem>> -> memref<1x400x32xi32, #tpu.memory_space<vmem>>
      %dma_start3A_324 = tpu.memref_squeeze %dma_start3A_323 : memref<1x400x32xi32, #tpu.memory_space<vmem>> -> memref<400x32xi32, #tpu.memory_space<vmem>>
      %dma_start3A_325 = arith.constant 400 : i32
      %dma_start3A_326 = tpu.memref_slice %arg7[%dma_start3A_319, %dma_start3A_325] : memref<2x800xi32, #tpu.memory_space<vmem>> -> memref<1x400xi32, #tpu.memory_space<vmem>>
      %dma_start3A_327 = tpu.memref_squeeze %dma_start3A_326 : memref<1x400xi32, #tpu.memory_space<vmem>> -> memref<400xi32, #tpu.memory_space<vmem>>
      %dma_start3A_328 = arith.constant 0 : i32
      %dma_start3A_329 = arith.constant 0 : i32
      %dma_start3A_330 = tpu.memref_slice %arg13[%dma_start3A_328, %dma_start3A_329] : memref<10000x32xi32, #tpu.memory_space<vmem_shared>> -> memref<10000x32xi32, #tpu.memory_space<vmem_shared>>
      tpu.enqueue_indirect_dma source(%dma_start3A_330 : memref<10000x32xi32, #tpu.memory_space<vmem_shared>>) target(%dma_start3A_324 : memref<400x32xi32, #tpu.memory_space<vmem>>) offsets(%dma_start3A_327 : memref<400xi32, #tpu.memory_space<vmem>>) semaphore(%arg15 : memref<!tpu.dma_semaphore, #tpu.memory_space<semaphore_mem>>)
    } else {
    }
    %add3A_144 = arith.constant 24 : i32
    %add3A_145 = arith.constant 2 : i32
    %add3A_146 = arith.addi %add3A_144, %add3A_145 : i32
    %lt3A_147 = arith.constant 25 : i32
    %lt3A_148 = arith.cmpi slt, %add3A_146, %lt3A_147 : i32
    %convert_element_type3A_149 = arith.extui %lt3A_148 : i1 to i32
    %cond3A_150 = arith.constant 0 : i32
    %cond3A_151 = arith.cmpi ne, %convert_element_type3A_149, %cond3A_150 : i32
    scf.if %cond3A_151 {
      %add3A_279 = arith.constant 2 : i32
      %add3A_280 = arith.addi %add3A_138, %add3A_279 : i32
      %mul3A_281 = arith.constant 400 : i32
      %mul3A_282 = arith.muli %add3A_280, %mul3A_281 : i32
      %dma_start3A_283 = arith.constant 0 : i32
      %dma_start3A_284 = arith.constant 0 : i32
      %dma_start3A_285 = arith.constant 0 : i32
      %dma_start3A_286 = tpu.memref_slice %arg7[%dma_start3A_284, %dma_start3A_285] : memref<2x800xi32, #tpu.memory_space<vmem>> -> memref<1x400xi32, #tpu.memory_space<vmem>>
      %dma_start3A_287 = tpu.memref_squeeze %dma_start3A_286 : memref<1x400xi32, #tpu.memory_space<vmem>> -> memref<400xi32, #tpu.memory_space<vmem>>
      %dma_start3A_288 = tpu.memref_slice %arg3[%dma_start3A_283, %mul3A_282] : memref<2x320000xi32, #tpu.memory_space<hbm>> -> memref<1x400xi32, #tpu.memory_space<hbm>>
      %dma_start3A_289 = tpu.memref_squeeze %dma_start3A_288 : memref<1x400xi32, #tpu.memory_space<hbm>> -> memref<400xi32, #tpu.memory_space<hbm>>
      %dma_start3A_290 = arith.constant 0 : i32
      %dma_start3A_291 = tpu.memref_slice %arg7[%dma_start3A_284, %dma_start3A_290] : memref<2x800xi32, #tpu.memory_space<vmem>> -> memref<1x400xi32, #tpu.memory_space<vmem>>
      %dma_start3A_292 = tpu.memref_squeeze %dma_start3A_291 : memref<1x400xi32, #tpu.memory_space<vmem>> -> memref<400xi32, #tpu.memory_space<vmem>>
      %dma_start3A_293 = tpu.memref_slice %arg3[%dma_start3A_283, %mul3A_282] : memref<2x320000xi32, #tpu.memory_space<hbm>> -> memref<1x400xi32, #tpu.memory_space<hbm>>
      %dma_start3A_294 = tpu.memref_squeeze %dma_start3A_293 : memref<1x400xi32, #tpu.memory_space<hbm>> -> memref<400xi32, #tpu.memory_space<hbm>>
      tpu.enqueue_dma source(%dma_start3A_294 : memref<400xi32, #tpu.memory_space<hbm>>) target(%dma_start3A_292 : memref<400xi32, #tpu.memory_space<vmem>>) target_semaphore(%arg14 : memref<!tpu.dma_semaphore, #tpu.memory_space<semaphore_mem>>)
      %dma_start3A_295 = arith.constant 1 : i32
      %dma_start3A_296 = arith.constant 0 : i32
      %dma_start3A_297 = arith.constant 400 : i32
      %dma_start3A_298 = tpu.memref_slice %arg7[%dma_start3A_296, %dma_start3A_297] : memref<2x800xi32, #tpu.memory_space<vmem>> -> memref<1x400xi32, #tpu.memory_space<vmem>>
      %dma_start3A_299 = tpu.memref_squeeze %dma_start3A_298 : memref<1x400xi32, #tpu.memory_space<vmem>> -> memref<400xi32, #tpu.memory_space<vmem>>
      %dma_start3A_300 = tpu.memref_slice %arg3[%dma_start3A_295, %mul3A_282] : memref<2x320000xi32, #tpu.memory_space<hbm>> -> memref<1x400xi32, #tpu.memory_space<hbm>>
      %dma_start3A_301 = tpu.memref_squeeze %dma_start3A_300 : memref<1x400xi32, #tpu.memory_space<hbm>> -> memref<400xi32, #tpu.memory_space<hbm>>
      %dma_start3A_302 = arith.constant 400 : i32
      %dma_start3A_303 = tpu.memref_slice %arg7[%dma_start3A_296, %dma_start3A_302] : memref<2x800xi32, #tpu.memory_space<vmem>> -> memref<1x400xi32, #tpu.memory_space<vmem>>
      %dma_start3A_304 = tpu.memref_squeeze %dma_start3A_303 : memref<1x400xi32, #tpu.memory_space<vmem>> -> memref<400xi32, #tpu.memory_space<vmem>>
      %dma_start3A_305 = tpu.memref_slice %arg3[%dma_start3A_295, %mul3A_282] : memref<2x320000xi32, #tpu.memory_space<hbm>> -> memref<1x400xi32, #tpu.memory_space<hbm>>
      %dma_start3A_306 = tpu.memref_squeeze %dma_start3A_305 : memref<1x400xi32, #tpu.memory_space<hbm>> -> memref<400xi32, #tpu.memory_space<hbm>>
      tpu.enqueue_dma source(%dma_start3A_306 : memref<400xi32, #tpu.memory_space<hbm>>) target(%dma_start3A_304 : memref<400xi32, #tpu.memory_space<vmem>>) target_semaphore(%arg14 : memref<!tpu.dma_semaphore, #tpu.memory_space<semaphore_mem>>)
    } else {
    }
    %ge3A = arith.constant 24 : i32
    %ge3A_152 = arith.constant 2 : i32
    %ge3A_153 = arith.cmpi sge, %ge3A, %ge3A_152 : i32
    %convert_element_type3A_154 = arith.extui %ge3A_153 : i1 to i32
    %cond3A_155 = arith.constant 0 : i32
    %cond3A_156 = arith.cmpi ne, %convert_element_type3A_154, %cond3A_155 : i32
    scf.if %cond3A_156 {
      %sub3A_279 = arith.constant 2 : i32
      %sub3A_280 = arith.subi %add3A_138, %sub3A_279 : i32
      %dma_wait3A_281 = arith.constant 0 : i32
      %dma_wait3A_282 = arith.constant 0 : i32
      %dma_wait3A_283 = tpu.memref_slice %arg9[%dma_wait3A_281, %dma_wait3A_282] : memref<2x400xf32, #tpu.memory_space<vmem>> -> memref<1x400xf32, #tpu.memory_space<vmem>>
      %dma_wait3A_284 = tpu.memref_squeeze %dma_wait3A_283 : memref<1x400xf32, #tpu.memory_space<vmem>> -> memref<400xf32, #tpu.memory_space<vmem>>
      %dma_wait3A_285 = arith.constant 0 : i32
      %dma_wait3A_286 = tpu.memref_slice %arg6[%sub3A_280, %dma_wait3A_285] : memref<800x400xf32, #tpu.memory_space<hbm>> -> memref<1x400xf32, #tpu.memory_space<hbm>>
      %dma_wait3A_287 = tpu.memref_squeeze %dma_wait3A_286 : memref<1x400xf32, #tpu.memory_space<hbm>> -> memref<400xf32, #tpu.memory_space<hbm>>
      %dma_wait3A_288 = arith.constant 0 : i32
      %dma_wait3A_289 = tpu.memref_slice %arg6[%sub3A_280, %dma_wait3A_288] : memref<800x400xf32, #tpu.memory_space<hbm>> -> memref<1x400xf32, #tpu.memory_space<hbm>>
      %dma_wait3A_290 = tpu.memref_squeeze %dma_wait3A_289 : memref<1x400xf32, #tpu.memory_space<hbm>> -> memref<400xf32, #tpu.memory_space<hbm>>
      %dma_wait3A_291 = arith.constant 0 : i32
      %dma_wait3A_292 = tpu.memref_slice %arg9[%dma_wait3A_281, %dma_wait3A_291] : memref<2x400xf32, #tpu.memory_space<vmem>> -> memref<1x400xf32, #tpu.memory_space<vmem>>
      %dma_wait3A_293 = tpu.memref_squeeze %dma_wait3A_292 : memref<1x400xf32, #tpu.memory_space<vmem>> -> memref<400xf32, #tpu.memory_space<vmem>>
      tpu.wait_dma2 semaphore(%arg16 : memref<!tpu.dma_semaphore, #tpu.memory_space<semaphore_mem>>) src(%dma_wait3A_293 : memref<400xf32, #tpu.memory_space<vmem>>) dst(%dma_wait3A_290 : memref<400xf32, #tpu.memory_space<hbm>>)
    } else {
    }
    %iota3A = tpu.iota {dimensions = array<i32: 0>} : vector<16xi32>
    %scan3A_157 = arith.constant 0 : i32
    %scan3A_158 = arith.constant 0 : i32
    %scan3A_159 = arith.constant 12 : i32
    %scan3A_160 = arith.addi %scan3A_158, %scan3A_159 : i32
    %scan3A_161 = arith.constant 1 : i32
    scf.for %scan3A_279 = %scan3A_158 to %scan3A_160 step %scan3A_161  : i32 {
      %mul3A_280 = arith.constant 32 : i32
      %mul3A_281 = arith.muli %scan3A_279, %mul3A_280 : i32
      %add3A_282 = arith.constant 0 : i32
      %add3A_283 = arith.addi %add3A_282, %mul3A_281 : i32
      %add3A_284 = vector.broadcast %add3A_283 : i32 to vector<16xi32>
      %add3A_285 = arith.addi %add3A_284, %iota3A : vector<16xi32>
      %add3A_286 = arith.constant 400 : i32
      %add3A_287 = vector.broadcast %add3A_286 : i32 to vector<16xi32>
      %add3A_288 = arith.addi %add3A_285, %add3A_287 : vector<16xi32>
      %add3A_289 = arith.constant 16 : i32
      %add3A_290 = vector.broadcast %add3A_289 : i32 to vector<16xi32>
      %add3A_291 = arith.addi %add3A_285, %add3A_290 : vector<16xi32>
      %add3A_292 = arith.constant 400 : i32
      %add3A_293 = vector.broadcast %add3A_292 : i32 to vector<16xi32>
      %add3A_294 = arith.addi %add3A_291, %add3A_293 : vector<16xi32>
      %broadcast_in_dim3A_295 = arith.constant 0.000000e+00 : bf16
      %broadcast_in_dim3A_296 = vector.broadcast %broadcast_in_dim3A_295 : bf16 to vector<32xbf16>
      %scan3A_297 = arith.constant 0 : i32
      %scan3A_298 = arith.constant 4 : i32
      %scan3A_299 = arith.addi %scan3A_297, %scan3A_298 : i32
      %scan3A_300 = arith.constant 1 : i32
      %scan3A_301:2 = scf.for %scan3A_349 = %scan3A_297 to %scan3A_299 step %scan3A_300 iter_args(%scan3A_350 = %broadcast_in_dim3A_296, %scan3A_351 = %broadcast_in_dim3A_296) -> (vector<32xbf16>, vector<32xbf16>)  : i32 {
        %mul3A_352 = arith.constant 8 : i32
        %mul3A_353 = arith.muli %scan3A_349, %mul3A_352 : i32
        %add3A_354 = arith.constant 0 : i32
        %add3A_355 = arith.addi %mul3A_353, %add3A_354 : i32
        %add3A_356 = vector.broadcast %add3A_355 : i32 to vector<16xi32>
        %add3A_357 = arith.addi %iota3A, %add3A_356 : vector<16xi32>
        %and3A = arith.constant 31 : i32
        %and3A_358 = vector.broadcast %and3A : i32 to vector<16xi32>
        %and3A_359 = arith.andi %add3A_357, %and3A_358 : vector<16xi32>
        %get3A_360 = arith.index_cast %add3A_355 : i32 to index
        %get3A_361 = arith.constant 0 : index
        %get3A_362 = tpu.vector_load %arg10[%get3A_360, %get3A_361] {strides = array<i32>} : memref<32x16xi32, #tpu.memory_space<vmem>>, vector<16xi32>,
        %bitcast3A = vector.bitcast %get3A_362 : vector<16xi32> to vector<32xbf16>
        %gather3A = arith.constant 0 : i32
        %gather3A_363 = arith.constant 0 : i32
        %gather3A_364 = tpu.memref_slice %arg8[%scan3A_157, %gather3A, %gather3A_363] : memref<2x800x32xi32, #tpu.memory_space<vmem>> -> memref<1x800x32xi32, #tpu.memory_space<vmem>>
        %gather3A_365 = tpu.memref_squeeze %gather3A_364 : memref<1x800x32xi32, #tpu.memory_space<vmem>> -> memref<800x32xi32, #tpu.memory_space<vmem>>
        %gather3A_366 = tpu.vector_load_idx %gather3A_365[%add3A_285, %and3A_359] : memref<800x32xi32, #tpu.memory_space<vmem>>[vector<16xi32>, vector<16xi32>], vector<16xi32>,
        %gather3A_367 = arith.constant 0 : i32
        %gather3A_368 = arith.constant 0 : i32
        %gather3A_369 = tpu.memref_slice %arg8[%scan3A_157, %gather3A_367, %gather3A_368] : memref<2x800x32xi32, #tpu.memory_space<vmem>> -> memref<1x800x32xi32, #tpu.memory_space<vmem>>
        %gather3A_370 = tpu.memref_squeeze %gather3A_369 : memref<1x800x32xi32, #tpu.memory_space<vmem>> -> memref<800x32xi32, #tpu.memory_space<vmem>>
        %gather3A_371 = tpu.vector_load_idx %gather3A_370[%add3A_288, %and3A_359] : memref<800x32xi32, #tpu.memory_space<vmem>>[vector<16xi32>, vector<16xi32>], vector<16xi32>,
        %gather3A_372 = arith.constant 0 : i32
        %gather3A_373 = arith.constant 0 : i32
        %gather3A_374 = tpu.memref_slice %arg8[%scan3A_157, %gather3A_372, %gather3A_373] : memref<2x800x32xi32, #tpu.memory_space<vmem>> -> memref<1x800x32xi32, #tpu.memory_space<vmem>>
        %gather3A_375 = tpu.memref_squeeze %gather3A_374 : memref<1x800x32xi32, #tpu.memory_space<vmem>> -> memref<800x32xi32, #tpu.memory_space<vmem>>
        %gather3A_376 = tpu.vector_load_idx %gather3A_375[%add3A_291, %and3A_359] : memref<800x32xi32, #tpu.memory_space<vmem>>[vector<16xi32>, vector<16xi32>], vector<16xi32>,
        %gather3A_377 = arith.constant 0 : i32
        %gather3A_378 = arith.constant 0 : i32
        %gather3A_379 = tpu.memref_slice %arg8[%scan3A_157, %gather3A_377, %gather3A_378] : memref<2x800x32xi32, #tpu.memory_space<vmem>> -> memref<1x800x32xi32, #tpu.memory_space<vmem>>
        %gather3A_380 = tpu.memref_squeeze %gather3A_379 : memref<1x800x32xi32, #tpu.memory_space<vmem>> -> memref<800x32xi32, #tpu.memory_space<vmem>>
        %gather3A_381 = tpu.vector_load_idx %gather3A_380[%add3A_294, %and3A_359] : memref<800x32xi32, #tpu.memory_space<vmem>>[vector<16xi32>, vector<16xi32>], vector<16xi32>,
        %bitcast3A_382 = vector.bitcast %gather3A_366 : vector<16xi32> to vector<32xbf16>
        %bitcast3A_383 = vector.bitcast %gather3A_371 : vector<16xi32> to vector<32xbf16>
        %add3A_384 = arith.addf %bitcast3A_382, %bitcast3A_383 : vector<32xbf16>
        %max3A = arith.constant 0.000000e+00 : bf16
        %max3A_385 = vector.broadcast %max3A : bf16 to vector<32xbf16>
        %max3A_386 = arith.maximumf %add3A_384, %max3A_385 : vector<32xbf16>
        %mul3A_387 = arith.mulf %max3A_386, %bitcast3A : vector<32xbf16>
        %add3A_388 = arith.addf %scan3A_350, %mul3A_387 : vector<32xbf16>
        %bitcast3A_389 = vector.bitcast %gather3A_376 : vector<16xi32> to vector<32xbf16>
        %bitcast3A_390 = vector.bitcast %gather3A_381 : vector<16xi32> to vector<32xbf16>
        %add3A_391 = arith.addf %bitcast3A_389, %bitcast3A_390 : vector<32xbf16>
        %max3A_392 = arith.constant 0.000000e+00 : bf16
        %max3A_393 = vector.broadcast %max3A_392 : bf16 to vector<32xbf16>
        %max3A_394 = arith.maximumf %add3A_391, %max3A_393 : vector<32xbf16>
        %mul3A_395 = arith.mulf %max3A_394, %bitcast3A : vector<32xbf16>
        %add3A_396 = arith.addf %scan3A_351, %mul3A_395 : vector<32xbf16>
        %add3A_397 = arith.constant 1 : i32
        %add3A_398 = arith.addi %mul3A_353, %add3A_397 : i32
        %add3A_399 = vector.broadcast %add3A_398 : i32 to vector<16xi32>
        %add3A_400 = arith.addi %iota3A, %add3A_399 : vector<16xi32>
        %and3A_401 = arith.constant 31 : i32
        %and3A_402 = vector.broadcast %and3A_401 : i32 to vector<16xi32>
        %and3A_403 = arith.andi %add3A_400, %and3A_402 : vector<16xi32>
        %get3A_404 = arith.index_cast %add3A_398 : i32 to index
        %get3A_405 = arith.constant 0 : index
        %get3A_406 = tpu.vector_load %arg10[%get3A_404, %get3A_405] {strides = array<i32>} : memref<32x16xi32, #tpu.memory_space<vmem>>, vector<16xi32>,
        %bitcast3A_407 = vector.bitcast %get3A_406 : vector<16xi32> to vector<32xbf16>
        %gather3A_408 = arith.constant 0 : i32
        %gather3A_409 = arith.constant 0 : i32
        %gather3A_410 = tpu.memref_slice %arg8[%scan3A_157, %gather3A_408, %gather3A_409] : memref<2x800x32xi32, #tpu.memory_space<vmem>> -> memref<1x800x32xi32, #tpu.memory_space<vmem>>
        %gather3A_411 = tpu.memref_squeeze %gather3A_410 : memref<1x800x32xi32, #tpu.memory_space<vmem>> -> memref<800x32xi32, #tpu.memory_space<vmem>>
        %gather3A_412 = tpu.vector_load_idx %gather3A_411[%add3A_285, %and3A_403] : memref<800x32xi32, #tpu.memory_space<vmem>>[vector<16xi32>, vector<16xi32>], vector<16xi32>,
        %gather3A_413 = arith.constant 0 : i32
        %gather3A_414 = arith.constant 0 : i32
        %gather3A_415 = tpu.memref_slice %arg8[%scan3A_157, %gather3A_413, %gather3A_414] : memref<2x800x32xi32, #tpu.memory_space<vmem>> -> memref<1x800x32xi32, #tpu.memory_space<vmem>>
        %gather3A_416 = tpu.memref_squeeze %gather3A_415 : memref<1x800x32xi32, #tpu.memory_space<vmem>> -> memref<800x32xi32, #tpu.memory_space<vmem>>
        %gather3A_417 = tpu.vector_load_idx %gather3A_416[%add3A_288, %and3A_403] : memref<800x32xi32, #tpu.memory_space<vmem>>[vector<16xi32>, vector<16xi32>], vector<16xi32>,
        %gather3A_418 = arith.constant 0 : i32
        %gather3A_419 = arith.constant 0 : i32
        %gather3A_420 = tpu.memref_slice %arg8[%scan3A_157, %gather3A_418, %gather3A_419] : memref<2x800x32xi32, #tpu.memory_space<vmem>> -> memref<1x800x32xi32, #tpu.memory_space<vmem>>
        %gather3A_421 = tpu.memref_squeeze %gather3A_420 : memref<1x800x32xi32, #tpu.memory_space<vmem>> -> memref<800x32xi32, #tpu.memory_space<vmem>>
        %gather3A_422 = tpu.vector_load_idx %gather3A_421[%add3A_291, %and3A_403] : memref<800x32xi32, #tpu.memory_space<vmem>>[vector<16xi32>, vector<16xi32>], vector<16xi32>,
        %gather3A_423 = arith.constant 0 : i32
        %gather3A_424 = arith.constant 0 : i32
        %gather3A_425 = tpu.memref_slice %arg8[%scan3A_157, %gather3A_423, %gather3A_424] : memref<2x800x32xi32, #tpu.memory_space<vmem>> -> memref<1x800x32xi32, #tpu.memory_space<vmem>>
        %gather3A_426 = tpu.memref_squeeze %gather3A_425 : memref<1x800x32xi32, #tpu.memory_space<vmem>> -> memref<800x32xi32, #tpu.memory_space<vmem>>
        %gather3A_427 = tpu.vector_load_idx %gather3A_426[%add3A_294, %and3A_403] : memref<800x32xi32, #tpu.memory_space<vmem>>[vector<16xi32>, vector<16xi32>], vector<16xi32>,
        %bitcast3A_428 = vector.bitcast %gather3A_412 : vector<16xi32> to vector<32xbf16>
        %bitcast3A_429 = vector.bitcast %gather3A_417 : vector<16xi32> to vector<32xbf16>
        %add3A_430 = arith.addf %bitcast3A_428, %bitcast3A_429 : vector<32xbf16>
        %max3A_431 = arith.constant 0.000000e+00 : bf16
        %max3A_432 = vector.broadcast %max3A_431 : bf16 to vector<32xbf16>
        %max3A_433 = arith.maximumf %add3A_430, %max3A_432 : vector<32xbf16>
        %mul3A_434 = arith.mulf %max3A_433, %bitcast3A_407 : vector<32xbf16>
        %add3A_435 = arith.addf %add3A_388, %mul3A_434 : vector<32xbf16>
        %bitcast3A_436 = vector.bitcast %gather3A_422 : vector<16xi32> to vector<32xbf16>
        %bitcast3A_437 = vector.bitcast %gather3A_427 : vector<16xi32> to vector<32xbf16>
        %add3A_438 = arith.addf %bitcast3A_436, %bitcast3A_437 : vector<32xbf16>
        %max3A_439 = arith.constant 0.000000e+00 : bf16
        %max3A_440 = vector.broadcast %max3A_439 : bf16 to vector<32xbf16>
        %max3A_441 = arith.maximumf %add3A_438, %max3A_440 : vector<32xbf16>
        %mul3A_442 = arith.mulf %max3A_441, %bitcast3A_407 : vector<32xbf16>
        %add3A_443 = arith.addf %add3A_396, %mul3A_442 : vector<32xbf16>
        %add3A_444 = arith.constant 2 : i32
        %add3A_445 = arith.addi %mul3A_353, %add3A_444 : i32
        %add3A_446 = vector.broadcast %add3A_445 : i32 to vector<16xi32>
        %add3A_447 = arith.addi %iota3A, %add3A_446 : vector<16xi32>
        %and3A_448 = arith.constant 31 : i32
        %and3A_449 = vector.broadcast %and3A_448 : i32 to vector<16xi32>
        %and3A_450 = arith.andi %add3A_447, %and3A_449 : vector<16xi32>
        %get3A_451 = arith.index_cast %add3A_445 : i32 to index
        %get3A_452 = arith.constant 0 : index
        %get3A_453 = tpu.vector_load %arg10[%get3A_451, %get3A_452] {strides = array<i32>} : memref<32x16xi32, #tpu.memory_space<vmem>>, vector<16xi32>,
        %bitcast3A_454 = vector.bitcast %get3A_453 : vector<16xi32> to vector<32xbf16>
        %gather3A_455 = arith.constant 0 : i32
        %gather3A_456 = arith.constant 0 : i32
        %gather3A_457 = tpu.memref_slice %arg8[%scan3A_157, %gather3A_455, %gather3A_456] : memref<2x800x32xi32, #tpu.memory_space<vmem>> -> memref<1x800x32xi32, #tpu.memory_space<vmem>>
        %gather3A_458 = tpu.memref_squeeze %gather3A_457 : memref<1x800x32xi32, #tpu.memory_space<vmem>> -> memref<800x32xi32, #tpu.memory_space<vmem>>
        %gather3A_459 = tpu.vector_load_idx %gather3A_458[%add3A_285, %and3A_450] : memref<800x32xi32, #tpu.memory_space<vmem>>[vector<16xi32>, vector<16xi32>], vector<16xi32>,
        %gather3A_460 = arith.constant 0 : i32
        %gather3A_461 = arith.constant 0 : i32
        %gather3A_462 = tpu.memref_slice %arg8[%scan3A_157, %gather3A_460, %gather3A_461] : memref<2x800x32xi32, #tpu.memory_space<vmem>> -> memref<1x800x32xi32, #tpu.memory_space<vmem>>
        %gather3A_463 = tpu.memref_squeeze %gather3A_462 : memref<1x800x32xi32, #tpu.memory_space<vmem>> -> memref<800x32xi32, #tpu.memory_space<vmem>>
        %gather3A_464 = tpu.vector_load_idx %gather3A_463[%add3A_288, %and3A_450] : memref<800x32xi32, #tpu.memory_space<vmem>>[vector<16xi32>, vector<16xi32>], vector<16xi32>,
        %gather3A_465 = arith.constant 0 : i32
        %gather3A_466 = arith.constant 0 : i32
        %gather3A_467 = tpu.memref_slice %arg8[%scan3A_157, %gather3A_465, %gather3A_466] : memref<2x800x32xi32, #tpu.memory_space<vmem>> -> memref<1x800x32xi32, #tpu.memory_space<vmem>>
        %gather3A_468 = tpu.memref_squeeze %gather3A_467 : memref<1x800x32xi32, #tpu.memory_space<vmem>> -> memref<800x32xi32, #tpu.memory_space<vmem>>
        %gather3A_469 = tpu.vector_load_idx %gather3A_468[%add3A_291, %and3A_450] : memref<800x32xi32, #tpu.memory_space<vmem>>[vector<16xi32>, vector<16xi32>], vector<16xi32>,
        %gather3A_470 = arith.constant 0 : i32
        %gather3A_471 = arith.constant 0 : i32
        %gather3A_472 = tpu.memref_slice %arg8[%scan3A_157, %gather3A_470, %gather3A_471] : memref<2x800x32xi32, #tpu.memory_space<vmem>> -> memref<1x800x32xi32, #tpu.memory_space<vmem>>
        %gather3A_473 = tpu.memref_squeeze %gather3A_472 : memref<1x800x32xi32, #tpu.memory_space<vmem>> -> memref<800x32xi32, #tpu.memory_space<vmem>>
        %gather3A_474 = tpu.vector_load_idx %gather3A_473[%add3A_294, %and3A_450] : memref<800x32xi32, #tpu.memory_space<vmem>>[vector<16xi32>, vector<16xi32>], vector<16xi32>,
        %bitcast3A_475 = vector.bitcast %gather3A_459 : vector<16xi32> to vector<32xbf16>
        %bitcast3A_476 = vector.bitcast %gather3A_464 : vector<16xi32> to vector<32xbf16>
        %add3A_477 = arith.addf %bitcast3A_475, %bitcast3A_476 : vector<32xbf16>
        %max3A_478 = arith.constant 0.000000e+00 : bf16
        %max3A_479 = vector.broadcast %max3A_478 : bf16 to vector<32xbf16>
        %max3A_480 = arith.maximumf %add3A_477, %max3A_479 : vector<32xbf16>
        %mul3A_481 = arith.mulf %max3A_480, %bitcast3A_454 : vector<32xbf16>
        %add3A_482 = arith.addf %add3A_435, %mul3A_481 : vector<32xbf16>
        %bitcast3A_483 = vector.bitcast %gather3A_469 : vector<16xi32> to vector<32xbf16>
        %bitcast3A_484 = vector.bitcast %gather3A_474 : vector<16xi32> to vector<32xbf16>
        %add3A_485 = arith.addf %bitcast3A_483, %bitcast3A_484 : vector<32xbf16>
        %max3A_486 = arith.constant 0.000000e+00 : bf16
        %max3A_487 = vector.broadcast %max3A_486 : bf16 to vector<32xbf16>
        %max3A_488 = arith.maximumf %add3A_485, %max3A_487 : vector<32xbf16>
        %mul3A_489 = arith.mulf %max3A_488, %bitcast3A_454 : vector<32xbf16>
        %add3A_490 = arith.addf %add3A_443, %mul3A_489 : vector<32xbf16>
        %add3A_491 = arith.constant 3 : i32
        %add3A_492 = arith.addi %mul3A_353, %add3A_491 : i32
        %add3A_493 = vector.broadcast %add3A_492 : i32 to vector<16xi32>
        %add3A_494 = arith.addi %iota3A, %add3A_493 : vector<16xi32>
        %and3A_495 = arith.constant 31 : i32
        %and3A_496 = vector.broadcast %and3A_495 : i32 to vector<16xi32>
        %and3A_497 = arith.andi %add3A_494, %and3A_496 : vector<16xi32>
        %get3A_498 = arith.index_cast %add3A_492 : i32 to index
        %get3A_499 = arith.constant 0 : index
        %get3A_500 = tpu.vector_load %arg10[%get3A_498, %get3A_499] {strides = array<i32>} : memref<32x16xi32, #tpu.memory_space<vmem>>, vector<16xi32>,
        %bitcast3A_501 = vector.bitcast %get3A_500 : vector<16xi32> to vector<32xbf16>
        %gather3A_502 = arith.constant 0 : i32
        %gather3A_503 = arith.constant 0 : i32
        %gather3A_504 = tpu.memref_slice %arg8[%scan3A_157, %gather3A_502, %gather3A_503] : memref<2x800x32xi32, #tpu.memory_space<vmem>> -> memref<1x800x32xi32, #tpu.memory_space<vmem>>
        %gather3A_505 = tpu.memref_squeeze %gather3A_504 : memref<1x800x32xi32, #tpu.memory_space<vmem>> -> memref<800x32xi32, #tpu.memory_space<vmem>>
        %gather3A_506 = tpu.vector_load_idx %gather3A_505[%add3A_285, %and3A_497] : memref<800x32xi32, #tpu.memory_space<vmem>>[vector<16xi32>, vector<16xi32>], vector<16xi32>,
        %gather3A_507 = arith.constant 0 : i32
        %gather3A_508 = arith.constant 0 : i32
        %gather3A_509 = tpu.memref_slice %arg8[%scan3A_157, %gather3A_507, %gather3A_508] : memref<2x800x32xi32, #tpu.memory_space<vmem>> -> memref<1x800x32xi32, #tpu.memory_space<vmem>>
        %gather3A_510 = tpu.memref_squeeze %gather3A_509 : memref<1x800x32xi32, #tpu.memory_space<vmem>> -> memref<800x32xi32, #tpu.memory_space<vmem>>
        %gather3A_511 = tpu.vector_load_idx %gather3A_510[%add3A_288, %and3A_497] : memref<800x32xi32, #tpu.memory_space<vmem>>[vector<16xi32>, vector<16xi32>], vector<16xi32>,
        %gather3A_512 = arith.constant 0 : i32
        %gather3A_513 = arith.constant 0 : i32
        %gather3A_514 = tpu.memref_slice %arg8[%scan3A_157, %gather3A_512, %gather3A_513] : memref<2x800x32xi32, #tpu.memory_space<vmem>> -> memref<1x800x32xi32, #tpu.memory_space<vmem>>
        %gather3A_515 = tpu.memref_squeeze %gather3A_514 : memref<1x800x32xi32, #tpu.memory_space<vmem>> -> memref<800x32xi32, #tpu.memory_space<vmem>>
        %gather3A_516 = tpu.vector_load_idx %gather3A_515[%add3A_291, %and3A_497] : memref<800x32xi32, #tpu.memory_space<vmem>>[vector<16xi32>, vector<16xi32>], vector<16xi32>,
        %gather3A_517 = arith.constant 0 : i32
        %gather3A_518 = arith.constant 0 : i32
        %gather3A_519 = tpu.memref_slice %arg8[%scan3A_157, %gather3A_517, %gather3A_518] : memref<2x800x32xi32, #tpu.memory_space<vmem>> -> memref<1x800x32xi32, #tpu.memory_space<vmem>>
        %gather3A_520 = tpu.memref_squeeze %gather3A_519 : memref<1x800x32xi32, #tpu.memory_space<vmem>> -> memref<800x32xi32, #tpu.memory_space<vmem>>
        %gather3A_521 = tpu.vector_load_idx %gather3A_520[%add3A_294, %and3A_497] : memref<800x32xi32, #tpu.memory_space<vmem>>[vector<16xi32>, vector<16xi32>], vector<16xi32>,
        %bitcast3A_522 = vector.bitcast %gather3A_506 : vector<16xi32> to vector<32xbf16>
        %bitcast3A_523 = vector.bitcast %gather3A_511 : vector<16xi32> to vector<32xbf16>
        %add3A_524 = arith.addf %bitcast3A_522, %bitcast3A_523 : vector<32xbf16>
        %max3A_525 = arith.constant 0.000000e+00 : bf16
        %max3A_526 = vector.broadcast %max3A_525 : bf16 to vector<32xbf16>
        %max3A_527 = arith.maximumf %add3A_524, %max3A_526 : vector<32xbf16>
        %mul3A_528 = arith.mulf %max3A_527, %bitcast3A_501 : vector<32xbf16>
        %add3A_529 = arith.addf %add3A_482, %mul3A_528 : vector<32xbf16>
        %bitcast3A_530 = vector.bitcast %gather3A_516 : vector<16xi32> to vector<32xbf16>
        %bitcast3A_531 = vector.bitcast %gather3A_521 : vector<16xi32> to vector<32xbf16>
        %add3A_532 = arith.addf %bitcast3A_530, %bitcast3A_531 : vector<32xbf16>
        %max3A_533 = arith.constant 0.000000e+00 : bf16
        %max3A_534 = vector.broadcast %max3A_533 : bf16 to vector<32xbf16>
        %max3A_535 = arith.maximumf %add3A_532, %max3A_534 : vector<32xbf16>
        %mul3A_536 = arith.mulf %max3A_535, %bitcast3A_501 : vector<32xbf16>
        %add3A_537 = arith.addf %add3A_490, %mul3A_536 : vector<32xbf16>
        %add3A_538 = arith.constant 4 : i32
        %add3A_539 = arith.addi %mul3A_353, %add3A_538 : i32
        %add3A_540 = vector.broadcast %add3A_539 : i32 to vector<16xi32>
        %add3A_541 = arith.addi %iota3A, %add3A_540 : vector<16xi32>
        %and3A_542 = arith.constant 31 : i32
        %and3A_543 = vector.broadcast %and3A_542 : i32 to vector<16xi32>
        %and3A_544 = arith.andi %add3A_541, %and3A_543 : vector<16xi32>
        %get3A_545 = arith.index_cast %add3A_539 : i32 to index
        %get3A_546 = arith.constant 0 : index
        %get3A_547 = tpu.vector_load %arg10[%get3A_545, %get3A_546] {strides = array<i32>} : memref<32x16xi32, #tpu.memory_space<vmem>>, vector<16xi32>,
        %bitcast3A_548 = vector.bitcast %get3A_547 : vector<16xi32> to vector<32xbf16>
        %gather3A_549 = arith.constant 0 : i32
        %gather3A_550 = arith.constant 0 : i32
        %gather3A_551 = tpu.memref_slice %arg8[%scan3A_157, %gather3A_549, %gather3A_550] : memref<2x800x32xi32, #tpu.memory_space<vmem>> -> memref<1x800x32xi32, #tpu.memory_space<vmem>>
        %gather3A_552 = tpu.memref_squeeze %gather3A_551 : memref<1x800x32xi32, #tpu.memory_space<vmem>> -> memref<800x32xi32, #tpu.memory_space<vmem>>
        %gather3A_553 = tpu.vector_load_idx %gather3A_552[%add3A_285, %and3A_544] : memref<800x32xi32, #tpu.memory_space<vmem>>[vector<16xi32>, vector<16xi32>], vector<16xi32>,
        %gather3A_554 = arith.constant 0 : i32
        %gather3A_555 = arith.constant 0 : i32
        %gather3A_556 = tpu.memref_slice %arg8[%scan3A_157, %gather3A_554, %gather3A_555] : memref<2x800x32xi32, #tpu.memory_space<vmem>> -> memref<1x800x32xi32, #tpu.memory_space<vmem>>
        %gather3A_557 = tpu.memref_squeeze %gather3A_556 : memref<1x800x32xi32, #tpu.memory_space<vmem>> -> memref<800x32xi32, #tpu.memory_space<vmem>>
        %gather3A_558 = tpu.vector_load_idx %gather3A_557[%add3A_288, %and3A_544] : memref<800x32xi32, #tpu.memory_space<vmem>>[vector<16xi32>, vector<16xi32>], vector<16xi32>,
        %gather3A_559 = arith.constant 0 : i32
        %gather3A_560 = arith.constant 0 : i32
        %gather3A_561 = tpu.memref_slice %arg8[%scan3A_157, %gather3A_559, %gather3A_560] : memref<2x800x32xi32, #tpu.memory_space<vmem>> -> memref<1x800x32xi32, #tpu.memory_space<vmem>>
        %gather3A_562 = tpu.memref_squeeze %gather3A_561 : memref<1x800x32xi32, #tpu.memory_space<vmem>> -> memref<800x32xi32, #tpu.memory_space<vmem>>
        %gather3A_563 = tpu.vector_load_idx %gather3A_562[%add3A_291, %and3A_544] : memref<800x32xi32, #tpu.memory_space<vmem>>[vector<16xi32>, vector<16xi32>], vector<16xi32>,
        %gather3A_564 = arith.constant 0 : i32
        %gather3A_565 = arith.constant 0 : i32
        %gather3A_566 = tpu.memref_slice %arg8[%scan3A_157, %gather3A_564, %gather3A_565] : memref<2x800x32xi32, #tpu.memory_space<vmem>> -> memref<1x800x32xi32, #tpu.memory_space<vmem>>
        %gather3A_567 = tpu.memref_squeeze %gather3A_566 : memref<1x800x32xi32, #tpu.memory_space<vmem>> -> memref<800x32xi32, #tpu.memory_space<vmem>>
        %gather3A_568 = tpu.vector_load_idx %gather3A_567[%add3A_294, %and3A_544] : memref<800x32xi32, #tpu.memory_space<vmem>>[vector<16xi32>, vector<16xi32>], vector<16xi32>,
        %bitcast3A_569 = vector.bitcast %gather3A_553 : vector<16xi32> to vector<32xbf16>
        %bitcast3A_570 = vector.bitcast %gather3A_558 : vector<16xi32> to vector<32xbf16>
        %add3A_571 = arith.addf %bitcast3A_569, %bitcast3A_570 : vector<32xbf16>
        %max3A_572 = arith.constant 0.000000e+00 : bf16
        %max3A_573 = vector.broadcast %max3A_572 : bf16 to vector<32xbf16>
        %max3A_574 = arith.maximumf %add3A_571, %max3A_573 : vector<32xbf16>
        %mul3A_575 = arith.mulf %max3A_574, %bitcast3A_548 : vector<32xbf16>
        %add3A_576 = arith.addf %add3A_529, %mul3A_575 : vector<32xbf16>
        %bitcast3A_577 = vector.bitcast %gather3A_563 : vector<16xi32> to vector<32xbf16>
        %bitcast3A_578 = vector.bitcast %gather3A_568 : vector<16xi32> to vector<32xbf16>
        %add3A_579 = arith.addf %bitcast3A_577, %bitcast3A_578 : vector<32xbf16>
        %max3A_580 = arith.constant 0.000000e+00 : bf16
        %max3A_581 = vector.broadcast %max3A_580 : bf16 to vector<32xbf16>
        %max3A_582 = arith.maximumf %add3A_579, %max3A_581 : vector<32xbf16>
        %mul3A_583 = arith.mulf %max3A_582, %bitcast3A_548 : vector<32xbf16>
        %add3A_584 = arith.addf %add3A_537, %mul3A_583 : vector<32xbf16>
        %add3A_585 = arith.constant 5 : i32
        %add3A_586 = arith.addi %mul3A_353, %add3A_585 : i32
        %add3A_587 = vector.broadcast %add3A_586 : i32 to vector<16xi32>
        %add3A_588 = arith.addi %iota3A, %add3A_587 : vector<16xi32>
        %and3A_589 = arith.constant 31 : i32
        %and3A_590 = vector.broadcast %and3A_589 : i32 to vector<16xi32>
        %and3A_591 = arith.andi %add3A_588, %and3A_590 : vector<16xi32>
        %get3A_592 = arith.index_cast %add3A_586 : i32 to index
        %get3A_593 = arith.constant 0 : index
        %get3A_594 = tpu.vector_load %arg10[%get3A_592, %get3A_593] {strides = array<i32>} : memref<32x16xi32, #tpu.memory_space<vmem>>, vector<16xi32>,
        %bitcast3A_595 = vector.bitcast %get3A_594 : vector<16xi32> to vector<32xbf16>
        %gather3A_596 = arith.constant 0 : i32
        %gather3A_597 = arith.constant 0 : i32
        %gather3A_598 = tpu.memref_slice %arg8[%scan3A_157, %gather3A_596, %gather3A_597] : memref<2x800x32xi32, #tpu.memory_space<vmem>> -> memref<1x800x32xi32, #tpu.memory_space<vmem>>
        %gather3A_599 = tpu.memref_squeeze %gather3A_598 : memref<1x800x32xi32, #tpu.memory_space<vmem>> -> memref<800x32xi32, #tpu.memory_space<vmem>>
        %gather3A_600 = tpu.vector_load_idx %gather3A_599[%add3A_285, %and3A_591] : memref<800x32xi32, #tpu.memory_space<vmem>>[vector<16xi32>, vector<16xi32>], vector<16xi32>,
        %gather3A_601 = arith.constant 0 : i32
        %gather3A_602 = arith.constant 0 : i32
        %gather3A_603 = tpu.memref_slice %arg8[%scan3A_157, %gather3A_601, %gather3A_602] : memref<2x800x32xi32, #tpu.memory_space<vmem>> -> memref<1x800x32xi32, #tpu.memory_space<vmem>>
        %gather3A_604 = tpu.memref_squeeze %gather3A_603 : memref<1x800x32xi32, #tpu.memory_space<vmem>> -> memref<800x32xi32, #tpu.memory_space<vmem>>
        %gather3A_605 = tpu.vector_load_idx %gather3A_604[%add3A_288, %and3A_591] : memref<800x32xi32, #tpu.memory_space<vmem>>[vector<16xi32>, vector<16xi32>], vector<16xi32>,
        %gather3A_606 = arith.constant 0 : i32
        %gather3A_607 = arith.constant 0 : i32
        %gather3A_608 = tpu.memref_slice %arg8[%scan3A_157, %gather3A_606, %gather3A_607] : memref<2x800x32xi32, #tpu.memory_space<vmem>> -> memref<1x800x32xi32, #tpu.memory_space<vmem>>
        %gather3A_609 = tpu.memref_squeeze %gather3A_608 : memref<1x800x32xi32, #tpu.memory_space<vmem>> -> memref<800x32xi32, #tpu.memory_space<vmem>>
        %gather3A_610 = tpu.vector_load_idx %gather3A_609[%add3A_291, %and3A_591] : memref<800x32xi32, #tpu.memory_space<vmem>>[vector<16xi32>, vector<16xi32>], vector<16xi32>,
        %gather3A_611 = arith.constant 0 : i32
        %gather3A_612 = arith.constant 0 : i32
        %gather3A_613 = tpu.memref_slice %arg8[%scan3A_157, %gather3A_611, %gather3A_612] : memref<2x800x32xi32, #tpu.memory_space<vmem>> -> memref<1x800x32xi32, #tpu.memory_space<vmem>>
        %gather3A_614 = tpu.memref_squeeze %gather3A_613 : memref<1x800x32xi32, #tpu.memory_space<vmem>> -> memref<800x32xi32, #tpu.memory_space<vmem>>
        %gather3A_615 = tpu.vector_load_idx %gather3A_614[%add3A_294, %and3A_591] : memref<800x32xi32, #tpu.memory_space<vmem>>[vector<16xi32>, vector<16xi32>], vector<16xi32>,
        %bitcast3A_616 = vector.bitcast %gather3A_600 : vector<16xi32> to vector<32xbf16>
        %bitcast3A_617 = vector.bitcast %gather3A_605 : vector<16xi32> to vector<32xbf16>
        %add3A_618 = arith.addf %bitcast3A_616, %bitcast3A_617 : vector<32xbf16>
        %max3A_619 = arith.constant 0.000000e+00 : bf16
        %max3A_620 = vector.broadcast %max3A_619 : bf16 to vector<32xbf16>
        %max3A_621 = arith.maximumf %add3A_618, %max3A_620 : vector<32xbf16>
        %mul3A_622 = arith.mulf %max3A_621, %bitcast3A_595 : vector<32xbf16>
        %add3A_623 = arith.addf %add3A_576, %mul3A_622 : vector<32xbf16>
        %bitcast3A_624 = vector.bitcast %gather3A_610 : vector<16xi32> to vector<32xbf16>
        %bitcast3A_625 = vector.bitcast %gather3A_615 : vector<16xi32> to vector<32xbf16>
        %add3A_626 = arith.addf %bitcast3A_624, %bitcast3A_625 : vector<32xbf16>
        %max3A_627 = arith.constant 0.000000e+00 : bf16
        %max3A_628 = vector.broadcast %max3A_627 : bf16 to vector<32xbf16>
        %max3A_629 = arith.maximumf %add3A_626, %max3A_628 : vector<32xbf16>
        %mul3A_630 = arith.mulf %max3A_629, %bitcast3A_595 : vector<32xbf16>
        %add3A_631 = arith.addf %add3A_584, %mul3A_630 : vector<32xbf16>
        %add3A_632 = arith.constant 6 : i32
        %add3A_633 = arith.addi %mul3A_353, %add3A_632 : i32
        %add3A_634 = vector.broadcast %add3A_633 : i32 to vector<16xi32>
        %add3A_635 = arith.addi %iota3A, %add3A_634 : vector<16xi32>
        %and3A_636 = arith.constant 31 : i32
        %and3A_637 = vector.broadcast %and3A_636 : i32 to vector<16xi32>
        %and3A_638 = arith.andi %add3A_635, %and3A_637 : vector<16xi32>
        %get3A_639 = arith.index_cast %add3A_633 : i32 to index
        %get3A_640 = arith.constant 0 : index
        %get3A_641 = tpu.vector_load %arg10[%get3A_639, %get3A_640] {strides = array<i32>} : memref<32x16xi32, #tpu.memory_space<vmem>>, vector<16xi32>,
        %bitcast3A_642 = vector.bitcast %get3A_641 : vector<16xi32> to vector<32xbf16>
        %gather3A_643 = arith.constant 0 : i32
        %gather3A_644 = arith.constant 0 : i32
        %gather3A_645 = tpu.memref_slice %arg8[%scan3A_157, %gather3A_643, %gather3A_644] : memref<2x800x32xi32, #tpu.memory_space<vmem>> -> memref<1x800x32xi32, #tpu.memory_space<vmem>>
        %gather3A_646 = tpu.memref_squeeze %gather3A_645 : memref<1x800x32xi32, #tpu.memory_space<vmem>> -> memref<800x32xi32, #tpu.memory_space<vmem>>
        %gather3A_647 = tpu.vector_load_idx %gather3A_646[%add3A_285, %and3A_638] : memref<800x32xi32, #tpu.memory_space<vmem>>[vector<16xi32>, vector<16xi32>], vector<16xi32>,
        %gather3A_648 = arith.constant 0 : i32
        %gather3A_649 = arith.constant 0 : i32
        %gather3A_650 = tpu.memref_slice %arg8[%scan3A_157, %gather3A_648, %gather3A_649] : memref<2x800x32xi32, #tpu.memory_space<vmem>> -> memref<1x800x32xi32, #tpu.memory_space<vmem>>
        %gather3A_651 = tpu.memref_squeeze %gather3A_650 : memref<1x800x32xi32, #tpu.memory_space<vmem>> -> memref<800x32xi32, #tpu.memory_space<vmem>>
        %gather3A_652 = tpu.vector_load_idx %gather3A_651[%add3A_288, %and3A_638] : memref<800x32xi32, #tpu.memory_space<vmem>>[vector<16xi32>, vector<16xi32>], vector<16xi32>,
        %gather3A_653 = arith.constant 0 : i32
        %gather3A_654 = arith.constant 0 : i32
        %gather3A_655 = tpu.memref_slice %arg8[%scan3A_157, %gather3A_653, %gather3A_654] : memref<2x800x32xi32, #tpu.memory_space<vmem>> -> memref<1x800x32xi32, #tpu.memory_space<vmem>>
        %gather3A_656 = tpu.memref_squeeze %gather3A_655 : memref<1x800x32xi32, #tpu.memory_space<vmem>> -> memref<800x32xi32, #tpu.memory_space<vmem>>
        %gather3A_657 = tpu.vector_load_idx %gather3A_656[%add3A_291, %and3A_638] : memref<800x32xi32, #tpu.memory_space<vmem>>[vector<16xi32>, vector<16xi32>], vector<16xi32>,
        %gather3A_658 = arith.constant 0 : i32
        %gather3A_659 = arith.constant 0 : i32
        %gather3A_660 = tpu.memref_slice %arg8[%scan3A_157, %gather3A_658, %gather3A_659] : memref<2x800x32xi32, #tpu.memory_space<vmem>> -> memref<1x800x32xi32, #tpu.memory_space<vmem>>
        %gather3A_661 = tpu.memref_squeeze %gather3A_660 : memref<1x800x32xi32, #tpu.memory_space<vmem>> -> memref<800x32xi32, #tpu.memory_space<vmem>>
        %gather3A_662 = tpu.vector_load_idx %gather3A_661[%add3A_294, %and3A_638] : memref<800x32xi32, #tpu.memory_space<vmem>>[vector<16xi32>, vector<16xi32>], vector<16xi32>,
        %bitcast3A_663 = vector.bitcast %gather3A_647 : vector<16xi32> to vector<32xbf16>
        %bitcast3A_664 = vector.bitcast %gather3A_652 : vector<16xi32> to vector<32xbf16>
        %add3A_665 = arith.addf %bitcast3A_663, %bitcast3A_664 : vector<32xbf16>
        %max3A_666 = arith.constant 0.000000e+00 : bf16
        %max3A_667 = vector.broadcast %max3A_666 : bf16 to vector<32xbf16>
        %max3A_668 = arith.maximumf %add3A_665, %max3A_667 : vector<32xbf16>
        %mul3A_669 = arith.mulf %max3A_668, %bitcast3A_642 : vector<32xbf16>
        %add3A_670 = arith.addf %add3A_623, %mul3A_669 : vector<32xbf16>
        %bitcast3A_671 = vector.bitcast %gather3A_657 : vector<16xi32> to vector<32xbf16>
        %bitcast3A_672 = vector.bitcast %gather3A_662 : vector<16xi32> to vector<32xbf16>
        %add3A_673 = arith.addf %bitcast3A_671, %bitcast3A_672 : vector<32xbf16>
        %max3A_674 = arith.constant 0.000000e+00 : bf16
        %max3A_675 = vector.broadcast %max3A_674 : bf16 to vector<32xbf16>
        %max3A_676 = arith.maximumf %add3A_673, %max3A_675 : vector<32xbf16>
        %mul3A_677 = arith.mulf %max3A_676, %bitcast3A_642 : vector<32xbf16>
        %add3A_678 = arith.addf %add3A_631, %mul3A_677 : vector<32xbf16>
        %add3A_679 = arith.constant 7 : i32
        %add3A_680 = arith.addi %mul3A_353, %add3A_679 : i32
        %add3A_681 = vector.broadcast %add3A_680 : i32 to vector<16xi32>
        %add3A_682 = arith.addi %iota3A, %add3A_681 : vector<16xi32>
        %and3A_683 = arith.constant 31 : i32
        %and3A_684 = vector.broadcast %and3A_683 : i32 to vector<16xi32>
        %and3A_685 = arith.andi %add3A_682, %and3A_684 : vector<16xi32>
        %get3A_686 = arith.index_cast %add3A_680 : i32 to index
        %get3A_687 = arith.constant 0 : index
        %get3A_688 = tpu.vector_load %arg10[%get3A_686, %get3A_687] {strides = array<i32>} : memref<32x16xi32, #tpu.memory_space<vmem>>, vector<16xi32>,
        %bitcast3A_689 = vector.bitcast %get3A_688 : vector<16xi32> to vector<32xbf16>
        %gather3A_690 = arith.constant 0 : i32
        %gather3A_691 = arith.constant 0 : i32
        %gather3A_692 = tpu.memref_slice %arg8[%scan3A_157, %gather3A_690, %gather3A_691] : memref<2x800x32xi32, #tpu.memory_space<vmem>> -> memref<1x800x32xi32, #tpu.memory_space<vmem>>
        %gather3A_693 = tpu.memref_squeeze %gather3A_692 : memref<1x800x32xi32, #tpu.memory_space<vmem>> -> memref<800x32xi32, #tpu.memory_space<vmem>>
        %gather3A_694 = tpu.vector_load_idx %gather3A_693[%add3A_285, %and3A_685] : memref<800x32xi32, #tpu.memory_space<vmem>>[vector<16xi32>, vector<16xi32>], vector<16xi32>,
        %gather3A_695 = arith.constant 0 : i32
        %gather3A_696 = arith.constant 0 : i32
        %gather3A_697 = tpu.memref_slice %arg8[%scan3A_157, %gather3A_695, %gather3A_696] : memref<2x800x32xi32, #tpu.memory_space<vmem>> -> memref<1x800x32xi32, #tpu.memory_space<vmem>>
        %gather3A_698 = tpu.memref_squeeze %gather3A_697 : memref<1x800x32xi32, #tpu.memory_space<vmem>> -> memref<800x32xi32, #tpu.memory_space<vmem>>
        %gather3A_699 = tpu.vector_load_idx %gather3A_698[%add3A_288, %and3A_685] : memref<800x32xi32, #tpu.memory_space<vmem>>[vector<16xi32>, vector<16xi32>], vector<16xi32>,
        %gather3A_700 = arith.constant 0 : i32
        %gather3A_701 = arith.constant 0 : i32
        %gather3A_702 = tpu.memref_slice %arg8[%scan3A_157, %gather3A_700, %gather3A_701] : memref<2x800x32xi32, #tpu.memory_space<vmem>> -> memref<1x800x32xi32, #tpu.memory_space<vmem>>
        %gather3A_703 = tpu.memref_squeeze %gather3A_702 : memref<1x800x32xi32, #tpu.memory_space<vmem>> -> memref<800x32xi32, #tpu.memory_space<vmem>>
        %gather3A_704 = tpu.vector_load_idx %gather3A_703[%add3A_291, %and3A_685] : memref<800x32xi32, #tpu.memory_space<vmem>>[vector<16xi32>, vector<16xi32>], vector<16xi32>,
        %gather3A_705 = arith.constant 0 : i32
        %gather3A_706 = arith.constant 0 : i32
        %gather3A_707 = tpu.memref_slice %arg8[%scan3A_157, %gather3A_705, %gather3A_706] : memref<2x800x32xi32, #tpu.memory_space<vmem>> -> memref<1x800x32xi32, #tpu.memory_space<vmem>>
        %gather3A_708 = tpu.memref_squeeze %gather3A_707 : memref<1x800x32xi32, #tpu.memory_space<vmem>> -> memref<800x32xi32, #tpu.memory_space<vmem>>
        %gather3A_709 = tpu.vector_load_idx %gather3A_708[%add3A_294, %and3A_685] : memref<800x32xi32, #tpu.memory_space<vmem>>[vector<16xi32>, vector<16xi32>], vector<16xi32>,
        %bitcast3A_710 = vector.bitcast %gather3A_694 : vector<16xi32> to vector<32xbf16>
        %bitcast3A_711 = vector.bitcast %gather3A_699 : vector<16xi32> to vector<32xbf16>
        %add3A_712 = arith.addf %bitcast3A_710, %bitcast3A_711 : vector<32xbf16>
        %max3A_713 = arith.constant 0.000000e+00 : bf16
        %max3A_714 = vector.broadcast %max3A_713 : bf16 to vector<32xbf16>
        %max3A_715 = arith.maximumf %add3A_712, %max3A_714 : vector<32xbf16>
        %mul3A_716 = arith.mulf %max3A_715, %bitcast3A_689 : vector<32xbf16>
        %add3A_717 = arith.addf %add3A_670, %mul3A_716 : vector<32xbf16>
        %bitcast3A_718 = vector.bitcast %gather3A_704 : vector<16xi32> to vector<32xbf16>
        %bitcast3A_719 = vector.bitcast %gather3A_709 : vector<16xi32> to vector<32xbf16>
        %add3A_720 = arith.addf %bitcast3A_718, %bitcast3A_719 : vector<32xbf16>
        %max3A_721 = arith.constant 0.000000e+00 : bf16
        %max3A_722 = vector.broadcast %max3A_721 : bf16 to vector<32xbf16>
        %max3A_723 = arith.maximumf %add3A_720, %max3A_722 : vector<32xbf16>
        %mul3A_724 = arith.mulf %max3A_723, %bitcast3A_689 : vector<32xbf16>
        %add3A_725 = arith.addf %add3A_678, %mul3A_724 : vector<32xbf16>
        scf.yield %add3A_717, %add3A_725 : vector<32xbf16>, vector<32xbf16>
      }
      %scan3A_302 = arith.constant 4 : i32
      %add3A_303 = arith.constant 16 : i32
      %add3A_304 = arith.addi %add3A_283, %add3A_303 : i32
      %unpack3A_305 = tpu.unpack_subelements %scan3A_301#0, 0 {pack_format = #tpu.pack_format<interleaved>} : vector<32xbf16> -> vector<16xf32>
      %unpack3A_306 = tpu.unpack_subelements %scan3A_301#0, 1 {pack_format = #tpu.pack_format<interleaved>} : vector<32xbf16> -> vector<16xf32>
      %add3A_307 = arith.addf %unpack3A_305, %unpack3A_306 : vector<16xf32>
      %get3A_308 = arith.constant 0 : index
      %get3A_309 = tpu.vector_load %arg11[%get3A_308] {strides = array<i32>} : memref<16xf32, #tpu.memory_space<vmem>>, vector<16xf32>,
      %add3A_310 = arith.addf %add3A_307, %get3A_309 : vector<16xf32>
      %neg3A_311 = arith.constant 0.000000e+00 : f32
      %neg3A_312 = vector.broadcast %neg3A_311 : f32 to vector<16xf32>
      %neg3A_313 = arith.subf %neg3A_312, %add3A_310 : vector<16xf32>
      %exp3A_314 = math.exp %neg3A_313 : vector<16xf32>
      %add3A_315 = arith.constant 1.000000e+00 : f32
      %add3A_316 = vector.broadcast %add3A_315 : f32 to vector<16xf32>
      %add3A_317 = arith.addf %add3A_316, %exp3A_314 : vector<16xf32>
      %div3A_318 = arith.constant 1.000000e+00 : f32
      %div3A_319 = vector.broadcast %div3A_318 : f32 to vector<16xf32>
      %div3A_320 = arith.divf %div3A_319, %add3A_317 : vector<16xf32>
      %swap3A_321 = arith.constant 0 : i32
      %swap3A_322 = arith.constant 0 : i32
      %swap3A_323 = tpu.memref_slice %arg9[%swap3A_321, %swap3A_322] : memref<2x400xf32, #tpu.memory_space<vmem>> -> memref<1x400xf32, #tpu.memory_space<vmem>>
      %swap3A_324 = tpu.memref_squeeze %swap3A_323 : memref<1x400xf32, #tpu.memory_space<vmem>> -> memref<400xf32, #tpu.memory_space<vmem>>
      %swap3A_325 = arith.index_cast %add3A_283 : i32 to index
      %swap3A_326 = tpu.vector_load %swap3A_324[%swap3A_325] {strides = array<i32>} : memref<400xf32, #tpu.memory_space<vmem>>, vector<16xf32>,
      tpu.vector_store %swap3A_324[%swap3A_325], %div3A_320 {strides = array<i32>} : memref<400xf32, #tpu.memory_space<vmem>>, vector<16xf32>,
      %unpack3A_327 = tpu.unpack_subelements %scan3A_301#1, 0 {pack_format = #tpu.pack_format<interleaved>} : vector<32xbf16> -> vector<16xf32>
      %unpack3A_328 = tpu.unpack_subelements %scan3A_301#1, 1 {pack_format = #tpu.pack_format<interleaved>} : vector<32xbf16> -> vector<16xf32>
      %add3A_329 = arith.addf %unpack3A_327, %unpack3A_328 : vector<16xf32>
      %get3A_330 = arith.constant 0 : index
      %get3A_331 = tpu.vector_load %arg11[%get3A_330] {strides = array<i32>} : memref<16xf32, #tpu.memory_space<vmem>>, vector<16xf32>,
      %add3A_332 = arith.addf %add3A_329, %get3A_331 : vector<16xf32>
      %neg3A_333 = arith.constant 0.000000e+00 : f32
      %neg3A_334 = vector.broadcast %neg3A_333 : f32 to vector<16xf32>
      %neg3A_335 = arith.subf %neg3A_334, %add3A_332 : vector<16xf32>
      %exp3A_336 = math.exp %neg3A_335 : vector<16xf32>
      %add3A_337 = arith.constant 1.000000e+00 : f32
      %add3A_338 = vector.broadcast %add3A_337 : f32 to vector<16xf32>
      %add3A_339 = arith.addf %add3A_338, %exp3A_336 : vector<16xf32>
      %div3A_340 = arith.constant 1.000000e+00 : f32
      %div3A_341 = vector.broadcast %div3A_340 : f32 to vector<16xf32>
      %div3A_342 = arith.divf %div3A_341, %add3A_339 : vector<16xf32>
      %swap3A_343 = arith.constant 0 : i32
      %swap3A_344 = arith.constant 0 : i32
      %swap3A_345 = tpu.memref_slice %arg9[%swap3A_343, %swap3A_344] : memref<2x400xf32, #tpu.memory_space<vmem>> -> memref<1x400xf32, #tpu.memory_space<vmem>>
      %swap3A_346 = tpu.memref_squeeze %swap3A_345 : memref<1x400xf32, #tpu.memory_space<vmem>> -> memref<400xf32, #tpu.memory_space<vmem>>
      %swap3A_347 = arith.index_cast %add3A_304 : i32 to index
      %swap3A_348 = tpu.vector_load %swap3A_346[%swap3A_347] {strides = array<i32>} : memref<400xf32, #tpu.memory_space<vmem>>, vector<16xf32>,
      tpu.vector_store %swap3A_346[%swap3A_347], %div3A_342 {strides = array<i32>} : memref<400xf32, #tpu.memory_space<vmem>>, vector<16xf32>,
    }
    %scan3A_162 = arith.constant 12 : i32
    %add3A_163 = arith.constant 368 : i32
    %add3A_164 = vector.broadcast %add3A_163 : i32 to vector<16xi32>
    %add3A_165 = arith.addi %add3A_164, %iota3A : vector<16xi32>
    %add3A_166 = arith.constant 400 : i32
    %add3A_167 = vector.broadcast %add3A_166 : i32 to vector<16xi32>
    %add3A_168 = arith.addi %add3A_165, %add3A_167 : vector<16xi32>
    %add3A_169 = arith.constant 16 : i32
    %add3A_170 = vector.broadcast %add3A_169 : i32 to vector<16xi32>
    %add3A_171 = arith.addi %add3A_165, %add3A_170 : vector<16xi32>
    %add3A_172 = arith.constant 400 : i32
    %add3A_173 = vector.broadcast %add3A_172 : i32 to vector<16xi32>
    %add3A_174 = arith.addi %add3A_171, %add3A_173 : vector<16xi32>
    %broadcast_in_dim3A = arith.constant 0.000000e+00 : bf16
    %broadcast_in_dim3A_175 = vector.broadcast %broadcast_in_dim3A : bf16 to vector<32xbf16>
    %scan3A_176 = arith.constant 0 : i32
    %scan3A_177 = arith.constant 0 : i32
    %scan3A_178 = arith.constant 4 : i32
    %scan3A_179 = arith.addi %scan3A_177, %scan3A_178 : i32
    %scan3A_180 = arith.constant 1 : i32
    %scan3A_181:2 = scf.for %scan3A_279 = %scan3A_177 to %scan3A_179 step %scan3A_180 iter_args(%scan3A_280 = %broadcast_in_dim3A_175, %scan3A_281 = %broadcast_in_dim3A_175) -> (vector<32xbf16>, vector<32xbf16>)  : i32 {
      %mul3A_282 = arith.constant 8 : i32
      %mul3A_283 = arith.muli %scan3A_279, %mul3A_282 : i32
      %add3A_284 = arith.constant 0 : i32
      %add3A_285 = arith.addi %mul3A_283, %add3A_284 : i32
      %add3A_286 = vector.broadcast %add3A_285 : i32 to vector<16xi32>
      %add3A_287 = arith.addi %iota3A, %add3A_286 : vector<16xi32>
      %and3A = arith.constant 31 : i32
      %and3A_288 = vector.broadcast %and3A : i32 to vector<16xi32>
      %and3A_289 = arith.andi %add3A_287, %and3A_288 : vector<16xi32>
      %get3A_290 = arith.index_cast %add3A_285 : i32 to index
      %get3A_291 = arith.constant 0 : index
      %get3A_292 = tpu.vector_load %arg10[%get3A_290, %get3A_291] {strides = array<i32>} : memref<32x16xi32, #tpu.memory_space<vmem>>, vector<16xi32>,
      %bitcast3A = vector.bitcast %get3A_292 : vector<16xi32> to vector<32xbf16>
      %gather3A = arith.constant 0 : i32
      %gather3A_293 = arith.constant 0 : i32
      %gather3A_294 = tpu.memref_slice %arg8[%scan3A_176, %gather3A, %gather3A_293] : memref<2x800x32xi32, #tpu.memory_space<vmem>> -> memref<1x800x32xi32, #tpu.memory_space<vmem>>
      %gather3A_295 = tpu.memref_squeeze %gather3A_294 : memref<1x800x32xi32, #tpu.memory_space<vmem>> -> memref<800x32xi32, #tpu.memory_space<vmem>>
      %gather3A_296 = tpu.vector_load_idx %gather3A_295[%add3A_165, %and3A_289] : memref<800x32xi32, #tpu.memory_space<vmem>>[vector<16xi32>, vector<16xi32>], vector<16xi32>,
      %gather3A_297 = arith.constant 0 : i32
      %gather3A_298 = arith.constant 0 : i32
      %gather3A_299 = tpu.memref_slice %arg8[%scan3A_176, %gather3A_297, %gather3A_298] : memref<2x800x32xi32, #tpu.memory_space<vmem>> -> memref<1x800x32xi32, #tpu.memory_space<vmem>>
      %gather3A_300 = tpu.memref_squeeze %gather3A_299 : memref<1x800x32xi32, #tpu.memory_space<vmem>> -> memref<800x32xi32, #tpu.memory_space<vmem>>
      %gather3A_301 = tpu.vector_load_idx %gather3A_300[%add3A_168, %and3A_289] : memref<800x32xi32, #tpu.memory_space<vmem>>[vector<16xi32>, vector<16xi32>], vector<16xi32>,
      %gather3A_302 = arith.constant 0 : i32
      %gather3A_303 = arith.constant 0 : i32
      %gather3A_304 = tpu.memref_slice %arg8[%scan3A_176, %gather3A_302, %gather3A_303] : memref<2x800x32xi32, #tpu.memory_space<vmem>> -> memref<1x800x32xi32, #tpu.memory_space<vmem>>
      %gather3A_305 = tpu.memref_squeeze %gather3A_304 : memref<1x800x32xi32, #tpu.memory_space<vmem>> -> memref<800x32xi32, #tpu.memory_space<vmem>>
      %gather3A_306 = tpu.vector_load_idx %gather3A_305[%add3A_171, %and3A_289] : memref<800x32xi32, #tpu.memory_space<vmem>>[vector<16xi32>, vector<16xi32>], vector<16xi32>,
      %gather3A_307 = arith.constant 0 : i32
      %gather3A_308 = arith.constant 0 : i32
      %gather3A_309 = tpu.memref_slice %arg8[%scan3A_176, %gather3A_307, %gather3A_308] : memref<2x800x32xi32, #tpu.memory_space<vmem>> -> memref<1x800x32xi32, #tpu.memory_space<vmem>>
      %gather3A_310 = tpu.memref_squeeze %gather3A_309 : memref<1x800x32xi32, #tpu.memory_space<vmem>> -> memref<800x32xi32, #tpu.memory_space<vmem>>
      %gather3A_311 = tpu.vector_load_idx %gather3A_310[%add3A_174, %and3A_289] : memref<800x32xi32, #tpu.memory_space<vmem>>[vector<16xi32>, vector<16xi32>], vector<16xi32>,
      %bitcast3A_312 = vector.bitcast %gather3A_296 : vector<16xi32> to vector<32xbf16>
      %bitcast3A_313 = vector.bitcast %gather3A_301 : vector<16xi32> to vector<32xbf16>
      %add3A_314 = arith.addf %bitcast3A_312, %bitcast3A_313 : vector<32xbf16>
      %max3A = arith.constant 0.000000e+00 : bf16
      %max3A_315 = vector.broadcast %max3A : bf16 to vector<32xbf16>
      %max3A_316 = arith.maximumf %add3A_314, %max3A_315 : vector<32xbf16>
      %mul3A_317 = arith.mulf %max3A_316, %bitcast3A : vector<32xbf16>
      %add3A_318 = arith.addf %scan3A_280, %mul3A_317 : vector<32xbf16>
      %bitcast3A_319 = vector.bitcast %gather3A_306 : vector<16xi32> to vector<32xbf16>
      %bitcast3A_320 = vector.bitcast %gather3A_311 : vector<16xi32> to vector<32xbf16>
      %add3A_321 = arith.addf %bitcast3A_319, %bitcast3A_320 : vector<32xbf16>
      %max3A_322 = arith.constant 0.000000e+00 : bf16
      %max3A_323 = vector.broadcast %max3A_322 : bf16 to vector<32xbf16>
      %max3A_324 = arith.maximumf %add3A_321, %max3A_323 : vector<32xbf16>
      %mul3A_325 = arith.mulf %max3A_324, %bitcast3A : vector<32xbf16>
      %add3A_326 = arith.addf %scan3A_281, %mul3A_325 : vector<32xbf16>
      %add3A_327 = arith.constant 1 : i32
      %add3A_328 = arith.addi %mul3A_283, %add3A_327 : i32
      %add3A_329 = vector.broadcast %add3A_328 : i32 to vector<16xi32>
      %add3A_330 = arith.addi %iota3A, %add3A_329 : vector<16xi32>
      %and3A_331 = arith.constant 31 : i32
      %and3A_332 = vector.broadcast %and3A_331 : i32 to vector<16xi32>
      %and3A_333 = arith.andi %add3A_330, %and3A_332 : vector<16xi32>
      %get3A_334 = arith.index_cast %add3A_328 : i32 to index
      %get3A_335 = arith.constant 0 : index
      %get3A_336 = tpu.vector_load %arg10[%get3A_334, %get3A_335] {strides = array<i32>} : memref<32x16xi32, #tpu.memory_space<vmem>>, vector<16xi32>,
      %bitcast3A_337 = vector.bitcast %get3A_336 : vector<16xi32> to vector<32xbf16>
      %gather3A_338 = arith.constant 0 : i32
      %gather3A_339 = arith.constant 0 : i32
      %gather3A_340 = tpu.memref_slice %arg8[%scan3A_176, %gather3A_338, %gather3A_339] : memref<2x800x32xi32, #tpu.memory_space<vmem>> -> memref<1x800x32xi32, #tpu.memory_space<vmem>>
      %gather3A_341 = tpu.memref_squeeze %gather3A_340 : memref<1x800x32xi32, #tpu.memory_space<vmem>> -> memref<800x32xi32, #tpu.memory_space<vmem>>
      %gather3A_342 = tpu.vector_load_idx %gather3A_341[%add3A_165, %and3A_333] : memref<800x32xi32, #tpu.memory_space<vmem>>[vector<16xi32>, vector<16xi32>], vector<16xi32>,
      %gather3A_343 = arith.constant 0 : i32
      %gather3A_344 = arith.constant 0 : i32
      %gather3A_345 = tpu.memref_slice %arg8[%scan3A_176, %gather3A_343, %gather3A_344] : memref<2x800x32xi32, #tpu.memory_space<vmem>> -> memref<1x800x32xi32, #tpu.memory_space<vmem>>
      %gather3A_346 = tpu.memref_squeeze %gather3A_345 : memref<1x800x32xi32, #tpu.memory_space<vmem>> -> memref<800x32xi32, #tpu.memory_space<vmem>>
      %gather3A_347 = tpu.vector_load_idx %gather3A_346[%add3A_168, %and3A_333] : memref<800x32xi32, #tpu.memory_space<vmem>>[vector<16xi32>, vector<16xi32>], vector<16xi32>,
      %gather3A_348 = arith.constant 0 : i32
      %gather3A_349 = arith.constant 0 : i32
      %gather3A_350 = tpu.memref_slice %arg8[%scan3A_176, %gather3A_348, %gather3A_349] : memref<2x800x32xi32, #tpu.memory_space<vmem>> -> memref<1x800x32xi32, #tpu.memory_space<vmem>>
      %gather3A_351 = tpu.memref_squeeze %gather3A_350 : memref<1x800x32xi32, #tpu.memory_space<vmem>> -> memref<800x32xi32, #tpu.memory_space<vmem>>
      %gather3A_352 = tpu.vector_load_idx %gather3A_351[%add3A_171, %and3A_333] : memref<800x32xi32, #tpu.memory_space<vmem>>[vector<16xi32>, vector<16xi32>], vector<16xi32>,
      %gather3A_353 = arith.constant 0 : i32
      %gather3A_354 = arith.constant 0 : i32
      %gather3A_355 = tpu.memref_slice %arg8[%scan3A_176, %gather3A_353, %gather3A_354] : memref<2x800x32xi32, #tpu.memory_space<vmem>> -> memref<1x800x32xi32, #tpu.memory_space<vmem>>
      %gather3A_356 = tpu.memref_squeeze %gather3A_355 : memref<1x800x32xi32, #tpu.memory_space<vmem>> -> memref<800x32xi32, #tpu.memory_space<vmem>>
      %gather3A_357 = tpu.vector_load_idx %gather3A_356[%add3A_174, %and3A_333] : memref<800x32xi32, #tpu.memory_space<vmem>>[vector<16xi32>, vector<16xi32>], vector<16xi32>,
      %bitcast3A_358 = vector.bitcast %gather3A_342 : vector<16xi32> to vector<32xbf16>
      %bitcast3A_359 = vector.bitcast %gather3A_347 : vector<16xi32> to vector<32xbf16>
      %add3A_360 = arith.addf %bitcast3A_358, %bitcast3A_359 : vector<32xbf16>
      %max3A_361 = arith.constant 0.000000e+00 : bf16
      %max3A_362 = vector.broadcast %max3A_361 : bf16 to vector<32xbf16>
      %max3A_363 = arith.maximumf %add3A_360, %max3A_362 : vector<32xbf16>
      %mul3A_364 = arith.mulf %max3A_363, %bitcast3A_337 : vector<32xbf16>
      %add3A_365 = arith.addf %add3A_318, %mul3A_364 : vector<32xbf16>
      %bitcast3A_366 = vector.bitcast %gather3A_352 : vector<16xi32> to vector<32xbf16>
      %bitcast3A_367 = vector.bitcast %gather3A_357 : vector<16xi32> to vector<32xbf16>
      %add3A_368 = arith.addf %bitcast3A_366, %bitcast3A_367 : vector<32xbf16>
      %max3A_369 = arith.constant 0.000000e+00 : bf16
      %max3A_370 = vector.broadcast %max3A_369 : bf16 to vector<32xbf16>
      %max3A_371 = arith.maximumf %add3A_368, %max3A_370 : vector<32xbf16>
      %mul3A_372 = arith.mulf %max3A_371, %bitcast3A_337 : vector<32xbf16>
      %add3A_373 = arith.addf %add3A_326, %mul3A_372 : vector<32xbf16>
      %add3A_374 = arith.constant 2 : i32
      %add3A_375 = arith.addi %mul3A_283, %add3A_374 : i32
      %add3A_376 = vector.broadcast %add3A_375 : i32 to vector<16xi32>
      %add3A_377 = arith.addi %iota3A, %add3A_376 : vector<16xi32>
      %and3A_378 = arith.constant 31 : i32
      %and3A_379 = vector.broadcast %and3A_378 : i32 to vector<16xi32>
      %and3A_380 = arith.andi %add3A_377, %and3A_379 : vector<16xi32>
      %get3A_381 = arith.index_cast %add3A_375 : i32 to index
      %get3A_382 = arith.constant 0 : index
      %get3A_383 = tpu.vector_load %arg10[%get3A_381, %get3A_382] {strides = array<i32>} : memref<32x16xi32, #tpu.memory_space<vmem>>, vector<16xi32>,
      %bitcast3A_384 = vector.bitcast %get3A_383 : vector<16xi32> to vector<32xbf16>
      %gather3A_385 = arith.constant 0 : i32
      %gather3A_386 = arith.constant 0 : i32
      %gather3A_387 = tpu.memref_slice %arg8[%scan3A_176, %gather3A_385, %gather3A_386] : memref<2x800x32xi32, #tpu.memory_space<vmem>> -> memref<1x800x32xi32, #tpu.memory_space<vmem>>
      %gather3A_388 = tpu.memref_squeeze %gather3A_387 : memref<1x800x32xi32, #tpu.memory_space<vmem>> -> memref<800x32xi32, #tpu.memory_space<vmem>>
      %gather3A_389 = tpu.vector_load_idx %gather3A_388[%add3A_165, %and3A_380] : memref<800x32xi32, #tpu.memory_space<vmem>>[vector<16xi32>, vector<16xi32>], vector<16xi32>,
      %gather3A_390 = arith.constant 0 : i32
      %gather3A_391 = arith.constant 0 : i32
      %gather3A_392 = tpu.memref_slice %arg8[%scan3A_176, %gather3A_390, %gather3A_391] : memref<2x800x32xi32, #tpu.memory_space<vmem>> -> memref<1x800x32xi32, #tpu.memory_space<vmem>>
      %gather3A_393 = tpu.memref_squeeze %gather3A_392 : memref<1x800x32xi32, #tpu.memory_space<vmem>> -> memref<800x32xi32, #tpu.memory_space<vmem>>
      %gather3A_394 = tpu.vector_load_idx %gather3A_393[%add3A_168, %and3A_380] : memref<800x32xi32, #tpu.memory_space<vmem>>[vector<16xi32>, vector<16xi32>], vector<16xi32>,
      %gather3A_395 = arith.constant 0 : i32
      %gather3A_396 = arith.constant 0 : i32
      %gather3A_397 = tpu.memref_slice %arg8[%scan3A_176, %gather3A_395, %gather3A_396] : memref<2x800x32xi32, #tpu.memory_space<vmem>> -> memref<1x800x32xi32, #tpu.memory_space<vmem>>
      %gather3A_398 = tpu.memref_squeeze %gather3A_397 : memref<1x800x32xi32, #tpu.memory_space<vmem>> -> memref<800x32xi32, #tpu.memory_space<vmem>>
      %gather3A_399 = tpu.vector_load_idx %gather3A_398[%add3A_171, %and3A_380] : memref<800x32xi32, #tpu.memory_space<vmem>>[vector<16xi32>, vector<16xi32>], vector<16xi32>,
      %gather3A_400 = arith.constant 0 : i32
      %gather3A_401 = arith.constant 0 : i32
      %gather3A_402 = tpu.memref_slice %arg8[%scan3A_176, %gather3A_400, %gather3A_401] : memref<2x800x32xi32, #tpu.memory_space<vmem>> -> memref<1x800x32xi32, #tpu.memory_space<vmem>>
      %gather3A_403 = tpu.memref_squeeze %gather3A_402 : memref<1x800x32xi32, #tpu.memory_space<vmem>> -> memref<800x32xi32, #tpu.memory_space<vmem>>
      %gather3A_404 = tpu.vector_load_idx %gather3A_403[%add3A_174, %and3A_380] : memref<800x32xi32, #tpu.memory_space<vmem>>[vector<16xi32>, vector<16xi32>], vector<16xi32>,
      %bitcast3A_405 = vector.bitcast %gather3A_389 : vector<16xi32> to vector<32xbf16>
      %bitcast3A_406 = vector.bitcast %gather3A_394 : vector<16xi32> to vector<32xbf16>
      %add3A_407 = arith.addf %bitcast3A_405, %bitcast3A_406 : vector<32xbf16>
      %max3A_408 = arith.constant 0.000000e+00 : bf16
      %max3A_409 = vector.broadcast %max3A_408 : bf16 to vector<32xbf16>
      %max3A_410 = arith.maximumf %add3A_407, %max3A_409 : vector<32xbf16>
      %mul3A_411 = arith.mulf %max3A_410, %bitcast3A_384 : vector<32xbf16>
      %add3A_412 = arith.addf %add3A_365, %mul3A_411 : vector<32xbf16>
      %bitcast3A_413 = vector.bitcast %gather3A_399 : vector<16xi32> to vector<32xbf16>
      %bitcast3A_414 = vector.bitcast %gather3A_404 : vector<16xi32> to vector<32xbf16>
      %add3A_415 = arith.addf %bitcast3A_413, %bitcast3A_414 : vector<32xbf16>
      %max3A_416 = arith.constant 0.000000e+00 : bf16
      %max3A_417 = vector.broadcast %max3A_416 : bf16 to vector<32xbf16>
      %max3A_418 = arith.maximumf %add3A_415, %max3A_417 : vector<32xbf16>
      %mul3A_419 = arith.mulf %max3A_418, %bitcast3A_384 : vector<32xbf16>
      %add3A_420 = arith.addf %add3A_373, %mul3A_419 : vector<32xbf16>
      %add3A_421 = arith.constant 3 : i32
      %add3A_422 = arith.addi %mul3A_283, %add3A_421 : i32
      %add3A_423 = vector.broadcast %add3A_422 : i32 to vector<16xi32>
      %add3A_424 = arith.addi %iota3A, %add3A_423 : vector<16xi32>
      %and3A_425 = arith.constant 31 : i32
      %and3A_426 = vector.broadcast %and3A_425 : i32 to vector<16xi32>
      %and3A_427 = arith.andi %add3A_424, %and3A_426 : vector<16xi32>
      %get3A_428 = arith.index_cast %add3A_422 : i32 to index
      %get3A_429 = arith.constant 0 : index
      %get3A_430 = tpu.vector_load %arg10[%get3A_428, %get3A_429] {strides = array<i32>} : memref<32x16xi32, #tpu.memory_space<vmem>>, vector<16xi32>,
      %bitcast3A_431 = vector.bitcast %get3A_430 : vector<16xi32> to vector<32xbf16>
      %gather3A_432 = arith.constant 0 : i32
      %gather3A_433 = arith.constant 0 : i32
      %gather3A_434 = tpu.memref_slice %arg8[%scan3A_176, %gather3A_432, %gather3A_433] : memref<2x800x32xi32, #tpu.memory_space<vmem>> -> memref<1x800x32xi32, #tpu.memory_space<vmem>>
      %gather3A_435 = tpu.memref_squeeze %gather3A_434 : memref<1x800x32xi32, #tpu.memory_space<vmem>> -> memref<800x32xi32, #tpu.memory_space<vmem>>
      %gather3A_436 = tpu.vector_load_idx %gather3A_435[%add3A_165, %and3A_427] : memref<800x32xi32, #tpu.memory_space<vmem>>[vector<16xi32>, vector<16xi32>], vector<16xi32>,
      %gather3A_437 = arith.constant 0 : i32
      %gather3A_438 = arith.constant 0 : i32
      %gather3A_439 = tpu.memref_slice %arg8[%scan3A_176, %gather3A_437, %gather3A_438] : memref<2x800x32xi32, #tpu.memory_space<vmem>> -> memref<1x800x32xi32, #tpu.memory_space<vmem>>
      %gather3A_440 = tpu.memref_squeeze %gather3A_439 : memref<1x800x32xi32, #tpu.memory_space<vmem>> -> memref<800x32xi32, #tpu.memory_space<vmem>>
      %gather3A_441 = tpu.vector_load_idx %gather3A_440[%add3A_168, %and3A_427] : memref<800x32xi32, #tpu.memory_space<vmem>>[vector<16xi32>, vector<16xi32>], vector<16xi32>,
      %gather3A_442 = arith.constant 0 : i32
      %gather3A_443 = arith.constant 0 : i32
      %gather3A_444 = tpu.memref_slice %arg8[%scan3A_176, %gather3A_442, %gather3A_443] : memref<2x800x32xi32, #tpu.memory_space<vmem>> -> memref<1x800x32xi32, #tpu.memory_space<vmem>>
      %gather3A_445 = tpu.memref_squeeze %gather3A_444 : memref<1x800x32xi32, #tpu.memory_space<vmem>> -> memref<800x32xi32, #tpu.memory_space<vmem>>
      %gather3A_446 = tpu.vector_load_idx %gather3A_445[%add3A_171, %and3A_427] : memref<800x32xi32, #tpu.memory_space<vmem>>[vector<16xi32>, vector<16xi32>], vector<16xi32>,
      %gather3A_447 = arith.constant 0 : i32
      %gather3A_448 = arith.constant 0 : i32
      %gather3A_449 = tpu.memref_slice %arg8[%scan3A_176, %gather3A_447, %gather3A_448] : memref<2x800x32xi32, #tpu.memory_space<vmem>> -> memref<1x800x32xi32, #tpu.memory_space<vmem>>
      %gather3A_450 = tpu.memref_squeeze %gather3A_449 : memref<1x800x32xi32, #tpu.memory_space<vmem>> -> memref<800x32xi32, #tpu.memory_space<vmem>>
      %gather3A_451 = tpu.vector_load_idx %gather3A_450[%add3A_174, %and3A_427] : memref<800x32xi32, #tpu.memory_space<vmem>>[vector<16xi32>, vector<16xi32>], vector<16xi32>,
      %bitcast3A_452 = vector.bitcast %gather3A_436 : vector<16xi32> to vector<32xbf16>
      %bitcast3A_453 = vector.bitcast %gather3A_441 : vector<16xi32> to vector<32xbf16>
      %add3A_454 = arith.addf %bitcast3A_452, %bitcast3A_453 : vector<32xbf16>
      %max3A_455 = arith.constant 0.000000e+00 : bf16
      %max3A_456 = vector.broadcast %max3A_455 : bf16 to vector<32xbf16>
      %max3A_457 = arith.maximumf %add3A_454, %max3A_456 : vector<32xbf16>
      %mul3A_458 = arith.mulf %max3A_457, %bitcast3A_431 : vector<32xbf16>
      %add3A_459 = arith.addf %add3A_412, %mul3A_458 : vector<32xbf16>
      %bitcast3A_460 = vector.bitcast %gather3A_446 : vector<16xi32> to vector<32xbf16>
      %bitcast3A_461 = vector.bitcast %gather3A_451 : vector<16xi32> to vector<32xbf16>
      %add3A_462 = arith.addf %bitcast3A_460, %bitcast3A_461 : vector<32xbf16>
      %max3A_463 = arith.constant 0.000000e+00 : bf16
      %max3A_464 = vector.broadcast %max3A_463 : bf16 to vector<32xbf16>
      %max3A_465 = arith.maximumf %add3A_462, %max3A_464 : vector<32xbf16>
      %mul3A_466 = arith.mulf %max3A_465, %bitcast3A_431 : vector<32xbf16>
      %add3A_467 = arith.addf %add3A_420, %mul3A_466 : vector<32xbf16>
      %add3A_468 = arith.constant 4 : i32
      %add3A_469 = arith.addi %mul3A_283, %add3A_468 : i32
      %add3A_470 = vector.broadcast %add3A_469 : i32 to vector<16xi32>
      %add3A_471 = arith.addi %iota3A, %add3A_470 : vector<16xi32>
      %and3A_472 = arith.constant 31 : i32
      %and3A_473 = vector.broadcast %and3A_472 : i32 to vector<16xi32>
      %and3A_474 = arith.andi %add3A_471, %and3A_473 : vector<16xi32>
      %get3A_475 = arith.index_cast %add3A_469 : i32 to index
      %get3A_476 = arith.constant 0 : index
      %get3A_477 = tpu.vector_load %arg10[%get3A_475, %get3A_476] {strides = array<i32>} : memref<32x16xi32, #tpu.memory_space<vmem>>, vector<16xi32>,
      %bitcast3A_478 = vector.bitcast %get3A_477 : vector<16xi32> to vector<32xbf16>
      %gather3A_479 = arith.constant 0 : i32
      %gather3A_480 = arith.constant 0 : i32
      %gather3A_481 = tpu.memref_slice %arg8[%scan3A_176, %gather3A_479, %gather3A_480] : memref<2x800x32xi32, #tpu.memory_space<vmem>> -> memref<1x800x32xi32, #tpu.memory_space<vmem>>
      %gather3A_482 = tpu.memref_squeeze %gather3A_481 : memref<1x800x32xi32, #tpu.memory_space<vmem>> -> memref<800x32xi32, #tpu.memory_space<vmem>>
      %gather3A_483 = tpu.vector_load_idx %gather3A_482[%add3A_165, %and3A_474] : memref<800x32xi32, #tpu.memory_space<vmem>>[vector<16xi32>, vector<16xi32>], vector<16xi32>,
      %gather3A_484 = arith.constant 0 : i32
      %gather3A_485 = arith.constant 0 : i32
      %gather3A_486 = tpu.memref_slice %arg8[%scan3A_176, %gather3A_484, %gather3A_485] : memref<2x800x32xi32, #tpu.memory_space<vmem>> -> memref<1x800x32xi32, #tpu.memory_space<vmem>>
      %gather3A_487 = tpu.memref_squeeze %gather3A_486 : memref<1x800x32xi32, #tpu.memory_space<vmem>> -> memref<800x32xi32, #tpu.memory_space<vmem>>
      %gather3A_488 = tpu.vector_load_idx %gather3A_487[%add3A_168, %and3A_474] : memref<800x32xi32, #tpu.memory_space<vmem>>[vector<16xi32>, vector<16xi32>], vector<16xi32>,
      %gather3A_489 = arith.constant 0 : i32
      %gather3A_490 = arith.constant 0 : i32
      %gather3A_491 = tpu.memref_slice %arg8[%scan3A_176, %gather3A_489, %gather3A_490] : memref<2x800x32xi32, #tpu.memory_space<vmem>> -> memref<1x800x32xi32, #tpu.memory_space<vmem>>
      %gather3A_492 = tpu.memref_squeeze %gather3A_491 : memref<1x800x32xi32, #tpu.memory_space<vmem>> -> memref<800x32xi32, #tpu.memory_space<vmem>>
      %gather3A_493 = tpu.vector_load_idx %gather3A_492[%add3A_171, %and3A_474] : memref<800x32xi32, #tpu.memory_space<vmem>>[vector<16xi32>, vector<16xi32>], vector<16xi32>,
      %gather3A_494 = arith.constant 0 : i32
      %gather3A_495 = arith.constant 0 : i32
      %gather3A_496 = tpu.memref_slice %arg8[%scan3A_176, %gather3A_494, %gather3A_495] : memref<2x800x32xi32, #tpu.memory_space<vmem>> -> memref<1x800x32xi32, #tpu.memory_space<vmem>>
      %gather3A_497 = tpu.memref_squeeze %gather3A_496 : memref<1x800x32xi32, #tpu.memory_space<vmem>> -> memref<800x32xi32, #tpu.memory_space<vmem>>
      %gather3A_498 = tpu.vector_load_idx %gather3A_497[%add3A_174, %and3A_474] : memref<800x32xi32, #tpu.memory_space<vmem>>[vector<16xi32>, vector<16xi32>], vector<16xi32>,
      %bitcast3A_499 = vector.bitcast %gather3A_483 : vector<16xi32> to vector<32xbf16>
      %bitcast3A_500 = vector.bitcast %gather3A_488 : vector<16xi32> to vector<32xbf16>
      %add3A_501 = arith.addf %bitcast3A_499, %bitcast3A_500 : vector<32xbf16>
      %max3A_502 = arith.constant 0.000000e+00 : bf16
      %max3A_503 = vector.broadcast %max3A_502 : bf16 to vector<32xbf16>
      %max3A_504 = arith.maximumf %add3A_501, %max3A_503 : vector<32xbf16>
      %mul3A_505 = arith.mulf %max3A_504, %bitcast3A_478 : vector<32xbf16>
      %add3A_506 = arith.addf %add3A_459, %mul3A_505 : vector<32xbf16>
      %bitcast3A_507 = vector.bitcast %gather3A_493 : vector<16xi32> to vector<32xbf16>
      %bitcast3A_508 = vector.bitcast %gather3A_498 : vector<16xi32> to vector<32xbf16>
      %add3A_509 = arith.addf %bitcast3A_507, %bitcast3A_508 : vector<32xbf16>
      %max3A_510 = arith.constant 0.000000e+00 : bf16
      %max3A_511 = vector.broadcast %max3A_510 : bf16 to vector<32xbf16>
      %max3A_512 = arith.maximumf %add3A_509, %max3A_511 : vector<32xbf16>
      %mul3A_513 = arith.mulf %max3A_512, %bitcast3A_478 : vector<32xbf16>
      %add3A_514 = arith.addf %add3A_467, %mul3A_513 : vector<32xbf16>
      %add3A_515 = arith.constant 5 : i32
      %add3A_516 = arith.addi %mul3A_283, %add3A_515 : i32
      %add3A_517 = vector.broadcast %add3A_516 : i32 to vector<16xi32>
      %add3A_518 = arith.addi %iota3A, %add3A_517 : vector<16xi32>
      %and3A_519 = arith.constant 31 : i32
      %and3A_520 = vector.broadcast %and3A_519 : i32 to vector<16xi32>
      %and3A_521 = arith.andi %add3A_518, %and3A_520 : vector<16xi32>
      %get3A_522 = arith.index_cast %add3A_516 : i32 to index
      %get3A_523 = arith.constant 0 : index
      %get3A_524 = tpu.vector_load %arg10[%get3A_522, %get3A_523] {strides = array<i32>} : memref<32x16xi32, #tpu.memory_space<vmem>>, vector<16xi32>,
      %bitcast3A_525 = vector.bitcast %get3A_524 : vector<16xi32> to vector<32xbf16>
      %gather3A_526 = arith.constant 0 : i32
      %gather3A_527 = arith.constant 0 : i32
      %gather3A_528 = tpu.memref_slice %arg8[%scan3A_176, %gather3A_526, %gather3A_527] : memref<2x800x32xi32, #tpu.memory_space<vmem>> -> memref<1x800x32xi32, #tpu.memory_space<vmem>>
      %gather3A_529 = tpu.memref_squeeze %gather3A_528 : memref<1x800x32xi32, #tpu.memory_space<vmem>> -> memref<800x32xi32, #tpu.memory_space<vmem>>
      %gather3A_530 = tpu.vector_load_idx %gather3A_529[%add3A_165, %and3A_521] : memref<800x32xi32, #tpu.memory_space<vmem>>[vector<16xi32>, vector<16xi32>], vector<16xi32>,
      %gather3A_531 = arith.constant 0 : i32
      %gather3A_532 = arith.constant 0 : i32
      %gather3A_533 = tpu.memref_slice %arg8[%scan3A_176, %gather3A_531, %gather3A_532] : memref<2x800x32xi32, #tpu.memory_space<vmem>> -> memref<1x800x32xi32, #tpu.memory_space<vmem>>
      %gather3A_534 = tpu.memref_squeeze %gather3A_533 : memref<1x800x32xi32, #tpu.memory_space<vmem>> -> memref<800x32xi32, #tpu.memory_space<vmem>>
      %gather3A_535 = tpu.vector_load_idx %gather3A_534[%add3A_168, %and3A_521] : memref<800x32xi32, #tpu.memory_space<vmem>>[vector<16xi32>, vector<16xi32>], vector<16xi32>,
      %gather3A_536 = arith.constant 0 : i32
      %gather3A_537 = arith.constant 0 : i32
      %gather3A_538 = tpu.memref_slice %arg8[%scan3A_176, %gather3A_536, %gather3A_537] : memref<2x800x32xi32, #tpu.memory_space<vmem>> -> memref<1x800x32xi32, #tpu.memory_space<vmem>>
      %gather3A_539 = tpu.memref_squeeze %gather3A_538 : memref<1x800x32xi32, #tpu.memory_space<vmem>> -> memref<800x32xi32, #tpu.memory_space<vmem>>
      %gather3A_540 = tpu.vector_load_idx %gather3A_539[%add3A_171, %and3A_521] : memref<800x32xi32, #tpu.memory_space<vmem>>[vector<16xi32>, vector<16xi32>], vector<16xi32>,
      %gather3A_541 = arith.constant 0 : i32
      %gather3A_542 = arith.constant 0 : i32
      %gather3A_543 = tpu.memref_slice %arg8[%scan3A_176, %gather3A_541, %gather3A_542] : memref<2x800x32xi32, #tpu.memory_space<vmem>> -> memref<1x800x32xi32, #tpu.memory_space<vmem>>
      %gather3A_544 = tpu.memref_squeeze %gather3A_543 : memref<1x800x32xi32, #tpu.memory_space<vmem>> -> memref<800x32xi32, #tpu.memory_space<vmem>>
      %gather3A_545 = tpu.vector_load_idx %gather3A_544[%add3A_174, %and3A_521] : memref<800x32xi32, #tpu.memory_space<vmem>>[vector<16xi32>, vector<16xi32>], vector<16xi32>,
      %bitcast3A_546 = vector.bitcast %gather3A_530 : vector<16xi32> to vector<32xbf16>
      %bitcast3A_547 = vector.bitcast %gather3A_535 : vector<16xi32> to vector<32xbf16>
      %add3A_548 = arith.addf %bitcast3A_546, %bitcast3A_547 : vector<32xbf16>
      %max3A_549 = arith.constant 0.000000e+00 : bf16
      %max3A_550 = vector.broadcast %max3A_549 : bf16 to vector<32xbf16>
      %max3A_551 = arith.maximumf %add3A_548, %max3A_550 : vector<32xbf16>
      %mul3A_552 = arith.mulf %max3A_551, %bitcast3A_525 : vector<32xbf16>
      %add3A_553 = arith.addf %add3A_506, %mul3A_552 : vector<32xbf16>
      %bitcast3A_554 = vector.bitcast %gather3A_540 : vector<16xi32> to vector<32xbf16>
      %bitcast3A_555 = vector.bitcast %gather3A_545 : vector<16xi32> to vector<32xbf16>
      %add3A_556 = arith.addf %bitcast3A_554, %bitcast3A_555 : vector<32xbf16>
      %max3A_557 = arith.constant 0.000000e+00 : bf16
      %max3A_558 = vector.broadcast %max3A_557 : bf16 to vector<32xbf16>
      %max3A_559 = arith.maximumf %add3A_556, %max3A_558 : vector<32xbf16>
      %mul3A_560 = arith.mulf %max3A_559, %bitcast3A_525 : vector<32xbf16>
      %add3A_561 = arith.addf %add3A_514, %mul3A_560 : vector<32xbf16>
      %add3A_562 = arith.constant 6 : i32
      %add3A_563 = arith.addi %mul3A_283, %add3A_562 : i32
      %add3A_564 = vector.broadcast %add3A_563 : i32 to vector<16xi32>
      %add3A_565 = arith.addi %iota3A, %add3A_564 : vector<16xi32>
      %and3A_566 = arith.constant 31 : i32
      %and3A_567 = vector.broadcast %and3A_566 : i32 to vector<16xi32>
      %and3A_568 = arith.andi %add3A_565, %and3A_567 : vector<16xi32>
      %get3A_569 = arith.index_cast %add3A_563 : i32 to index
      %get3A_570 = arith.constant 0 : index
      %get3A_571 = tpu.vector_load %arg10[%get3A_569, %get3A_570] {strides = array<i32>} : memref<32x16xi32, #tpu.memory_space<vmem>>, vector<16xi32>,
      %bitcast3A_572 = vector.bitcast %get3A_571 : vector<16xi32> to vector<32xbf16>
      %gather3A_573 = arith.constant 0 : i32
      %gather3A_574 = arith.constant 0 : i32
      %gather3A_575 = tpu.memref_slice %arg8[%scan3A_176, %gather3A_573, %gather3A_574] : memref<2x800x32xi32, #tpu.memory_space<vmem>> -> memref<1x800x32xi32, #tpu.memory_space<vmem>>
      %gather3A_576 = tpu.memref_squeeze %gather3A_575 : memref<1x800x32xi32, #tpu.memory_space<vmem>> -> memref<800x32xi32, #tpu.memory_space<vmem>>
      %gather3A_577 = tpu.vector_load_idx %gather3A_576[%add3A_165, %and3A_568] : memref<800x32xi32, #tpu.memory_space<vmem>>[vector<16xi32>, vector<16xi32>], vector<16xi32>,
      %gather3A_578 = arith.constant 0 : i32
      %gather3A_579 = arith.constant 0 : i32
      %gather3A_580 = tpu.memref_slice %arg8[%scan3A_176, %gather3A_578, %gather3A_579] : memref<2x800x32xi32, #tpu.memory_space<vmem>> -> memref<1x800x32xi32, #tpu.memory_space<vmem>>
      %gather3A_581 = tpu.memref_squeeze %gather3A_580 : memref<1x800x32xi32, #tpu.memory_space<vmem>> -> memref<800x32xi32, #tpu.memory_space<vmem>>
      %gather3A_582 = tpu.vector_load_idx %gather3A_581[%add3A_168, %and3A_568] : memref<800x32xi32, #tpu.memory_space<vmem>>[vector<16xi32>, vector<16xi32>], vector<16xi32>,
      %gather3A_583 = arith.constant 0 : i32
      %gather3A_584 = arith.constant 0 : i32
      %gather3A_585 = tpu.memref_slice %arg8[%scan3A_176, %gather3A_583, %gather3A_584] : memref<2x800x32xi32, #tpu.memory_space<vmem>> -> memref<1x800x32xi32, #tpu.memory_space<vmem>>
      %gather3A_586 = tpu.memref_squeeze %gather3A_585 : memref<1x800x32xi32, #tpu.memory_space<vmem>> -> memref<800x32xi32, #tpu.memory_space<vmem>>
      %gather3A_587 = tpu.vector_load_idx %gather3A_586[%add3A_171, %and3A_568] : memref<800x32xi32, #tpu.memory_space<vmem>>[vector<16xi32>, vector<16xi32>], vector<16xi32>,
      %gather3A_588 = arith.constant 0 : i32
      %gather3A_589 = arith.constant 0 : i32
      %gather3A_590 = tpu.memref_slice %arg8[%scan3A_176, %gather3A_588, %gather3A_589] : memref<2x800x32xi32, #tpu.memory_space<vmem>> -> memref<1x800x32xi32, #tpu.memory_space<vmem>>
      %gather3A_591 = tpu.memref_squeeze %gather3A_590 : memref<1x800x32xi32, #tpu.memory_space<vmem>> -> memref<800x32xi32, #tpu.memory_space<vmem>>
      %gather3A_592 = tpu.vector_load_idx %gather3A_591[%add3A_174, %and3A_568] : memref<800x32xi32, #tpu.memory_space<vmem>>[vector<16xi32>, vector<16xi32>], vector<16xi32>,
      %bitcast3A_593 = vector.bitcast %gather3A_577 : vector<16xi32> to vector<32xbf16>
      %bitcast3A_594 = vector.bitcast %gather3A_582 : vector<16xi32> to vector<32xbf16>
      %add3A_595 = arith.addf %bitcast3A_593, %bitcast3A_594 : vector<32xbf16>
      %max3A_596 = arith.constant 0.000000e+00 : bf16
      %max3A_597 = vector.broadcast %max3A_596 : bf16 to vector<32xbf16>
      %max3A_598 = arith.maximumf %add3A_595, %max3A_597 : vector<32xbf16>
      %mul3A_599 = arith.mulf %max3A_598, %bitcast3A_572 : vector<32xbf16>
      %add3A_600 = arith.addf %add3A_553, %mul3A_599 : vector<32xbf16>
      %bitcast3A_601 = vector.bitcast %gather3A_587 : vector<16xi32> to vector<32xbf16>
      %bitcast3A_602 = vector.bitcast %gather3A_592 : vector<16xi32> to vector<32xbf16>
      %add3A_603 = arith.addf %bitcast3A_601, %bitcast3A_602 : vector<32xbf16>
      %max3A_604 = arith.constant 0.000000e+00 : bf16
      %max3A_605 = vector.broadcast %max3A_604 : bf16 to vector<32xbf16>
      %max3A_606 = arith.maximumf %add3A_603, %max3A_605 : vector<32xbf16>
      %mul3A_607 = arith.mulf %max3A_606, %bitcast3A_572 : vector<32xbf16>
      %add3A_608 = arith.addf %add3A_561, %mul3A_607 : vector<32xbf16>
      %add3A_609 = arith.constant 7 : i32
      %add3A_610 = arith.addi %mul3A_283, %add3A_609 : i32
      %add3A_611 = vector.broadcast %add3A_610 : i32 to vector<16xi32>
      %add3A_612 = arith.addi %iota3A, %add3A_611 : vector<16xi32>
      %and3A_613 = arith.constant 31 : i32
      %and3A_614 = vector.broadcast %and3A_613 : i32 to vector<16xi32>
      %and3A_615 = arith.andi %add3A_612, %and3A_614 : vector<16xi32>
      %get3A_616 = arith.index_cast %add3A_610 : i32 to index
      %get3A_617 = arith.constant 0 : index
      %get3A_618 = tpu.vector_load %arg10[%get3A_616, %get3A_617] {strides = array<i32>} : memref<32x16xi32, #tpu.memory_space<vmem>>, vector<16xi32>,
      %bitcast3A_619 = vector.bitcast %get3A_618 : vector<16xi32> to vector<32xbf16>
      %gather3A_620 = arith.constant 0 : i32
      %gather3A_621 = arith.constant 0 : i32
      %gather3A_622 = tpu.memref_slice %arg8[%scan3A_176, %gather3A_620, %gather3A_621] : memref<2x800x32xi32, #tpu.memory_space<vmem>> -> memref<1x800x32xi32, #tpu.memory_space<vmem>>
      %gather3A_623 = tpu.memref_squeeze %gather3A_622 : memref<1x800x32xi32, #tpu.memory_space<vmem>> -> memref<800x32xi32, #tpu.memory_space<vmem>>
      %gather3A_624 = tpu.vector_load_idx %gather3A_623[%add3A_165, %and3A_615] : memref<800x32xi32, #tpu.memory_space<vmem>>[vector<16xi32>, vector<16xi32>], vector<16xi32>,
      %gather3A_625 = arith.constant 0 : i32
      %gather3A_626 = arith.constant 0 : i32
      %gather3A_627 = tpu.memref_slice %arg8[%scan3A_176, %gather3A_625, %gather3A_626] : memref<2x800x32xi32, #tpu.memory_space<vmem>> -> memref<1x800x32xi32, #tpu.memory_space<vmem>>
      %gather3A_628 = tpu.memref_squeeze %gather3A_627 : memref<1x800x32xi32, #tpu.memory_space<vmem>> -> memref<800x32xi32, #tpu.memory_space<vmem>>
      %gather3A_629 = tpu.vector_load_idx %gather3A_628[%add3A_168, %and3A_615] : memref<800x32xi32, #tpu.memory_space<vmem>>[vector<16xi32>, vector<16xi32>], vector<16xi32>,
      %gather3A_630 = arith.constant 0 : i32
      %gather3A_631 = arith.constant 0 : i32
      %gather3A_632 = tpu.memref_slice %arg8[%scan3A_176, %gather3A_630, %gather3A_631] : memref<2x800x32xi32, #tpu.memory_space<vmem>> -> memref<1x800x32xi32, #tpu.memory_space<vmem>>
      %gather3A_633 = tpu.memref_squeeze %gather3A_632 : memref<1x800x32xi32, #tpu.memory_space<vmem>> -> memref<800x32xi32, #tpu.memory_space<vmem>>
      %gather3A_634 = tpu.vector_load_idx %gather3A_633[%add3A_171, %and3A_615] : memref<800x32xi32, #tpu.memory_space<vmem>>[vector<16xi32>, vector<16xi32>], vector<16xi32>,
      %gather3A_635 = arith.constant 0 : i32
      %gather3A_636 = arith.constant 0 : i32
      %gather3A_637 = tpu.memref_slice %arg8[%scan3A_176, %gather3A_635, %gather3A_636] : memref<2x800x32xi32, #tpu.memory_space<vmem>> -> memref<1x800x32xi32, #tpu.memory_space<vmem>>
      %gather3A_638 = tpu.memref_squeeze %gather3A_637 : memref<1x800x32xi32, #tpu.memory_space<vmem>> -> memref<800x32xi32, #tpu.memory_space<vmem>>
      %gather3A_639 = tpu.vector_load_idx %gather3A_638[%add3A_174, %and3A_615] : memref<800x32xi32, #tpu.memory_space<vmem>>[vector<16xi32>, vector<16xi32>], vector<16xi32>,
      %bitcast3A_640 = vector.bitcast %gather3A_624 : vector<16xi32> to vector<32xbf16>
      %bitcast3A_641 = vector.bitcast %gather3A_629 : vector<16xi32> to vector<32xbf16>
      %add3A_642 = arith.addf %bitcast3A_640, %bitcast3A_641 : vector<32xbf16>
      %max3A_643 = arith.constant 0.000000e+00 : bf16
      %max3A_644 = vector.broadcast %max3A_643 : bf16 to vector<32xbf16>
      %max3A_645 = arith.maximumf %add3A_642, %max3A_644 : vector<32xbf16>
      %mul3A_646 = arith.mulf %max3A_645, %bitcast3A_619 : vector<32xbf16>
      %add3A_647 = arith.addf %add3A_600, %mul3A_646 : vector<32xbf16>
      %bitcast3A_648 = vector.bitcast %gather3A_634 : vector<16xi32> to vector<32xbf16>
      %bitcast3A_649 = vector.bitcast %gather3A_639 : vector<16xi32> to vector<32xbf16>
      %add3A_650 = arith.addf %bitcast3A_648, %bitcast3A_649 : vector<32xbf16>
      %max3A_651 = arith.constant 0.000000e+00 : bf16
      %max3A_652 = vector.broadcast %max3A_651 : bf16 to vector<32xbf16>
      %max3A_653 = arith.maximumf %add3A_650, %max3A_652 : vector<32xbf16>
      %mul3A_654 = arith.mulf %max3A_653, %bitcast3A_619 : vector<32xbf16>
      %add3A_655 = arith.addf %add3A_608, %mul3A_654 : vector<32xbf16>
      scf.yield %add3A_647, %add3A_655 : vector<32xbf16>, vector<32xbf16>
    }
    %scan3A_182 = arith.constant 4 : i32
    %add3A_183 = arith.constant 368 : i32
    %add3A_184 = arith.constant 16 : i32
    %add3A_185 = arith.addi %add3A_183, %add3A_184 : i32
    %unpack3A = tpu.unpack_subelements %scan3A_181#0, 0 {pack_format = #tpu.pack_format<interleaved>} : vector<32xbf16> -> vector<16xf32>
    %unpack3A_186 = tpu.unpack_subelements %scan3A_181#0, 1 {pack_format = #tpu.pack_format<interleaved>} : vector<32xbf16> -> vector<16xf32>
    %add3A_187 = arith.addf %unpack3A, %unpack3A_186 : vector<16xf32>
    %get3A = arith.constant 0 : index
    %get3A_188 = tpu.vector_load %arg11[%get3A] {strides = array<i32>} : memref<16xf32, #tpu.memory_space<vmem>>, vector<16xf32>,
    %add3A_189 = arith.addf %add3A_187, %get3A_188 : vector<16xf32>
    %neg3A = arith.constant 0.000000e+00 : f32
    %neg3A_190 = vector.broadcast %neg3A : f32 to vector<16xf32>
    %neg3A_191 = arith.subf %neg3A_190, %add3A_189 : vector<16xf32>
    %exp3A = math.exp %neg3A_191 : vector<16xf32>
    %add3A_192 = arith.constant 1.000000e+00 : f32
    %add3A_193 = vector.broadcast %add3A_192 : f32 to vector<16xf32>
    %add3A_194 = arith.addf %add3A_193, %exp3A : vector<16xf32>
    %div3A = arith.constant 1.000000e+00 : f32
    %div3A_195 = vector.broadcast %div3A : f32 to vector<16xf32>
    %div3A_196 = arith.divf %div3A_195, %add3A_194 : vector<16xf32>
    %swap3A = arith.constant 0 : i32
    %swap3A_197 = arith.constant 368 : i32
    %swap3A_198 = arith.constant 0 : i32
    %swap3A_199 = tpu.memref_slice %arg9[%swap3A, %swap3A_198] : memref<2x400xf32, #tpu.memory_space<vmem>> -> memref<1x400xf32, #tpu.memory_space<vmem>>
    %swap3A_200 = tpu.memref_squeeze %swap3A_199 : memref<1x400xf32, #tpu.memory_space<vmem>> -> memref<400xf32, #tpu.memory_space<vmem>>
    %swap3A_201 = arith.index_cast %swap3A_197 : i32 to index
    %swap3A_202 = tpu.vector_load %swap3A_200[%swap3A_201] {strides = array<i32>} : memref<400xf32, #tpu.memory_space<vmem>>, vector<16xf32>,
    tpu.vector_store %swap3A_200[%swap3A_201], %div3A_196 {strides = array<i32>} : memref<400xf32, #tpu.memory_space<vmem>>, vector<16xf32>,
    %unpack3A_203 = tpu.unpack_subelements %scan3A_181#1, 0 {pack_format = #tpu.pack_format<interleaved>} : vector<32xbf16> -> vector<16xf32>
    %unpack3A_204 = tpu.unpack_subelements %scan3A_181#1, 1 {pack_format = #tpu.pack_format<interleaved>} : vector<32xbf16> -> vector<16xf32>
    %add3A_205 = arith.addf %unpack3A_203, %unpack3A_204 : vector<16xf32>
    %get3A_206 = arith.constant 0 : index
    %get3A_207 = tpu.vector_load %arg11[%get3A_206] {strides = array<i32>} : memref<16xf32, #tpu.memory_space<vmem>>, vector<16xf32>,
    %add3A_208 = arith.addf %add3A_205, %get3A_207 : vector<16xf32>
    %neg3A_209 = arith.constant 0.000000e+00 : f32
    %neg3A_210 = vector.broadcast %neg3A_209 : f32 to vector<16xf32>
    %neg3A_211 = arith.subf %neg3A_210, %add3A_208 : vector<16xf32>
    %exp3A_212 = math.exp %neg3A_211 : vector<16xf32>
    %add3A_213 = arith.constant 1.000000e+00 : f32
    %add3A_214 = vector.broadcast %add3A_213 : f32 to vector<16xf32>
    %add3A_215 = arith.addf %add3A_214, %exp3A_212 : vector<16xf32>
    %div3A_216 = arith.constant 1.000000e+00 : f32
    %div3A_217 = vector.broadcast %div3A_216 : f32 to vector<16xf32>
    %div3A_218 = arith.divf %div3A_217, %add3A_215 : vector<16xf32>
    %swap3A_219 = arith.constant 0 : i32
    %swap3A_220 = arith.constant 0 : i32
    %swap3A_221 = tpu.memref_slice %arg9[%swap3A_219, %swap3A_220] : memref<2x400xf32, #tpu.memory_space<vmem>> -> memref<1x400xf32, #tpu.memory_space<vmem>>
    %swap3A_222 = tpu.memref_squeeze %swap3A_221 : memref<1x400xf32, #tpu.memory_space<vmem>> -> memref<400xf32, #tpu.memory_space<vmem>>
    %swap3A_223 = arith.index_cast %add3A_185 : i32 to index
    %swap3A_224 = tpu.vector_load %swap3A_222[%swap3A_223] {strides = array<i32>} : memref<400xf32, #tpu.memory_space<vmem>>, vector<16xf32>,
    tpu.vector_store %swap3A_222[%swap3A_223], %div3A_218 {strides = array<i32>} : memref<400xf32, #tpu.memory_space<vmem>>, vector<16xf32>,
    %dma_start3A_225 = arith.constant 0 : i32
    %dma_start3A_226 = arith.constant 0 : i32
    %dma_start3A_227 = tpu.memref_slice %arg9[%dma_start3A_225, %dma_start3A_226] : memref<2x400xf32, #tpu.memory_space<vmem>> -> memref<1x400xf32, #tpu.memory_space<vmem>>
    %dma_start3A_228 = tpu.memref_squeeze %dma_start3A_227 : memref<1x400xf32, #tpu.memory_space<vmem>> -> memref<400xf32, #tpu.memory_space<vmem>>
    %dma_start3A_229 = arith.constant 0 : i32
    %dma_start3A_230 = tpu.memref_slice %arg6[%add3A_138, %dma_start3A_229] : memref<800x400xf32, #tpu.memory_space<hbm>> -> memref<1x400xf32, #tpu.memory_space<hbm>>
    %dma_start3A_231 = tpu.memref_squeeze %dma_start3A_230 : memref<1x400xf32, #tpu.memory_space<hbm>> -> memref<400xf32, #tpu.memory_space<hbm>>
    %dma_start3A_232 = arith.constant 0 : i32
    %dma_start3A_233 = tpu.memref_slice %arg6[%add3A_138, %dma_start3A_232] : memref<800x400xf32, #tpu.memory_space<hbm>> -> memref<1x400xf32, #tpu.memory_space<hbm>>
    %dma_start3A_234 = tpu.memref_squeeze %dma_start3A_233 : memref<1x400xf32, #tpu.memory_space<hbm>> -> memref<400xf32, #tpu.memory_space<hbm>>
    %dma_start3A_235 = arith.constant 0 : i32
    %dma_start3A_236 = tpu.memref_slice %arg9[%dma_start3A_225, %dma_start3A_235] : memref<2x400xf32, #tpu.memory_space<vmem>> -> memref<1x400xf32, #tpu.memory_space<vmem>>
    %dma_start3A_237 = tpu.memref_squeeze %dma_start3A_236 : memref<1x400xf32, #tpu.memory_space<vmem>> -> memref<400xf32, #tpu.memory_space<vmem>>
    tpu.enqueue_dma source(%dma_start3A_237 : memref<400xf32, #tpu.memory_space<vmem>>) target(%dma_start3A_234 : memref<400xf32, #tpu.memory_space<hbm>>) target_semaphore(%arg16 : memref<!tpu.dma_semaphore, #tpu.memory_space<semaphore_mem>>)
    %add3A_238 = arith.constant 24 : i32
    %add3A_239 = arith.constant 1 : i32
    %add3A_240 = arith.addi %add3A_238, %add3A_239 : i32
    %lt3A_241 = arith.constant 25 : i32
    %lt3A_242 = arith.cmpi slt, %add3A_240, %lt3A_241 : i32
    %convert_element_type3A_243 = arith.extui %lt3A_242 : i1 to i32
    %cond3A_244 = arith.constant 0 : i32
    %cond3A_245 = arith.cmpi ne, %convert_element_type3A_243, %cond3A_244 : i32
    scf.if %cond3A_245 {
      %dma_wait3A_279 = arith.constant 1 : i32
      %dma_wait3A_280 = arith.constant 1 : i32
      %dma_wait3A_281 = arith.constant 0 : i32
      %dma_wait3A_282 = arith.constant 0 : i32
      %dma_wait3A_283 = tpu.memref_slice %arg8[%dma_wait3A_280, %dma_wait3A_281, %dma_wait3A_282] : memref<2x800x32xi32, #tpu.memory_space<vmem>> -> memref<1x400x32xi32, #tpu.memory_space<vmem>>
      %dma_wait3A_284 = tpu.memref_squeeze %dma_wait3A_283 : memref<1x400x32xi32, #tpu.memory_space<vmem>> -> memref<400x32xi32, #tpu.memory_space<vmem>>
      %dma_wait3A_285 = arith.constant 0 : i32
      %dma_wait3A_286 = tpu.memref_slice %arg7[%dma_wait3A_279, %dma_wait3A_285] : memref<2x800xi32, #tpu.memory_space<vmem>> -> memref<1x400xi32, #tpu.memory_space<vmem>>
      %dma_wait3A_287 = tpu.memref_squeeze %dma_wait3A_286 : memref<1x400xi32, #tpu.memory_space<vmem>> -> memref<400xi32, #tpu.memory_space<vmem>>
      %dma_wait3A_288 = arith.constant 0 : i32
      %dma_wait3A_289 = arith.constant 0 : i32
      %dma_wait3A_290 = tpu.memref_slice %arg12[%dma_wait3A_288, %dma_wait3A_289] : memref<10000x32xi32, #tpu.memory_space<vmem_shared>> -> memref<10000x32xi32, #tpu.memory_space<vmem_shared>>
      tpu.wait_indirect_dma semaphore(%arg15 : memref<!tpu.dma_semaphore, #tpu.memory_space<semaphore_mem>>) src(%dma_wait3A_290 : memref<10000x32xi32, #tpu.memory_space<vmem_shared>>) dst(%dma_wait3A_284 : memref<400x32xi32, #tpu.memory_space<vmem>>)
      %dma_wait3A_291 = arith.constant 1 : i32
      %dma_wait3A_292 = arith.constant 1 : i32
      %dma_wait3A_293 = arith.constant 400 : i32
      %dma_wait3A_294 = arith.constant 0 : i32
      %dma_wait3A_295 = tpu.memref_slice %arg8[%dma_wait3A_292, %dma_wait3A_293, %dma_wait3A_294] : memref<2x800x32xi32, #tpu.memory_space<vmem>> -> memref<1x400x32xi32, #tpu.memory_space<vmem>>
      %dma_wait3A_296 = tpu.memref_squeeze %dma_wait3A_295 : memref<1x400x32xi32, #tpu.memory_space<vmem>> -> memref<400x32xi32, #tpu.memory_space<vmem>>
      %dma_wait3A_297 = arith.constant 400 : i32
      %dma_wait3A_298 = tpu.memref_slice %arg7[%dma_wait3A_291, %dma_wait3A_297] : memref<2x800xi32, #tpu.memory_space<vmem>> -> memref<1x400xi32, #tpu.memory_space<vmem>>
      %dma_wait3A_299 = tpu.memref_squeeze %dma_wait3A_298 : memref<1x400xi32, #tpu.memory_space<vmem>> -> memref<400xi32, #tpu.memory_space<vmem>>
      %dma_wait3A_300 = arith.constant 0 : i32
      %dma_wait3A_301 = arith.constant 0 : i32
      %dma_wait3A_302 = tpu.memref_slice %arg13[%dma_wait3A_300, %dma_wait3A_301] : memref<10000x32xi32, #tpu.memory_space<vmem_shared>> -> memref<10000x32xi32, #tpu.memory_space<vmem_shared>>
      tpu.wait_indirect_dma semaphore(%arg15 : memref<!tpu.dma_semaphore, #tpu.memory_space<semaphore_mem>>) src(%dma_wait3A_302 : memref<10000x32xi32, #tpu.memory_space<vmem_shared>>) dst(%dma_wait3A_296 : memref<400x32xi32, #tpu.memory_space<vmem>>)
    } else {
    }
    %add3A_246 = arith.constant 25 : i32
    %add3A_247 = arith.addi %mul3A_6, %add3A_246 : i32
    %sub3A = arith.constant 2 : i32
    %sub3A_248 = arith.subi %add3A_247, %sub3A : i32
    %dma_wait3A_249 = arith.constant 1 : i32
    %dma_wait3A_250 = arith.constant 0 : i32
    %dma_wait3A_251 = tpu.memref_slice %arg9[%dma_wait3A_249, %dma_wait3A_250] : memref<2x400xf32, #tpu.memory_space<vmem>> -> memref<1x400xf32, #tpu.memory_space<vmem>>
    %dma_wait3A_252 = tpu.memref_squeeze %dma_wait3A_251 : memref<1x400xf32, #tpu.memory_space<vmem>> -> memref<400xf32, #tpu.memory_space<vmem>>
    %dma_wait3A_253 = arith.constant 0 : i32
    %dma_wait3A_254 = tpu.memref_slice %arg6[%sub3A_248, %dma_wait3A_253] : memref<800x400xf32, #tpu.memory_space<hbm>> -> memref<1x400xf32, #tpu.memory_space<hbm>>
    %dma_wait3A_255 = tpu.memref_squeeze %dma_wait3A_254 : memref<1x400xf32, #tpu.memory_space<hbm>> -> memref<400xf32, #tpu.memory_space<hbm>>
    %dma_wait3A_256 = arith.constant 0 : i32
    %dma_wait3A_257 = tpu.memref_slice %arg6[%sub3A_248, %dma_wait3A_256] : memref<800x400xf32, #tpu.memory_space<hbm>> -> memref<1x400xf32, #tpu.memory_space<hbm>>
    %dma_wait3A_258 = tpu.memref_squeeze %dma_wait3A_257 : memref<1x400xf32, #tpu.memory_space<hbm>> -> memref<400xf32, #tpu.memory_space<hbm>>
    %dma_wait3A_259 = arith.constant 0 : i32
    %dma_wait3A_260 = tpu.memref_slice %arg9[%dma_wait3A_249, %dma_wait3A_259] : memref<2x400xf32, #tpu.memory_space<vmem>> -> memref<1x400xf32, #tpu.memory_space<vmem>>
    %dma_wait3A_261 = tpu.memref_squeeze %dma_wait3A_260 : memref<1x400xf32, #tpu.memory_space<vmem>> -> memref<400xf32, #tpu.memory_space<vmem>>
    tpu.wait_dma2 semaphore(%arg17 : memref<!tpu.dma_semaphore, #tpu.memory_space<semaphore_mem>>) src(%dma_wait3A_261 : memref<400xf32, #tpu.memory_space<vmem>>) dst(%dma_wait3A_258 : memref<400xf32, #tpu.memory_space<hbm>>)
    %add3A_262 = arith.constant 25 : i32
    %add3A_263 = arith.addi %mul3A_6, %add3A_262 : i32
    %sub3A_264 = arith.constant 1 : i32
    %sub3A_265 = arith.subi %add3A_263, %sub3A_264 : i32
    %dma_wait3A_266 = arith.constant 0 : i32
    %dma_wait3A_267 = arith.constant 0 : i32
    %dma_wait3A_268 = tpu.memref_slice %arg9[%dma_wait3A_266, %dma_wait3A_267] : memref<2x400xf32, #tpu.memory_space<vmem>> -> memref<1x400xf32, #tpu.memory_space<vmem>>
    %dma_wait3A_269 = tpu.memref_squeeze %dma_wait3A_268 : memref<1x400xf32, #tpu.memory_space<vmem>> -> memref<400xf32, #tpu.memory_space<vmem>>
    %dma_wait3A_270 = arith.constant 0 : i32
    %dma_wait3A_271 = tpu.memref_slice %arg6[%sub3A_265, %dma_wait3A_270] : memref<800x400xf32, #tpu.memory_space<hbm>> -> memref<1x400xf32, #tpu.memory_space<hbm>>
    %dma_wait3A_272 = tpu.memref_squeeze %dma_wait3A_271 : memref<1x400xf32, #tpu.memory_space<hbm>> -> memref<400xf32, #tpu.memory_space<hbm>>
    %dma_wait3A_273 = arith.constant 0 : i32
    %dma_wait3A_274 = tpu.memref_slice %arg6[%sub3A_265, %dma_wait3A_273] : memref<800x400xf32, #tpu.memory_space<hbm>> -> memref<1x400xf32, #tpu.memory_space<hbm>>
    %dma_wait3A_275 = tpu.memref_squeeze %dma_wait3A_274 : memref<1x400xf32, #tpu.memory_space<hbm>> -> memref<400xf32, #tpu.memory_space<hbm>>
    %dma_wait3A_276 = arith.constant 0 : i32
    %dma_wait3A_277 = tpu.memref_slice %arg9[%dma_wait3A_266, %dma_wait3A_276] : memref<2x400xf32, #tpu.memory_space<vmem>> -> memref<1x400xf32, #tpu.memory_space<vmem>>
    %dma_wait3A_278 = tpu.memref_squeeze %dma_wait3A_277 : memref<1x400xf32, #tpu.memory_space<vmem>> -> memref<400xf32, #tpu.memory_space<vmem>>
    tpu.wait_dma2 semaphore(%arg16 : memref<!tpu.dma_semaphore, #tpu.memory_space<semaphore_mem>>) src(%dma_wait3A_278 : memref<400xf32, #tpu.memory_space<vmem>>) dst(%dma_wait3A_275 : memref<400xf32, #tpu.memory_space<hbm>>)
    return
  }
}

module attributes {stable_mosaic.version = 14 : i64} {
  func.func @mm_kernel(%arg0: memref<10000x128xf32, #tpu.memory_space<vmem>>, %arg1: memref<2x128x32xf32, #tpu.memory_space<vmem>>, %arg2: memref<2x128x32xf32, #tpu.memory_space<vmem>>, %arg3: memref<2x1x32xf32, #tpu.memory_space<vmem>>, %arg4: memref<2x1x32xf32, #tpu.memory_space<vmem>>, %arg5: memref<2x10000x32xi32, #tpu.memory_space<vmem>>) attributes {dimension_semantics = [], scalar_prefetch = 0 : i64, scratch_operands = 0 : i64, tpu.core_type = #tpu.core_type<tc>} {
    %get3A = arith.constant 0 : index
    %get3A_0 = arith.constant 0 : index
    %get3A_1 = vector.load %arg0[%get3A, %get3A_0] : memref<10000x128xf32, #tpu.memory_space<vmem>>, vector<10000x128xf32>
    %get3A_2 = arith.constant 0 : index
    %get3A_3 = arith.constant 0 : index
    %get3A_4 = arith.constant 0 : index
    %get3A_5 = vector.load %arg1[%get3A_2, %get3A_3, %get3A_4] : memref<2x128x32xf32, #tpu.memory_space<vmem>>, vector<1x128x32xf32>
    %get3A_6 = vector.shape_cast %get3A_5 : vector<1x128x32xf32> to vector<128x32xf32>
    %dot_general3A = arith.constant dense<0.000000e+00> : vector<10000x32xf32>
    %dot_general3A_7 = tpu.matmul %get3A_1, %get3A_6, %dot_general3A {dimension_numbers = #tpu.dot_dimension_numbers<[1], [0], [0], [1], [0, 0, 1, 1], [], []>, transpose_lhs_hint = false} : vector<10000x128xf32>, vector<128x32xf32>, vector<10000x32xf32> -> vector<10000x32xf32>
    %get3A_8 = arith.constant 0 : index
    %get3A_9 = arith.constant 0 : index
    %get3A_10 = arith.constant 0 : index
    %get3A_11 = vector.load %arg3[%get3A_8, %get3A_9, %get3A_10] : memref<2x1x32xf32, #tpu.memory_space<vmem>>, vector<1x1x32xf32>
    %get3A_12 = vector.shape_cast %get3A_11 : vector<1x1x32xf32> to vector<1x32xf32>
    %add3A = vector.broadcast %get3A_12 : vector<1x32xf32> to vector<10000x32xf32>
    %add3A_13 = arith.addf %dot_general3A_7, %add3A : vector<10000x32xf32>
    %convert_element_type3A = arith.truncf %add3A_13 : vector<10000x32xf32> to vector<10000x32xbf16>
    %get3A_14 = arith.constant 0 : index
    %get3A_15 = arith.constant 0 : index
    %get3A_16 = arith.constant 0 : index
    %get3A_17 = vector.load %arg2[%get3A_14, %get3A_15, %get3A_16] : memref<2x128x32xf32, #tpu.memory_space<vmem>>, vector<1x128x32xf32>
    %get3A_18 = vector.shape_cast %get3A_17 : vector<1x128x32xf32> to vector<128x32xf32>
    %dot_general3A_19 = arith.constant dense<0.000000e+00> : vector<10000x32xf32>
    %dot_general3A_20 = tpu.matmul %get3A_1, %get3A_18, %dot_general3A_19 {dimension_numbers = #tpu.dot_dimension_numbers<[1], [0], [0], [1], [0, 0, 1, 1], [], []>, transpose_lhs_hint = false} : vector<10000x128xf32>, vector<128x32xf32>, vector<10000x32xf32> -> vector<10000x32xf32>
    %get3A_21 = arith.constant 0 : index
    %get3A_22 = arith.constant 0 : index
    %get3A_23 = arith.constant 0 : index
    %get3A_24 = vector.load %arg4[%get3A_21, %get3A_22, %get3A_23] : memref<2x1x32xf32, #tpu.memory_space<vmem>>, vector<1x1x32xf32>
    %get3A_25 = vector.shape_cast %get3A_24 : vector<1x1x32xf32> to vector<1x32xf32>
    %add3A_26 = vector.broadcast %get3A_25 : vector<1x32xf32> to vector<10000x32xf32>
    %add3A_27 = arith.addf %dot_general3A_20, %add3A_26 : vector<10000x32xf32>
    %convert_element_type3A_28 = arith.truncf %add3A_27 : vector<10000x32xf32> to vector<10000x32xbf16>
    %bitcast_convert_type3A = tpu.bitcast %convert_element_type3A : vector<10000x32xbf16> -> vector<10000x32xi16>
    %convert_element_type3A_29 = arith.extui %bitcast_convert_type3A : vector<10000x32xi16> to vector<10000x32xi32>
    %bitcast_convert_type3A_30 = tpu.bitcast %convert_element_type3A_28 : vector<10000x32xbf16> -> vector<10000x32xi16>
    %convert_element_type3A_31 = arith.extui %bitcast_convert_type3A_30 : vector<10000x32xi16> to vector<10000x32xi32>
    %shift_left3A = arith.constant 16 : i32
    %shift_left3A_32 = vector.broadcast %shift_left3A : i32 to vector<10000x32xi32>
    %shift_left3A_33 = arith.shli %convert_element_type3A_31, %shift_left3A_32 : vector<10000x32xi32>
    %or3A = arith.ori %convert_element_type3A_29, %shift_left3A_33 : vector<10000x32xi32>
    %bitcast_convert_type3A_34 = tpu.bitcast %or3A : vector<10000x32xi32> -> vector<10000x32xi32>
    %swap3A = arith.constant 0 : index
    %swap3A_35 = arith.constant 0 : index
    %swap3A_36 = arith.constant 0 : index
    %swap3A_37 = vector.load %arg5[%swap3A, %swap3A_35, %swap3A_36] : memref<2x10000x32xi32, #tpu.memory_space<vmem>>, vector<1x10000x32xi32>
    %swap3A_38 = vector.shape_cast %swap3A_37 : vector<1x10000x32xi32> to vector<10000x32xi32>
    %swap3A_39 = vector.shape_cast %bitcast_convert_type3A_34 : vector<10000x32xi32> to vector<1x10000x32xi32>
    tpu.vector_store %arg5[%swap3A, %swap3A_35, %swap3A_36], %swap3A_39 {strides = array<i32>} : memref<2x10000x32xi32, #tpu.memory_space<vmem>>, vector<1x10000x32xi32>,
    %get3A_40 = arith.constant 1 : index
    %get3A_41 = arith.constant 0 : index
    %get3A_42 = arith.constant 0 : index
    %get3A_43 = vector.load %arg1[%get3A_40, %get3A_41, %get3A_42] : memref<2x128x32xf32, #tpu.memory_space<vmem>>, vector<1x128x32xf32>
    %get3A_44 = vector.shape_cast %get3A_43 : vector<1x128x32xf32> to vector<128x32xf32>
    %dot_general3A_45 = arith.constant dense<0.000000e+00> : vector<10000x32xf32>
    %dot_general3A_46 = tpu.matmul %get3A_1, %get3A_44, %dot_general3A_45 {dimension_numbers = #tpu.dot_dimension_numbers<[1], [0], [0], [1], [0, 0, 1, 1], [], []>, transpose_lhs_hint = false} : vector<10000x128xf32>, vector<128x32xf32>, vector<10000x32xf32> -> vector<10000x32xf32>
    %get3A_47 = arith.constant 1 : index
    %get3A_48 = arith.constant 0 : index
    %get3A_49 = arith.constant 0 : index
    %get3A_50 = vector.load %arg3[%get3A_47, %get3A_48, %get3A_49] : memref<2x1x32xf32, #tpu.memory_space<vmem>>, vector<1x1x32xf32>
    %get3A_51 = vector.shape_cast %get3A_50 : vector<1x1x32xf32> to vector<1x32xf32>
    %add3A_52 = vector.broadcast %get3A_51 : vector<1x32xf32> to vector<10000x32xf32>
    %add3A_53 = arith.addf %dot_general3A_46, %add3A_52 : vector<10000x32xf32>
    %convert_element_type3A_54 = arith.truncf %add3A_53 : vector<10000x32xf32> to vector<10000x32xbf16>
    %get3A_55 = arith.constant 1 : index
    %get3A_56 = arith.constant 0 : index
    %get3A_57 = arith.constant 0 : index
    %get3A_58 = vector.load %arg2[%get3A_55, %get3A_56, %get3A_57] : memref<2x128x32xf32, #tpu.memory_space<vmem>>, vector<1x128x32xf32>
    %get3A_59 = vector.shape_cast %get3A_58 : vector<1x128x32xf32> to vector<128x32xf32>
    %dot_general3A_60 = arith.constant dense<0.000000e+00> : vector<10000x32xf32>
    %dot_general3A_61 = tpu.matmul %get3A_1, %get3A_59, %dot_general3A_60 {dimension_numbers = #tpu.dot_dimension_numbers<[1], [0], [0], [1], [0, 0, 1, 1], [], []>, transpose_lhs_hint = false} : vector<10000x128xf32>, vector<128x32xf32>, vector<10000x32xf32> -> vector<10000x32xf32>
    %get3A_62 = arith.constant 1 : index
    %get3A_63 = arith.constant 0 : index
    %get3A_64 = arith.constant 0 : index
    %get3A_65 = vector.load %arg4[%get3A_62, %get3A_63, %get3A_64] : memref<2x1x32xf32, #tpu.memory_space<vmem>>, vector<1x1x32xf32>
    %get3A_66 = vector.shape_cast %get3A_65 : vector<1x1x32xf32> to vector<1x32xf32>
    %add3A_67 = vector.broadcast %get3A_66 : vector<1x32xf32> to vector<10000x32xf32>
    %add3A_68 = arith.addf %dot_general3A_61, %add3A_67 : vector<10000x32xf32>
    %convert_element_type3A_69 = arith.truncf %add3A_68 : vector<10000x32xf32> to vector<10000x32xbf16>
    %bitcast_convert_type3A_70 = tpu.bitcast %convert_element_type3A_54 : vector<10000x32xbf16> -> vector<10000x32xi16>
    %convert_element_type3A_71 = arith.extui %bitcast_convert_type3A_70 : vector<10000x32xi16> to vector<10000x32xi32>
    %bitcast_convert_type3A_72 = tpu.bitcast %convert_element_type3A_69 : vector<10000x32xbf16> -> vector<10000x32xi16>
    %convert_element_type3A_73 = arith.extui %bitcast_convert_type3A_72 : vector<10000x32xi16> to vector<10000x32xi32>
    %shift_left3A_74 = arith.constant 16 : i32
    %shift_left3A_75 = vector.broadcast %shift_left3A_74 : i32 to vector<10000x32xi32>
    %shift_left3A_76 = arith.shli %convert_element_type3A_73, %shift_left3A_75 : vector<10000x32xi32>
    %or3A_77 = arith.ori %convert_element_type3A_71, %shift_left3A_76 : vector<10000x32xi32>
    %bitcast_convert_type3A_78 = tpu.bitcast %or3A_77 : vector<10000x32xi32> -> vector<10000x32xi32>
    %swap3A_79 = arith.constant 1 : index
    %swap3A_80 = arith.constant 0 : index
    %swap3A_81 = arith.constant 0 : index
    %swap3A_82 = vector.load %arg5[%swap3A_79, %swap3A_80, %swap3A_81] : memref<2x10000x32xi32, #tpu.memory_space<vmem>>, vector<1x10000x32xi32>
    %swap3A_83 = vector.shape_cast %swap3A_82 : vector<1x10000x32xi32> to vector<10000x32xi32>
    %swap3A_84 = vector.shape_cast %bitcast_convert_type3A_78 : vector<10000x32xi32> to vector<1x10000x32xi32>
    tpu.vector_store %arg5[%swap3A_79, %swap3A_80, %swap3A_81], %swap3A_84 {strides = array<i32>} : memref<2x10000x32xi32, #tpu.memory_space<vmem>>, vector<1x10000x32xi32>,
    return
  }
}

</mosaic_0001>

<sc_bundles>
// kernel: kernel.4.cloned.1.call-start
scs
__scs_entry_jumppad:
0x0: {  	(pc) =	sbr.rel $0x88, $3  }
0x1: {  	(tag) =	ssettag $0x0;
	lr =	simm.s32 $0x1  }
0x2: {  	[smem:$0x3F9B] =	sst lr;
	_ =	strace $0xD0000000  }
0x3: {  	_ = 	snop  }
0x4: {  	_ = 	snop  }
0x5: {  	_ = 	snop  }
0x6: {  	_ = 	snop  }
0x7: {  	_ = 	snop  }
__scs_overlays_trampoline_lowered:
0x8: {  	[smem:$0x3FAA] =	sst s0  }
0x9: {  	[smem:$0x3FAB] =	sst s1  }
0xa: {  	[smem:$0x3FAC] =	sst s2  }
0xb: {  	[smem:$0x3FAD] =	sst s3  }
0xc: {  	[smem:$0x3FAE] =	sst s4  }
0xd: {  	[smem:$0x3FAF] =	sst s5  }
0xe: {  	[smem:$0x3FB0] =	sst s6  }
0xf: {  	[smem:$0x3FB1] =	sst s7  }
0x10: {  	[smem:$0x3FB2] =	sst s8  }
0x11: {  	[smem:$0x3FB3] =	sst s9;
	s0 =	simm.s32 @!p0 $0x0  }
0x12: {  	s1 =	sld [smem:$0x3F99];
	s0 =	simm.s32 @p0 $0x1  }
0x13: {  	[smem:$0x3FB4] =	sst s0;
	s0 =	simm.s32 @!p1 $0x0  }
0x14: {  	s2 =	sld [smem:$0x3F98];
	s0 =	simm.s32 @p1 $0x1  }
0x15: {  	[smem:$0x3FB5] =	sst s0;
	s0 =	simm.s32 @!p2 $0x0  }
0x16: {  	s3 =	sld [smem:$0x3FDB];
	s0 =	simm.s32 @p2 $0x1  }
0x17: {  	s4 =	simm.s32 $0x1BF5;
	[smem:$0x3FB7] =	sst s0  }
0x18: {  	s0 =	sld [smem:$0x3F9A];
	_ =	swait.ge [sflag:s4], $0x0  }
0x19: {  	s7 =	sld [smem:$0x3F9B]  }
0x1a: {  	s8 =	sadd.s32 $0xFFFFE003, lr  }
0x1b: {  	s9 =	sadd.s32 $0xFFFFFEF7, lr;
	s5 =	simm.s32 $0xFFFFFFFF;
	p2 =	slt.u32 s8, $0xFFFFF086  }
0x1c: {  	p1 =	slt.u32 s9, $0xF7A;
	s5 =	simm.s32 @!p2 $0x0  }
0x1d: {  	s5 =	simm.s32 @p1 $0x1;
	p0 =	seq.s32 s7, s2  }
0x1e: {  	s7 =	smul.u32 @!p0 $0xF7A, s2;
	p2 =	seq.s32 @!p0 s5, $0x0  }
0x1f: {  	s9 =	smul.u32 $0xF7A, s1;
	s8 =	simm.s32 @!p0 $0x1BF5;
	p2 =	por !p2, p0  }
0x20: {  	[sflag:s8] =	ssyncset.s32 @!p0 $0xFFFFF086;
	s6 =	sadd.s32 @!p0 s3, s7;
	s7 =	simm.s32 @!p0 $0x108  }
0x21: {  	s3 =	sadd.s32 s3, s9;
	s6 =	sadd.s32 @!p0 $0x88, s6;
	s7 =	simm.s32 @p2 $0x1082  }
0x22: {  	[simem:s7], [sflag:s8] =	dma.local @!p0 [hbm:s6], $0xF7A  }
0x23: {  	s9 =	sor.u32 $0xD0000000, s2;
	s6 =	simm.s32 $0x108;
	_ =	swait.ge @!p0 [sflag:s8], $0x0  }
0x24: {  	s3 =	sadd.s32 $0x88, s3;
	s6 =	simm.s32 @!p1 $0x1082;
	[sflag:s4] =	ssyncset.s32 $0xFFFFF086  }
0x25: {  	[simem:s6], [sflag:s4] =	dma.local [hbm:s3], $0xF7A  }
0x26: {  	[smem:$0x3F9B] =	sst s1;
	(tag) =	ssettag s2;
	_ =	strace s9  }
0x27: {  	s1 =	sld [smem:$0x3FAB]  }
0x28: {  	s2 =	sld [smem:$0x3FAC]  }
0x29: {  	s4 =	sld [smem:$0x3FAE]  }
0x2a: {  	p0 =	seq.s32 s5, $0x0;
	s5 =	sld [smem:$0x3FAF]  }
0x2b: {  	s6 =	sld [smem:$0x3FB0]  }
0x2c: {  	s7 =	sld [smem:$0x3FB1]  }
0x2d: {  	s3 =	simm.s32 $0x108;
	s8 =	sld [smem:$0x3FB2]  }
0x2e: {  	s3 =	simm.s32 @!p0 $0x1082;
	s9 =	sld [smem:$0x3FB3]  }
0x2f: {  	lr =	sadd.s32 s0, s3;
	s0 =	sld [smem:$0x3FAA]  }
0x30: {  	s3 =	sld [smem:$0x3FAD]  }
0x31: {  	[smem:$0x3FB6] =	sst s10  }
0x32: {  	s10 =	sld [smem:$0x3FB4];
	_ =	sdelay $0x3  }
0x33: {  	p0 =	seq.s32 s10, $0x1;
	s10 =	sld [smem:$0x3FB6];
	_ =	sdelay $0x3  }
0x34: {  	[smem:$0x3FB6] =	sst s10  }
0x35: {  	s10 =	sld [smem:$0x3FB5];
	_ =	sdelay $0x3  }
0x36: {  	p1 =	seq.s32 s10, $0x1;
	s10 =	sld [smem:$0x3FB6];
	_ =	sdelay $0x3  }
0x37: {  	[smem:$0x3FB6] =	sst s10  }
0x38: {  	s10 =	sld [smem:$0x3FB7]  }
0x39: {  	_ = 	snop;
	(pc) =	sbr.ind lr, $3  }
0x3a: {  	_ = 	snop  }
0x3b: {  	_ = 	snop  }
0x3c: {  	p2 =	seq.s32 s10, $0x1;
	s10 =	sld [smem:$0x3FB6]  }
0x3d: {  	_ =	shalt  }
0x3e: {  	_ =	shalt  }
0x3f: {  	_ =	shalt  }
0x40: {  	_ =	shalt  }
0x41: {  	_ =	shalt  }
0x42: {  	_ =	shalt  }
0x43: {  	_ =	shalt  }
0x44: {  	_ =	shalt  }
0x45: {  	_ =	shalt  }
0x46: {  	_ =	shalt  }
0x47: {  	_ =	shalt  }
0x48: {  	_ =	shalt  }
0x49: {  	_ =	shalt  }
0x4a: {  	_ =	shalt  }
0x4b: {  	_ =	shalt  }
0x4c: {  	_ =	shalt  }
0x4d: {  	_ =	shalt  }
0x4e: {  	_ =	shalt  }
0x4f: {  	_ =	shalt  }
0x50: {  	_ =	shalt  }
0x51: {  	_ =	shalt  }
0x52: {  	_ =	shalt  }
0x53: {  	_ =	shalt  }
0x54: {  	_ =	shalt  }
0x55: {  	_ =	shalt  }
0x56: {  	_ =	shalt  }
0x57: {  	_ =	shalt  }
0x58: {  	_ =	shalt  }
0x59: {  	_ =	shalt  }
0x5a: {  	_ =	shalt  }
0x5b: {  	_ =	shalt  }
0x5c: {  	_ =	shalt  }
0x5d: {  	_ =	shalt  }
0x5e: {  	_ =	shalt  }
0x5f: {  	_ =	shalt  }
0x60: {  	_ =	shalt  }
0x61: {  	_ =	shalt  }
0x62: {  	_ =	shalt  }
0x63: {  	_ =	shalt  }
0x64: {  	_ =	shalt  }
0x65: {  	_ =	shalt  }
0x66: {  	_ =	shalt  }
0x67: {  	_ =	shalt  }
0x68: {  	_ =	shalt  }
0x69: {  	_ =	shalt  }
0x6a: {  	_ =	shalt  }
0x6b: {  	_ =	shalt  }
0x6c: {  	_ =	shalt  }
0x6d: {  	_ =	shalt  }
0x6e: {  	_ =	shalt  }
0x6f: {  	_ =	shalt  }
0x70: {  	_ =	shalt  }
0x71: {  	_ =	shalt  }
0x72: {  	_ =	shalt  }
0x73: {  	_ =	shalt  }
0x74: {  	_ =	shalt  }
0x75: {  	_ =	shalt  }
0x76: {  	_ =	shalt  }
0x77: {  	_ =	shalt  }
0x78: {  	_ =	shalt  }
0x79: {  	_ =	shalt  }
0x7a: {  	_ =	shalt  }
0x7b: {  	_ =	shalt  }
0x7c: {  	_ =	shalt  }
0x7d: {  	_ =	shalt  }
0x7e: {  	_ =	shalt  }
0x7f: {  	_ =	shalt  }
0x80: {  	_ =	shalt  }
0x81: {  	_ =	shalt  }
0x82: {  	_ =	shalt  }
0x83: {  	_ =	shalt  }
0x84: {  	_ =	shalt  }
0x85: {  	_ =	shalt  }
0x86: {  	_ =	shalt  }
0x87: {  	_ =	shalt  }
.Lfunc_end0:
.L_simem_size_0:
called_computation_lowered:
.L_overlay_start_0:
0x88: {  	s2 =	sld [smem:$0x3FD9]  }
0x89: {  	s3 =	sld [smem:$0x3FFE];
	_ =	sdelay $0x1  }
0x8a: {  	s1 =	srdreg.scid  }
0x8b: {  	s0 =	sand.u32 $0x1, s1  }
0x8c: {  	s17 =	sshll.u32 s0, $0xA;
	s2 =	sadd.s32 s3, s2  }
0x8d: {  	s2 =	sadd.s32 s2, s17  }
0x8e: {  	[smem:$0x3FC2] =	sst s2  }
0x8f: {  	_ = 	snop  }
0x90: {  	s2 =	sld [smem:$0x3FD0];
	(tm) =	ssettm $0x1  }
0x91: {  	s18 =	sld [smem:$0x3FFB];
	_ =	sdelay $0x3  }
0x92: {  	_ =	strace s18  }
0x93: {  	s3 =	sld [smem:$0x3FFC];
	_ =	sdelay $0x3  }
0x94: {  	_ =	strace s3  }
0x95: {  	s3 =	sld [smem:$0x3FFD];
	_ =	sdelay $0x3  }
0x96: {  	_ =	strace s3  }
0x97: {  	_ =	strace $0x8FFFFFFF  }
0x98: {  	s19 =	sld [smem:$0x3FDB];
	_ =	sdelay $0x1  }
0x99: {  	s4 =	simm.s32 $_scs_section_size  }
0x9a: {  	s5 =	simm.s32 $_size__tile_overlayer_lowered;
	s6 =	simm.s32 $_tile_overlayer_lowered  }
0x9b: {  	s22 =	simm.s32 $0x1BFF;
	s21 =	sshll.u32 s6, $0x1;
	s3 =	sadd.s32 s4, s19  }
0x9c: {  	s7 =	simm.s32 $0x0;
	s20 =	sshll.u32 s5, $0x1;
	s5 =	sadd.s32 s21, s3  }
0x9d: {  	[timem:s7], [sflag:s22] =	dma.local [hbm:s5], s20  }
0x9e: {  	_ =	swait.ge [sflag:s22], s20  }
0x9f: {  	s4 =	ssub.s32 $0x0, s20;
	[sflag:s22] =	ssyncset.done $0x0  }
0xa0: {  	[sflag:s22] =	ssyncadd.s32 s4;
	_ =	sdelay $0x1  }
0xa1: {  	s23 =	simm.s32 $0x1B8B  }
0xa2: {  	_ =	swait.ge [sflag:s23], $0x1  }
0xa3: {  	[sflag:s23] =	ssyncset.done $0x0  }
0xa4: {  	s25 =	simm.s32 $0x1B8E;
	s24 =	sld [smem:$0x3FFE];
	[sflag:s23] =	ssyncadd.s32 $0xFFFFFFFF  }
0xa5: {  	s26 =	simm.s32 $execute0_lowered;
	[smem:$0x3FD2] =	sst s25  }
0xa6: {  	s5 =	sshll.u32 s26, $0x1;
	_ =	strace $0x80000046;
	[dreg:$0x1] =	wrdreg $0xFFFFFFFF  }
0xa7: {  	s28 =	simm.s32 $_size_execute0_lowered;
	s3 =	sadd.s32 s3, s5;
	[dreg:$0x0] =	wrdreg $0x0  }
0xa8: {  	s5 =	sshll.u32 s28, $0x1;
	[dreg:$0x2] =	wrdreg s3  }
0xa9: {  	[dreg:$0x3] =	wrdreg s5  }
0xaa: {  	[dreg:$0x4] =	wrdreg $0xC0  }
0xab: {  	_ =	task [dreg:s7], $0x5FFFF  }
0xac: {  	[dreg:$0x1] =	wrdreg $0xFFFFFFFF  }
0xad: {  	[dreg:$0x0] =	wrdreg $0x60  }
0xae: {  	[dreg:$0x2] =	wrdreg s24  }
0xaf: {  	[dreg:$0x3] =	wrdreg s2  }
0xb0: {  	[dreg:$0x4] =	wrdreg $0xD3700  }
0xb1: {  	[dreg:$0x5] =	wrdreg $0x121900  }
0xb2: {  	[dreg:$0x6] =	wrdreg $0x9  }
0xb3: {  	_ =	task.clear_ibuf [dreg:s7], $0x7FFFF;
	_ =	strace $0x90000046  }
0xb4: {  	s29 =	simm.s32 $0x9;
	_ =	strace $0x80000048  }
0xb5: {  	_ =	swait.ge [sflag:s29], $0x1  }
0xb6: {  	[sflag:s29] =	ssyncadd.s32 $0xFFFFFFFF  }
0xb7: {  	_ =	strace $0x90000048  }
0xb8: {  	_ =	sfence  }
0xb9: {  	s30 =	sld [smem:$0x0];
	_ =	sdelay $0x2  }
0xba: {  	s31 =	sshll.u32 s1, $0xD;
	s1 =	sshrl.u32 s1, $0x2  }
0xbb: {  	s3 =	sand.u32 $0x4000, s31;
	s1 =	sadd.s32 s1, s30  }
0xbc: {  	s0 =	sor.u32 s3, s0;
	s1 =	sshll.u32 s1, $0x11  }
0xbd: {  	s0 =	sor.u32 s1, s0  }
0xbe: {  	s0 =	sadd.s32 $0x8F2B, s0  }
0xbf: {  	[sflag:s0] =	ssyncadd.remote.s32 $0x1  }
0xc0: {  	_ =	sfence.sel $0xFFFF  }
0xc1: {  	[dreg:$0x0] =	wrdreg $0xFFFFFFFF;
	(pc) =	sbr.abs _section_cstart, $3  }
0xc2: {  	[dreg:$0x1] =	wrdreg $0xFFFFFFFF  }
0xc3: {  	_ =	task.clear_ibuf [dreg:s7], $0x2FFFF;
	_ =	strace $0x9FFFFFFF  }
0xc4: {  	(tm) =	ssettm $0x7FFFFFFF  }
0xc5: {  	_ =	shalt  }
tec
execute0_lowered:
.L_overlay_start_1:
0x0: {  	(tag) =	ssettag $0x1  }
0x1: {  	v0 =	vimm.s32 $0x2FE7;
	vm14 =	vcmask $0x300;
	vm13 =	vcmask $0x704  }
0x2: {  	vm12 =	vcmask $0xB08;
	vm11 =	vcmask $0xF0C;
	vm10 =	vcmask $0x1310  }
0x3: {  	vm9 =	vcmask $0x1714;
	vm8 =	vcmask $0x1B18;
	vm7 =	vcmask $0x1F1C  }
0x4: {  	vm6 =	vcmask $0x2320;
	vm5 =	vcmask $0x2724;
	v0 =	vsel vm14, $0x2E00, v0  }
0x5: {  	vm4 =	vcmask $0x2B28;
	vm2 =	vcmask $0x2F2C;
	v0 =	vsel vm13, $0x2E21, v0  }
0x6: {  	vm3 =	vcmask $0x3330;
	vm0 =	vcmask $0x3734;
	v0 =	vsel vm12, $0x2E42, v0  }
0x7: {  	s2 =	rddreg [dreg:$0x0];
	vm1 =	vcmask $0x3B38;
	v8 =	vimm.s32 $0x61E7;
	v0 =	vsel vm11, $0x2E63, v0  }
0x8: {  	s0 =	rddreg [dreg:$0x1];
	v9 =	vimm.s32 $0x31E7;
	v10 =	vimm.s32 $0x63E7;
	v0 =	vsel vm10, $0x2E84, v0  }
0x9: {  	s1 =	rddreg [dreg:$0x2];
	v8 =	vsel vm14, $0x6000, v8;
	v9 =	vsel vm14, $0x3000, v9;
	v0 =	vsel vm9, $0x2EA5, v0  }
0xa: {  	s4 =	rddreg [dreg:$0x3];
	s12 =	stileid.u32;
	v10 =	vsel vm14, $0x6200, v10;
	v1 =	vsel vm8, $0x2EC6, v0;
	v0 =	vlaneseq.u32  }
0xb: {  	s5 =	simm.s32 $0x0;
	s7 =	srdreg.scid;
	s28 =	simm.s32 $0x3840;
	v8 =	vsel vm13, $0x6021, v8;
	v2 =	vsel vm7, $0x2EE7, v1;
	v1 =	vmul.u32 $0x20, v0  }
0xc: {  	s29 =	simm.s32 $0x320;
	s30 =	simm.s32 $0x4B0;
	s31 =	simm.s32 $0x2;
	v9 =	vsel vm13, $0x3021, v9;
	v10 =	vsel vm13, $0x6221, v10;
	v2 =	vsel vm6, $0x2F00, v2  }
0xd: {  	s3 =	smul.u32 $0x4E20, s12;
	[smem:$0x7FF] =	sst s5;
	s7 =	sand.u32 $0x1, s7;
	v8 =	vsel vm12, $0x6042, v8;
	v3 =	vsel vm5, $0x2F21, v2;
	v2 =	vor.u32 $0x3400, v1  }
0xe: {  	s9 =	sshll.u32 s12, $0x1;
	s14 =	sadd.s32 $0x14200, s2;
	s24 =	sshll.u32 s12, $0x6;
	v9 =	vsel vm12, $0x3042, v9;
	v10 =	vsel vm12, $0x6242, v10;
	[tilespmem:$0x1FF80] =	vst v2;
	v2 =	vor.u32 $0x200, v1  }
0xf: {  	s10 =	ssub.s32 $0x2, s7;
	s7 =	sor.u32 s7, s9;
	s9 =	simm.s32 $0x0;
	v8 =	vsel vm11, $0x6063, v8;
	v9 =	vsel vm11, $0x3063, v9;
	[tilespmem:$0x1FF90] =	vst v2;
	v2 =	vor.u32 $0x3200, v1  }
0x10: {  	s6 =	sshrl.u32 s3, $0x3;
	s15 =	sshrl.u32 s10, $0x1;
	s11 =	smul.u32 $0x2710, s7;
	v10 =	vsel vm11, $0x6263, v10;
	v8 =	vsel vm10, $0x6084, v8;
	[tilespmem:$0x1FFA0] =	vst v2;
	v2 =	vand.u32 $0x7, v0  }
0x11: {  	s17 =	sadd.s32 s3, s1;
	s8 =	sadd.s32 s6, s2;
	s6 =	sadd.s32 $0x14400, s2;
	v9 =	vsel vm10, $0x3084, v9;
	v10 =	vsel vm10, $0x6284, v10;
	v8 =	vsel vm9, $0x60A5, v8;
	[tilespmem:$0x1FFB0] =	vst v2  }
0x12: {  	s2 =	sadd.s32 $0x27E00, s2;
	v9 =	vsel vm9, $0x30A5, v9;
	v10 =	vsel vm9, $0x62A5, v10;
	v8 =	vsel vm8, $0x60C6, v8;
	_ =	strace $0x80000047;
	[dreg:$0x5] =	wrdreg s14  }
0x13: {  	s18 =	sadd.s32 $0x800, s8;
	s19 =	sshrl.u32 s11, $0x3;
	v9 =	vsel vm8, $0x30C6, v9;
	v10 =	vsel vm8, $0x62C6, v10;
	v8 =	vsel vm7, $0x60E7, v8;
	[dreg:$0x6] =	wrdreg s2  }
0x14: {  	s8 =	sadd.s32 $0xA440, s8;
	s20 =	sadd.s32 s6, s19;
	v9 =	vsel vm7, $0x30E7, v9;
	v10 =	vsel vm7, $0x62E7, v10;
	v8 =	vsel vm6, $0x6100, v8;
	[dreg:$0x7] =	wrdreg s18  }
0x15: {  	s3 =	sadd.s32 s3, s4;
	s21 =	sadd.s32 $0x9C40, s20;
	v9 =	vsel vm6, $0x3100, v9;
	v10 =	vsel vm6, $0x6300, v10;
	v8 =	vsel vm5, $0x6121, v8;
	[dreg:$0x8] =	wrdreg s8  }
0x16: {  	s16 =	ssub.s32 s10, s15;
	s22 =	sadd.s32 $0x32, s20;
	v9 =	vsel vm5, $0x3121, v9;
	v10 =	vsel vm5, $0x6321, v10;
	v11 =	vor.u32 $0x2E00, v1;
	[dreg:$0xa] =	wrdreg s21  }
0x17: {  	s25 =	sshrl.u32 s17, $0x3;
	s23 =	sadd.s32 s0, s19;
	v12 =	vor.u32 $0x6000, v1;
	v4 =	vsel vm4, $0x2F42, v3;
	v8 =	vsel vm4, $0x6142, v8;
	[dreg:$0xb] =	wrdreg s22  }
0x18: {  	s11 =	smul.u32 $0x19, s7;
	s7 =	sadd.s32 $0x4B0, s23;
	v9 =	vsel vm4, $0x3142, v9;
	v10 =	vsel vm4, $0x6342, v10;
	v5 =	vsel vm2, $0x2F63, v4;
	[dreg:$0x9] =	wrdreg s20  }
0x19: {  	s26 =	sshrl.u32 s3, $0x3;
	s3 =	simm.s32 $0x6A40;
	v8 =	vsel vm2, $0x6163, v8;
	v9 =	vsel vm2, $0x3163, v9;
	v6 =	vsel vm3, $0x2F84, v5;
	[dreg:$0xd] =	wrdreg s7  }
0x1a: {  	v10 =	vsel vm2, $0x6363, v10;
	v8 =	vsel vm3, $0x6184, v8;
	v7 =	vsel vm0, $0x2FA5, v6;
	s8 =	sadd.s32 $0x9C72, s20;
	s2 =	smax.u32 s16, $0x1;
	[dreg:$0x10] =	wrdreg s25  }
0x1b: {  	v9 =	vsel vm3, $0x3184, v9;
	v8 =	vsel vm0, $0x61A5, v8;
	v56 =	vsel vm1, $0x2FC6, v7;
	[dreg:$0x11] =	wrdreg s26;
	s25 =	simm.s32 $0x1;
	s26 =	simm.s32 $0x640;
	[tilespmem:$0x1FFC0] =	vst v1  }
0x1c: {  	v10 =	vsel vm3, $0x6384, v10;
	v9 =	vsel vm0, $0x31A5, v9;
	v57 =	vsel vm1, $0x61C6, v8;
	s18 =	simm.s32 $0xCE40;
	s20 =	simm.s32 $0xCFD0;
	[dreg:$0xc] =	wrdreg s8;
	[tilespmem:$0x1FFD0] =	vst v56  }
0x1d: {  	v13 =	vor.u32 $0x3000, v1;
	v10 =	vsel vm0, $0x63A5, v10;
	v58 =	vsel vm1, $0x31C6, v9;
	[dreg:$0xe] =	wrdreg s2;
	s2 =	sor.u32 $0x1C05, s24;
	s24 =	simm.s32 $0x190;
	[tilespmem:$0x1FFE0] =	vst v57  }
0x1e: {  	v14 =	vor.u32 $0x6200, v1;
	v6 =	vimm.bf16 $0.0e+00;
	v10 =	vsel vm1, $0x63C6, v10;
	s8 =	simm.s32 $0x4;
	[tilespmem:$0x1FFF0] =	vst v58;
	[dreg:$0xf] =	wrdreg s2;
	s2 =	simm.s32 $0x9C40  }
.LBB2_1:
0x1f: {  	s7 =	rddreg [dreg:$0x5];
	s10 =	simm.s32 $0xD160;
	s23 =	simm.s32 $0x5  }
0x20: {  	[tilespmem:s10], [sflag:$0x5] =	stream.linear.gather [hbm4b:s7+s5], $0x200, $0x38;
	[tilespmem:$0x16FB0] =	vst v63  }
0x21: {  	_ =	swait.ge [sflag:s23], $0x200  }
0x22: {  	[sflag:s23] =	ssyncset.done $0x0  }
0x23: {  	s12 =	simm.s32 $0xD360;
	s13 =	rddreg [dreg:$0x6];
	[sflag:s23] =	ssyncadd.s32 $0xFFFFFE00  }
0x24: {  	[tilespmem:s12], [sflag:$0x5] =	stream.linear.gather [hbm4b:s13+s5], $0x10, $0x38;
	[tilespmem:$0x16FB0] =	vst v63  }
0x25: {  	_ =	swait.ge [sflag:s23], $0x10  }
0x26: {  	s14 =	rddreg [dreg:$0x7]  }
0x27: {  	[sflag:s23] =	ssyncset.done $0x0;
	s15 =	rddreg [dreg:$0xf]  }
0x28: {  	s13 =	rddreg [dreg:$0x10];
	[sflag:s23] =	ssyncadd.s32 $0xFFFFFFF0  }
0x29: {  	[spmem:s13], [sflag:s15] =	dma.local [hbm:s14], $0x9C4  }
0x2a: {  	_ =	swait.ge [sflag:s23], $0x9C4  }
0x2b: {  	[sflag:s23] =	ssyncset.done $0x0;
	s16 =	rddreg [dreg:$0x8]  }
0x2c: {  	s17 =	rddreg [dreg:$0x11];
	[sflag:s23] =	ssyncadd.s32 $0xFFFFF63C  }
0x2d: {  	[spmem:s17], [sflag:s15] =	dma.local [hbm:s16], $0x9C4  }
0x2e: {  	_ =	swait.ge [sflag:s23], $0x9C4  }
0x2f: {  	[sflag:s23] =	ssyncset.done $0x0  }
0x30: {  	[sflag:s23] =	ssyncadd.s32 $0xFFFFF63C  }
0x31: {  	[bflag:$0x0] =	sbarrier.arrive $0xFFFF  }
0x32: {  	s19 =	rddreg [dreg:$0x9]  }
0x33: {  	[tilespmem:s5], [sflag:$0x1] =	stream.linear.gather [hbm4b:s19+s5], $0x190, $0x38;
	[tilespmem:$0x16FB0] =	vst v63  }
0x34: {  	s21 =	rddreg [dreg:$0xa]  }
0x35: {  	[tilespmem:s24], [sflag:$0x1] =	stream.linear.gather [hbm4b:s21+s5], $0x190, $0x38;
	[tilespmem:$0x16FB0] =	vst v63  }
0x36: {  	_ =	swait.ge [sflag:s25], $0x190  }
0x37: {  	[sflag:s25] =	ssyncset.done $0x0  }
0x38: {  	[sflag:s25] =	ssyncadd.s32 $0xFFFFFE70  }
0x39: {  	_ =	swait.ge [sflag:s25], $0x190  }
0x3a: {  	[sflag:s25] =	ssyncset.done $0x0  }
0x3b: {  	[sflag:s25] =	ssyncadd.s32 $0xFFFFFE70  }
0x3c: {  	[tilespmem:s26], [sflag:$0x2] =	stream.indirect.gather [spmem:s1], $0x20, s5, s24, $0xb8;
	[tilespmem:$0x16FB0] =	vst v63  }
0x3d: {  	_ = 	snop  }
0x3e: {  	[tilespmem:s28], [sflag:$0x2] =	stream.indirect.gather [spmem:s4], $0x20, s24, s24, $0xb8;
	[tilespmem:$0x16FB0] =	vst v63  }
0x3f: {  	s22 =	rddreg [dreg:$0xb]  }
0x40: {  	[tilespmem:s29], [sflag:$0x1] =	stream.linear.gather [hbm4b:s22+s5], $0x190, $0x38;
	[tilespmem:$0x16FB0] =	vst v63  }
0x41: {  	s23 =	rddreg [dreg:$0xc]  }
0x42: {  	[tilespmem:s30], [sflag:$0x1] =	stream.linear.gather [hbm4b:s23+s5], $0x190, $0x38;
	[tilespmem:$0x16FB0] =	vst v63  }
0x43: {  	_ =	swait.ge [sflag:s31], $0x3200  }
0x44: {  	[sflag:s31] =	ssyncset.done $0x0  }
0x45: {  	[sflag:s31] =	ssyncadd.s32 $0xFFFFCE00  }
0x46: {  	_ =	swait.ge [sflag:s31], $0x3200  }
0x47: {  	[sflag:s31] =	ssyncset.done $0x0  }
0x48: {  	s10 =	simm.s32 $0x0;
	[sflag:s31] =	ssyncadd.s32 $0xFFFFCE00  }
.LBB2_2:
0x49: {  	_ =	swait.ge [sflag:s25], $0x190  }
0x4a: {  	s12 =	sshll.u32 s10, $0x1;
	[sflag:s25] =	ssyncset.done $0x0  }
0x4b: {  	s14 =	sadd.s32 s11, s12;
	[sflag:s25] =	ssyncadd.s32 $0xFFFFFE70  }
0x4c: {  	s12 =	smul.u32 $0x190, s14;
	_ =	swait.ge [sflag:s25], $0x190  }
0x4d: {  	[sflag:s25] =	ssyncset.done $0x0  }
0x4e: {  	s12 =	sshrl.u32 s12, $0x3;
	[sflag:s25] =	ssyncadd.s32 $0xFFFFFE70  }
0x4f: {  	[tilespmem:s3], [sflag:$0x2] =	stream.indirect.gather [spmem:s1], $0x20, s29, s24, $0xb8;
	[tilespmem:$0x16FB0] =	vst v63  }
0x50: {  	s12 =	sadd.s32 s6, s12  }
0x51: {  	[tilespmem:s2], [sflag:$0x2] =	stream.indirect.gather [spmem:s4], $0x20, s30, s24, $0xb8;
	[tilespmem:$0x16FB0] =	vst v63  }
0x52: {  	s13 =	sadd.s32 $0x64, s12  }
0x53: {  	[tilespmem:s5], [sflag:$0x1] =	stream.linear.gather [hbm4b:s13+s5], $0x190, $0x38;
	[tilespmem:$0x16FB0] =	vst v63  }
0x54: {  	p0 =	seq.s32 s10, $0x0;
	s12 =	sadd.s32 $0x9CA4, s12  }
0x55: {  	[tilespmem:s24], [sflag:$0x1] =	stream.linear.gather [hbm4b:s12+s5], $0x190, $0x38;
	[tilespmem:$0x16FB0] =	vst v63  }
0x56: {  	s12 =	simm.s32 @!p0 $0x3  }
0x57: {  	_ =	swait.ge @!p0 [sflag:s12], $0x190  }
0x58: {  	[sflag:s12] =	ssyncset.done @!p0 $0x0  }
0x59: {  	s15 =	simm.s32 $0x0;
	s13 =	sshllo.u32 s10, $0x1;
	[sflag:s12] =	ssyncadd.s32 @!p0 $0xFFFFFE70  }
.LBB2_3:
0x5a: {  	v1 =	vld [tilespmem:$0x1FFC0];
	_ =	sdelay $0x1  }
0x5b: {  	s16 =	sshll.u32 s15, $0x5  }
0x5c: {  	v15 =	vmov s16  }
0x5d: {  	s17 =	simm.s32 $0x1;
	v17 =	vshll.u32 v15, $0x5  }
0x5e: {  	v21 =	vadd.s32 s17, v0;
	v18 =	vor.u32 v1, v17;
	v1 =	vld [tilespmem:$0x1FF80]  }
0x5f: {  	v25 =	vand.u32 $0x1F, v21  }
0x60: {  	v2 =	vld [tilespmem:$0x1FFB0];
	v27 =	vor.u32 v18, v25;
	_ =	sdelay $0x1  }
0x61: {  	s12 =	simm.s32 $0x0;
	s23 =	simm.s32 $0x3  }
0x62: {  	v16 =	vadd.s32 s12, v0;
	s17 =	simm.s32 $0xD1A0;
	v24 =	vadd.s32 s23, v0;
	v15 =	vadd.s32 v1, v17;
	v1 =	vld [tilespmem:$0x1FFA0]  }
0x63: {  	s7 =	simm.s32 $0x5;
	v26 =	vand.u32 $0x18, v16;
	v16 =	vld [tilespmem:s17+$0xFFFFFFF0];
	v31 =	vand.u32 $0x1F, v24  }
0x64: {  	s19 =	simm.s32 $0x2;
	v19 =	vor.u32 v2, v15;
	v35 =	vor.u32 v15, v31;
	v36 =	vld.idx.msk [tilespmem:v27+s26+$0x0], $0xffff;
	v27 =	vadd.s32 s7, v0  }
0x65: {  	v21 =	vld [tilespmem:s17+$0xFFFFFFE0];
	v45 =	vor.u32 v15, v25;
	v38 =	vand.u32 $0x1F, v27;
	v27 =	vadd.s32 s19, v0  }
0x66: {  	v29 =	vld [tilespmem:s17+$0xFFFFFFD0];
	v23 =	vor.u32 v19, v26;
	v40 =	vand.u32 $0x1F, v27  }
0x67: {  	v24 =	vld [tilespmem:s17+$0xFFFFFFC0];
	v48 =	vor.u32 v18, v40;
	v20 =	vadd.s32 v1, v17  }
0x68: {  	v1 =	vld [tilespmem:$0x1FF90];
	v30 =	vor.u32 v20, v25  }
0x69: {  	v32 =	vor.u32 v20, v31;
	v35 =	vld.idx.msk [tilespmem:v35+s26+$0x0], $0xffff  }
0x6a: {  	v50 =	vor.u32 v20, v40;
	v45 =	vld.idx.msk [tilespmem:v45+s26+$0x0], $0xffff  }
0x6b: {  	v22 =	vor.u32 v2, v20;
	v52 =	vor.u32 v20, v38;
	v34 =	vld.idx.msk [tilespmem:v23+s26+$0x0], $0xffff  }
0x6c: {  	v28 =	vor.u32 v22, v26;
	v23 =	vor.u32 v2, v18;
	v48 =	vld.idx.msk [tilespmem:v48+s26+$0x0], $0xffff  }
0x6d: {  	v37 =	vor.u32 v23, v26;
	v17 =	vor.u32 v1, v17;
	v39 =	vld.idx.msk [tilespmem:v30+s26+$0x0], $0xffff  }
0x6e: {  	v33 =	vor.u32 v17, v25;
	v32 =	vld.idx.msk [tilespmem:v32+s26+$0x0], $0xffff  }
0x6f: {  	v30 =	vor.u32 v15, v38;
	v57 =	vld.idx.msk [tilespmem:v50+s26+$0x0], $0xffff  }
0x70: {  	v27 =	vor.u32 v17, v38;
	v52 =	vld.idx.msk [tilespmem:v52+s26+$0x0], $0xffff  }
0x71: {  	v56 =	vor.u32 v15, v40;
	v28 =	vld.idx.msk [tilespmem:v28+s26+$0x0], $0xffff  }
0x72: {  	v42 =	vor.u32 v17, v31;
	v37 =	vld.idx.msk [tilespmem:v37+s26+$0x0], $0xffff  }
0x73: {  	s22 =	simm.s32 $0x4;
	v31 =	vor.u32 v18, v31;
	v41 =	vld.idx.msk [tilespmem:v33+s26+$0x0], $0xffff  }
0x74: {  	v25 =	vadd.s32 s22, v0;
	v38 =	vor.u32 v18, v38;
	v44 =	vld.idx.msk [tilespmem:v30+s26+$0x0], $0xffff  }
0x75: {  	v40 =	vor.u32 v17, v40;
	v47 =	vand.u32 $0x1F, v25;
	v46 =	vld.idx.msk [tilespmem:v27+s26+$0x0], $0xffff  }
0x76: {  	s21 =	simm.s32 $0x6;
	v25 =	vor.u32 v2, v17;
	v49 =	vor.u32 v20, v47;
	v27 =	vld.idx.msk [tilespmem:v56+s26+$0x0], $0xffff  }
0x77: {  	v43 =	vadd.s32 s21, v0;
	v26 =	vor.u32 v25, v26;
	v42 =	vld.idx.msk [tilespmem:v42+s26+$0x0], $0xffff  }
0x78: {  	v43 =	vand.u32 $0x1F, v43;
	v53 =	vor.u32 v18, v47;
	v51 =	vld.idx.msk [tilespmem:v31+s26+$0x0], $0xffff  }
0x79: {  	s23 =	simm.s32 $0x7;
	v30 =	vor.u32 v20, v43;
	v54 =	vld.idx.msk [tilespmem:v38+s26+$0x0], $0xffff  }
0x7a: {  	v63 =	vadd.s32 s23, v0;
	v58 =	vor.u32 v18, v43;
	v40 =	vld.idx.msk [tilespmem:v40+s26+$0x0], $0xffff;
	v28 =	vadd.bf16 v28, v37  }
0x7b: {  	v55 =	vor.u32 v17, v43;
	v59 =	vor.u32 v15, v47;
	v36 =	vadd.bf16 v39, v36;
	v49 =	vld.idx.msk [tilespmem:v49+s26+$0x0], $0xffff  }
0x7c: {  	v47 =	vor.u32 v17, v47;
	v48 =	vadd.bf16 v57, v48;
	v26 =	vld.idx.msk [tilespmem:v26+s26+$0x0], $0xffff;
	v28 =	vmax.bf16 v28, v6  }
0x7d: {  	v31 =	vimm.bf16 $0.0e+00;
	v36 =	vmax.bf16 v36, v6;
	v61 =	vld.idx.msk [tilespmem:v53+s26+$0x0], $0xffff;
	v28 =	vmul.bf16 v28, v24  }
0x7e: {  	v62 =	vmax.bf16 v48, v6;
	v36 =	vmul.bf16 v36, v29;
	v33 =	vld.idx.msk [tilespmem:v30+s26+$0x0], $0xffff;
	v32 =	vadd.bf16 v32, v51  }
0x7f: {  	v30 =	vor.u32 v15, v43;
	v60 =	vadd.bf16 v45, v41;
	v43 =	vld [tilespmem:s17+$0x10];
	v28 =	vadd.bf16 v28, v31  }
0x80: {  	v37 =	vld.idx.msk [tilespmem:v58+s26+$0x0], $0xffff;
	v35 =	vadd.bf16 v35, v42;
	v45 =	vand.u32 $0x1F, v63;
	v32 =	vmax.bf16 v32, v6  }
0x81: {  	v38 =	vld.idx.msk [tilespmem:v59+s26+$0x0], $0xffff;
	v39 =	vmax.bf16 v60, v6;
	v41 =	vadd.bf16 v36, v28;
	v28 =	vadd.bf16 v44, v46  }
0x82: {  	v42 =	vld.idx.msk [tilespmem:v47+s26+$0x0], $0xffff;
	v34 =	vadd.bf16 v34, v26;
	v29 =	vmul.bf16 v39, v29;
	v39 =	vmul.bf16 v32, v16  }
0x83: {  	v32 =	vld.idx.msk [tilespmem:v55+s26+$0x0], $0xffff;
	v44 =	vmul.bf16 v62, v21;
	v46 =	vadd.bf16 v49, v61;
	v26 =	vmax.bf16 v28, v6  }
0x84: {  	s23 =	simm.s32 $0xD220;
	s22 =	simm.s32 $0xF;
	v36 =	vmax.bf16 v34, v6;
	v34 =	vadd.bf16 v52, v54;
	v28 =	vld [tilespmem:s17+$0x30];
	v26 =	vmul.bf16 v26, v43  }
.LBB2_4:
0x85: {  	s21 =	sadd.s32 $0xFFFFFFF9, s22;
	v47 =	vmul.bf16 v36, v24  }
0x86: {  	s7 =	sadd.s32 $0xFFFFFFFA, s22;
	s19 =	sadd.s32 $0xFFFFFFFB, s22;
	v46 =	vmax.bf16 v46, v6;
	v36 =	vld [tilespmem:s17+$0x20];
	v33 =	vadd.bf16 v33, v37;
	s12 =	smov.u32 s22;
	v49 =	vor.u32 v15, v45  }
0x87: {  	p0 =	sne.s32 s22, $0x1F;
	s22 =	sadd.s32 $0x8, s22;
	v52 =	vor.u32 v17, v45;
	v24 =	vadd.s32 s21, v0;
	v37 =	vadd.s32 s7, v0;
	s7 =	sadd.s32 $0xFFFFFFFD, s12;
	v48 =	vld [tilespmem:s17+$0x0]  }
0x88: {  	v55 =	vor.u32 v18, v45;
	s17 =	smov.u32 s23;
	v24 =	vand.u32 $0x18, v24;
	v50 =	vand.u32 $0x1F, v37;
	v51 =	vld [tilespmem:s23+$0xFFFFFFF0]  }
0x89: {  	v27 =	vadd.bf16 v27, v40;
	v53 =	vor.u32 v23, v24;
	v54 =	vor.u32 v22, v24;
	v30 =	vld.idx.msk [tilespmem:v30+s26+$0x0], $0xffff  }
0x8a: {  	v59 =	vmax.bf16 v34, v6;
	v56 =	vor.u32 v19, v24;
	v57 =	vor.u32 v17, v50;
	v58 =	vld [tilespmem:s23+$0xFFFFFFE0]  }
0x8b: {  	v43 =	vmul.bf16 v59, v43;
	v37 =	vor.u32 v25, v24;
	v60 =	vor.u32 v15, v50;
	v34 =	vld [tilespmem:s23+$0xFFFFFFD0]  }
0x8c: {  	v45 =	vor.u32 v20, v45;
	s21 =	sadd.s32 $0xFFFFFFFC, s12;
	v59 =	vor.u32 v18, v50;
	v50 =	vor.u32 v20, v50;
	v40 =	vld.idx.msk [tilespmem:v49+s26+$0x0], $0xffff  }
0x8d: {  	v41 =	vadd.bf16 v44, v41;
	v24 =	vadd.s32 s19, v0;
	v49 =	vadd.s32 s21, v0;
	v52 =	vld.idx.msk [tilespmem:v52+s26+$0x0], $0xffff  }
0x8e: {  	v42 =	vadd.bf16 v38, v42;
	v61 =	vand.u32 $0x1F, v24;
	v49 =	vand.u32 $0x1F, v49;
	v55 =	vld.idx.msk [tilespmem:v55+s26+$0x0], $0xffff  }
0x8f: {  	v35 =	vmax.bf16 v35, v6;
	v62 =	vor.u32 v18, v49;
	v63 =	vor.u32 v20, v49;
	v24 =	vld [tilespmem:s23+$0xFFFFFFC0]  }
0x90: {  	s19 =	sadd.s32 $0xFFFFFFFE, s12;
	v42 =	vmax.bf16 v42, v6;
	v44 =	vor.u32 v17, v49;
	v49 =	vor.u32 v15, v49;
	v38 =	vld.idx.msk [tilespmem:v56+s26+$0x0], $0xffff  }
0x91: {  	v1 =	vadd.s32 s19, v0;
	v46 =	vmul.bf16 v46, v48;
	v56 =	vld.idx.msk [tilespmem:v59+s26+$0x0], $0xffff;
	v59 =	vadd.s32 s7, v0  }
0x92: {  	v39 =	vadd.bf16 v39, v41;
	v33 =	vmax.bf16 v33, v6;
	v59 =	vand.u32 $0x1F, v59;
	v41 =	vld.idx.msk [tilespmem:v45+s26+$0x0], $0xffff  }
0x93: {  	v16 =	vmul.bf16 v35, v16;
	v1 =	vand.u32 $0x1F, v1;
	v45 =	vld.idx.msk [tilespmem:v54+s26+$0x0], $0xffff;
	v54 =	vmul.bf16 v33, v36  }
0x94: {  	v31 =	vadd.bf16 v47, v31;
	v2 =	vor.u32 v15, v1;
	v33 =	vld.idx.msk [tilespmem:v50+s26+$0x0], $0xffff;
	v50 =	vor.u32 v17, v1  }
0x95: {  	v30 =	vadd.bf16 v30, v32;
	v47 =	vld.idx.msk [tilespmem:v63+s26+$0x0], $0xffff;
	v63 =	vor.u32 v18, v1;
	v1 =	vor.u32 v20, v1  }
0x96: {  	v27 =	vmax.bf16 v27, v6;
	v3 =	vor.u32 v15, v61;
	s7 =	sadd.s32 $0xFFFFFFFF, s12;
	v32 =	vld.idx.msk [tilespmem:v57+s26+$0x0], $0xffff;
	v57 =	vor.u32 v20, v61  }
0x97: {  	v5 =	vmax.bf16 v30, v6;
	v4 =	vadd.s32 s7, v0;
	v40 =	vadd.bf16 v40, v52;
	v49 =	vld.idx.msk [tilespmem:v49+s26+$0x0], $0xffff  }
0x98: {  	v42 =	vmul.bf16 v42, v48;
	v4 =	vand.u32 $0x1F, v4;
	v52 =	vld.idx.msk [tilespmem:v53+s26+$0x0], $0xffff;
	v53 =	vor.u32 v18, v61  }
0x99: {  	v21 =	vmul.bf16 v27, v21;
	v48 =	vor.u32 v18, v4;
	v7 =	vor.u32 v20, v4;
	v2 =	vld.idx.msk [tilespmem:v2+s26+$0x0], $0xffff  }
0x9a: {  	v30 =	vor.u32 v15, v4;
	v41 =	vadd.bf16 v41, v55;
	v61 =	vor.u32 v17, v61;
	v50 =	vld.idx.msk [tilespmem:v50+s26+$0x0], $0xffff  }
0x9b: {  	v29 =	vadd.bf16 v29, v31;
	v55 =	vor.u32 v20, v59;
	v27 =	vld.idx.msk [tilespmem:v3+s26+$0x0], $0xffff;
	v3 =	vor.u32 v18, v59  }
0x9c: {  	v9 =	vor.u32 v17, v59;
	v31 =	vmax.bf16 v40, v6;
	v8 =	vld.idx.msk [tilespmem:v44+s26+$0x0], $0xffff  }
0x9d: {  	v35 =	vadd.bf16 v33, v56;
	v56 =	vor.u32 v15, v59;
	v59 =	vadd.bf16 v21, v29;
	v40 =	vld.idx.msk [tilespmem:v62+s26+$0x0], $0xffff  }
0x9e: {  	v29 =	vadd.bf16 v45, v52;
	v33 =	vld.idx.msk [tilespmem:v7+s26+$0x0], $0xffff;
	v7 =	vadd.bf16 v46, v39;
	v39 =	vmax.bf16 v41, v6  }
0x9f: {  	v35 =	vmax.bf16 v35, v6;
	v21 =	vmovc v58;
	v44 =	vadd.bf16 v16, v59;
	v16 =	vmov v51;
	v41 =	vld.idx.msk [tilespmem:v60+s26+$0x0], $0xffff  }
0xa0: {  	v35 =	vmul.bf16 v35, v34;
	v29 =	vmax.bf16 v29, v6;
	v45 =	vld.idx.msk [tilespmem:v53+s26+$0x0], $0xffff;
	v7 =	vadd.bf16 v43, v7  }
0xa1: {  	v5 =	vmul.bf16 v5, v36;
	v42 =	vadd.bf16 v42, v44;
	v46 =	vld.idx.msk [tilespmem:v55+s26+$0x0], $0xffff  }
0xa2: {  	v39 =	vmul.bf16 v39, v28;
	v36 =	vld.idx.msk [tilespmem:v57+s26+$0x0], $0xffff;
	v7 =	vadd.bf16 v54, v7  }
0xa3: {  	v28 =	vmul.bf16 v31, v28;
	v26 =	vadd.bf16 v26, v42;
	v40 =	vadd.bf16 v47, v40;
	v1 =	vld.idx.msk [tilespmem:v1+s26+$0x0], $0xffff  }
0xa4: {  	v29 =	vmul.bf16 v29, v24;
	v47 =	vld.idx.msk [tilespmem:v63+s26+$0x0], $0xffff;
	v7 =	vadd.bf16 v39, v7  }
0xa5: {  	v4 =	vor.u32 v17, v4;
	v5 =	vadd.bf16 v5, v26;
	v39 =	vmax.bf16 v40, v6;
	v42 =	vld.idx.msk [tilespmem:v37+s26+$0x0], $0xffff  }
0xa6: {  	v26 =	vadd.bf16 v41, v32;
	v7 =	vadd.bf16 v29, v7;
	v3 =	vld.idx.msk [tilespmem:v3+s26+$0x0], $0xffff  }
0xa7: {  	v31 =	vadd.bf16 v28, v5;
	v43 =	vld [tilespmem:s23+$0x10]  }
0xa8: {  	v5 =	vmax.bf16 v26, v6;
	v41 =	vadd.bf16 v35, v7;
	v7 =	vadd.bf16 v36, v45;
	v37 =	vld.idx.msk [tilespmem:v48+s26+$0x0], $0xffff  }
.Ltmp0:
0xa9: {  	v2 =	vadd.bf16 v2, v50;
	v39 =	vmul.bf16 v39, v16;
	v29 =	vmul.bf16 v5, v34;
	v40 =	vld.idx.msk [tilespmem:v61+s26+$0x0], $0xffff;
	(pc) =	sbr.rel @p0 .LBB2_4-.Ltmp0, $4  }
0xaa: {  	v5 =	vmax.bf16 v7, v6;
	v32 =	vld.idx.msk [tilespmem:v4+s26+$0x0], $0xffff;
	v4 =	vadd.s32 s12, v0  }
0xab: {  	v2 =	vmax.bf16 v2, v6;
	v7 =	vadd.bf16 v38, v42;
	v44 =	vmul.bf16 v5, v21;
	v38 =	vld.idx.msk [tilespmem:v56+s26+$0x0], $0xffff  }
0xac: {  	v35 =	vadd.bf16 v49, v8;
	v46 =	vadd.bf16 v46, v3;
	v42 =	vld.idx.msk [tilespmem:v9+s26+$0x0], $0xffff;
	v26 =	vmul.bf16 v2, v43  }
0xad: {  	s23 =	sadd.s32 $0x80, s23;
	v34 =	vadd.bf16 v1, v47;
	v45 =	vand.u32 $0x1F, v4;
	v36 =	vmax.bf16 v7, v6;
	v28 =	vld [tilespmem:s17+$0x30]  }
0xae: {  	v1 =	vor.u32 v18, v45  }
0xaf: {  	v2 =	vor.u32 v20, v45;
	_ =	sdelay $0x1  }
0xb0: {  	v3 =	vld [tilespmem:s17+$0x0];
	_ =	sdelay $0x1  }
0xb1: {  	v1 =	vld.idx.msk [tilespmem:v1+s26+$0x0], $0xffff  }
0xb2: {  	v4 =	vadd.bf16 v44, v41;
	v2 =	vld.idx.msk [tilespmem:v2+s26+$0x0], $0xffff  }
0xb3: {  	v5 =	vmax.bf16 v46, v6;
	v7 =	vld [tilespmem:s17+$0x20]  }
0xb4: {  	v4 =	vadd.bf16 v39, v4;
	v5 =	vmul.bf16 v5, v3  }
0xb5: {  	v8 =	vadd.bf16 v33, v37;
	v9 =	vmax.bf16 v34, v6  }
0xb6: {  	v9 =	vmul.bf16 v9, v43;
	v4 =	vadd.bf16 v5, v4  }
0xb7: {  	v5 =	vmax.bf16 v8, v6;
	v1 =	vadd.bf16 v2, v1  }
0xb8: {  	v4 =	vadd.bf16 v9, v4;
	v2 =	vmul.bf16 v5, v7  }
0xb9: {  	v1 =	vmax.bf16 v1, v6  }
0xba: {  	v2 =	vadd.bf16 v2, v4;
	v1 =	vmul.bf16 v1, v28;
	_ =	sdelay $0x1  }
0xbb: {  	v1 =	vadd.bf16 v1, v2;
	v2 =	vld [tilespmem:$0xD360];
	_ =	sdelay $0x1  }
0xbc: {  	v4 =	vunpack.i.u.bf16.f32 v1;
	v1 =	vunpack.i.l.bf16.f32 v1  }
0xbd: {  	v1 =	vadd.f32 v1, v4;
	_ =	sdelay $0x1  }
0xbe: {  	v1 =	vadd.f32 v2, v1;
	_ =	sdelay $0x1  }
0xbf: {  	v1 =	vsub.f32 $0.0e+00, v1;
	_ =	sdelay $0x1  }
0xc0: {  	v1 =	vmul.f32 $1.442695020e+00, v1;
	_ =	sdelay $0x1  }
0xc1: {  	(erf) = vpow2.f32 v1;
	_ =	sdelay $0x5  }
0xc2: {  	v1 =	vmul.bf16 v36, v24  }
0xc3: {  	v5 =	vadd.bf16 v27, v40;
	v4 =	vor.u32 v17, v45  }
0xc4: {  	v2 =	vor.u32 v15, v45;
	v1 =	vadd.bf16 v1, v31  }
0xc5: {  	v9 =	vld.idx.msk [tilespmem:v30+s26+$0x0], $0xffff;
	v5 =	vmax.bf16 v5, v6;
	v8 =	vpop (erf)  }
0xc6: {  	v5 =	vmul.bf16 v5, v21;
	v1 =	vadd.bf16 v29, v1;
	v8 =	vadd.f32 $1.000000000e+00, v8  }
0xc7: {  	v63 =	vmax.bf16 v35, v6;
	v15 =	vadd.bf16 v38, v42  }
0xc8: {  	v4 =	vld.idx.msk [tilespmem:v4+s26+$0x0], $0xffff;
	v1 =	vadd.bf16 v5, v1;
	(erf) = vrcp.f32 v8;
	v8 =	vmul.bf16 v63, v16  }
0xc9: {  	v2 =	vld.idx.msk [tilespmem:v2+s26+$0x0], $0xffff;
	v5 =	vmax.bf16 v15, v6  }
0xca: {  	v3 =	vmul.bf16 v5, v3;
	v5 =	vadd.bf16 v9, v32;
	v1 =	vadd.bf16 v8, v1;
	_ =	sdelay $0x1  }
0xcb: {  	v1 =	vadd.bf16 v3, v1;
	v3 =	vmax.bf16 v5, v6  }
0xcc: {  	v3 =	vmul.bf16 v3, v7  }
0xcd: {  	v2 =	vadd.bf16 v2, v4  }
0xce: {  	v1 =	vadd.bf16 v26, v1  }
0xcf: {  	v2 =	vmax.bf16 v2, v6  }
0xd0: {  	v2 =	vmul.bf16 v2, v28;
	v1 =	vadd.bf16 v3, v1;
	v3 =	vpop (erf)  }
0xd1: {  	[tilespmem:s16+$0xCE40] =	vst v3  }
0xd2: {  	v1 =	vadd.bf16 v2, v1;
	v2 =	vld [tilespmem:$0xD360];
	_ =	sdelay $0x1  }
0xd3: {  	v3 =	vunpack.i.u.bf16.f32 v1;
	v1 =	vunpack.i.l.bf16.f32 v1  }
0xd4: {  	v1 =	vadd.f32 v1, v3;
	_ =	sdelay $0x1  }
0xd5: {  	v1 =	vadd.f32 v2, v1;
	_ =	sdelay $0x1  }
0xd6: {  	v1 =	vsub.f32 $0.0e+00, v1;
	_ =	sdelay $0x1  }
0xd7: {  	v1 =	vmul.f32 $1.442695020e+00, v1;
	_ =	sdelay $0x1  }
0xd8: {  	(erf) = vpow2.f32 v1;
	_ =	sdelay $0x8  }
0xd9: {  	v1 =	vpop (erf)  }
0xda: {  	v1 =	vadd.f32 $1.000000000e+00, v1;
	_ =	sdelay $0x1  }
0xdb: {  	(erf) = vrcp.f32 v1;
	_ =	sdelay $0x3  }
0xdc: {  	s15 =	sadd.s32 $0x1, s15  }
0xdd: {  	p0 =	sne.s32 s15, $0xC  }
.Ltmp1:
0xde: {  	_ = 	snop;
	(pc) =	sbr.rel @p0 .LBB2_3-.Ltmp1, $3  }
0xdf: {  	_ =	sdelay $0x1  }
0xe0: {  	v1 =	vpop (erf)  }
0xe1: {  	[tilespmem:s16+$0xCE50] =	vst v1  }
0xe2: {  	s7 =	simm.s32 $0x0  }
0xe3: {  	s12 =	simm.s32 $0x1;
	v57 =	vld [tilespmem:$0x1FFE0];
	v1 =	vadd.s32 s7, v0  }
0xe4: {  	v56 =	vld [tilespmem:$0x1FFD0];
	v2 =	vadd.s32 s12, v0;
	v1 =	vand.u32 $0x18, v1  }
0xe5: {  	s15 =	simm.s32 $0xD1A0;
	s16 =	simm.s32 $0x3;
	v58 =	vld [tilespmem:$0x1FFF0];
	v2 =	vand.u32 $0x1F, v2;
	v3 =	vor.u32 v10, v1  }
0xe6: {  	v15 =	vld [tilespmem:s15+$0xFFFFFFF0];
	v7 =	vadd.s32 s16, v0;
	v4 =	vor.u32 v11, v2  }
0xe7: {  	v16 =	vld [tilespmem:s15+$0xFFFFFFE0];
	v7 =	vand.u32 $0x1F, v7;
	v9 =	vor.u32 v12, v2  }
0xe8: {  	s17 =	simm.s32 $0x5;
	v8 =	vld [tilespmem:s15+$0xFFFFFFD0];
	v18 =	vor.u32 v12, v7  }
0xe9: {  	v17 =	vld [tilespmem:s15+$0xFFFFFFC0];
	v21 =	vadd.s32 s17, v0;
	v19 =	vor.u32 v13, v2  }
0xea: {  	s19 =	simm.s32 $0x2;
	v21 =	vand.u32 $0x1F, v21;
	v20 =	vor.u32 v14, v7;
	v3 =	vld.idx.msk [tilespmem:v3+s26+$0x0], $0xffff  }
0xeb: {  	v23 =	vadd.s32 s19, v0;
	v24 =	vor.u32 v14, v21;
	v4 =	vld.idx.msk [tilespmem:v4+s26+$0x0], $0xffff  }
0xec: {  	v26 =	vand.u32 $0x1F, v23;
	v23 =	vor.u32 v13, v21;
	v9 =	vld.idx.msk [tilespmem:v9+s26+$0x0], $0xffff  }
0xed: {  	v27 =	vor.u32 v13, v7;
	v18 =	vld.idx.msk [tilespmem:v18+s26+$0x0], $0xffff  }
0xee: {  	v7 =	vor.u32 v11, v7;
	v19 =	vld.idx.msk [tilespmem:v19+s26+$0x0], $0xffff  }
0xef: {  	v2 =	vor.u32 v14, v2;
	v28 =	vld.idx.msk [tilespmem:v20+s26+$0x0], $0xffff  }
0xf0: {  	v34 =	vor.u32 v12, v26;
	v24 =	vld.idx.msk [tilespmem:v24+s26+$0x0], $0xffff  }
0xf1: {  	v35 =	vor.u32 v12, v21;
	v31 =	vld.idx.msk [tilespmem:v23+s26+$0x0], $0xffff  }
0xf2: {  	v5 =	vor.u32 v57, v1;
	v27 =	vld.idx.msk [tilespmem:v27+s26+$0x0], $0xffff  }
0xf3: {  	v22 =	vor.u32 v56, v1;
	v7 =	vld.idx.msk [tilespmem:v7+s26+$0x0], $0xffff  }
0xf4: {  	s21 =	simm.s32 $0x6;
	v25 =	vor.u32 v14, v26;
	v2 =	vld.idx.msk [tilespmem:v2+s26+$0x0], $0xffff  }
0xf5: {  	v1 =	vor.u32 v58, v1;
	v20 =	vadd.s32 s21, v0;
	v34 =	vld.idx.msk [tilespmem:v34+s26+$0x0], $0xffff  }
0xf6: {  	s22 =	simm.s32 $0x4;
	v21 =	vor.u32 v11, v21;
	v39 =	vld.idx.msk [tilespmem:v35+s26+$0x0], $0xffff;
	v29 =	vand.u32 $0x1F, v20  }
0xf7: {  	v20 =	vadd.s32 s22, v0;
	v5 =	vld.idx.msk [tilespmem:v5+s26+$0x0], $0xffff;
	v30 =	vor.u32 v12, v29  }
0xf8: {  	v23 =	vor.u32 v11, v26;
	v22 =	vld.idx.msk [tilespmem:v22+s26+$0x0], $0xffff;
	v32 =	vand.u32 $0x1F, v20  }
0xf9: {  	v20 =	vld.idx.msk [tilespmem:v25+s26+$0x0], $0xffff;
	v33 =	vor.u32 v12, v32  }
0xfa: {  	v1 =	vld.idx.msk [tilespmem:v1+s26+$0x0], $0xffff;
	v36 =	vor.u32 v11, v32  }
0xfb: {  	v38 =	vor.u32 v11, v29;
	v4 =	vadd.bf16 v9, v4;
	v9 =	vld.idx.msk [tilespmem:v21+s26+$0x0], $0xffff  }
0xfc: {  	v26 =	vor.u32 v13, v26;
	v40 =	vor.u32 v13, v29;
	v25 =	vld.idx.msk [tilespmem:v30+s26+$0x0], $0xffff  }
0xfd: {  	v63 =	vor.u32 v14, v32;
	v7 =	vadd.bf16 v18, v7;
	v2 =	vadd.bf16 v2, v19;
	v30 =	vld.idx.msk [tilespmem:v23+s26+$0x0], $0xffff  }
0xfe: {  	v19 =	vor.u32 v13, v32;
	v28 =	vadd.bf16 v28, v27;
	v5 =	vadd.bf16 v5, v22;
	v37 =	vld.idx.msk [tilespmem:v33+s26+$0x0], $0xffff  }
0xff: {  	v23 =	vimm.bf16 $0.0e+00;
	v22 =	vor.u32 v14, v29;
	v4 =	vmax.bf16 v4, v6;
	v18 =	vld.idx.msk [tilespmem:v36+s26+$0x0], $0xffff  }
0x100: {  	v7 =	vmax.bf16 v7, v6;
	v2 =	vmax.bf16 v2, v6;
	v29 =	vld.idx.msk [tilespmem:v38+s26+$0x0], $0xffff;
	v5 =	vmax.bf16 v5, v6  }
0x101: {  	v1 =	vadd.bf16 v3, v1;
	v4 =	vmul.bf16 v4, v8;
	v33 =	vld [tilespmem:s15+$0x10];
	v5 =	vmul.bf16 v5, v17  }
0x102: {  	v21 =	vmul.bf16 v2, v8;
	v2 =	vadd.bf16 v24, v31;
	v31 =	vmul.bf16 v7, v15;
	v24 =	vld.idx.msk [tilespmem:v40+s26+$0x0], $0xffff  }
0x103: {  	v27 =	vmax.bf16 v1, v6;
	v35 =	vld.idx.msk [tilespmem:v19+s26+$0x0], $0xffff;
	v5 =	vadd.bf16 v5, v23;
	v30 =	vadd.bf16 v34, v30  }
0x104: {  	s23 =	simm.s32 $0x7;
	v2 =	vmax.bf16 v2, v6;
	v34 =	vld.idx.msk [tilespmem:v26+s26+$0x0], $0xffff;
	v26 =	vadd.bf16 v39, v9;
	v38 =	vadd.bf16 v37, v18  }
0x105: {  	v19 =	vld [tilespmem:s15+$0x30];
	v32 =	vadd.bf16 v4, v5;
	v4 =	vmax.bf16 v30, v6;
	v5 =	vadd.s32 s23, v0  }
0x106: {  	s16 =	simm.s32 $0xF;
	s17 =	simm.s32 $0xD220;
	v18 =	vmul.bf16 v2, v33;
	v30 =	vld.idx.msk [tilespmem:v63+s26+$0x0], $0xffff;
	v36 =	vmul.bf16 v4, v16;
	v37 =	vand.u32 $0x1F, v5  }
.LBB2_7:
0x107: {  	s7 =	sadd.s32 $0xFFFFFFF9, s16  }
0x108: {  	s19 =	sadd.s32 $0xFFFFFFFA, s16;
	s21 =	sadd.s32 $0xFFFFFFFB, s16;
	v1 =	vmul.bf16 v27, v17;
	v2 =	vmax.bf16 v38, v6;
	v27 =	vld [tilespmem:s15+$0x20];
	v3 =	vadd.bf16 v25, v29;
	s12 =	smov.u32 s16  }
0x109: {  	p0 =	sne.s32 s16, $0x1F;
	s16 =	sadd.s32 $0x8, s16;
	v8 =	vor.u32 v14, v37;
	v4 =	vadd.s32 s7, v0;
	v5 =	vadd.s32 s19, v0;
	s7 =	sadd.s32 $0xFFFFFFFD, s12;
	v7 =	vld [tilespmem:s15+$0x0]  }
0x10a: {  	v17 =	vor.u32 v13, v37;
	s15 =	smov.u32 s17;
	v4 =	vand.u32 $0x18, v4;
	v5 =	vand.u32 $0x1F, v5;
	v9 =	vld [tilespmem:s17+$0xFFFFFFF0]  }
0x10b: {  	v39 =	vor.u32 v11, v37;
	v25 =	vor.u32 v56, v4;
	v38 =	vor.u32 v57, v4;
	v22 =	vld.idx.msk [tilespmem:v22+s26+$0x0], $0xffff  }
0x10c: {  	v43 =	vmax.bf16 v26, v6;
	v40 =	vor.u32 v10, v4;
	v41 =	vor.u32 v13, v5;
	v42 =	vld [tilespmem:s17+$0xFFFFFFE0]  }
0x10d: {  	v33 =	vmul.bf16 v43, v33;
	v29 =	vor.u32 v58, v4;
	v4 =	vor.u32 v14, v5;
	v26 =	vld [tilespmem:s17+$0xFFFFFFD0]  }
0x10e: {  	v20 =	vadd.bf16 v20, v34;
	s19 =	sadd.s32 $0xFFFFFFFC, s12;
	v43 =	vor.u32 v11, v5;
	v5 =	vor.u32 v12, v5;
	v8 =	vld.idx.msk [tilespmem:v8+s26+$0x0], $0xffff  }
0x10f: {  	v37 =	vor.u32 v12, v37;
	v34 =	vadd.s32 s21, v0;
	v44 =	vadd.s32 s19, v0;
	v45 =	vld.idx.msk [tilespmem:v17+s26+$0x0], $0xffff  }
0x110: {  	v34 =	vand.u32 $0x1F, v34;
	v44 =	vand.u32 $0x1F, v44;
	v35 =	vadd.bf16 v30, v35;
	v39 =	vld.idx.msk [tilespmem:v39+s26+$0x0], $0xffff  }
0x111: {  	v32 =	vadd.bf16 v36, v32;
	v46 =	vor.u32 v11, v44;
	v47 =	vor.u32 v12, v44;
	v17 =	vld [tilespmem:s17+$0xFFFFFFC0]  }
0x112: {  	s19 =	sadd.s32 $0xFFFFFFFE, s12;
	v36 =	vor.u32 v13, v44;
	v35 =	vmax.bf16 v35, v6;
	v30 =	vld.idx.msk [tilespmem:v40+s26+$0x0], $0xffff;
	v40 =	vor.u32 v14, v44  }
0x113: {  	v48 =	vadd.s32 s19, v0;
	v2 =	vmul.bf16 v2, v7;
	v44 =	vadd.s32 s7, v0;
	v43 =	vld.idx.msk [tilespmem:v43+s26+$0x0], $0xffff  }
0x114: {  	v31 =	vadd.bf16 v31, v32;
	v3 =	vmax.bf16 v3, v6;
	v44 =	vand.u32 $0x1F, v44;
	v32 =	vld.idx.msk [tilespmem:v37+s26+$0x0], $0xffff  }
0x115: {  	v28 =	vmax.bf16 v28, v6;
	v3 =	vmul.bf16 v3, v27;
	v37 =	vld.idx.msk [tilespmem:v38+s26+$0x0], $0xffff;
	v38 =	vand.u32 $0x1F, v48  }
0x116: {  	v1 =	vadd.bf16 v1, v23;
	v5 =	vld.idx.msk [tilespmem:v5+s26+$0x0], $0xffff;
	v48 =	vor.u32 v13, v38;
	v49 =	vor.u32 v14, v38  }
0x117: {  	v22 =	vadd.bf16 v22, v24;
	v23 =	vld.idx.msk [tilespmem:v47+s26+$0x0], $0xffff;
	v47 =	vor.u32 v11, v38;
	v38 =	vor.u32 v12, v38  }
0x118: {  	v20 =	vmax.bf16 v20, v6;
	v50 =	vor.u32 v14, v34;
	s7 =	sadd.s32 $0xFFFFFFFF, s12;
	v24 =	vld.idx.msk [tilespmem:v41+s26+$0x0], $0xffff;
	v41 =	vor.u32 v12, v34  }
0x119: {  	v52 =	vmax.bf16 v22, v6;
	v51 =	vadd.s32 s7, v0;
	v8 =	vadd.bf16 v8, v45;
	v40 =	vld.idx.msk [tilespmem:v40+s26+$0x0], $0xffff  }
0x11a: {  	v7 =	vmul.bf16 v35, v7;
	v45 =	vor.u32 v11, v34;
	v51 =	vand.u32 $0x1F, v51;
	v25 =	vld.idx.msk [tilespmem:v25+s26+$0x0], $0xffff  }
0x11b: {  	v16 =	vmul.bf16 v20, v16;
	v53 =	vor.u32 v12, v51;
	v35 =	vld.idx.msk [tilespmem:v49+s26+$0x0], $0xffff;
	v49 =	vor.u32 v11, v51  }
0x11c: {  	v22 =	vor.u32 v14, v51;
	v34 =	vor.u32 v13, v34;
	v32 =	vadd.bf16 v32, v39;
	v48 =	vld.idx.msk [tilespmem:v48+s26+$0x0], $0xffff  }
0x11d: {  	v1 =	vadd.bf16 v21, v1;
	v39 =	vor.u32 v11, v44;
	v20 =	vld.idx.msk [tilespmem:v50+s26+$0x0], $0xffff;
	v50 =	vor.u32 v12, v44  }
0x11e: {  	v59 =	vmul.bf16 v28, v15;
	v55 =	vor.u32 v13, v44;
	v8 =	vmax.bf16 v8, v6;
	v54 =	vld.idx.msk [tilespmem:v36+s26+$0x0], $0xffff  }
0x11f: {  	v1 =	vadd.bf16 v16, v1;
	v28 =	vor.u32 v14, v44;
	v5 =	vadd.bf16 v5, v43;
	v21 =	vld.idx.msk [tilespmem:v46+s26+$0x0], $0xffff  }
0x120: {  	v2 =	vadd.bf16 v2, v31;
	v31 =	vmax.bf16 v32, v6;
	v36 =	vadd.bf16 v37, v25;
	v25 =	vld.idx.msk [tilespmem:v53+s26+$0x0], $0xffff  }
0x121: {  	v15 =	vmovc v9;
	v1 =	vadd.bf16 v59, v1;
	v16 =	vmov v42;
	v5 =	vmax.bf16 v5, v6;
	v4 =	vld.idx.msk [tilespmem:v4+s26+$0x0], $0xffff  }
0x122: {  	v2 =	vadd.bf16 v33, v2;
	v5 =	vmul.bf16 v5, v26;
	v9 =	vmax.bf16 v36, v6;
	v36 =	vld.idx.msk [tilespmem:v45+s26+$0x0], $0xffff  }
0x123: {  	v1 =	vadd.bf16 v7, v1;
	v7 =	vmul.bf16 v52, v27;
	v37 =	vld.idx.msk [tilespmem:v50+s26+$0x0], $0xffff  }
0x124: {  	v2 =	vadd.bf16 v3, v2;
	v3 =	vmul.bf16 v31, v19;
	v27 =	vld.idx.msk [tilespmem:v41+s26+$0x0], $0xffff  }
0x125: {  	v1 =	vadd.bf16 v18, v1;
	v8 =	vmul.bf16 v8, v19;
	v21 =	vadd.bf16 v23, v21;
	v41 =	vld.idx.msk [tilespmem:v38+s26+$0x0], $0xffff  }
0x126: {  	v2 =	vadd.bf16 v3, v2;
	v9 =	vmul.bf16 v9, v17;
	v19 =	vld.idx.msk [tilespmem:v47+s26+$0x0], $0xffff  }
0x127: {  	v1 =	vadd.bf16 v7, v1;
	v38 =	vor.u32 v13, v51;
	v18 =	vmax.bf16 v21, v6;
	v3 =	vld.idx.msk [tilespmem:v29+s26+$0x0], $0xffff  }
0x128: {  	v2 =	vadd.bf16 v9, v2;
	v4 =	vadd.bf16 v4, v24;
	v7 =	vld.idx.msk [tilespmem:v39+s26+$0x0], $0xffff  }
0x129: {  	v23 =	vadd.bf16 v8, v1;
	v33 =	vld [tilespmem:s17+$0x10]  }
0x12a: {  	v32 =	vadd.bf16 v5, v2;
	v1 =	vmax.bf16 v4, v6;
	v2 =	vadd.bf16 v27, v36;
	v29 =	vld.idx.msk [tilespmem:v49+s26+$0x0], $0xffff  }
.Ltmp2:
0x12b: {  	v31 =	vmul.bf16 v18, v15;
	v21 =	vmul.bf16 v1, v26;
	v1 =	vadd.bf16 v35, v48;
	v34 =	vld.idx.msk [tilespmem:v34+s26+$0x0], $0xffff;
	(pc) =	sbr.rel @p0 .LBB2_7-.Ltmp2, $4  }
0x12c: {  	v4 =	vadd.s32 s12, v0;
	v2 =	vmax.bf16 v2, v6;
	v24 =	vld.idx.msk [tilespmem:v38+s26+$0x0], $0xffff  }
0x12d: {  	v1 =	vmax.bf16 v1, v6;
	v3 =	vadd.bf16 v30, v3;
	v36 =	vmul.bf16 v2, v16;
	v30 =	vld.idx.msk [tilespmem:v28+s26+$0x0], $0xffff  }
0x12e: {  	v28 =	vadd.bf16 v40, v54;
	v38 =	vadd.bf16 v37, v7;
	v35 =	vld.idx.msk [tilespmem:v55+s26+$0x0], $0xffff;
	v18 =	vmul.bf16 v1, v33  }
0x12f: {  	s17 =	sadd.s32 $0x80, s17;
	v26 =	vadd.bf16 v41, v19;
	v37 =	vand.u32 $0x1F, v4;
	v27 =	vmax.bf16 v3, v6;
	v19 =	vld [tilespmem:s15+$0x30]  }
0x130: {  	v1 =	vor.u32 v11, v37  }
0x131: {  	v2 =	vor.u32 v12, v37;
	_ =	sdelay $0x1  }
0x132: {  	v3 =	vld [tilespmem:s15+$0x0];
	_ =	sdelay $0x1  }
0x133: {  	v1 =	vld.idx.msk [tilespmem:v1+s26+$0x0], $0xffff  }
0x134: {  	v4 =	vadd.bf16 v36, v32;
	v2 =	vld.idx.msk [tilespmem:v2+s26+$0x0], $0xffff  }
0x135: {  	v5 =	vmax.bf16 v38, v6;
	v7 =	vld [tilespmem:s15+$0x20]  }
0x136: {  	v4 =	vadd.bf16 v31, v4;
	v5 =	vmul.bf16 v5, v3  }
0x137: {  	v8 =	vadd.bf16 v25, v29;
	v9 =	vmax.bf16 v26, v6  }
0x138: {  	v9 =	vmul.bf16 v9, v33;
	v4 =	vadd.bf16 v5, v4  }
0x139: {  	v5 =	vmax.bf16 v8, v6;
	v1 =	vadd.bf16 v2, v1  }
0x13a: {  	v59 =	vadd.bf16 v20, v34;
	v5 =	vmul.bf16 v5, v7;
	v4 =	vadd.bf16 v9, v4  }
0x13b: {  	v8 =	vor.u32 v14, v37;
	v2 =	vmul.bf16 v27, v17;
	v1 =	vmax.bf16 v1, v6  }
0x13c: {  	v9 =	vor.u32 v13, v37;
	v4 =	vadd.bf16 v5, v4;
	v1 =	vmul.bf16 v1, v19  }
0x13d: {  	v2 =	vadd.bf16 v2, v23  }
0x13e: {  	v5 =	vmax.bf16 v59, v6;
	v1 =	vadd.bf16 v1, v4;
	v4 =	vld [tilespmem:$0xD360]  }
0x13f: {  	v60 =	vld.idx.msk [tilespmem:v22+s26+$0x0], $0xffff;
	v62 =	vmax.bf16 v28, v6;
	v5 =	vmul.bf16 v5, v16;
	v2 =	vadd.bf16 v21, v2  }
0x140: {  	v61 =	vadd.bf16 v30, v35;
	v8 =	vld.idx.msk [tilespmem:v8+s26+$0x0], $0xffff;
	v63 =	vunpack.i.u.bf16.f32 v1;
	v1 =	vunpack.i.l.bf16.f32 v1  }
0x141: {  	v15 =	vmul.bf16 v62, v15;
	v9 =	vld.idx.msk [tilespmem:v9+s26+$0x0], $0xffff;
	v2 =	vadd.bf16 v5, v2;
	v1 =	vadd.f32 v1, v63  }
0x142: {  	v5 =	vmax.bf16 v61, v6  }
0x143: {  	v3 =	vmul.bf16 v5, v3;
	v2 =	vadd.bf16 v15, v2;
	v1 =	vadd.f32 v4, v1  }
0x144: {  	v4 =	vadd.bf16 v60, v24  }
0x145: {  	v2 =	vadd.bf16 v3, v2;
	v1 =	vsub.f32 $0.0e+00, v1  }
0x146: {  	v3 =	vmax.bf16 v4, v6;
	v4 =	vadd.bf16 v8, v9  }
0x147: {  	v2 =	vadd.bf16 v18, v2;
	v3 =	vmul.bf16 v3, v7;
	v1 =	vmul.f32 $1.442695020e+00, v1  }
0x148: {  	v4 =	vmax.bf16 v4, v6  }
0x149: {  	v4 =	vmul.bf16 v4, v19;
	v2 =	vadd.bf16 v3, v2;
	(erf) = vpow2.f32 v1;
	_ =	sdelay $0x1  }
0x14a: {  	v1 =	vadd.bf16 v4, v2;
	v2 =	vld [tilespmem:$0xD360];
	_ =	sdelay $0x1  }
0x14b: {  	v3 =	vunpack.i.u.bf16.f32 v1;
	v1 =	vunpack.i.l.bf16.f32 v1  }
0x14c: {  	v1 =	vadd.f32 v1, v3;
	_ =	sdelay $0x1  }
0x14d: {  	v1 =	vadd.f32 v2, v1;
	_ =	sdelay $0x1  }
0x14e: {  	v1 =	vsub.f32 $0.0e+00, v1;
	v2 =	vpop (erf)  }
0x14f: {  	v2 =	vadd.f32 $1.000000000e+00, v2  }
0x150: {  	v1 =	vmul.f32 $1.442695020e+00, v1  }
0x151: {  	(erf) = vrcp.f32 v2  }
0x152: {  	(erf) = vpow2.f32 v1;
	_ =	sdelay $0x7  }
0x153: {  	v1 =	vpop (erf)  }
0x154: {  	v2 =	vpop (erf)  }
0x155: {  	v2 =	vadd.f32 $1.000000000e+00, v2;
	_ =	sdelay $0x1  }
0x156: {  	(erf) = vrcp.f32 v2;
	_ =	sdelay $0x7  }
0x157: {  	s7 =	smul.u32 $0x32, s14  }
0x158: {  	[tilespmem:$0xCFB0] =	vst v1;
	v1 =	vpop (erf)  }
0x159: {  	s7 =	sadd.s32 s0, s7;
	[tilespmem:$0xCFC0] =	vst v1  }
0x15a: {  	[hbm4b:s7+s5] =	stream.linear.scatter [tilespmem:s18], [sflag:$0x3], $0x190, $0x38;
	[tilespmem:$0x16FB0] =	vst v63  }
0x15b: {  	_ =	swait.ge [sflag:s31], $0x3200  }
0x15c: {  	[sflag:s31] =	ssyncset.done $0x0  }
0x15d: {  	[sflag:s31] =	ssyncadd.s32 $0xFFFFCE00  }
0x15e: {  	_ =	swait.ge [sflag:s31], $0x3200  }
0x15f: {  	[sflag:s31] =	ssyncset.done $0x0  }
0x160: {  	[sflag:s31] =	ssyncadd.s32 $0xFFFFCE00  }
0x161: {  	_ =	swait.ge [sflag:s25], $0x190  }
0x162: {  	[sflag:s25] =	ssyncset.done $0x0  }
0x163: {  	s13 =	sadd.s32 s11, s13;
	p0 =	seq.s32 s10, $0xB;
	[sflag:s25] =	ssyncadd.s32 $0xFFFFFE70  }
0x164: {  	s7 =	smul.u32 @!p0 $0x190, s13;
	_ =	swait.ge [sflag:s25], $0x190  }
0x165: {  	[sflag:s25] =	ssyncset.done $0x0  }
0x166: {  	s7 =	sshrl.u32 @!p0 s7, $0x3;
	[sflag:s25] =	ssyncadd.s32 $0xFFFFFE70  }
0x167: {  	[tilespmem:s26], [sflag:$0x2] =	stream.indirect.gather [spmem:s1], $0x20, s5, s24, $0xb8;
	[tilespmem:$0x16FB0] =	vst v63  }
0x168: {  	s7 =	sadd.s32 @!p0 s6, s7  }
0x169: {  	[tilespmem:s28], [sflag:$0x2] =	stream.indirect.gather [spmem:s4], $0x20, s24, s24, $0xb8;
	[tilespmem:$0x16FB0] =	vst v63  }
0x16a: {  	s14 =	simm.s32 @!p0 $0x0;
	s15 =	simm.s32 @!p0 $0x320;
	s12 =	sadd.s32 @!p0 $0x64, s7  }
0x16b: {  	[tilespmem:s15], [sflag:$0x1] =	stream.linear.gather @!p0 [hbm4b:s12+s14], $0x190, $0x38;
	[tilespmem:$0x16FB0] =	vst v63  }
0x16c: {  	p1 =	seq.s32 @!p0 s10, $0x0;
	s7 =	sadd.s32 @!p0 $0x9CA4, s7;
	s12 =	simm.s32 @!p0 $0x4B0  }
0x16d: {  	[tilespmem:s12], [sflag:$0x1] =	stream.linear.gather @!p0 [hbm4b:s7+s14], $0x190, $0x38;
	[tilespmem:$0x16FB0] =	vst v63  }
0x16e: {  	p0 =	por p0, !p1  }
0x16f: {  	_ =	swait.ge @p0 [sflag:s8], $0x190  }
0x170: {  	[sflag:s8] =	ssyncset.done @p0 $0x0  }
0x171: {  	s14 =	simm.s32 $0x0;
	[sflag:s8] =	ssyncadd.s32 @p0 $0xFFFFFE70  }
.LBB2_9:
0x172: {  	v2 =	vld [tilespmem:$0x1FFC0]  }
0x173: {  	v4 =	vld [tilespmem:$0x1FFA0]  }
0x174: {  	s15 =	sshll.u32 s14, $0x5;
	v17 =	vld [tilespmem:$0x1FF90]  }
0x175: {  	s12 =	simm.s32 $0x1;
	v1 =	vmov s15  }
0x176: {  	v3 =	vadd.s32 s12, v0;
	v1 =	vshll.u32 v1, $0x5  }
0x177: {  	v43 =	vld [tilespmem:$0x1FFB0];
	s16 =	simm.s32 $0xD1A0;
	v3 =	vand.u32 $0x1F, v3;
	v18 =	vor.u32 v2, v1  }
0x178: {  	s17 =	simm.s32 $0x5;
	v16 =	vld [tilespmem:s16+$0xFFFFFFF0];
	v20 =	vadd.s32 v4, v1;
	v5 =	vor.u32 v18, v3  }
0x179: {  	s12 =	simm.s32 $0x3;
	v28 =	vadd.s32 s17, v0;
	v2 =	vld [tilespmem:$0x1FF80];
	v17 =	vor.u32 v17, v1;
	v25 =	vor.u32 v20, v3  }
0x17a: {  	v21 =	vld [tilespmem:s16+$0xFFFFFFE0];
	v8 =	vadd.s32 s12, v0;
	v28 =	vand.u32 $0x1F, v28;
	v26 =	vor.u32 v17, v3  }
0x17b: {  	v9 =	vld [tilespmem:s16+$0xFFFFFFD0];
	v8 =	vand.u32 $0x1F, v8;
	v31 =	vor.u32 v17, v28  }
0x17c: {  	v24 =	vld [tilespmem:s16+$0xFFFFFFC0];
	v34 =	vor.u32 v17, v8  }
0x17d: {  	v42 =	vor.u32 v20, v28;
	v5 =	vld.idx.msk [tilespmem:v5+s3+$0x0], $0xffff  }
0x17e: {  	v15 =	vadd.s32 v2, v1;
	v1 =	vor.u32 v20, v8;
	v32 =	vld.idx.msk [tilespmem:v25+s3+$0x0], $0xffff  }
0x17f: {  	v27 =	vor.u32 v15, v8;
	v26 =	vld.idx.msk [tilespmem:v26+s3+$0x0], $0xffff  }
0x180: {  	v25 =	vor.u32 v15, v28;
	v39 =	vld.idx.msk [tilespmem:v31+s3+$0x0], $0xffff  }
0x181: {  	s7 =	simm.s32 $0x0;
	v8 =	vor.u32 v18, v8;
	v34 =	vld.idx.msk [tilespmem:v34+s3+$0x0], $0xffff  }
0x182: {  	v2 =	vadd.s32 s7, v0;
	v3 =	vor.u32 v15, v3;
	v47 =	vld.idx.msk [tilespmem:v42+s3+$0x0], $0xffff  }
0x183: {  	s19 =	simm.s32 $0x2;
	v22 =	vor.u32 v43, v20;
	v2 =	vand.u32 $0x18, v2;
	v28 =	vor.u32 v18, v28;
	v1 =	vld.idx.msk [tilespmem:v1+s3+$0x0], $0xffff  }
0x184: {  	s21 =	simm.s32 $0x6;
	v30 =	vadd.s32 s19, v0;
	v23 =	vor.u32 v43, v18;
	v7 =	vor.u32 v22, v2;
	v35 =	vld.idx.msk [tilespmem:v27+s3+$0x0], $0xffff  }
0x185: {  	v30 =	vand.u32 $0x1F, v30;
	v29 =	vor.u32 v23, v2;
	v27 =	vadd.s32 s21, v0;
	v38 =	vld.idx.msk [tilespmem:v25+s3+$0x0], $0xffff  }
0x186: {  	v33 =	vor.u32 v15, v30;
	v8 =	vld.idx.msk [tilespmem:v8+s3+$0x0], $0xffff;
	v36 =	vand.u32 $0x1F, v27  }
0x187: {  	v3 =	vld.idx.msk [tilespmem:v3+s3+$0x0], $0xffff;
	v25 =	vor.u32 v20, v36  }
0x188: {  	v19 =	vor.u32 v43, v15;
	v31 =	vor.u32 v18, v30;
	v28 =	vld.idx.msk [tilespmem:v28+s3+$0x0], $0xffff  }
0x189: {  	s22 =	simm.s32 $0x4;
	v4 =	vor.u32 v19, v2;
	v7 =	vld.idx.msk [tilespmem:v7+s3+$0x0], $0xffff  }
0x18a: {  	v29 =	vld.idx.msk [tilespmem:v29+s3+$0x0], $0xffff;
	v27 =	vadd.s32 s22, v0  }
0x18b: {  	v41 =	vor.u32 v20, v30;
	v37 =	vand.u32 $0x1F, v27;
	v27 =	vld.idx.msk [tilespmem:v33+s3+$0x0], $0xffff  }
0x18c: {  	v40 =	vor.u32 v20, v37;
	v33 =	vld.idx.msk [tilespmem:v25+s3+$0x0], $0xffff;
	v25 =	vor.u32 v43, v17  }
0x18d: {  	v44 =	vld.idx.msk [tilespmem:v31+s3+$0x0], $0xffff;
	v2 =	vor.u32 v25, v2  }
0x18e: {  	v4 =	vld.idx.msk [tilespmem:v4+s3+$0x0], $0xffff;
	v59 =	vor.u32 v18, v37;
	v35 =	vadd.bf16 v35, v34  }
0x18f: {  	v46 =	vor.u32 v17, v30;
	v34 =	vadd.bf16 v47, v28;
	v28 =	vld [tilespmem:s16+$0x30];
	v7 =	vadd.bf16 v7, v29  }
0x190: {  	v31 =	vimm.bf16 $0.0e+00;
	v5 =	vadd.bf16 v32, v5;
	v60 =	vor.u32 v18, v36;
	v29 =	vld.idx.msk [tilespmem:v41+s3+$0x0], $0xffff  }
0x191: {  	v30 =	vor.u32 v15, v36;
	v62 =	vor.u32 v17, v36;
	v45 =	vld.idx.msk [tilespmem:v40+s3+$0x0], $0xffff;
	v7 =	vmax.bf16 v7, v6  }
0x192: {  	v5 =	vmax.bf16 v5, v6;
	v3 =	vadd.bf16 v3, v26;
	v7 =	vmul.bf16 v7, v24;
	v2 =	vld.idx.msk [tilespmem:v2+s3+$0x0], $0xffff  }
0x193: {  	v61 =	vor.u32 v15, v37;
	v1 =	vadd.bf16 v1, v8;
	v26 =	vor.u32 v17, v37;
	v8 =	vld.idx.msk [tilespmem:v59+s3+$0x0], $0xffff  }
0x194: {  	v5 =	vmul.bf16 v5, v9;
	v43 =	vld [tilespmem:s16+$0x10];
	v3 =	vmax.bf16 v3, v6;
	v7 =	vadd.bf16 v7, v31  }
0x195: {  	v1 =	vmax.bf16 v1, v6;
	v37 =	vld.idx.msk [tilespmem:v60+s3+$0x0], $0xffff;
	v63 =	vadd.bf16 v29, v44;
	v29 =	vmul.bf16 v3, v9  }
0x196: {  	s23 =	simm.s32 $0x7;
	v32 =	vld.idx.msk [tilespmem:v62+s3+$0x0], $0xffff;
	v3 =	vadd.bf16 v38, v39;
	v39 =	vmul.bf16 v1, v16;
	v41 =	vadd.bf16 v5, v7  }
0x197: {  	v40 =	vld.idx.msk [tilespmem:v46+s3+$0x0], $0xffff;
	v1 =	vmax.bf16 v63, v6;
	v5 =	vadd.s32 s23, v0;
	v2 =	vadd.bf16 v4, v2  }
0x198: {  	v42 =	vld.idx.msk [tilespmem:v26+s3+$0x0], $0xffff;
	v46 =	vadd.bf16 v45, v8;
	v44 =	vmul.bf16 v1, v21;
	v1 =	vmax.bf16 v3, v6  }
0x199: {  	s17 =	simm.s32 $0xF;
	s22 =	simm.s32 $0xD220;
	v38 =	vld.idx.msk [tilespmem:v61+s3+$0x0], $0xffff;
	v45 =	vand.u32 $0x1F, v5;
	v26 =	vmul.bf16 v1, v43;
	v36 =	vmax.bf16 v2, v6  }
.LBB2_10:
0x19a: {  	s7 =	sadd.s32 $0xFFFFFFF9, s17;
	v1 =	vmul.bf16 v36, v24  }
0x19b: {  	s19 =	sadd.s32 $0xFFFFFFFA, s17;
	s21 =	sadd.s32 $0xFFFFFFFB, s17;
	v2 =	vmax.bf16 v46, v6;
	v36 =	vld [tilespmem:s16+$0x20];
	v3 =	vadd.bf16 v33, v37;
	s12 =	smov.u32 s17;
	v8 =	vor.u32 v15, v45  }
0x19c: {  	p0 =	sne.s32 s17, $0x1F;
	s17 =	sadd.s32 $0x8, s17;
	v24 =	vor.u32 v17, v45;
	v4 =	vadd.s32 s7, v0;
	v5 =	vadd.s32 s19, v0;
	s7 =	sadd.s32 $0xFFFFFFFD, s12;
	v7 =	vld [tilespmem:s16+$0x0]  }
0x19d: {  	v47 =	vor.u32 v18, v45;
	s16 =	smov.u32 s22;
	v4 =	vand.u32 $0x18, v4;
	v5 =	vand.u32 $0x1F, v5;
	v9 =	vld [tilespmem:s22+$0xFFFFFFF0]  }
0x19e: {  	v27 =	vadd.bf16 v27, v40;
	v33 =	vor.u32 v23, v4;
	v46 =	vor.u32 v22, v4;
	v30 =	vld.idx.msk [tilespmem:v30+s3+$0x0], $0xffff  }
0x19f: {  	v51 =	vmax.bf16 v34, v6;
	v48 =	vor.u32 v19, v4;
	v49 =	vor.u32 v17, v5;
	v50 =	vld [tilespmem:s22+$0xFFFFFFE0]  }
0x1a0: {  	v43 =	vmul.bf16 v51, v43;
	v37 =	vor.u32 v25, v4;
	v4 =	vor.u32 v15, v5;
	v34 =	vld [tilespmem:s22+$0xFFFFFFD0]  }
0x1a1: {  	v45 =	vor.u32 v20, v45;
	s19 =	sadd.s32 $0xFFFFFFFC, s12;
	v51 =	vor.u32 v18, v5;
	v5 =	vor.u32 v20, v5;
	v8 =	vld.idx.msk [tilespmem:v8+s3+$0x0], $0xffff  }
0x1a2: {  	v41 =	vadd.bf16 v44, v41;
	v40 =	vadd.s32 s21, v0;
	v52 =	vadd.s32 s19, v0;
	v53 =	vld.idx.msk [tilespmem:v24+s3+$0x0], $0xffff  }
0x1a3: {  	v40 =	vand.u32 $0x1F, v40;
	v52 =	vand.u32 $0x1F, v52;
	v42 =	vadd.bf16 v38, v42;
	v47 =	vld.idx.msk [tilespmem:v47+s3+$0x0], $0xffff  }
0x1a4: {  	v35 =	vmax.bf16 v35, v6;
	v54 =	vor.u32 v18, v52;
	v55 =	vor.u32 v20, v52;
	v24 =	vld [tilespmem:s22+$0xFFFFFFC0]  }
0x1a5: {  	s19 =	sadd.s32 $0xFFFFFFFE, s12;
	v44 =	vor.u32 v17, v52;
	v42 =	vmax.bf16 v42, v6;
	v38 =	vld.idx.msk [tilespmem:v48+s3+$0x0], $0xffff;
	v48 =	vor.u32 v15, v52  }
0x1a6: {  	v56 =	vadd.s32 s19, v0;
	v2 =	vmul.bf16 v2, v7;
	v52 =	vadd.s32 s7, v0;
	v51 =	vld.idx.msk [tilespmem:v51+s3+$0x0], $0xffff  }
0x1a7: {  	v39 =	vadd.bf16 v39, v41;
	v3 =	vmax.bf16 v3, v6;
	v52 =	vand.u32 $0x1F, v52;
	v41 =	vld.idx.msk [tilespmem:v45+s3+$0x0], $0xffff  }
0x1a8: {  	v16 =	vmul.bf16 v35, v16;
	v3 =	vmul.bf16 v3, v36;
	v45 =	vld.idx.msk [tilespmem:v46+s3+$0x0], $0xffff;
	v46 =	vand.u32 $0x1F, v56  }
0x1a9: {  	v1 =	vadd.bf16 v1, v31;
	v5 =	vld.idx.msk [tilespmem:v5+s3+$0x0], $0xffff;
	v56 =	vor.u32 v17, v46;
	v57 =	vor.u32 v15, v46  }
0x1aa: {  	v30 =	vadd.bf16 v30, v32;
	v31 =	vld.idx.msk [tilespmem:v55+s3+$0x0], $0xffff;
	v55 =	vor.u32 v18, v46;
	v46 =	vor.u32 v20, v46  }
0x1ab: {  	v27 =	vmax.bf16 v27, v6;
	v58 =	vor.u32 v15, v40;
	s7 =	sadd.s32 $0xFFFFFFFF, s12;
	v32 =	vld.idx.msk [tilespmem:v49+s3+$0x0], $0xffff;
	v49 =	vor.u32 v20, v40  }
0x1ac: {  	v60 =	vmax.bf16 v30, v6;
	v59 =	vadd.s32 s7, v0;
	v8 =	vadd.bf16 v8, v53;
	v48 =	vld.idx.msk [tilespmem:v48+s3+$0x0], $0xffff  }
0x1ad: {  	v7 =	vmul.bf16 v42, v7;
	v53 =	vor.u32 v18, v40;
	v59 =	vand.u32 $0x1F, v59;
	v33 =	vld.idx.msk [tilespmem:v33+s3+$0x0], $0xffff  }
0x1ae: {  	v21 =	vmul.bf16 v27, v21;
	v61 =	vor.u32 v20, v59;
	v42 =	vld.idx.msk [tilespmem:v57+s3+$0x0], $0xffff;
	v57 =	vor.u32 v18, v59  }
0x1af: {  	v30 =	vor.u32 v15, v59;
	v40 =	vor.u32 v17, v40;
	v41 =	vadd.bf16 v41, v47;
	v56 =	vld.idx.msk [tilespmem:v56+s3+$0x0], $0xffff  }
0x1b0: {  	v1 =	vadd.bf16 v29, v1;
	v47 =	vor.u32 v18, v52;
	v27 =	vld.idx.msk [tilespmem:v58+s3+$0x0], $0xffff;
	v58 =	vor.u32 v20, v52  }
0x1b1: {  	v63 =	vor.u32 v17, v52;
	v8 =	vmax.bf16 v8, v6;
	v62 =	vld.idx.msk [tilespmem:v44+s3+$0x0], $0xffff  }
0x1b2: {  	v1 =	vadd.bf16 v21, v1;
	v35 =	vor.u32 v15, v52;
	v5 =	vadd.bf16 v5, v51;
	v29 =	vld.idx.msk [tilespmem:v54+s3+$0x0], $0xffff  }
0x1b3: {  	v2 =	vadd.bf16 v2, v39;
	v39 =	vmax.bf16 v41, v6;
	v44 =	vadd.bf16 v45, v33;
	v33 =	vld.idx.msk [tilespmem:v61+s3+$0x0], $0xffff  }
0x1b4: {  	v1 =	vadd.bf16 v16, v1;
	v16 =	vmovc v9;
	v21 =	vmov v50;
	v5 =	vmax.bf16 v5, v6;
	v4 =	vld.idx.msk [tilespmem:v4+s3+$0x0], $0xffff  }
0x1b5: {  	v2 =	vadd.bf16 v43, v2;
	v5 =	vmul.bf16 v5, v34;
	v9 =	vmax.bf16 v44, v6;
	v44 =	vld.idx.msk [tilespmem:v53+s3+$0x0], $0xffff  }
0x1b6: {  	v1 =	vadd.bf16 v7, v1;
	v7 =	vmul.bf16 v60, v36;
	v45 =	vld.idx.msk [tilespmem:v58+s3+$0x0], $0xffff  }
0x1b7: {  	v2 =	vadd.bf16 v3, v2;
	v3 =	vmul.bf16 v39, v28;
	v36 =	vld.idx.msk [tilespmem:v49+s3+$0x0], $0xffff  }
0x1b8: {  	v1 =	vadd.bf16 v26, v1;
	v8 =	vmul.bf16 v8, v28;
	v29 =	vadd.bf16 v31, v29;
	v49 =	vld.idx.msk [tilespmem:v46+s3+$0x0], $0xffff  }
0x1b9: {  	v2 =	vadd.bf16 v3, v2;
	v9 =	vmul.bf16 v9, v24;
	v28 =	vld.idx.msk [tilespmem:v55+s3+$0x0], $0xffff  }
0x1ba: {  	v1 =	vadd.bf16 v7, v1;
	v46 =	vor.u32 v17, v59;
	v26 =	vmax.bf16 v29, v6;
	v3 =	vld.idx.msk [tilespmem:v37+s3+$0x0], $0xffff  }
0x1bb: {  	v2 =	vadd.bf16 v9, v2;
	v4 =	vadd.bf16 v4, v32;
	v7 =	vld.idx.msk [tilespmem:v47+s3+$0x0], $0xffff  }
0x1bc: {  	v31 =	vadd.bf16 v8, v1;
	v43 =	vld [tilespmem:s22+$0x10]  }
0x1bd: {  	v41 =	vadd.bf16 v5, v2;
	v1 =	vmax.bf16 v4, v6;
	v2 =	vadd.bf16 v36, v44;
	v37 =	vld.idx.msk [tilespmem:v57+s3+$0x0], $0xffff  }
.Ltmp3:
0x1be: {  	v39 =	vmul.bf16 v26, v16;
	v29 =	vmul.bf16 v1, v34;
	v1 =	vadd.bf16 v42, v56;
	v40 =	vld.idx.msk [tilespmem:v40+s3+$0x0], $0xffff;
	(pc) =	sbr.rel @p0 .LBB2_10-.Ltmp3, $4  }
0x1bf: {  	v4 =	vadd.s32 s12, v0;
	v2 =	vmax.bf16 v2, v6;
	v32 =	vld.idx.msk [tilespmem:v46+s3+$0x0], $0xffff  }
0x1c0: {  	v1 =	vmax.bf16 v1, v6;
	v3 =	vadd.bf16 v38, v3;
	v44 =	vmul.bf16 v2, v21;
	v38 =	vld.idx.msk [tilespmem:v35+s3+$0x0], $0xffff  }
0x1c1: {  	v35 =	vadd.bf16 v48, v62;
	v46 =	vadd.bf16 v45, v7;
	v42 =	vld.idx.msk [tilespmem:v63+s3+$0x0], $0xffff;
	v26 =	vmul.bf16 v1, v43  }
0x1c2: {  	s22 =	sadd.s32 $0x80, s22;
	v34 =	vadd.bf16 v49, v28;
	v45 =	vand.u32 $0x1F, v4;
	v36 =	vmax.bf16 v3, v6;
	v28 =	vld [tilespmem:s16+$0x30]  }
0x1c3: {  	v1 =	vor.u32 v18, v45  }
0x1c4: {  	v2 =	vor.u32 v20, v45;
	_ =	sdelay $0x1  }
0x1c5: {  	v3 =	vld [tilespmem:s16+$0x0];
	_ =	sdelay $0x1  }
0x1c6: {  	v1 =	vld.idx.msk [tilespmem:v1+s3+$0x0], $0xffff  }
0x1c7: {  	v4 =	vadd.bf16 v44, v41;
	v2 =	vld.idx.msk [tilespmem:v2+s3+$0x0], $0xffff  }
0x1c8: {  	v5 =	vmax.bf16 v46, v6;
	v7 =	vld [tilespmem:s16+$0x20]  }
0x1c9: {  	v4 =	vadd.bf16 v39, v4;
	v5 =	vmul.bf16 v5, v3  }
0x1ca: {  	v8 =	vadd.bf16 v33, v37;
	v9 =	vmax.bf16 v34, v6  }
0x1cb: {  	v9 =	vmul.bf16 v9, v43;
	v4 =	vadd.bf16 v5, v4  }
0x1cc: {  	v5 =	vmax.bf16 v8, v6;
	v1 =	vadd.bf16 v2, v1  }
0x1cd: {  	v4 =	vadd.bf16 v9, v4;
	v2 =	vmul.bf16 v5, v7  }
0x1ce: {  	v1 =	vmax.bf16 v1, v6  }
0x1cf: {  	v2 =	vadd.bf16 v2, v4;
	v1 =	vmul.bf16 v1, v28;
	_ =	sdelay $0x1  }
0x1d0: {  	v1 =	vadd.bf16 v1, v2;
	v2 =	vld [tilespmem:$0xD360];
	_ =	sdelay $0x1  }
0x1d1: {  	v4 =	vunpack.i.u.bf16.f32 v1;
	v1 =	vunpack.i.l.bf16.f32 v1  }
0x1d2: {  	v1 =	vadd.f32 v1, v4;
	_ =	sdelay $0x1  }
0x1d3: {  	v1 =	vadd.f32 v2, v1;
	_ =	sdelay $0x1  }
0x1d4: {  	v1 =	vsub.f32 $0.0e+00, v1;
	_ =	sdelay $0x1  }
0x1d5: {  	v1 =	vmul.f32 $1.442695020e+00, v1;
	_ =	sdelay $0x1  }
0x1d6: {  	(erf) = vpow2.f32 v1;
	_ =	sdelay $0x5  }
0x1d7: {  	v1 =	vmul.bf16 v36, v24  }
0x1d8: {  	v5 =	vadd.bf16 v27, v40;
	v4 =	vor.u32 v17, v45  }
0x1d9: {  	v2 =	vor.u32 v15, v45;
	v1 =	vadd.bf16 v1, v31  }
0x1da: {  	v9 =	vld.idx.msk [tilespmem:v30+s3+$0x0], $0xffff;
	v5 =	vmax.bf16 v5, v6;
	v8 =	vpop (erf)  }
0x1db: {  	v5 =	vmul.bf16 v5, v21;
	v1 =	vadd.bf16 v29, v1;
	v8 =	vadd.f32 $1.000000000e+00, v8  }
0x1dc: {  	v63 =	vmax.bf16 v35, v6;
	v15 =	vadd.bf16 v38, v42  }
0x1dd: {  	v4 =	vld.idx.msk [tilespmem:v4+s3+$0x0], $0xffff;
	v1 =	vadd.bf16 v5, v1;
	(erf) = vrcp.f32 v8;
	v8 =	vmul.bf16 v63, v16  }
0x1de: {  	v2 =	vld.idx.msk [tilespmem:v2+s3+$0x0], $0xffff;
	v5 =	vmax.bf16 v15, v6  }
0x1df: {  	v3 =	vmul.bf16 v5, v3;
	v5 =	vadd.bf16 v9, v32;
	v1 =	vadd.bf16 v8, v1;
	_ =	sdelay $0x1  }
0x1e0: {  	v1 =	vadd.bf16 v3, v1;
	v3 =	vmax.bf16 v5, v6  }
0x1e1: {  	v3 =	vmul.bf16 v3, v7  }
0x1e2: {  	v2 =	vadd.bf16 v2, v4  }
0x1e3: {  	v1 =	vadd.bf16 v26, v1  }
0x1e4: {  	v2 =	vmax.bf16 v2, v6  }
0x1e5: {  	v2 =	vmul.bf16 v2, v28;
	v1 =	vadd.bf16 v3, v1;
	v3 =	vpop (erf)  }
0x1e6: {  	[tilespmem:s15+$0xCFD0] =	vst v3  }
0x1e7: {  	v1 =	vadd.bf16 v2, v1;
	v2 =	vld [tilespmem:$0xD360];
	_ =	sdelay $0x1  }
0x1e8: {  	v3 =	vunpack.i.u.bf16.f32 v1;
	v1 =	vunpack.i.l.bf16.f32 v1  }
0x1e9: {  	v1 =	vadd.f32 v1, v3;
	_ =	sdelay $0x1  }
0x1ea: {  	v1 =	vadd.f32 v2, v1;
	_ =	sdelay $0x1  }
0x1eb: {  	v1 =	vsub.f32 $0.0e+00, v1;
	_ =	sdelay $0x1  }
0x1ec: {  	v1 =	vmul.f32 $1.442695020e+00, v1;
	_ =	sdelay $0x1  }
0x1ed: {  	(erf) = vpow2.f32 v1;
	_ =	sdelay $0x8  }
0x1ee: {  	v1 =	vpop (erf)  }
0x1ef: {  	v1 =	vadd.f32 $1.000000000e+00, v1;
	_ =	sdelay $0x1  }
0x1f0: {  	(erf) = vrcp.f32 v1;
	_ =	sdelay $0x3  }
0x1f1: {  	s14 =	sadd.s32 $0x1, s14  }
0x1f2: {  	p0 =	sne.s32 s14, $0xC  }
.Ltmp4:
0x1f3: {  	_ = 	snop;
	(pc) =	sbr.rel @p0 .LBB2_9-.Ltmp4, $3  }
0x1f4: {  	_ =	sdelay $0x1  }
0x1f5: {  	v1 =	vpop (erf)  }
0x1f6: {  	[tilespmem:s15+$0xCFE0] =	vst v1  }
0x1f7: {  	s7 =	simm.s32 $0x0  }
0x1f8: {  	s12 =	simm.s32 $0x1;
	v57 =	vld [tilespmem:$0x1FFE0];
	v1 =	vadd.s32 s7, v0  }
0x1f9: {  	v56 =	vld [tilespmem:$0x1FFD0];
	v2 =	vadd.s32 s12, v0;
	v1 =	vand.u32 $0x18, v1  }
0x1fa: {  	s14 =	simm.s32 $0xD1A0;
	s16 =	simm.s32 $0x3;
	v58 =	vld [tilespmem:$0x1FFF0];
	v2 =	vand.u32 $0x1F, v2;
	v3 =	vor.u32 v10, v1  }
0x1fb: {  	v15 =	vld [tilespmem:s14+$0xFFFFFFF0];
	v7 =	vadd.s32 s16, v0;
	v4 =	vor.u32 v11, v2  }
0x1fc: {  	v16 =	vld [tilespmem:s14+$0xFFFFFFE0];
	v7 =	vand.u32 $0x1F, v7;
	v9 =	vor.u32 v12, v2  }
0x1fd: {  	s17 =	simm.s32 $0x5;
	v8 =	vld [tilespmem:s14+$0xFFFFFFD0];
	v18 =	vor.u32 v12, v7  }
0x1fe: {  	v17 =	vld [tilespmem:s14+$0xFFFFFFC0];
	v21 =	vadd.s32 s17, v0;
	v19 =	vor.u32 v13, v2  }
0x1ff: {  	s19 =	simm.s32 $0x2;
	v21 =	vand.u32 $0x1F, v21;
	v20 =	vor.u32 v14, v7;
	v3 =	vld.idx.msk [tilespmem:v3+s3+$0x0], $0xffff  }
0x200: {  	v23 =	vadd.s32 s19, v0;
	v24 =	vor.u32 v14, v21;
	v4 =	vld.idx.msk [tilespmem:v4+s3+$0x0], $0xffff  }
0x201: {  	v26 =	vand.u32 $0x1F, v23;
	v23 =	vor.u32 v13, v21;
	v9 =	vld.idx.msk [tilespmem:v9+s3+$0x0], $0xffff  }
0x202: {  	v27 =	vor.u32 v13, v7;
	v18 =	vld.idx.msk [tilespmem:v18+s3+$0x0], $0xffff  }
0x203: {  	v7 =	vor.u32 v11, v7;
	v19 =	vld.idx.msk [tilespmem:v19+s3+$0x0], $0xffff  }
0x204: {  	v2 =	vor.u32 v14, v2;
	v28 =	vld.idx.msk [tilespmem:v20+s3+$0x0], $0xffff  }
0x205: {  	v34 =	vor.u32 v12, v26;
	v24 =	vld.idx.msk [tilespmem:v24+s3+$0x0], $0xffff  }
0x206: {  	v35 =	vor.u32 v12, v21;
	v31 =	vld.idx.msk [tilespmem:v23+s3+$0x0], $0xffff  }
0x207: {  	v5 =	vor.u32 v57, v1;
	v27 =	vld.idx.msk [tilespmem:v27+s3+$0x0], $0xffff  }
0x208: {  	v22 =	vor.u32 v56, v1;
	v7 =	vld.idx.msk [tilespmem:v7+s3+$0x0], $0xffff  }
0x209: {  	s21 =	simm.s32 $0x6;
	v25 =	vor.u32 v14, v26;
	v2 =	vld.idx.msk [tilespmem:v2+s3+$0x0], $0xffff  }
0x20a: {  	v1 =	vor.u32 v58, v1;
	v20 =	vadd.s32 s21, v0;
	v34 =	vld.idx.msk [tilespmem:v34+s3+$0x0], $0xffff  }
0x20b: {  	s22 =	simm.s32 $0x4;
	v21 =	vor.u32 v11, v21;
	v39 =	vld.idx.msk [tilespmem:v35+s3+$0x0], $0xffff;
	v29 =	vand.u32 $0x1F, v20  }
0x20c: {  	v20 =	vadd.s32 s22, v0;
	v5 =	vld.idx.msk [tilespmem:v5+s3+$0x0], $0xffff;
	v30 =	vor.u32 v12, v29  }
0x20d: {  	v23 =	vor.u32 v11, v26;
	v22 =	vld.idx.msk [tilespmem:v22+s3+$0x0], $0xffff;
	v32 =	vand.u32 $0x1F, v20  }
0x20e: {  	v20 =	vld.idx.msk [tilespmem:v25+s3+$0x0], $0xffff;
	v33 =	vor.u32 v12, v32  }
0x20f: {  	v1 =	vld.idx.msk [tilespmem:v1+s3+$0x0], $0xffff;
	v36 =	vor.u32 v11, v32  }
0x210: {  	v38 =	vor.u32 v11, v29;
	v4 =	vadd.bf16 v9, v4;
	v9 =	vld.idx.msk [tilespmem:v21+s3+$0x0], $0xffff  }
0x211: {  	v26 =	vor.u32 v13, v26;
	v40 =	vor.u32 v13, v29;
	v25 =	vld.idx.msk [tilespmem:v30+s3+$0x0], $0xffff  }
0x212: {  	v63 =	vor.u32 v14, v32;
	v7 =	vadd.bf16 v18, v7;
	v2 =	vadd.bf16 v2, v19;
	v30 =	vld.idx.msk [tilespmem:v23+s3+$0x0], $0xffff  }
0x213: {  	v19 =	vor.u32 v13, v32;
	v28 =	vadd.bf16 v28, v27;
	v5 =	vadd.bf16 v5, v22;
	v37 =	vld.idx.msk [tilespmem:v33+s3+$0x0], $0xffff  }
0x214: {  	v23 =	vimm.bf16 $0.0e+00;
	v22 =	vor.u32 v14, v29;
	v4 =	vmax.bf16 v4, v6;
	v18 =	vld.idx.msk [tilespmem:v36+s3+$0x0], $0xffff  }
0x215: {  	v7 =	vmax.bf16 v7, v6;
	v2 =	vmax.bf16 v2, v6;
	v29 =	vld.idx.msk [tilespmem:v38+s3+$0x0], $0xffff;
	v5 =	vmax.bf16 v5, v6  }
0x216: {  	v1 =	vadd.bf16 v3, v1;
	v4 =	vmul.bf16 v4, v8;
	v33 =	vld [tilespmem:s14+$0x10];
	v5 =	vmul.bf16 v5, v17  }
0x217: {  	v21 =	vmul.bf16 v2, v8;
	v2 =	vadd.bf16 v24, v31;
	v31 =	vmul.bf16 v7, v15;
	v24 =	vld.idx.msk [tilespmem:v40+s3+$0x0], $0xffff  }
0x218: {  	v27 =	vmax.bf16 v1, v6;
	v35 =	vld.idx.msk [tilespmem:v19+s3+$0x0], $0xffff;
	v5 =	vadd.bf16 v5, v23;
	v30 =	vadd.bf16 v34, v30  }
0x219: {  	s23 =	simm.s32 $0x7;
	v2 =	vmax.bf16 v2, v6;
	v34 =	vld.idx.msk [tilespmem:v26+s3+$0x0], $0xffff;
	v26 =	vadd.bf16 v39, v9;
	v38 =	vadd.bf16 v37, v18  }
0x21a: {  	v19 =	vld [tilespmem:s14+$0x30];
	v32 =	vadd.bf16 v4, v5;
	v4 =	vmax.bf16 v30, v6;
	v5 =	vadd.s32 s23, v0  }
0x21b: {  	s15 =	simm.s32 $0xF;
	s16 =	simm.s32 $0xD220;
	v18 =	vmul.bf16 v2, v33;
	v30 =	vld.idx.msk [tilespmem:v63+s3+$0x0], $0xffff;
	v36 =	vmul.bf16 v4, v16;
	v37 =	vand.u32 $0x1F, v5  }
.LBB2_13:
0x21c: {  	s7 =	sadd.s32 $0xFFFFFFF9, s15  }
0x21d: {  	s17 =	sadd.s32 $0xFFFFFFFA, s15;
	s19 =	sadd.s32 $0xFFFFFFFB, s15;
	v1 =	vmul.bf16 v27, v17;
	v2 =	vmax.bf16 v38, v6;
	v27 =	vld [tilespmem:s14+$0x20];
	v3 =	vadd.bf16 v25, v29;
	s12 =	smov.u32 s15  }
0x21e: {  	p0 =	sne.s32 s15, $0x1F;
	s15 =	sadd.s32 $0x8, s15;
	v8 =	vor.u32 v14, v37;
	v4 =	vadd.s32 s7, v0;
	v5 =	vadd.s32 s17, v0;
	s7 =	sadd.s32 $0xFFFFFFFD, s12;
	v7 =	vld [tilespmem:s14+$0x0]  }
0x21f: {  	v17 =	vor.u32 v13, v37;
	s14 =	smov.u32 s16;
	v4 =	vand.u32 $0x18, v4;
	v5 =	vand.u32 $0x1F, v5;
	v9 =	vld [tilespmem:s16+$0xFFFFFFF0]  }
0x220: {  	v39 =	vor.u32 v11, v37;
	v25 =	vor.u32 v56, v4;
	v38 =	vor.u32 v57, v4;
	v22 =	vld.idx.msk [tilespmem:v22+s3+$0x0], $0xffff  }
0x221: {  	v43 =	vmax.bf16 v26, v6;
	v40 =	vor.u32 v10, v4;
	v41 =	vor.u32 v13, v5;
	v42 =	vld [tilespmem:s16+$0xFFFFFFE0]  }
0x222: {  	v33 =	vmul.bf16 v43, v33;
	v29 =	vor.u32 v58, v4;
	v4 =	vor.u32 v14, v5;
	v26 =	vld [tilespmem:s16+$0xFFFFFFD0]  }
0x223: {  	v20 =	vadd.bf16 v20, v34;
	s17 =	sadd.s32 $0xFFFFFFFC, s12;
	v43 =	vor.u32 v11, v5;
	v5 =	vor.u32 v12, v5;
	v8 =	vld.idx.msk [tilespmem:v8+s3+$0x0], $0xffff  }
0x224: {  	v37 =	vor.u32 v12, v37;
	v34 =	vadd.s32 s19, v0;
	v44 =	vadd.s32 s17, v0;
	v45 =	vld.idx.msk [tilespmem:v17+s3+$0x0], $0xffff  }
0x225: {  	v34 =	vand.u32 $0x1F, v34;
	v44 =	vand.u32 $0x1F, v44;
	v35 =	vadd.bf16 v30, v35;
	v39 =	vld.idx.msk [tilespmem:v39+s3+$0x0], $0xffff  }
0x226: {  	v32 =	vadd.bf16 v36, v32;
	v46 =	vor.u32 v11, v44;
	v47 =	vor.u32 v12, v44;
	v17 =	vld [tilespmem:s16+$0xFFFFFFC0]  }
0x227: {  	s17 =	sadd.s32 $0xFFFFFFFE, s12;
	v36 =	vor.u32 v13, v44;
	v35 =	vmax.bf16 v35, v6;
	v30 =	vld.idx.msk [tilespmem:v40+s3+$0x0], $0xffff;
	v40 =	vor.u32 v14, v44  }
0x228: {  	v48 =	vadd.s32 s17, v0;
	v2 =	vmul.bf16 v2, v7;
	v44 =	vadd.s32 s7, v0;
	v43 =	vld.idx.msk [tilespmem:v43+s3+$0x0], $0xffff  }
0x229: {  	v31 =	vadd.bf16 v31, v32;
	v3 =	vmax.bf16 v3, v6;
	v44 =	vand.u32 $0x1F, v44;
	v32 =	vld.idx.msk [tilespmem:v37+s3+$0x0], $0xffff  }
0x22a: {  	v28 =	vmax.bf16 v28, v6;
	v3 =	vmul.bf16 v3, v27;
	v37 =	vld.idx.msk [tilespmem:v38+s3+$0x0], $0xffff;
	v38 =	vand.u32 $0x1F, v48  }
0x22b: {  	v1 =	vadd.bf16 v1, v23;
	v5 =	vld.idx.msk [tilespmem:v5+s3+$0x0], $0xffff;
	v48 =	vor.u32 v13, v38;
	v49 =	vor.u32 v14, v38  }
0x22c: {  	v22 =	vadd.bf16 v22, v24;
	v23 =	vld.idx.msk [tilespmem:v47+s3+$0x0], $0xffff;
	v47 =	vor.u32 v11, v38;
	v38 =	vor.u32 v12, v38  }
0x22d: {  	v20 =	vmax.bf16 v20, v6;
	v50 =	vor.u32 v14, v34;
	s7 =	sadd.s32 $0xFFFFFFFF, s12;
	v24 =	vld.idx.msk [tilespmem:v41+s3+$0x0], $0xffff;
	v41 =	vor.u32 v12, v34  }
0x22e: {  	v52 =	vmax.bf16 v22, v6;
	v51 =	vadd.s32 s7, v0;
	v8 =	vadd.bf16 v8, v45;
	v40 =	vld.idx.msk [tilespmem:v40+s3+$0x0], $0xffff  }
0x22f: {  	v7 =	vmul.bf16 v35, v7;
	v45 =	vor.u32 v11, v34;
	v51 =	vand.u32 $0x1F, v51;
	v25 =	vld.idx.msk [tilespmem:v25+s3+$0x0], $0xffff  }
0x230: {  	v16 =	vmul.bf16 v20, v16;
	v53 =	vor.u32 v12, v51;
	v35 =	vld.idx.msk [tilespmem:v49+s3+$0x0], $0xffff;
	v49 =	vor.u32 v11, v51  }
0x231: {  	v22 =	vor.u32 v14, v51;
	v34 =	vor.u32 v13, v34;
	v32 =	vadd.bf16 v32, v39;
	v48 =	vld.idx.msk [tilespmem:v48+s3+$0x0], $0xffff  }
0x232: {  	v1 =	vadd.bf16 v21, v1;
	v39 =	vor.u32 v11, v44;
	v20 =	vld.idx.msk [tilespmem:v50+s3+$0x0], $0xffff;
	v50 =	vor.u32 v12, v44  }
0x233: {  	v59 =	vmul.bf16 v28, v15;
	v55 =	vor.u32 v13, v44;
	v8 =	vmax.bf16 v8, v6;
	v54 =	vld.idx.msk [tilespmem:v36+s3+$0x0], $0xffff  }
0x234: {  	v1 =	vadd.bf16 v16, v1;
	v28 =	vor.u32 v14, v44;
	v5 =	vadd.bf16 v5, v43;
	v21 =	vld.idx.msk [tilespmem:v46+s3+$0x0], $0xffff  }
0x235: {  	v2 =	vadd.bf16 v2, v31;
	v31 =	vmax.bf16 v32, v6;
	v36 =	vadd.bf16 v37, v25;
	v25 =	vld.idx.msk [tilespmem:v53+s3+$0x0], $0xffff  }
0x236: {  	v15 =	vmovc v9;
	v1 =	vadd.bf16 v59, v1;
	v16 =	vmov v42;
	v5 =	vmax.bf16 v5, v6;
	v4 =	vld.idx.msk [tilespmem:v4+s3+$0x0], $0xffff  }
0x237: {  	v2 =	vadd.bf16 v33, v2;
	v5 =	vmul.bf16 v5, v26;
	v9 =	vmax.bf16 v36, v6;
	v36 =	vld.idx.msk [tilespmem:v45+s3+$0x0], $0xffff  }
0x238: {  	v1 =	vadd.bf16 v7, v1;
	v7 =	vmul.bf16 v52, v27;
	v37 =	vld.idx.msk [tilespmem:v50+s3+$0x0], $0xffff  }
0x239: {  	v2 =	vadd.bf16 v3, v2;
	v3 =	vmul.bf16 v31, v19;
	v27 =	vld.idx.msk [tilespmem:v41+s3+$0x0], $0xffff  }
0x23a: {  	v1 =	vadd.bf16 v18, v1;
	v8 =	vmul.bf16 v8, v19;
	v21 =	vadd.bf16 v23, v21;
	v41 =	vld.idx.msk [tilespmem:v38+s3+$0x0], $0xffff  }
0x23b: {  	v2 =	vadd.bf16 v3, v2;
	v9 =	vmul.bf16 v9, v17;
	v19 =	vld.idx.msk [tilespmem:v47+s3+$0x0], $0xffff  }
0x23c: {  	v1 =	vadd.bf16 v7, v1;
	v38 =	vor.u32 v13, v51;
	v18 =	vmax.bf16 v21, v6;
	v3 =	vld.idx.msk [tilespmem:v29+s3+$0x0], $0xffff  }
0x23d: {  	v2 =	vadd.bf16 v9, v2;
	v4 =	vadd.bf16 v4, v24;
	v7 =	vld.idx.msk [tilespmem:v39+s3+$0x0], $0xffff  }
0x23e: {  	v23 =	vadd.bf16 v8, v1;
	v33 =	vld [tilespmem:s16+$0x10]  }
0x23f: {  	v32 =	vadd.bf16 v5, v2;
	v1 =	vmax.bf16 v4, v6;
	v2 =	vadd.bf16 v27, v36;
	v29 =	vld.idx.msk [tilespmem:v49+s3+$0x0], $0xffff  }
.Ltmp5:
0x240: {  	v31 =	vmul.bf16 v18, v15;
	v21 =	vmul.bf16 v1, v26;
	v1 =	vadd.bf16 v35, v48;
	v34 =	vld.idx.msk [tilespmem:v34+s3+$0x0], $0xffff;
	(pc) =	sbr.rel @p0 .LBB2_13-.Ltmp5, $4  }
0x241: {  	v4 =	vadd.s32 s12, v0;
	v2 =	vmax.bf16 v2, v6;
	v24 =	vld.idx.msk [tilespmem:v38+s3+$0x0], $0xffff  }
0x242: {  	v1 =	vmax.bf16 v1, v6;
	v3 =	vadd.bf16 v30, v3;
	v36 =	vmul.bf16 v2, v16;
	v30 =	vld.idx.msk [tilespmem:v28+s3+$0x0], $0xffff  }
0x243: {  	v28 =	vadd.bf16 v40, v54;
	v38 =	vadd.bf16 v37, v7;
	v35 =	vld.idx.msk [tilespmem:v55+s3+$0x0], $0xffff;
	v18 =	vmul.bf16 v1, v33  }
0x244: {  	s16 =	sadd.s32 $0x80, s16;
	v26 =	vadd.bf16 v41, v19;
	v37 =	vand.u32 $0x1F, v4;
	v27 =	vmax.bf16 v3, v6;
	v19 =	vld [tilespmem:s14+$0x30]  }
0x245: {  	v1 =	vor.u32 v11, v37  }
0x246: {  	v2 =	vor.u32 v12, v37;
	_ =	sdelay $0x1  }
0x247: {  	v3 =	vld [tilespmem:s14+$0x0];
	_ =	sdelay $0x1  }
0x248: {  	v1 =	vld.idx.msk [tilespmem:v1+s3+$0x0], $0xffff  }
0x249: {  	v4 =	vadd.bf16 v36, v32;
	v2 =	vld.idx.msk [tilespmem:v2+s3+$0x0], $0xffff  }
0x24a: {  	v5 =	vmax.bf16 v38, v6;
	v7 =	vld [tilespmem:s14+$0x20]  }
0x24b: {  	v4 =	vadd.bf16 v31, v4;
	v5 =	vmul.bf16 v5, v3  }
0x24c: {  	v8 =	vadd.bf16 v25, v29;
	v9 =	vmax.bf16 v26, v6  }
0x24d: {  	v9 =	vmul.bf16 v9, v33;
	v4 =	vadd.bf16 v5, v4  }
0x24e: {  	v5 =	vmax.bf16 v8, v6;
	v1 =	vadd.bf16 v2, v1  }
0x24f: {  	v59 =	vadd.bf16 v20, v34;
	v5 =	vmul.bf16 v5, v7;
	v4 =	vadd.bf16 v9, v4  }
0x250: {  	v8 =	vor.u32 v14, v37;
	v2 =	vmul.bf16 v27, v17;
	v1 =	vmax.bf16 v1, v6  }
0x251: {  	v9 =	vor.u32 v13, v37;
	v4 =	vadd.bf16 v5, v4;
	v1 =	vmul.bf16 v1, v19  }
0x252: {  	v2 =	vadd.bf16 v2, v23  }
0x253: {  	v5 =	vmax.bf16 v59, v6;
	v1 =	vadd.bf16 v1, v4;
	v4 =	vld [tilespmem:$0xD360]  }
0x254: {  	v60 =	vld.idx.msk [tilespmem:v22+s3+$0x0], $0xffff;
	v62 =	vmax.bf16 v28, v6;
	v5 =	vmul.bf16 v5, v16;
	v2 =	vadd.bf16 v21, v2  }
0x255: {  	v61 =	vadd.bf16 v30, v35;
	v8 =	vld.idx.msk [tilespmem:v8+s3+$0x0], $0xffff;
	v63 =	vunpack.i.u.bf16.f32 v1;
	v1 =	vunpack.i.l.bf16.f32 v1  }
0x256: {  	v15 =	vmul.bf16 v62, v15;
	v9 =	vld.idx.msk [tilespmem:v9+s3+$0x0], $0xffff;
	v2 =	vadd.bf16 v5, v2;
	v1 =	vadd.f32 v1, v63  }
0x257: {  	v5 =	vmax.bf16 v61, v6  }
0x258: {  	v3 =	vmul.bf16 v5, v3;
	v2 =	vadd.bf16 v15, v2;
	v1 =	vadd.f32 v4, v1  }
0x259: {  	v4 =	vadd.bf16 v60, v24  }
0x25a: {  	v2 =	vadd.bf16 v3, v2;
	v1 =	vsub.f32 $0.0e+00, v1  }
0x25b: {  	v3 =	vmax.bf16 v4, v6;
	v4 =	vadd.bf16 v8, v9  }
0x25c: {  	v2 =	vadd.bf16 v18, v2;
	v3 =	vmul.bf16 v3, v7;
	v1 =	vmul.f32 $1.442695020e+00, v1  }
0x25d: {  	v4 =	vmax.bf16 v4, v6  }
0x25e: {  	v4 =	vmul.bf16 v4, v19;
	v2 =	vadd.bf16 v3, v2;
	(erf) = vpow2.f32 v1;
	_ =	sdelay $0x1  }
0x25f: {  	v1 =	vadd.bf16 v4, v2;
	v2 =	vld [tilespmem:$0xD360];
	_ =	sdelay $0x1  }
0x260: {  	v3 =	vunpack.i.u.bf16.f32 v1;
	v1 =	vunpack.i.l.bf16.f32 v1  }
0x261: {  	v1 =	vadd.f32 v1, v3;
	_ =	sdelay $0x1  }
0x262: {  	v1 =	vadd.f32 v2, v1;
	_ =	sdelay $0x1  }
0x263: {  	v1 =	vsub.f32 $0.0e+00, v1;
	v2 =	vpop (erf)  }
0x264: {  	v2 =	vadd.f32 $1.000000000e+00, v2  }
0x265: {  	v1 =	vmul.f32 $1.442695020e+00, v1  }
0x266: {  	(erf) = vrcp.f32 v2  }
0x267: {  	(erf) = vpow2.f32 v1;
	_ =	sdelay $0x7  }
0x268: {  	v1 =	vpop (erf)  }
0x269: {  	v2 =	vpop (erf)  }
0x26a: {  	v2 =	vadd.f32 $1.000000000e+00, v2;
	_ =	sdelay $0x1  }
0x26b: {  	(erf) = vrcp.f32 v2;
	_ =	sdelay $0x7  }
0x26c: {  	s7 =	smul.u32 $0x32, s13  }
0x26d: {  	[tilespmem:$0xD140] =	vst v1;
	v1 =	vpop (erf)  }
0x26e: {  	s10 =	sadd.s32 $0x1, s10;
	s7 =	sadd.s32 s0, s7;
	[tilespmem:$0xD150] =	vst v1  }
0x26f: {  	[hbm4b:s7+s5] =	stream.linear.scatter [tilespmem:s20], [sflag:$0x4], $0x190, $0x38;
	[tilespmem:$0x16FB0] =	vst v63  }
0x270: {  	p0 =	sne.s32 s10, $0xC;
	_ =	swait.ge [sflag:s31], $0x3200  }
.Ltmp6:
0x271: {  	[sflag:s31] =	ssyncset.done $0x0;
	(pc) =	sbr.rel @p0 .LBB2_2-.Ltmp6, $4  }
0x272: {  	[sflag:s31] =	ssyncadd.s32 $0xFFFFCE00  }
0x273: {  	_ =	swait.ge [sflag:s31], $0x3200  }
0x274: {  	[sflag:s31] =	ssyncset.done $0x0  }
0x275: {  	[sflag:s31] =	ssyncadd.s32 $0xFFFFCE00  }
0x276: {  	s21 =	simm.s32 $0x3  }
0x277: {  	_ =	swait.ge [sflag:s21], $0x190  }
0x278: {  	[sflag:s21] =	ssyncset.done $0x0  }
0x279: {  	s10 =	simm.s32 $0x0;
	[sflag:s21] =	ssyncadd.s32 $0xFFFFFE70  }
.LBB2_16:
0x27a: {  	v2 =	vld [tilespmem:$0x1FFC0]  }
0x27b: {  	v4 =	vld [tilespmem:$0x1FFA0]  }
0x27c: {  	s13 =	sshll.u32 s10, $0x5;
	v17 =	vld [tilespmem:$0x1FF90]  }
0x27d: {  	s12 =	simm.s32 $0x1;
	v1 =	vmov s13  }
0x27e: {  	v3 =	vadd.s32 s12, v0;
	v1 =	vshll.u32 v1, $0x5  }
0x27f: {  	v43 =	vld [tilespmem:$0x1FFB0];
	s14 =	simm.s32 $0xD1A0;
	v3 =	vand.u32 $0x1F, v3;
	v18 =	vor.u32 v2, v1  }
0x280: {  	s16 =	simm.s32 $0x5;
	v16 =	vld [tilespmem:s14+$0xFFFFFFF0];
	v20 =	vadd.s32 v4, v1;
	v5 =	vor.u32 v18, v3  }
0x281: {  	s15 =	simm.s32 $0x3;
	v28 =	vadd.s32 s16, v0;
	v2 =	vld [tilespmem:$0x1FF80];
	v17 =	vor.u32 v17, v1;
	v25 =	vor.u32 v20, v3  }
0x282: {  	v21 =	vld [tilespmem:s14+$0xFFFFFFE0];
	v8 =	vadd.s32 s15, v0;
	v28 =	vand.u32 $0x1F, v28;
	v26 =	vor.u32 v17, v3  }
0x283: {  	v9 =	vld [tilespmem:s14+$0xFFFFFFD0];
	v8 =	vand.u32 $0x1F, v8;
	v31 =	vor.u32 v17, v28  }
0x284: {  	v24 =	vld [tilespmem:s14+$0xFFFFFFC0];
	v34 =	vor.u32 v17, v8  }
0x285: {  	v42 =	vor.u32 v20, v28;
	v5 =	vld.idx.msk [tilespmem:v5+s26+$0x0], $0xffff  }
0x286: {  	v15 =	vadd.s32 v2, v1;
	v1 =	vor.u32 v20, v8;
	v32 =	vld.idx.msk [tilespmem:v25+s26+$0x0], $0xffff  }
0x287: {  	v27 =	vor.u32 v15, v8;
	v26 =	vld.idx.msk [tilespmem:v26+s26+$0x0], $0xffff  }
0x288: {  	v25 =	vor.u32 v15, v28;
	v39 =	vld.idx.msk [tilespmem:v31+s26+$0x0], $0xffff  }
0x289: {  	s7 =	simm.s32 $0x0;
	v8 =	vor.u32 v18, v8;
	v34 =	vld.idx.msk [tilespmem:v34+s26+$0x0], $0xffff  }
0x28a: {  	v2 =	vadd.s32 s7, v0;
	v3 =	vor.u32 v15, v3;
	v47 =	vld.idx.msk [tilespmem:v42+s26+$0x0], $0xffff  }
0x28b: {  	s17 =	simm.s32 $0x2;
	v22 =	vor.u32 v43, v20;
	v2 =	vand.u32 $0x18, v2;
	v28 =	vor.u32 v18, v28;
	v1 =	vld.idx.msk [tilespmem:v1+s26+$0x0], $0xffff  }
0x28c: {  	s19 =	simm.s32 $0x6;
	v30 =	vadd.s32 s17, v0;
	v23 =	vor.u32 v43, v18;
	v7 =	vor.u32 v22, v2;
	v35 =	vld.idx.msk [tilespmem:v27+s26+$0x0], $0xffff  }
0x28d: {  	v30 =	vand.u32 $0x1F, v30;
	v29 =	vor.u32 v23, v2;
	v27 =	vadd.s32 s19, v0;
	v38 =	vld.idx.msk [tilespmem:v25+s26+$0x0], $0xffff  }
0x28e: {  	v33 =	vor.u32 v15, v30;
	v8 =	vld.idx.msk [tilespmem:v8+s26+$0x0], $0xffff;
	v36 =	vand.u32 $0x1F, v27  }
0x28f: {  	v3 =	vld.idx.msk [tilespmem:v3+s26+$0x0], $0xffff;
	v25 =	vor.u32 v20, v36  }
0x290: {  	v19 =	vor.u32 v43, v15;
	v31 =	vor.u32 v18, v30;
	v28 =	vld.idx.msk [tilespmem:v28+s26+$0x0], $0xffff  }
0x291: {  	s22 =	simm.s32 $0x4;
	v4 =	vor.u32 v19, v2;
	v7 =	vld.idx.msk [tilespmem:v7+s26+$0x0], $0xffff  }
0x292: {  	v29 =	vld.idx.msk [tilespmem:v29+s26+$0x0], $0xffff;
	v27 =	vadd.s32 s22, v0  }
0x293: {  	v41 =	vor.u32 v20, v30;
	v37 =	vand.u32 $0x1F, v27;
	v27 =	vld.idx.msk [tilespmem:v33+s26+$0x0], $0xffff  }
0x294: {  	v40 =	vor.u32 v20, v37;
	v33 =	vld.idx.msk [tilespmem:v25+s26+$0x0], $0xffff;
	v25 =	vor.u32 v43, v17  }
0x295: {  	v44 =	vld.idx.msk [tilespmem:v31+s26+$0x0], $0xffff;
	v2 =	vor.u32 v25, v2  }
0x296: {  	v4 =	vld.idx.msk [tilespmem:v4+s26+$0x0], $0xffff;
	v59 =	vor.u32 v18, v37;
	v35 =	vadd.bf16 v35, v34  }
0x297: {  	v46 =	vor.u32 v17, v30;
	v34 =	vadd.bf16 v47, v28;
	v28 =	vld [tilespmem:s14+$0x30];
	v7 =	vadd.bf16 v7, v29  }
0x298: {  	v31 =	vimm.bf16 $0.0e+00;
	v5 =	vadd.bf16 v32, v5;
	v60 =	vor.u32 v18, v36;
	v29 =	vld.idx.msk [tilespmem:v41+s26+$0x0], $0xffff  }
0x299: {  	v30 =	vor.u32 v15, v36;
	v62 =	vor.u32 v17, v36;
	v45 =	vld.idx.msk [tilespmem:v40+s26+$0x0], $0xffff;
	v7 =	vmax.bf16 v7, v6  }
0x29a: {  	v5 =	vmax.bf16 v5, v6;
	v3 =	vadd.bf16 v3, v26;
	v7 =	vmul.bf16 v7, v24;
	v2 =	vld.idx.msk [tilespmem:v2+s26+$0x0], $0xffff  }
0x29b: {  	v61 =	vor.u32 v15, v37;
	v1 =	vadd.bf16 v1, v8;
	v26 =	vor.u32 v17, v37;
	v8 =	vld.idx.msk [tilespmem:v59+s26+$0x0], $0xffff  }
0x29c: {  	v5 =	vmul.bf16 v5, v9;
	v43 =	vld [tilespmem:s14+$0x10];
	v3 =	vmax.bf16 v3, v6;
	v7 =	vadd.bf16 v7, v31  }
0x29d: {  	v1 =	vmax.bf16 v1, v6;
	v37 =	vld.idx.msk [tilespmem:v60+s26+$0x0], $0xffff;
	v63 =	vadd.bf16 v29, v44;
	v29 =	vmul.bf16 v3, v9  }
0x29e: {  	s23 =	simm.s32 $0x7;
	v32 =	vld.idx.msk [tilespmem:v62+s26+$0x0], $0xffff;
	v3 =	vadd.bf16 v38, v39;
	v39 =	vmul.bf16 v1, v16;
	v41 =	vadd.bf16 v5, v7  }
0x29f: {  	v40 =	vld.idx.msk [tilespmem:v46+s26+$0x0], $0xffff;
	v1 =	vmax.bf16 v63, v6;
	v5 =	vadd.s32 s23, v0;
	v2 =	vadd.bf16 v4, v2  }
0x2a0: {  	v42 =	vld.idx.msk [tilespmem:v26+s26+$0x0], $0xffff;
	v46 =	vadd.bf16 v45, v8;
	v44 =	vmul.bf16 v1, v21;
	v1 =	vmax.bf16 v3, v6  }
0x2a1: {  	s15 =	simm.s32 $0xF;
	s16 =	simm.s32 $0xD220;
	v38 =	vld.idx.msk [tilespmem:v61+s26+$0x0], $0xffff;
	v45 =	vand.u32 $0x1F, v5;
	v26 =	vmul.bf16 v1, v43;
	v36 =	vmax.bf16 v2, v6  }
.LBB2_17:
0x2a2: {  	s7 =	sadd.s32 $0xFFFFFFF9, s15;
	v1 =	vmul.bf16 v36, v24  }
0x2a3: {  	s17 =	sadd.s32 $0xFFFFFFFA, s15;
	s19 =	sadd.s32 $0xFFFFFFFB, s15;
	v2 =	vmax.bf16 v46, v6;
	v36 =	vld [tilespmem:s14+$0x20];
	v3 =	vadd.bf16 v33, v37;
	s12 =	smov.u32 s15;
	v8 =	vor.u32 v15, v45  }
0x2a4: {  	p0 =	sne.s32 s15, $0x1F;
	s15 =	sadd.s32 $0x8, s15;
	v24 =	vor.u32 v17, v45;
	v4 =	vadd.s32 s7, v0;
	v5 =	vadd.s32 s17, v0;
	s7 =	sadd.s32 $0xFFFFFFFD, s12;
	v7 =	vld [tilespmem:s14+$0x0]  }
0x2a5: {  	v47 =	vor.u32 v18, v45;
	s14 =	smov.u32 s16;
	v4 =	vand.u32 $0x18, v4;
	v5 =	vand.u32 $0x1F, v5;
	v9 =	vld [tilespmem:s16+$0xFFFFFFF0]  }
0x2a6: {  	v27 =	vadd.bf16 v27, v40;
	v33 =	vor.u32 v23, v4;
	v46 =	vor.u32 v22, v4;
	v30 =	vld.idx.msk [tilespmem:v30+s26+$0x0], $0xffff  }
0x2a7: {  	v51 =	vmax.bf16 v34, v6;
	v48 =	vor.u32 v19, v4;
	v49 =	vor.u32 v17, v5;
	v50 =	vld [tilespmem:s16+$0xFFFFFFE0]  }
0x2a8: {  	v43 =	vmul.bf16 v51, v43;
	v37 =	vor.u32 v25, v4;
	v4 =	vor.u32 v15, v5;
	v34 =	vld [tilespmem:s16+$0xFFFFFFD0]  }
0x2a9: {  	v45 =	vor.u32 v20, v45;
	s17 =	sadd.s32 $0xFFFFFFFC, s12;
	v51 =	vor.u32 v18, v5;
	v5 =	vor.u32 v20, v5;
	v8 =	vld.idx.msk [tilespmem:v8+s26+$0x0], $0xffff  }
0x2aa: {  	v41 =	vadd.bf16 v44, v41;
	v40 =	vadd.s32 s19, v0;
	v52 =	vadd.s32 s17, v0;
	v53 =	vld.idx.msk [tilespmem:v24+s26+$0x0], $0xffff  }
0x2ab: {  	v40 =	vand.u32 $0x1F, v40;
	v52 =	vand.u32 $0x1F, v52;
	v42 =	vadd.bf16 v38, v42;
	v47 =	vld.idx.msk [tilespmem:v47+s26+$0x0], $0xffff  }
0x2ac: {  	v35 =	vmax.bf16 v35, v6;
	v54 =	vor.u32 v18, v52;
	v55 =	vor.u32 v20, v52;
	v24 =	vld [tilespmem:s16+$0xFFFFFFC0]  }
0x2ad: {  	s17 =	sadd.s32 $0xFFFFFFFE, s12;
	v44 =	vor.u32 v17, v52;
	v42 =	vmax.bf16 v42, v6;
	v38 =	vld.idx.msk [tilespmem:v48+s26+$0x0], $0xffff;
	v48 =	vor.u32 v15, v52  }
0x2ae: {  	v56 =	vadd.s32 s17, v0;
	v2 =	vmul.bf16 v2, v7;
	v52 =	vadd.s32 s7, v0;
	v51 =	vld.idx.msk [tilespmem:v51+s26+$0x0], $0xffff  }
0x2af: {  	v39 =	vadd.bf16 v39, v41;
	v3 =	vmax.bf16 v3, v6;
	v52 =	vand.u32 $0x1F, v52;
	v41 =	vld.idx.msk [tilespmem:v45+s26+$0x0], $0xffff  }
0x2b0: {  	v16 =	vmul.bf16 v35, v16;
	v3 =	vmul.bf16 v3, v36;
	v45 =	vld.idx.msk [tilespmem:v46+s26+$0x0], $0xffff;
	v46 =	vand.u32 $0x1F, v56  }
0x2b1: {  	v1 =	vadd.bf16 v1, v31;
	v5 =	vld.idx.msk [tilespmem:v5+s26+$0x0], $0xffff;
	v56 =	vor.u32 v17, v46;
	v57 =	vor.u32 v15, v46  }
0x2b2: {  	v30 =	vadd.bf16 v30, v32;
	v31 =	vld.idx.msk [tilespmem:v55+s26+$0x0], $0xffff;
	v55 =	vor.u32 v18, v46;
	v46 =	vor.u32 v20, v46  }
0x2b3: {  	v27 =	vmax.bf16 v27, v6;
	v58 =	vor.u32 v15, v40;
	s7 =	sadd.s32 $0xFFFFFFFF, s12;
	v32 =	vld.idx.msk [tilespmem:v49+s26+$0x0], $0xffff;
	v49 =	vor.u32 v20, v40  }
0x2b4: {  	v60 =	vmax.bf16 v30, v6;
	v59 =	vadd.s32 s7, v0;
	v8 =	vadd.bf16 v8, v53;
	v48 =	vld.idx.msk [tilespmem:v48+s26+$0x0], $0xffff  }
0x2b5: {  	v7 =	vmul.bf16 v42, v7;
	v53 =	vor.u32 v18, v40;
	v59 =	vand.u32 $0x1F, v59;
	v33 =	vld.idx.msk [tilespmem:v33+s26+$0x0], $0xffff  }
0x2b6: {  	v21 =	vmul.bf16 v27, v21;
	v61 =	vor.u32 v20, v59;
	v42 =	vld.idx.msk [tilespmem:v57+s26+$0x0], $0xffff;
	v57 =	vor.u32 v18, v59  }
0x2b7: {  	v30 =	vor.u32 v15, v59;
	v40 =	vor.u32 v17, v40;
	v41 =	vadd.bf16 v41, v47;
	v56 =	vld.idx.msk [tilespmem:v56+s26+$0x0], $0xffff  }
0x2b8: {  	v1 =	vadd.bf16 v29, v1;
	v47 =	vor.u32 v18, v52;
	v27 =	vld.idx.msk [tilespmem:v58+s26+$0x0], $0xffff;
	v58 =	vor.u32 v20, v52  }
0x2b9: {  	v63 =	vor.u32 v17, v52;
	v8 =	vmax.bf16 v8, v6;
	v62 =	vld.idx.msk [tilespmem:v44+s26+$0x0], $0xffff  }
0x2ba: {  	v1 =	vadd.bf16 v21, v1;
	v35 =	vor.u32 v15, v52;
	v5 =	vadd.bf16 v5, v51;
	v29 =	vld.idx.msk [tilespmem:v54+s26+$0x0], $0xffff  }
0x2bb: {  	v2 =	vadd.bf16 v2, v39;
	v39 =	vmax.bf16 v41, v6;
	v44 =	vadd.bf16 v45, v33;
	v33 =	vld.idx.msk [tilespmem:v61+s26+$0x0], $0xffff  }
0x2bc: {  	v1 =	vadd.bf16 v16, v1;
	v16 =	vmovc v9;
	v21 =	vmov v50;
	v5 =	vmax.bf16 v5, v6;
	v4 =	vld.idx.msk [tilespmem:v4+s26+$0x0], $0xffff  }
0x2bd: {  	v2 =	vadd.bf16 v43, v2;
	v5 =	vmul.bf16 v5, v34;
	v9 =	vmax.bf16 v44, v6;
	v44 =	vld.idx.msk [tilespmem:v53+s26+$0x0], $0xffff  }
0x2be: {  	v1 =	vadd.bf16 v7, v1;
	v7 =	vmul.bf16 v60, v36;
	v45 =	vld.idx.msk [tilespmem:v58+s26+$0x0], $0xffff  }
0x2bf: {  	v2 =	vadd.bf16 v3, v2;
	v3 =	vmul.bf16 v39, v28;
	v36 =	vld.idx.msk [tilespmem:v49+s26+$0x0], $0xffff  }
0x2c0: {  	v1 =	vadd.bf16 v26, v1;
	v8 =	vmul.bf16 v8, v28;
	v29 =	vadd.bf16 v31, v29;
	v49 =	vld.idx.msk [tilespmem:v46+s26+$0x0], $0xffff  }
0x2c1: {  	v2 =	vadd.bf16 v3, v2;
	v9 =	vmul.bf16 v9, v24;
	v28 =	vld.idx.msk [tilespmem:v55+s26+$0x0], $0xffff  }
0x2c2: {  	v1 =	vadd.bf16 v7, v1;
	v46 =	vor.u32 v17, v59;
	v26 =	vmax.bf16 v29, v6;
	v3 =	vld.idx.msk [tilespmem:v37+s26+$0x0], $0xffff  }
0x2c3: {  	v2 =	vadd.bf16 v9, v2;
	v4 =	vadd.bf16 v4, v32;
	v7 =	vld.idx.msk [tilespmem:v47+s26+$0x0], $0xffff  }
0x2c4: {  	v31 =	vadd.bf16 v8, v1;
	v43 =	vld [tilespmem:s16+$0x10]  }
0x2c5: {  	v41 =	vadd.bf16 v5, v2;
	v1 =	vmax.bf16 v4, v6;
	v2 =	vadd.bf16 v36, v44;
	v37 =	vld.idx.msk [tilespmem:v57+s26+$0x0], $0xffff  }
.Ltmp7:
0x2c6: {  	v39 =	vmul.bf16 v26, v16;
	v29 =	vmul.bf16 v1, v34;
	v1 =	vadd.bf16 v42, v56;
	v40 =	vld.idx.msk [tilespmem:v40+s26+$0x0], $0xffff;
	(pc) =	sbr.rel @p0 .LBB2_17-.Ltmp7, $4  }
0x2c7: {  	v4 =	vadd.s32 s12, v0;
	v2 =	vmax.bf16 v2, v6;
	v32 =	vld.idx.msk [tilespmem:v46+s26+$0x0], $0xffff  }
0x2c8: {  	v1 =	vmax.bf16 v1, v6;
	v3 =	vadd.bf16 v38, v3;
	v44 =	vmul.bf16 v2, v21;
	v38 =	vld.idx.msk [tilespmem:v35+s26+$0x0], $0xffff  }
0x2c9: {  	v35 =	vadd.bf16 v48, v62;
	v46 =	vadd.bf16 v45, v7;
	v42 =	vld.idx.msk [tilespmem:v63+s26+$0x0], $0xffff;
	v26 =	vmul.bf16 v1, v43  }
0x2ca: {  	s16 =	sadd.s32 $0x80, s16;
	v34 =	vadd.bf16 v49, v28;
	v45 =	vand.u32 $0x1F, v4;
	v36 =	vmax.bf16 v3, v6;
	v28 =	vld [tilespmem:s14+$0x30]  }
0x2cb: {  	v1 =	vor.u32 v18, v45  }
0x2cc: {  	v2 =	vor.u32 v20, v45;
	_ =	sdelay $0x1  }
0x2cd: {  	v3 =	vld [tilespmem:s14+$0x0];
	_ =	sdelay $0x1  }
0x2ce: {  	v1 =	vld.idx.msk [tilespmem:v1+s26+$0x0], $0xffff  }
0x2cf: {  	v4 =	vadd.bf16 v44, v41;
	v2 =	vld.idx.msk [tilespmem:v2+s26+$0x0], $0xffff  }
0x2d0: {  	v5 =	vmax.bf16 v46, v6;
	v7 =	vld [tilespmem:s14+$0x20]  }
0x2d1: {  	v4 =	vadd.bf16 v39, v4;
	v5 =	vmul.bf16 v5, v3  }
0x2d2: {  	v8 =	vadd.bf16 v33, v37;
	v9 =	vmax.bf16 v34, v6  }
0x2d3: {  	v9 =	vmul.bf16 v9, v43;
	v4 =	vadd.bf16 v5, v4  }
0x2d4: {  	v5 =	vmax.bf16 v8, v6;
	v1 =	vadd.bf16 v2, v1  }
0x2d5: {  	v4 =	vadd.bf16 v9, v4;
	v2 =	vmul.bf16 v5, v7  }
0x2d6: {  	v1 =	vmax.bf16 v1, v6  }
0x2d7: {  	v2 =	vadd.bf16 v2, v4;
	v1 =	vmul.bf16 v1, v28;
	_ =	sdelay $0x1  }
0x2d8: {  	v1 =	vadd.bf16 v1, v2;
	v2 =	vld [tilespmem:$0xD360];
	_ =	sdelay $0x1  }
0x2d9: {  	v4 =	vunpack.i.u.bf16.f32 v1;
	v1 =	vunpack.i.l.bf16.f32 v1  }
0x2da: {  	v1 =	vadd.f32 v1, v4;
	_ =	sdelay $0x1  }
0x2db: {  	v1 =	vadd.f32 v2, v1;
	_ =	sdelay $0x1  }
0x2dc: {  	v1 =	vsub.f32 $0.0e+00, v1;
	_ =	sdelay $0x1  }
0x2dd: {  	v1 =	vmul.f32 $1.442695020e+00, v1;
	_ =	sdelay $0x1  }
0x2de: {  	(erf) = vpow2.f32 v1;
	_ =	sdelay $0x5  }
0x2df: {  	v1 =	vmul.bf16 v36, v24  }
0x2e0: {  	v5 =	vadd.bf16 v27, v40;
	v4 =	vor.u32 v17, v45  }
0x2e1: {  	v2 =	vor.u32 v15, v45;
	v1 =	vadd.bf16 v1, v31  }
0x2e2: {  	v9 =	vld.idx.msk [tilespmem:v30+s26+$0x0], $0xffff;
	v5 =	vmax.bf16 v5, v6;
	v8 =	vpop (erf)  }
0x2e3: {  	v5 =	vmul.bf16 v5, v21;
	v1 =	vadd.bf16 v29, v1;
	v8 =	vadd.f32 $1.000000000e+00, v8  }
0x2e4: {  	v63 =	vmax.bf16 v35, v6;
	v15 =	vadd.bf16 v38, v42  }
0x2e5: {  	v4 =	vld.idx.msk [tilespmem:v4+s26+$0x0], $0xffff;
	v1 =	vadd.bf16 v5, v1;
	(erf) = vrcp.f32 v8;
	v8 =	vmul.bf16 v63, v16  }
0x2e6: {  	v2 =	vld.idx.msk [tilespmem:v2+s26+$0x0], $0xffff;
	v5 =	vmax.bf16 v15, v6  }
0x2e7: {  	v3 =	vmul.bf16 v5, v3;
	v5 =	vadd.bf16 v9, v32;
	v1 =	vadd.bf16 v8, v1;
	_ =	sdelay $0x1  }
0x2e8: {  	v1 =	vadd.bf16 v3, v1;
	v3 =	vmax.bf16 v5, v6  }
0x2e9: {  	v3 =	vmul.bf16 v3, v7  }
0x2ea: {  	v2 =	vadd.bf16 v2, v4  }
0x2eb: {  	v1 =	vadd.bf16 v26, v1  }
0x2ec: {  	v2 =	vmax.bf16 v2, v6  }
0x2ed: {  	v2 =	vmul.bf16 v2, v28;
	v1 =	vadd.bf16 v3, v1;
	v3 =	vpop (erf)  }
0x2ee: {  	[tilespmem:s13+$0xCE40] =	vst v3  }
0x2ef: {  	v1 =	vadd.bf16 v2, v1;
	v2 =	vld [tilespmem:$0xD360];
	_ =	sdelay $0x1  }
0x2f0: {  	v3 =	vunpack.i.u.bf16.f32 v1;
	v1 =	vunpack.i.l.bf16.f32 v1  }
0x2f1: {  	v1 =	vadd.f32 v1, v3;
	_ =	sdelay $0x1  }
0x2f2: {  	v1 =	vadd.f32 v2, v1;
	_ =	sdelay $0x1  }
0x2f3: {  	v1 =	vsub.f32 $0.0e+00, v1;
	_ =	sdelay $0x1  }
0x2f4: {  	v1 =	vmul.f32 $1.442695020e+00, v1;
	_ =	sdelay $0x1  }
0x2f5: {  	(erf) = vpow2.f32 v1;
	_ =	sdelay $0x8  }
0x2f6: {  	v1 =	vpop (erf)  }
0x2f7: {  	v1 =	vadd.f32 $1.000000000e+00, v1;
	_ =	sdelay $0x1  }
0x2f8: {  	(erf) = vrcp.f32 v1;
	_ =	sdelay $0x3  }
0x2f9: {  	s10 =	sadd.s32 $0x1, s10  }
0x2fa: {  	p0 =	sne.s32 s10, $0xC  }
.Ltmp8:
0x2fb: {  	_ = 	snop;
	(pc) =	sbr.rel @p0 .LBB2_16-.Ltmp8, $3  }
0x2fc: {  	_ =	sdelay $0x1  }
0x2fd: {  	v1 =	vpop (erf)  }
0x2fe: {  	[tilespmem:s13+$0xCE50] =	vst v1  }
0x2ff: {  	s7 =	simm.s32 $0x0  }
0x300: {  	s10 =	simm.s32 $0x1;
	v57 =	vld [tilespmem:$0x1FFE0];
	v1 =	vadd.s32 s7, v0  }
0x301: {  	v56 =	vld [tilespmem:$0x1FFD0];
	v2 =	vadd.s32 s10, v0;
	v1 =	vand.u32 $0x18, v1  }
0x302: {  	s15 =	simm.s32 $0x3;
	v58 =	vld [tilespmem:$0x1FFF0];
	s10 =	simm.s32 $0xD1A0;
	v2 =	vand.u32 $0x1F, v2;
	v3 =	vor.u32 v10, v1  }
0x303: {  	v7 =	vadd.s32 s15, v0;
	v15 =	vld [tilespmem:s10+$0xFFFFFFF0];
	v4 =	vor.u32 v11, v2  }
0x304: {  	v16 =	vld [tilespmem:s10+$0xFFFFFFE0];
	v7 =	vand.u32 $0x1F, v7;
	v9 =	vor.u32 v12, v2  }
0x305: {  	s16 =	simm.s32 $0x5;
	v8 =	vld [tilespmem:s10+$0xFFFFFFD0];
	v18 =	vor.u32 v12, v7  }
0x306: {  	v21 =	vadd.s32 s16, v0;
	v17 =	vld [tilespmem:s10+$0xFFFFFFC0];
	v19 =	vor.u32 v13, v2  }
0x307: {  	s17 =	simm.s32 $0x2;
	v21 =	vand.u32 $0x1F, v21;
	v20 =	vor.u32 v14, v7;
	v3 =	vld.idx.msk [tilespmem:v3+s26+$0x0], $0xffff  }
0x308: {  	v23 =	vadd.s32 s17, v0;
	v24 =	vor.u32 v14, v21;
	v4 =	vld.idx.msk [tilespmem:v4+s26+$0x0], $0xffff  }
0x309: {  	v26 =	vand.u32 $0x1F, v23;
	v23 =	vor.u32 v13, v21;
	v9 =	vld.idx.msk [tilespmem:v9+s26+$0x0], $0xffff  }
0x30a: {  	v27 =	vor.u32 v13, v7;
	v18 =	vld.idx.msk [tilespmem:v18+s26+$0x0], $0xffff  }
0x30b: {  	v7 =	vor.u32 v11, v7;
	v19 =	vld.idx.msk [tilespmem:v19+s26+$0x0], $0xffff  }
0x30c: {  	v2 =	vor.u32 v14, v2;
	v28 =	vld.idx.msk [tilespmem:v20+s26+$0x0], $0xffff  }
0x30d: {  	v34 =	vor.u32 v12, v26;
	v24 =	vld.idx.msk [tilespmem:v24+s26+$0x0], $0xffff  }
0x30e: {  	v35 =	vor.u32 v12, v21;
	v31 =	vld.idx.msk [tilespmem:v23+s26+$0x0], $0xffff  }
0x30f: {  	v5 =	vor.u32 v57, v1;
	v27 =	vld.idx.msk [tilespmem:v27+s26+$0x0], $0xffff  }
0x310: {  	v22 =	vor.u32 v56, v1;
	v7 =	vld.idx.msk [tilespmem:v7+s26+$0x0], $0xffff  }
0x311: {  	s19 =	simm.s32 $0x6;
	v25 =	vor.u32 v14, v26;
	v2 =	vld.idx.msk [tilespmem:v2+s26+$0x0], $0xffff  }
0x312: {  	v1 =	vor.u32 v58, v1;
	v20 =	vadd.s32 s19, v0;
	v34 =	vld.idx.msk [tilespmem:v34+s26+$0x0], $0xffff  }
0x313: {  	s22 =	simm.s32 $0x4;
	v21 =	vor.u32 v11, v21;
	v39 =	vld.idx.msk [tilespmem:v35+s26+$0x0], $0xffff;
	v29 =	vand.u32 $0x1F, v20  }
0x314: {  	v20 =	vadd.s32 s22, v0;
	v5 =	vld.idx.msk [tilespmem:v5+s26+$0x0], $0xffff;
	v30 =	vor.u32 v12, v29  }
0x315: {  	v23 =	vor.u32 v11, v26;
	v22 =	vld.idx.msk [tilespmem:v22+s26+$0x0], $0xffff;
	v32 =	vand.u32 $0x1F, v20  }
0x316: {  	v20 =	vld.idx.msk [tilespmem:v25+s26+$0x0], $0xffff;
	v33 =	vor.u32 v12, v32  }
0x317: {  	v1 =	vld.idx.msk [tilespmem:v1+s26+$0x0], $0xffff;
	v36 =	vor.u32 v11, v32  }
0x318: {  	v38 =	vor.u32 v11, v29;
	v4 =	vadd.bf16 v9, v4;
	v9 =	vld.idx.msk [tilespmem:v21+s26+$0x0], $0xffff  }
0x319: {  	v26 =	vor.u32 v13, v26;
	v40 =	vor.u32 v13, v29;
	v25 =	vld.idx.msk [tilespmem:v30+s26+$0x0], $0xffff  }
0x31a: {  	v63 =	vor.u32 v14, v32;
	v7 =	vadd.bf16 v18, v7;
	v2 =	vadd.bf16 v2, v19;
	v30 =	vld.idx.msk [tilespmem:v23+s26+$0x0], $0xffff  }
0x31b: {  	v19 =	vor.u32 v13, v32;
	v28 =	vadd.bf16 v28, v27;
	v5 =	vadd.bf16 v5, v22;
	v37 =	vld.idx.msk [tilespmem:v33+s26+$0x0], $0xffff  }
0x31c: {  	v23 =	vimm.bf16 $0.0e+00;
	v22 =	vor.u32 v14, v29;
	v4 =	vmax.bf16 v4, v6;
	v18 =	vld.idx.msk [tilespmem:v36+s26+$0x0], $0xffff  }
0x31d: {  	v7 =	vmax.bf16 v7, v6;
	v2 =	vmax.bf16 v2, v6;
	v29 =	vld.idx.msk [tilespmem:v38+s26+$0x0], $0xffff;
	v5 =	vmax.bf16 v5, v6  }
0x31e: {  	v1 =	vadd.bf16 v3, v1;
	v4 =	vmul.bf16 v4, v8;
	v33 =	vld [tilespmem:s10+$0x10];
	v5 =	vmul.bf16 v5, v17  }
0x31f: {  	v21 =	vmul.bf16 v2, v8;
	v2 =	vadd.bf16 v24, v31;
	v31 =	vmul.bf16 v7, v15;
	v24 =	vld.idx.msk [tilespmem:v40+s26+$0x0], $0xffff  }
0x320: {  	v27 =	vmax.bf16 v1, v6;
	v35 =	vld.idx.msk [tilespmem:v19+s26+$0x0], $0xffff;
	v5 =	vadd.bf16 v5, v23;
	v30 =	vadd.bf16 v34, v30  }
0x321: {  	s23 =	simm.s32 $0x7;
	v2 =	vmax.bf16 v2, v6;
	v34 =	vld.idx.msk [tilespmem:v26+s26+$0x0], $0xffff;
	v26 =	vadd.bf16 v39, v9;
	v38 =	vadd.bf16 v37, v18  }
0x322: {  	v19 =	vld [tilespmem:s10+$0x30];
	v32 =	vadd.bf16 v4, v5;
	v4 =	vmax.bf16 v30, v6;
	v5 =	vadd.s32 s23, v0  }
0x323: {  	s13 =	simm.s32 $0xF;
	s14 =	simm.s32 $0xD220;
	v18 =	vmul.bf16 v2, v33;
	v30 =	vld.idx.msk [tilespmem:v63+s26+$0x0], $0xffff;
	v36 =	vmul.bf16 v4, v16;
	v37 =	vand.u32 $0x1F, v5  }
.LBB2_20:
0x324: {  	s7 =	sadd.s32 $0xFFFFFFF9, s13  }
0x325: {  	s15 =	sadd.s32 $0xFFFFFFFA, s13;
	s16 =	sadd.s32 $0xFFFFFFFB, s13;
	v1 =	vmul.bf16 v27, v17;
	v2 =	vmax.bf16 v38, v6;
	v27 =	vld [tilespmem:s10+$0x20];
	v3 =	vadd.bf16 v25, v29;
	s12 =	smov.u32 s13  }
0x326: {  	p0 =	sne.s32 s13, $0x1F;
	s13 =	sadd.s32 $0x8, s13;
	v8 =	vor.u32 v14, v37;
	v4 =	vadd.s32 s7, v0;
	v5 =	vadd.s32 s15, v0;
	s7 =	sadd.s32 $0xFFFFFFFD, s12;
	v7 =	vld [tilespmem:s10+$0x0]  }
0x327: {  	v17 =	vor.u32 v13, v37;
	s10 =	smov.u32 s14;
	v4 =	vand.u32 $0x18, v4;
	v5 =	vand.u32 $0x1F, v5;
	v9 =	vld [tilespmem:s14+$0xFFFFFFF0]  }
0x328: {  	v39 =	vor.u32 v11, v37;
	v25 =	vor.u32 v56, v4;
	v38 =	vor.u32 v57, v4;
	v22 =	vld.idx.msk [tilespmem:v22+s26+$0x0], $0xffff  }
0x329: {  	v43 =	vmax.bf16 v26, v6;
	v40 =	vor.u32 v10, v4;
	v41 =	vor.u32 v13, v5;
	v42 =	vld [tilespmem:s14+$0xFFFFFFE0]  }
0x32a: {  	v33 =	vmul.bf16 v43, v33;
	v29 =	vor.u32 v58, v4;
	v4 =	vor.u32 v14, v5;
	v26 =	vld [tilespmem:s14+$0xFFFFFFD0]  }
0x32b: {  	v20 =	vadd.bf16 v20, v34;
	s15 =	sadd.s32 $0xFFFFFFFC, s12;
	v43 =	vor.u32 v11, v5;
	v5 =	vor.u32 v12, v5;
	v8 =	vld.idx.msk [tilespmem:v8+s26+$0x0], $0xffff  }
0x32c: {  	v37 =	vor.u32 v12, v37;
	v34 =	vadd.s32 s16, v0;
	v44 =	vadd.s32 s15, v0;
	v45 =	vld.idx.msk [tilespmem:v17+s26+$0x0], $0xffff  }
0x32d: {  	v34 =	vand.u32 $0x1F, v34;
	v44 =	vand.u32 $0x1F, v44;
	v35 =	vadd.bf16 v30, v35;
	v39 =	vld.idx.msk [tilespmem:v39+s26+$0x0], $0xffff  }
0x32e: {  	v32 =	vadd.bf16 v36, v32;
	v46 =	vor.u32 v11, v44;
	v47 =	vor.u32 v12, v44;
	v17 =	vld [tilespmem:s14+$0xFFFFFFC0]  }
0x32f: {  	s15 =	sadd.s32 $0xFFFFFFFE, s12;
	v36 =	vor.u32 v13, v44;
	v35 =	vmax.bf16 v35, v6;
	v30 =	vld.idx.msk [tilespmem:v40+s26+$0x0], $0xffff;
	v40 =	vor.u32 v14, v44  }
0x330: {  	v48 =	vadd.s32 s15, v0;
	v2 =	vmul.bf16 v2, v7;
	v44 =	vadd.s32 s7, v0;
	v43 =	vld.idx.msk [tilespmem:v43+s26+$0x0], $0xffff  }
0x331: {  	v31 =	vadd.bf16 v31, v32;
	v3 =	vmax.bf16 v3, v6;
	v44 =	vand.u32 $0x1F, v44;
	v32 =	vld.idx.msk [tilespmem:v37+s26+$0x0], $0xffff  }
0x332: {  	v28 =	vmax.bf16 v28, v6;
	v3 =	vmul.bf16 v3, v27;
	v37 =	vld.idx.msk [tilespmem:v38+s26+$0x0], $0xffff;
	v38 =	vand.u32 $0x1F, v48  }
0x333: {  	v1 =	vadd.bf16 v1, v23;
	v5 =	vld.idx.msk [tilespmem:v5+s26+$0x0], $0xffff;
	v48 =	vor.u32 v13, v38;
	v49 =	vor.u32 v14, v38  }
0x334: {  	v22 =	vadd.bf16 v22, v24;
	v23 =	vld.idx.msk [tilespmem:v47+s26+$0x0], $0xffff;
	v47 =	vor.u32 v11, v38;
	v38 =	vor.u32 v12, v38  }
0x335: {  	v20 =	vmax.bf16 v20, v6;
	v50 =	vor.u32 v14, v34;
	s7 =	sadd.s32 $0xFFFFFFFF, s12;
	v24 =	vld.idx.msk [tilespmem:v41+s26+$0x0], $0xffff;
	v41 =	vor.u32 v12, v34  }
0x336: {  	v52 =	vmax.bf16 v22, v6;
	v51 =	vadd.s32 s7, v0;
	v8 =	vadd.bf16 v8, v45;
	v40 =	vld.idx.msk [tilespmem:v40+s26+$0x0], $0xffff  }
0x337: {  	v7 =	vmul.bf16 v35, v7;
	v45 =	vor.u32 v11, v34;
	v51 =	vand.u32 $0x1F, v51;
	v25 =	vld.idx.msk [tilespmem:v25+s26+$0x0], $0xffff  }
0x338: {  	v16 =	vmul.bf16 v20, v16;
	v53 =	vor.u32 v12, v51;
	v35 =	vld.idx.msk [tilespmem:v49+s26+$0x0], $0xffff;
	v49 =	vor.u32 v11, v51  }
0x339: {  	v22 =	vor.u32 v14, v51;
	v34 =	vor.u32 v13, v34;
	v32 =	vadd.bf16 v32, v39;
	v48 =	vld.idx.msk [tilespmem:v48+s26+$0x0], $0xffff  }
0x33a: {  	v1 =	vadd.bf16 v21, v1;
	v39 =	vor.u32 v11, v44;
	v20 =	vld.idx.msk [tilespmem:v50+s26+$0x0], $0xffff;
	v50 =	vor.u32 v12, v44  }
0x33b: {  	v59 =	vmul.bf16 v28, v15;
	v55 =	vor.u32 v13, v44;
	v8 =	vmax.bf16 v8, v6;
	v54 =	vld.idx.msk [tilespmem:v36+s26+$0x0], $0xffff  }
0x33c: {  	v1 =	vadd.bf16 v16, v1;
	v28 =	vor.u32 v14, v44;
	v5 =	vadd.bf16 v5, v43;
	v21 =	vld.idx.msk [tilespmem:v46+s26+$0x0], $0xffff  }
0x33d: {  	v2 =	vadd.bf16 v2, v31;
	v31 =	vmax.bf16 v32, v6;
	v36 =	vadd.bf16 v37, v25;
	v25 =	vld.idx.msk [tilespmem:v53+s26+$0x0], $0xffff  }
0x33e: {  	v15 =	vmovc v9;
	v1 =	vadd.bf16 v59, v1;
	v16 =	vmov v42;
	v5 =	vmax.bf16 v5, v6;
	v4 =	vld.idx.msk [tilespmem:v4+s26+$0x0], $0xffff  }
0x33f: {  	v2 =	vadd.bf16 v33, v2;
	v5 =	vmul.bf16 v5, v26;
	v9 =	vmax.bf16 v36, v6;
	v36 =	vld.idx.msk [tilespmem:v45+s26+$0x0], $0xffff  }
0x340: {  	v1 =	vadd.bf16 v7, v1;
	v7 =	vmul.bf16 v52, v27;
	v37 =	vld.idx.msk [tilespmem:v50+s26+$0x0], $0xffff  }
0x341: {  	v2 =	vadd.bf16 v3, v2;
	v3 =	vmul.bf16 v31, v19;
	v27 =	vld.idx.msk [tilespmem:v41+s26+$0x0], $0xffff  }
0x342: {  	v1 =	vadd.bf16 v18, v1;
	v8 =	vmul.bf16 v8, v19;
	v21 =	vadd.bf16 v23, v21;
	v41 =	vld.idx.msk [tilespmem:v38+s26+$0x0], $0xffff  }
0x343: {  	v2 =	vadd.bf16 v3, v2;
	v9 =	vmul.bf16 v9, v17;
	v19 =	vld.idx.msk [tilespmem:v47+s26+$0x0], $0xffff  }
0x344: {  	v1 =	vadd.bf16 v7, v1;
	v38 =	vor.u32 v13, v51;
	v18 =	vmax.bf16 v21, v6;
	v3 =	vld.idx.msk [tilespmem:v29+s26+$0x0], $0xffff  }
0x345: {  	v2 =	vadd.bf16 v9, v2;
	v4 =	vadd.bf16 v4, v24;
	v7 =	vld.idx.msk [tilespmem:v39+s26+$0x0], $0xffff  }
0x346: {  	v23 =	vadd.bf16 v8, v1;
	v33 =	vld [tilespmem:s14+$0x10]  }
0x347: {  	v32 =	vadd.bf16 v5, v2;
	v1 =	vmax.bf16 v4, v6;
	v2 =	vadd.bf16 v27, v36;
	v29 =	vld.idx.msk [tilespmem:v49+s26+$0x0], $0xffff  }
.Ltmp9:
0x348: {  	v31 =	vmul.bf16 v18, v15;
	v21 =	vmul.bf16 v1, v26;
	v1 =	vadd.bf16 v35, v48;
	v34 =	vld.idx.msk [tilespmem:v34+s26+$0x0], $0xffff;
	(pc) =	sbr.rel @p0 .LBB2_20-.Ltmp9, $4  }
0x349: {  	v4 =	vadd.s32 s12, v0;
	v2 =	vmax.bf16 v2, v6;
	v24 =	vld.idx.msk [tilespmem:v38+s26+$0x0], $0xffff  }
0x34a: {  	v1 =	vmax.bf16 v1, v6;
	v3 =	vadd.bf16 v30, v3;
	v36 =	vmul.bf16 v2, v16;
	v30 =	vld.idx.msk [tilespmem:v28+s26+$0x0], $0xffff  }
0x34b: {  	v28 =	vadd.bf16 v40, v54;
	v38 =	vadd.bf16 v37, v7;
	v35 =	vld.idx.msk [tilespmem:v55+s26+$0x0], $0xffff;
	v18 =	vmul.bf16 v1, v33  }
0x34c: {  	s14 =	sadd.s32 $0x80, s14;
	v26 =	vadd.bf16 v41, v19;
	v37 =	vand.u32 $0x1F, v4;
	v27 =	vmax.bf16 v3, v6;
	v19 =	vld [tilespmem:s10+$0x30]  }
0x34d: {  	v1 =	vor.u32 v11, v37  }
0x34e: {  	v2 =	vor.u32 v12, v37;
	_ =	sdelay $0x1  }
0x34f: {  	v3 =	vld [tilespmem:s10+$0x0];
	_ =	sdelay $0x1  }
0x350: {  	v1 =	vld.idx.msk [tilespmem:v1+s26+$0x0], $0xffff  }
0x351: {  	v4 =	vadd.bf16 v36, v32;
	v2 =	vld.idx.msk [tilespmem:v2+s26+$0x0], $0xffff  }
0x352: {  	v5 =	vmax.bf16 v38, v6;
	v7 =	vld [tilespmem:s10+$0x20]  }
0x353: {  	v4 =	vadd.bf16 v31, v4;
	v5 =	vmul.bf16 v5, v3  }
0x354: {  	v8 =	vadd.bf16 v25, v29;
	v9 =	vmax.bf16 v26, v6  }
0x355: {  	v9 =	vmul.bf16 v9, v33;
	v4 =	vadd.bf16 v5, v4  }
0x356: {  	v5 =	vmax.bf16 v8, v6;
	v1 =	vadd.bf16 v2, v1  }
0x357: {  	v59 =	vadd.bf16 v20, v34;
	v5 =	vmul.bf16 v5, v7;
	v4 =	vadd.bf16 v9, v4  }
0x358: {  	v8 =	vor.u32 v14, v37;
	v2 =	vmul.bf16 v27, v17;
	v1 =	vmax.bf16 v1, v6  }
0x359: {  	v9 =	vor.u32 v13, v37;
	v4 =	vadd.bf16 v5, v4;
	v1 =	vmul.bf16 v1, v19  }
0x35a: {  	v2 =	vadd.bf16 v2, v23  }
0x35b: {  	v5 =	vmax.bf16 v59, v6;
	v1 =	vadd.bf16 v1, v4;
	v4 =	vld [tilespmem:$0xD360]  }
0x35c: {  	v60 =	vld.idx.msk [tilespmem:v22+s26+$0x0], $0xffff;
	v62 =	vmax.bf16 v28, v6;
	v5 =	vmul.bf16 v5, v16;
	v2 =	vadd.bf16 v21, v2  }
0x35d: {  	v61 =	vadd.bf16 v30, v35;
	v8 =	vld.idx.msk [tilespmem:v8+s26+$0x0], $0xffff;
	v63 =	vunpack.i.u.bf16.f32 v1;
	v1 =	vunpack.i.l.bf16.f32 v1  }
0x35e: {  	v15 =	vmul.bf16 v62, v15;
	v9 =	vld.idx.msk [tilespmem:v9+s26+$0x0], $0xffff;
	v2 =	vadd.bf16 v5, v2;
	v1 =	vadd.f32 v1, v63  }
0x35f: {  	v5 =	vmax.bf16 v61, v6  }
0x360: {  	v3 =	vmul.bf16 v5, v3;
	v2 =	vadd.bf16 v15, v2;
	v1 =	vadd.f32 v4, v1  }
0x361: {  	v4 =	vadd.bf16 v60, v24  }
0x362: {  	v2 =	vadd.bf16 v3, v2;
	v1 =	vsub.f32 $0.0e+00, v1  }
0x363: {  	v3 =	vmax.bf16 v4, v6;
	v4 =	vadd.bf16 v8, v9  }
0x364: {  	v2 =	vadd.bf16 v18, v2;
	v3 =	vmul.bf16 v3, v7;
	v1 =	vmul.f32 $1.442695020e+00, v1  }
0x365: {  	v4 =	vmax.bf16 v4, v6  }
0x366: {  	v4 =	vmul.bf16 v4, v19;
	v2 =	vadd.bf16 v3, v2;
	(erf) = vpow2.f32 v1;
	_ =	sdelay $0x1  }
0x367: {  	v1 =	vadd.bf16 v4, v2;
	v2 =	vld [tilespmem:$0xD360];
	_ =	sdelay $0x1  }
0x368: {  	v3 =	vunpack.i.u.bf16.f32 v1;
	v1 =	vunpack.i.l.bf16.f32 v1  }
0x369: {  	v1 =	vadd.f32 v1, v3;
	_ =	sdelay $0x1  }
0x36a: {  	v1 =	vadd.f32 v2, v1;
	_ =	sdelay $0x1  }
0x36b: {  	v1 =	vsub.f32 $0.0e+00, v1;
	v2 =	vpop (erf)  }
0x36c: {  	v2 =	vadd.f32 $1.000000000e+00, v2  }
0x36d: {  	v1 =	vmul.f32 $1.442695020e+00, v1  }
0x36e: {  	(erf) = vrcp.f32 v2  }
0x36f: {  	(erf) = vpow2.f32 v1;
	_ =	sdelay $0x7  }
0x370: {  	v1 =	vpop (erf)  }
0x371: {  	v2 =	vpop (erf)  }
0x372: {  	v2 =	vadd.f32 $1.000000000e+00, v2;
	_ =	sdelay $0x1  }
0x373: {  	(erf) = vrcp.f32 v2;
	_ =	sdelay $0x8  }
0x374: {  	[tilespmem:$0xCFB0] =	vst v1;
	v1 =	vpop (erf)  }
0x375: {  	s7 =	rddreg [dreg:$0xd];
	[tilespmem:$0xCFC0] =	vst v1  }
0x376: {  	[hbm4b:s7+s5] =	stream.linear.scatter [tilespmem:s18], [sflag:$0x3], $0x190, $0x38;
	[tilespmem:$0x16FB0] =	vst v63  }
0x377: {  	_ =	swait.ge [sflag:s8], $0x190  }
0x378: {  	[sflag:s8] =	ssyncset.done $0x0  }
0x379: {  	[sflag:s8] =	ssyncadd.s32 $0xFFFFFE70  }
0x37a: {  	_ =	swait.ge [sflag:s21], $0x190  }
0x37b: {  	s9 =	sadd.s32 $0x1, s9;
	s23 =	rddreg [dreg:$0xe]  }
0x37c: {  	p0 =	sne.s32 s9, s23  }
.Ltmp10:
0x37d: {  	_ = 	snop;
	(pc) =	sbr.rel @p0 .LBB2_1-.Ltmp10, $3  }
0x37e: {  	_ =	sdelay $0x1  }
0x37f: {  	[sflag:s21] =	ssyncset.done $0x0  }
0x380: {  	[sflag:s21] =	ssyncadd.s32 $0xFFFFFE70  }
0x381: {  	_ =	sfence.sel $0x180000  }
0x382: {  	[bflag:$0x0] =	sbarrier.arrive $0xFFFF  }
0x383: {  	_ =	strace $0x90000047  }
0x384: {  	s0 =	stileid.u32;
	[bflag:$0x2] =	sbarrier.arrive $0xFFFF  }
0x385: {  	p0 =	sne.s32 s0, $0x0;
	s0 =	rddreg [dreg:$0x4]  }
0x386: {  	s0 =	sadd.s32 @!p0 $0x100000, s0  }
0x387: {  	[sflag:s0] =	ssyncadd.tile.s32 @!p0 $0x1;
	_ =	shalt  }
.Lfunc_end2:
_tile_overlayer_lowered:
.L_overlay_start_2:
0x388: {  	(tag) =	ssettag $0x2  }
0x389: {  	s0 =	rddreg [dreg:$0x0];
	s2 =	stileid.u32  }
0x38a: {  	s1 =	rddreg [dreg:$0x1];
	p0 =	sne.s32 s2, $0x0  }
0x38b: {  	s3 =	rddreg [dreg:$0x2];
	[bflag:$0x3] =	sbarrier.arrive $0xFFFF;
	s2 =	simm.s32 @!p0 $0x1C05  }
0x38c: {  	[timem:s3], [sflag:s2] =	dma.local @!p0 [hbm:s0], s1  }
0x38d: {  	s0 =	simm.s32 @!p0 $0x5  }
0x38e: {  	_ =	swait.ge @!p0 [sflag:s0], s1  }
0x38f: {  	s1 =	ssub.s32 @!p0 $0x0, s1;
	[sflag:s0] =	ssyncset.done @!p0 $0x0  }
0x390: {  	[sflag:s0] =	ssyncadd.s32 @!p0 s1  }
0x391: {  	[bflag:$0x3] =	sbarrier.arrive $0xFFFF  }
0x392: {  	_ =	shalt  }

</sc_bundles>
